<compile_context>
chip_gen: v7x
topology: tpu7x:2x2x1
jax: 0.10.2.dev20260603
libtpu: 0.0.44.dev20260713+nightly
codegen_flags: <defaults>
</compile_context>

<pallas_src>
import jax
import jax.numpy as jnp
from jax import lax
from jax.experimental import pallas as pl
from jax.experimental.pallas import tpu as pltpu
from jax.experimental.pallas import tpu_sc as plsc

N = 10000
NE = 320000
D = 128
C = 80
CG = 80
EB = 1600
GRID = NE // EB
NW = 32
EPW = NE // NW
GCH = EPW // CG
EPT = NE // 16
SCH = EPT // C
NH = 5120
NHP = NH + 8
NP = 2 * NH
RPT = NH // 16
ZR = 8


def _node_body(h_ref, norm_ref, aw, ab, bw, bb, dw, db, ew, eb,
               ah_out, bh_out, dh_out, eh_out):
    hn = h_ref[...] * norm_ref[...]
    f32 = jnp.float32
    ah_out[...] = jnp.dot(hn, aw[...], preferred_element_type=f32) + ab[...]
    bh_out[...] = jnp.dot(hn, bw[...], preferred_element_type=f32) + bb[...]
    dh_out[...] = jnp.dot(hn, dw[...], preferred_element_type=f32) + db[...]
    eh_out[...] = jnp.dot(hn, ew[...], preferred_element_type=f32) + eb[...]


def _node_call(h, norm, aw, ab, bw, bb, dw, db, ew, eb):
    return pl.pallas_call(
        _node_body,
        out_shape=(
            jax.ShapeDtypeStruct((N, D), jnp.float32),
            jax.ShapeDtypeStruct((N, D), jnp.float32),
            jax.ShapeDtypeStruct((N, D), jnp.float32),
            jax.ShapeDtypeStruct((N, D), jnp.float32),
        ),
    )(h, norm, aw, ab, bw, bb, dw, db, ew, eb)


def _gather_body(dh, eh, src1, dst1, g_out,
                 srcc0, srcc1, dstc0, dstc1,
                 bufd0, bufd1, bufe0, bufe1,
                 semi0, semi1, semg0, semg1):
    cid = lax.axis_index("c")
    sid = lax.axis_index("s")
    wid = sid * 2 + cid
    ebase0 = wid * EPW
    srcc = (srcc0, srcc1)
    dstc = (dstc0, dstc1)
    bufd = (bufd0, bufd1)
    bufe = (bufe0, bufe1)
    semi = (semi0, semi1)
    semg = (semg0, semg1)
    last = GCH - 1

    def a_stage(j, s):
        eb = ebase0 + jnp.minimum(j, last) * CG
        pltpu.async_copy(src1.at[pl.ds(eb, CG)], srcc[s], semi[s])
        pltpu.async_copy(dst1.at[pl.ds(eb, CG)], dstc[s], semi[s])

    def wait_i(s):
        pltpu.make_async_copy(src1.at[pl.ds(0, CG)], srcc[s], semi[s]).wait()
        pltpu.make_async_copy(dst1.at[pl.ds(0, CG)], dstc[s], semi[s]).wait()

    def b_stage(j, s):
        wait_i(s)
        pltpu.async_copy(dh.at[srcc[s]], bufd[s], semg[s])
        pltpu.async_copy(eh.at[dstc[s]], bufe[s], semg[s])

    def wait_g(s):
        pltpu.make_async_copy(dh.at[srcc[s]], bufd[s], semg[s]).wait()
        pltpu.make_async_copy(eh.at[dstc[s]], bufe[s], semg[s]).wait()

    def c_stage(j, s):
        wait_g(s)
        a_stage(j + 2, s)

        def row(r, _):
            for c in range(D // 16):
                sl = pl.ds(c * 16, 16)
                bufd[s][r, sl] = bufd[s][r, sl] + bufe[s][r, sl]
            return 0

        lax.fori_loop(0, CG, row, 0)
        pltpu.sync_copy(bufd[s], g_out.at[pl.ds(ebase0 + j * CG, CG)])

    a_stage(0, 0)
    b_stage(0, 0)
    a_stage(1, 1)

    def body(k, _):
        j0 = 2 * k
        j1 = j0 + 1
        b_stage(j1, 1)
        c_stage(j0, 0)
        b_stage(j0 + 2, 0)
        c_stage(j1, 1)
        return 0

    lax.fori_loop(0, GCH // 2, body, 0)
    tail = GCH - 1
    b_stage(tail, 1)
    c_stage(tail, 1)
    wait_g(0)
    wait_i(1)


def _gather_call(dh, eh, src1, dst1):
    mesh = plsc.VectorSubcoreMesh(core_axis_name="c", subcore_axis_name="s",
                                  num_cores=2, num_subcores=16)
    kern = pl.kernel(
        _gather_body,
        out_type=jax.ShapeDtypeStruct((NE, D), jnp.float32),
        mesh=mesh,
        scratch_types=[
            pltpu.VMEM((CG,), jnp.int32),
            pltpu.VMEM((CG,), jnp.int32),
            pltpu.VMEM((CG,), jnp.int32),
            pltpu.VMEM((CG,), jnp.int32),
            pltpu.VMEM((CG, D), jnp.float32),
            pltpu.VMEM((CG, D), jnp.float32),
            pltpu.VMEM((CG, D), jnp.float32),
            pltpu.VMEM((CG, D), jnp.float32),
            pltpu.SemaphoreType.DMA,
            pltpu.SemaphoreType.DMA,
            pltpu.SemaphoreType.DMA,
            pltpu.SemaphoreType.DMA,
        ],
    )
    return kern(dh, eh, src1, dst1)


def _edge_body(e_ref, g_ref, cw, cb, eij_out, sig_out, stats_out):
    i = pl.program_id(0)
    ce = jnp.dot(e_ref[...], cw[...], preferred_element_type=jnp.float32)
    eij = ce + cb[...] + g_ref[...]
    eij_out[...] = eij.astype(jnp.bfloat16)
    sig_out[...] = 1.0 / (1.0 + jnp.exp(-eij))

    @pl.when(i == 0)
    def _():
        stats_out[...] = jnp.zeros_like(stats_out)

    s = jnp.sum(eij, axis=0, keepdims=True)
    s2 = jnp.sum(eij * eij, axis=0, keepdims=True)
    stats_out[0:1, :] = stats_out[0:1, :] + s
    stats_out[1:2, :] = stats_out[1:2, :] + s2


def _edge_call(e, g, cw, cb):
    return pl.pallas_call(
        _edge_body,
        grid=(GRID,),
        in_specs=[
            pl.BlockSpec((EB, D), lambda i: (i, 0)),
            pl.BlockSpec((EB, D), lambda i: (i, 0)),
            pl.BlockSpec((D, D), lambda i: (0, 0)),
            pl.BlockSpec((1, D), lambda i: (0, 0)),
        ],
        out_specs=[
            pl.BlockSpec((EB, D), lambda i: (i, 0)),
            pl.BlockSpec((EB, D), lambda i: (i, 0)),
            pl.BlockSpec((8, D), lambda i: (0, 0)),
        ],
        out_shape=(
            jax.ShapeDtypeStruct((NE, D), jnp.bfloat16),
            jax.ShapeDtypeStruct((NE, D), jnp.float32),
            jax.ShapeDtypeStruct((8, D), jnp.float32),
        ),
    )(e, g, cw, cb)


def _zero_acc(sid, zbuf, acc):
    def zrow(r, _):
        for c in range(D // 16):
            zbuf[r, pl.ds(c * 16, 16)] = jnp.zeros((16,), jnp.float32)
        return 0

    lax.fori_loop(0, ZR, zrow, 0)
    for k in range(RPT // ZR):
        pltpu.sync_copy(zbuf, acc.at[pl.ds(sid * RPT + k * ZR, ZR)])


def _remap(cid, dstc, dstl):
    for c5 in range(C // 16):
        sl = pl.ds(c5 * 16, 16)
        d = dstc[sl] - cid * NH
        ok = (d >= 0) & (d < NH)
        dstl[sl] = jnp.where(ok, d, NH)


def _scatter_num_body(sig, bh, src1, dst1, out,
                      srcc0, srcc1, dstc0, dstc1, dstl0, dstl1,
                      sbuf0, sbuf1, bbuf0, bbuf1, zbuf, acc,
                      semi0, semi1, sems0, sems1, semb0, semb1):
    cid = lax.axis_index("c")
    sid = lax.axis_index("s")
    srcc = (srcc0, srcc1)
    dstc = (dstc0, dstc1)
    dstl = (dstl0, dstl1)
    sbuf = (sbuf0, sbuf1)
    bbuf = (bbuf0, bbuf1)
    semi = (semi0, semi1)
    sems = (sems0, sems1)
    semb = (semb0, semb1)
    last = SCH - 1
    _zero_acc(sid, zbuf, acc)
    plsc.subcore_barrier()

    def a_idx(j, s):
        eb = sid * EPT + jnp.minimum(j, last) * C
        pltpu.async_copy(src1.at[pl.ds(eb, C)], srcc[s], semi[s])
        pltpu.async_copy(dst1.at[pl.ds(eb, C)], dstc[s], semi[s])

    def a_sig(j, s):
        eb = sid * EPT + jnp.minimum(j, last) * C
        pltpu.async_copy(sig.at[pl.ds(eb, C)], sbuf[s], sems[s])

    def wait_i(s):
        pltpu.make_async_copy(src1.at[pl.ds(0, C)], srcc[s], semi[s]).wait()
        pltpu.make_async_copy(dst1.at[pl.ds(0, C)], dstc[s], semi[s]).wait()

    def wait_s(s):
        pltpu.make_async_copy(sig.at[pl.ds(0, C)], sbuf[s], sems[s]).wait()

    def wait_b(s):
        pltpu.make_async_copy(bh.at[srcc[s]], bbuf[s], semb[s]).wait()

    def b_stage(j, s):
        wait_i(s)
        pltpu.async_copy(bh.at[srcc[s]], bbuf[s], semb[s])

    def c_stage(j, s):
        wait_s(s)
        wait_b(s)
        _remap(cid, dstc[s], dstl[s])
        a_idx(j + 2, s)

        def row(r, _):
            for c in range(D // 16):
                sl = pl.ds(c * 16, 16)
                bbuf[s][r, sl] = bbuf[s][r, sl] * sbuf[s][r, sl]
            return 0

        lax.fori_loop(0, C, row, 0)
        a_sig(j + 2, s)
        pltpu.sync_copy(bbuf[s], acc.at[dstl[s]], add=True)

    a_idx(0, 0)
    a_sig(0, 0)
    b_stage(0, 0)
    a_idx(1, 1)
    a_sig(1, 1)

    def body(k, _):
        j0 = 2 * k
        j1 = j0 + 1
        b_stage(j1, 1)
        c_stage(j0, 0)
        b_stage(j0 + 2, 0)
        c_stage(j1, 1)
        return 0

    lax.fori_loop(0, SCH // 2, body, 0)
    wait_b(0)
    wait_s(0)
    wait_i(1)
    wait_s(1)
    plsc.subcore_barrier()
    base = cid * NH + sid * RPT
    pltpu.sync_copy(acc.at[pl.ds(sid * RPT, RPT)], out.at[pl.ds(base, RPT)])


def _scatter_den_body(sig, dst1, out,
                      dstc0, dstc1, dstl0, dstl1, sbuf0, sbuf1, zbuf, acc,
                      semi0, semi1, sems0, sems1):
    cid = lax.axis_index("c")
    sid = lax.axis_index("s")
    dstc = (dstc0, dstc1)
    dstl = (dstl0, dstl1)
    sbuf = (sbuf0, sbuf1)
    semi = (semi0, semi1)
    sems = (sems0, sems1)
    last = SCH - 1
    _zero_acc(sid, zbuf, acc)
    plsc.subcore_barrier()

    def a_idx(j, s):
        eb = sid * EPT + jnp.minimum(j, last) * C
        pltpu.async_copy(dst1.at[pl.ds(eb, C)], dstc[s], semi[s])

    def a_sig(j, s):
        eb = sid * EPT + jnp.minimum(j, last) * C
        pltpu.async_copy(sig.at[pl.ds(eb, C)], sbuf[s], sems[s])

    def wait_i(s):
        pltpu.make_async_copy(dst1.at[pl.ds(0, C)], dstc[s], semi[s]).wait()

    def wait_s(s):
        pltpu.make_async_copy(sig.at[pl.ds(0, C)], sbuf[s], sems[s]).wait()

    def c_stage(j, s):
        wait_i(s)
        wait_s(s)
        _remap(cid, dstc[s], dstl[s])
        a_idx(j + 2, s)
        pltpu.sync_copy(sbuf[s], acc.at[dstl[s]], add=True)
        a_sig(j + 2, s)

    a_idx(0, 0)
    a_sig(0, 0)
    a_idx(1, 1)
    a_sig(1, 1)

    def body(k, _):
        c_stage(2 * k, 0)
        c_stage(2 * k + 1, 1)
        return 0

    lax.fori_loop(0, SCH // 2, body, 0)
    wait_i(0)
    wait_s(0)
    wait_i(1)
    wait_s(1)
    plsc.subcore_barrier()
    base = cid * NH + sid * RPT
    pltpu.sync_copy(acc.at[pl.ds(sid * RPT, RPT)], out.at[pl.ds(base, RPT)])


_SC_MESH_KW = dict(core_axis_name="c", subcore_axis_name="s",
                   num_cores=2, num_subcores=16)


def _scatter_num_call(sig, bh, src1, dst1):
    kern = pl.kernel(
        _scatter_num_body,
        out_type=jax.ShapeDtypeStruct((NP, D), jnp.float32),
        mesh=plsc.VectorSubcoreMesh(**_SC_MESH_KW),
        scratch_types=(
            [pltpu.VMEM((C,), jnp.int32)] * 6
            + [pltpu.VMEM((C, D), jnp.float32)] * 4
            + [pltpu.VMEM((ZR, D), jnp.float32),
               pltpu.VMEM_SHARED((NHP, D), jnp.float32)]
            + [pltpu.SemaphoreType.DMA] * 6
        ),
    )
    return kern(sig, bh, src1, dst1)


def _scatter_den_call(sig, dst1):
    kern = pl.kernel(
        _scatter_den_body,
        out_type=jax.ShapeDtypeStruct((NP, D), jnp.float32),
        mesh=plsc.VectorSubcoreMesh(**_SC_MESH_KW),
        scratch_types=(
            [pltpu.VMEM((C,), jnp.int32)] * 4
            + [pltpu.VMEM((C, D), jnp.float32)] * 2
            + [pltpu.VMEM((ZR, D), jnp.float32),
               pltpu.VMEM_SHARED((NHP, D), jnp.float32)]
            + [pltpu.SemaphoreType.DMA] * 4
        ),
    )
    return kern(sig, dst1)


def _eout_body(e_ref, eij_ref, stats, ge, be, out_ref):
    mu = stats[0:1, :] * (1.0 / NE)
    var = stats[1:2, :] * (1.0 / NE) - mu * mu
    scale = ge[...] * lax.rsqrt(var + 1e-5)
    eij = eij_ref[...].astype(jnp.float32)
    out_ref[...] = e_ref[...] + (eij - mu) * scale + be[...]


def _eout_call(e, eij, stats, ge, be):
    return pl.pallas_call(
        _eout_body,
        grid=(GRID,),
        in_specs=[
            pl.BlockSpec((EB, D), lambda i: (i, 0)),
            pl.BlockSpec((EB, D), lambda i: (i, 0)),
            pl.BlockSpec((8, D), lambda i: (0, 0)),
            pl.BlockSpec((1, D), lambda i: (0, 0)),
            pl.BlockSpec((1, D), lambda i: (0, 0)),
        ],
        out_specs=pl.BlockSpec((EB, D), lambda i: (i, 0)),
        out_shape=jax.ShapeDtypeStruct((NE, D), jnp.float32),
    )(e, eij, stats, ge, be)


def _hout_body(h_ref, ah_ref, num_ref, den_ref, norm_ref, gh, bh, out_ref):
    h_new = (ah_ref[...] + num_ref[...] / (den_ref[...] + 1e-6)) * norm_ref[...]
    mu = jnp.mean(h_new, axis=0, keepdims=True)
    diff = h_new - mu
    var = jnp.mean(diff * diff, axis=0, keepdims=True)
    out_ref[...] = h_ref[...] + gh[...] * diff * lax.rsqrt(var + 1e-5) + bh[...]


def _hout_call(h, ah, num, den, norm, gh, bh):
    return pl.pallas_call(
        _hout_body,
        out_shape=jax.ShapeDtypeStruct((N, D), jnp.float32),
    )(h, ah, num, den, norm, gh, bh)


@jax.jit
def kernel(h, e, norm, edge_index, A_w, A_b, B_w, B_b, C_w, C_b,
           D_w, D_b, E_w, E_b, gamma_h, beta_h, gamma_e, beta_e):
    src = edge_index[0].astype(jnp.int32)
    dst = edge_index[1].astype(jnp.int32)

    ah, bh, dh, eh = _node_call(
        h, norm, A_w, A_b.reshape(1, D), B_w, B_b.reshape(1, D),
        D_w, D_b.reshape(1, D), E_w, E_b.reshape(1, D))

    g = _gather_call(dh, eh, src, dst)

    eij, sig, stats = _edge_call(e, g, C_w, C_b.reshape(1, D))

    num = _scatter_num_call(sig, bh, src, dst)
    den = _scatter_den_call(sig, dst)

    e_out = _eout_call(e, eij, stats, gamma_e.reshape(1, D),
                       beta_e.reshape(1, D))
    h_out = _hout_call(h, ah, num[:N], den[:N],
                       norm, gamma_h.reshape(1, D), beta_h.reshape(1, D))
    return (h_out, e_out)

# --- scband reference (transcript-rebuilt; emitter-appended) ---
"""Pipeline reference for scband-simple-gated-gcnlayer-83476984365559 (READ-ONLY COPY).

The authoritative reference and input builder live on the scoring server;
editing this copy changes nothing except your own understanding.
"""

import jax, jax.numpy as jnp
import numpy as np

N = 10000
NE = 320000
D = 128

def setup_inputs(seed: int = 0):
    key = jax.random.key(seed)
    ks = jax.random.split(key, 16)
    inp = {}
    inp['h'] = jax.random.normal(ks[0], (N, D), dtype=jnp.float32)
    inp['e'] = jax.random.normal(ks[1], (NE, D), dtype=jnp.float32)
    inp['norm'] = jax.random.uniform(ks[2], (N, 1), dtype=jnp.float32)
    inp['edge_index'] = jax.random.randint(ks[3], (2, NE), 0, N)
    for i, nm in enumerate(['A', 'B', 'C', 'D', 'E']):
        inp[nm + '_w'] = jax.random.normal(ks[4 + i], (D, D), dtype=jnp.float32) * 0.05
        inp[nm + '_b'] = jnp.zeros((D,), dtype=jnp.float32)
    inp['gamma_h'] = jnp.ones((D,), dtype=jnp.float32)
    inp['beta_h'] = jnp.zeros((D,), dtype=jnp.float32)
    inp['gamma_e'] = jnp.ones((D,), dtype=jnp.float32)
    inp['beta_e'] = jnp.zeros((D,), dtype=jnp.float32)
    return inp

def reference(h, e, norm, edge_index, A_w, A_b, B_w, B_b, C_w, C_b, D_w, D_b, E_w, E_b, gamma_h, beta_h, gamma_e, beta_e):
    h_in, e_in = h, e
    hn = h * norm
    Ah = hn @ A_w + A_b
    Bh = hn @ B_w + B_b
    Dh = hn @ D_w + D_b
    Eh = hn @ E_w + E_b
    Ce = e @ C_w + C_b
    src = edge_index[0]
    dst = edge_index[1]
    e_ij = Ce + Dh[src] + Eh[dst]
    sigma = jax.nn.sigmoid(e_ij)
    num = jax.ops.segment_sum(sigma * Bh[src], dst, num_segments=N)
    den = jax.ops.segment_sum(sigma, dst, num_segments=N)
    h_new = Ah + num / (den + 1e-6)
    h_new = h_new * norm
    mu_h = jnp.mean(h_new, axis=0)
    var_h = jnp.var(h_new, axis=0)
    h_bn = gamma_h * (h_new - mu_h) / jnp.sqrt(var_h + 1e-5) + beta_h
    mu_e = jnp.mean(e_ij, axis=0)
    var_e = jnp.var(e_ij, axis=0)
    e_bn = gamma_e * (e_ij - mu_e) / jnp.sqrt(var_e + 1e-5) + beta_e
    h_out = h_in + h_bn
    e_out = e_in + e_bn
    return (h_out, e_out)

if __name__ == "__main__":
    import jax
    _d = setup_inputs()
    print(jax.jit(kernel)(*tuple(_d.values())))

</pallas_src>

<mosaic_0001>
#map = affine_map<(d0, d1) -> (0, 0)>
#map1 = affine_map<(d0, d1) -> (0)>
module attributes {stable_mosaic.version = 14 : i64} {
  func.func @_scatter_num_body(%arg0: i32, %arg1: i32, %arg2: memref<320000x128xf32, #tpu.memory_space<hbm>>, %arg3: memref<10000x128xf32, #tpu.memory_space<hbm>>, %arg4: memref<320000xi32, #tpu.memory_space<hbm>>, %arg5: memref<320000xi32, #tpu.memory_space<hbm>>, %arg6: memref<10240x128xf32, #tpu.memory_space<hbm>>, %arg7: memref<80xi32, #tpu.memory_space<vmem>>, %arg8: memref<80xi32, #tpu.memory_space<vmem>>, %arg9: memref<80xi32, #tpu.memory_space<vmem>>, %arg10: memref<80xi32, #tpu.memory_space<vmem>>, %arg11: memref<80xi32, #tpu.memory_space<vmem>>, %arg12: memref<80xi32, #tpu.memory_space<vmem>>, %arg13: memref<80x128xf32, #tpu.memory_space<vmem>>, %arg14: memref<80x128xf32, #tpu.memory_space<vmem>>, %arg15: memref<80x128xf32, #tpu.memory_space<vmem>>, %arg16: memref<80x128xf32, #tpu.memory_space<vmem>>, %arg17: memref<8x128xf32, #tpu.memory_space<vmem>>, %arg18: memref<5128x128xf32, #tpu.memory_space<vmem_shared>>, %arg19: memref<!tpu.dma_semaphore, #tpu.memory_space<semaphore_mem>>, %arg20: memref<!tpu.dma_semaphore, #tpu.memory_space<semaphore_mem>>, %arg21: memref<!tpu.dma_semaphore, #tpu.memory_space<semaphore_mem>>, %arg22: memref<!tpu.dma_semaphore, #tpu.memory_space<semaphore_mem>>, %arg23: memref<!tpu.dma_semaphore, #tpu.memory_space<semaphore_mem>>, %arg24: memref<!tpu.dma_semaphore, #tpu.memory_space<semaphore_mem>>) attributes {dimension_semantics = [#tpu.dimension_semantics<core_parallel>, #tpu.dimension_semantics<subcore_parallel>], iteration_bounds = array<i64: 2, 16>, scalar_prefetch = 0 : i64, scratch_operands = 18 : i64, tpu.core_type = #tpu.core_type<sc_vector_subcore>, window_params = [{transform_indices = #map}, {transform_indices = #map}, {transform_indices = #map1}, {transform_indices = #map1}, {transform_indices = #map}]} {
    %scan3A = arith.constant 0 : i32
    %scan3A_0 = arith.constant 0 : i32
    %scan3A_1 = arith.constant 8 : i32
    %scan3A_2 = arith.addi %scan3A_0, %scan3A_1 : i32
    %scan3A_3 = arith.constant 1 : i32
    %scan3A_4 = scf.for %scan3A_258 = %scan3A_0 to %scan3A_2 step %scan3A_3 iter_args(%scan3A_259 = %scan3A) -> (i32)  : i32 {
      %broadcast_in_dim3A = arith.constant 0.000000e+00 : f32
      %broadcast_in_dim3A_260 = vector.broadcast %broadcast_in_dim3A : f32 to vector<16xf32>
      %swap3A = arith.index_cast %scan3A_258 : i32 to index
      %swap3A_261 = arith.constant 0 : index
      %swap3A_262 = tpu.vector_load %arg17[%swap3A, %swap3A_261] {strides = array<i32>} : memref<8x128xf32, #tpu.memory_space<vmem>>, vector<1x16xf32>,
      %swap3A_263 = vector.shape_cast %swap3A_262 : vector<1x16xf32> to vector<16xf32>
      %swap3A_264 = vector.shape_cast %broadcast_in_dim3A_260 : vector<16xf32> to vector<1x16xf32>
      tpu.vector_store %arg17[%swap3A, %swap3A_261], %swap3A_264 {strides = array<i32>} : memref<8x128xf32, #tpu.memory_space<vmem>>, vector<1x16xf32>,
      %broadcast_in_dim3A_265 = arith.constant 0.000000e+00 : f32
      %broadcast_in_dim3A_266 = vector.broadcast %broadcast_in_dim3A_265 : f32 to vector<16xf32>
      %swap3A_267 = arith.index_cast %scan3A_258 : i32 to index
      %swap3A_268 = arith.constant 16 : index
      %swap3A_269 = tpu.vector_load %arg17[%swap3A_267, %swap3A_268] {strides = array<i32>} : memref<8x128xf32, #tpu.memory_space<vmem>>, vector<1x16xf32>,
      %swap3A_270 = vector.shape_cast %swap3A_269 : vector<1x16xf32> to vector<16xf32>
      %swap3A_271 = vector.shape_cast %broadcast_in_dim3A_266 : vector<16xf32> to vector<1x16xf32>
      tpu.vector_store %arg17[%swap3A_267, %swap3A_268], %swap3A_271 {strides = array<i32>} : memref<8x128xf32, #tpu.memory_space<vmem>>, vector<1x16xf32>,
      %broadcast_in_dim3A_272 = arith.constant 0.000000e+00 : f32
      %broadcast_in_dim3A_273 = vector.broadcast %broadcast_in_dim3A_272 : f32 to vector<16xf32>
      %swap3A_274 = arith.index_cast %scan3A_258 : i32 to index
      %swap3A_275 = arith.constant 32 : index
      %swap3A_276 = tpu.vector_load %arg17[%swap3A_274, %swap3A_275] {strides = array<i32>} : memref<8x128xf32, #tpu.memory_space<vmem>>, vector<1x16xf32>,
      %swap3A_277 = vector.shape_cast %swap3A_276 : vector<1x16xf32> to vector<16xf32>
      %swap3A_278 = vector.shape_cast %broadcast_in_dim3A_273 : vector<16xf32> to vector<1x16xf32>
      tpu.vector_store %arg17[%swap3A_274, %swap3A_275], %swap3A_278 {strides = array<i32>} : memref<8x128xf32, #tpu.memory_space<vmem>>, vector<1x16xf32>,
      %broadcast_in_dim3A_279 = arith.constant 0.000000e+00 : f32
      %broadcast_in_dim3A_280 = vector.broadcast %broadcast_in_dim3A_279 : f32 to vector<16xf32>
      %swap3A_281 = arith.index_cast %scan3A_258 : i32 to index
      %swap3A_282 = arith.constant 48 : index
      %swap3A_283 = tpu.vector_load %arg17[%swap3A_281, %swap3A_282] {strides = array<i32>} : memref<8x128xf32, #tpu.memory_space<vmem>>, vector<1x16xf32>,
      %swap3A_284 = vector.shape_cast %swap3A_283 : vector<1x16xf32> to vector<16xf32>
      %swap3A_285 = vector.shape_cast %broadcast_in_dim3A_280 : vector<16xf32> to vector<1x16xf32>
      tpu.vector_store %arg17[%swap3A_281, %swap3A_282], %swap3A_285 {strides = array<i32>} : memref<8x128xf32, #tpu.memory_space<vmem>>, vector<1x16xf32>,
      %broadcast_in_dim3A_286 = arith.constant 0.000000e+00 : f32
      %broadcast_in_dim3A_287 = vector.broadcast %broadcast_in_dim3A_286 : f32 to vector<16xf32>
      %swap3A_288 = arith.index_cast %scan3A_258 : i32 to index
      %swap3A_289 = arith.constant 64 : index
      %swap3A_290 = tpu.vector_load %arg17[%swap3A_288, %swap3A_289] {strides = array<i32>} : memref<8x128xf32, #tpu.memory_space<vmem>>, vector<1x16xf32>,
      %swap3A_291 = vector.shape_cast %swap3A_290 : vector<1x16xf32> to vector<16xf32>
      %swap3A_292 = vector.shape_cast %broadcast_in_dim3A_287 : vector<16xf32> to vector<1x16xf32>
      tpu.vector_store %arg17[%swap3A_288, %swap3A_289], %swap3A_292 {strides = array<i32>} : memref<8x128xf32, #tpu.memory_space<vmem>>, vector<1x16xf32>,
      %broadcast_in_dim3A_293 = arith.constant 0.000000e+00 : f32
      %broadcast_in_dim3A_294 = vector.broadcast %broadcast_in_dim3A_293 : f32 to vector<16xf32>
      %swap3A_295 = arith.index_cast %scan3A_258 : i32 to index
      %swap3A_296 = arith.constant 80 : index
      %swap3A_297 = tpu.vector_load %arg17[%swap3A_295, %swap3A_296] {strides = array<i32>} : memref<8x128xf32, #tpu.memory_space<vmem>>, vector<1x16xf32>,
      %swap3A_298 = vector.shape_cast %swap3A_297 : vector<1x16xf32> to vector<16xf32>
      %swap3A_299 = vector.shape_cast %broadcast_in_dim3A_294 : vector<16xf32> to vector<1x16xf32>
      tpu.vector_store %arg17[%swap3A_295, %swap3A_296], %swap3A_299 {strides = array<i32>} : memref<8x128xf32, #tpu.memory_space<vmem>>, vector<1x16xf32>,
      %broadcast_in_dim3A_300 = arith.constant 0.000000e+00 : f32
      %broadcast_in_dim3A_301 = vector.broadcast %broadcast_in_dim3A_300 : f32 to vector<16xf32>
      %swap3A_302 = arith.index_cast %scan3A_258 : i32 to index
      %swap3A_303 = arith.constant 96 : index
      %swap3A_304 = tpu.vector_load %arg17[%swap3A_302, %swap3A_303] {strides = array<i32>} : memref<8x128xf32, #tpu.memory_space<vmem>>, vector<1x16xf32>,
      %swap3A_305 = vector.shape_cast %swap3A_304 : vector<1x16xf32> to vector<16xf32>
      %swap3A_306 = vector.shape_cast %broadcast_in_dim3A_301 : vector<16xf32> to vector<1x16xf32>
      tpu.vector_store %arg17[%swap3A_302, %swap3A_303], %swap3A_306 {strides = array<i32>} : memref<8x128xf32, #tpu.memory_space<vmem>>, vector<1x16xf32>,
      %broadcast_in_dim3A_307 = arith.constant 0.000000e+00 : f32
      %broadcast_in_dim3A_308 = vector.broadcast %broadcast_in_dim3A_307 : f32 to vector<16xf32>
      %swap3A_309 = arith.index_cast %scan3A_258 : i32 to index
      %swap3A_310 = arith.constant 112 : index
      %swap3A_311 = tpu.vector_load %arg17[%swap3A_309, %swap3A_310] {strides = array<i32>} : memref<8x128xf32, #tpu.memory_space<vmem>>, vector<1x16xf32>,
      %swap3A_312 = vector.shape_cast %swap3A_311 : vector<1x16xf32> to vector<16xf32>
      %swap3A_313 = vector.shape_cast %broadcast_in_dim3A_308 : vector<16xf32> to vector<1x16xf32>
      tpu.vector_store %arg17[%swap3A_309, %swap3A_310], %swap3A_313 {strides = array<i32>} : memref<8x128xf32, #tpu.memory_space<vmem>>, vector<1x16xf32>,
      %scan3A_314 = arith.constant 0 : i32
      scf.yield %scan3A_314 : i32
    }
    %scan3A_5 = arith.constant 8 : i32
    %mul3A = arith.constant 320 : i32
    %mul3A_6 = arith.muli %arg1, %mul3A : i32
    %add3A = arith.constant 0 : i32
    %add3A_7 = arith.addi %mul3A_6, %add3A : i32
    "tpu.region"() ({
      %run_scoped3A = tpu.sem_alloc : memref<!tpu.dma_semaphore, #tpu.memory_space<semaphore_mem>>
      %dma_start3A_258 = arith.constant 0 : i32
      %dma_start3A_259 = tpu.memref_slice %arg18[%add3A_7, %dma_start3A_258] : memref<5128x128xf32, #tpu.memory_space<vmem_shared>> -> memref<8x128xf32, #tpu.memory_space<vmem_shared>>
      %dma_start3A_260 = arith.constant 0 : i32
      %dma_start3A_261 = tpu.memref_slice %arg18[%add3A_7, %dma_start3A_260] : memref<5128x128xf32, #tpu.memory_space<vmem_shared>> -> memref<8x128xf32, #tpu.memory_space<vmem_shared>>
      tpu.enqueue_dma source(%arg17 : memref<8x128xf32, #tpu.memory_space<vmem>>) target(%dma_start3A_261 : memref<8x128xf32, #tpu.memory_space<vmem_shared>>) target_semaphore(%run_scoped3A : memref<!tpu.dma_semaphore, #tpu.memory_space<semaphore_mem>>)
      %dma_wait3A_262 = arith.constant 0 : i32
      %dma_wait3A_263 = tpu.memref_slice %arg18[%add3A_7, %dma_wait3A_262] : memref<5128x128xf32, #tpu.memory_space<vmem_shared>> -> memref<8x128xf32, #tpu.memory_space<vmem_shared>>
      %dma_wait3A_264 = arith.constant 0 : i32
      %dma_wait3A_265 = tpu.memref_slice %arg18[%add3A_7, %dma_wait3A_264] : memref<5128x128xf32, #tpu.memory_space<vmem_shared>> -> memref<8x128xf32, #tpu.memory_space<vmem_shared>>
      tpu.wait_dma2 semaphore(%run_scoped3A : memref<!tpu.dma_semaphore, #tpu.memory_space<semaphore_mem>>) src(%arg17 : memref<8x128xf32, #tpu.memory_space<vmem>>) dst(%dma_wait3A_265 : memref<8x128xf32, #tpu.memory_space<vmem_shared>>)
      tpu.yield
    }) : () -> ()
    %mul3A_8 = arith.constant 320 : i32
    %mul3A_9 = arith.muli %arg1, %mul3A_8 : i32
    %add3A_10 = arith.constant 8 : i32
    %add3A_11 = arith.addi %mul3A_9, %add3A_10 : i32
    "tpu.region"() ({
      %run_scoped3A = tpu.sem_alloc : memref<!tpu.dma_semaphore, #tpu.memory_space<semaphore_mem>>
      %dma_start3A_258 = arith.constant 0 : i32
      %dma_start3A_259 = tpu.memref_slice %arg18[%add3A_11, %dma_start3A_258] : memref<5128x128xf32, #tpu.memory_space<vmem_shared>> -> memref<8x128xf32, #tpu.memory_space<vmem_shared>>
      %dma_start3A_260 = arith.constant 0 : i32
      %dma_start3A_261 = tpu.memref_slice %arg18[%add3A_11, %dma_start3A_260] : memref<5128x128xf32, #tpu.memory_space<vmem_shared>> -> memref<8x128xf32, #tpu.memory_space<vmem_shared>>
      tpu.enqueue_dma source(%arg17 : memref<8x128xf32, #tpu.memory_space<vmem>>) target(%dma_start3A_261 : memref<8x128xf32, #tpu.memory_space<vmem_shared>>) target_semaphore(%run_scoped3A : memref<!tpu.dma_semaphore, #tpu.memory_space<semaphore_mem>>)
      %dma_wait3A_262 = arith.constant 0 : i32
      %dma_wait3A_263 = tpu.memref_slice %arg18[%add3A_11, %dma_wait3A_262] : memref<5128x128xf32, #tpu.memory_space<vmem_shared>> -> memref<8x128xf32, #tpu.memory_space<vmem_shared>>
      %dma_wait3A_264 = arith.constant 0 : i32
      %dma_wait3A_265 = tpu.memref_slice %arg18[%add3A_11, %dma_wait3A_264] : memref<5128x128xf32, #tpu.memory_space<vmem_shared>> -> memref<8x128xf32, #tpu.memory_space<vmem_shared>>
      tpu.wait_dma2 semaphore(%run_scoped3A : memref<!tpu.dma_semaphore, #tpu.memory_space<semaphore_mem>>) src(%arg17 : memref<8x128xf32, #tpu.memory_space<vmem>>) dst(%dma_wait3A_265 : memref<8x128xf32, #tpu.memory_space<vmem_shared>>)
      tpu.yield
    }) : () -> ()
    %mul3A_12 = arith.constant 320 : i32
    %mul3A_13 = arith.muli %arg1, %mul3A_12 : i32
    %add3A_14 = arith.constant 16 : i32
    %add3A_15 = arith.addi %mul3A_13, %add3A_14 : i32
    "tpu.region"() ({
      %run_scoped3A = tpu.sem_alloc : memref<!tpu.dma_semaphore, #tpu.memory_space<semaphore_mem>>
      %dma_start3A_258 = arith.constant 0 : i32
      %dma_start3A_259 = tpu.memref_slice %arg18[%add3A_15, %dma_start3A_258] : memref<5128x128xf32, #tpu.memory_space<vmem_shared>> -> memref<8x128xf32, #tpu.memory_space<vmem_shared>>
      %dma_start3A_260 = arith.constant 0 : i32
      %dma_start3A_261 = tpu.memref_slice %arg18[%add3A_15, %dma_start3A_260] : memref<5128x128xf32, #tpu.memory_space<vmem_shared>> -> memref<8x128xf32, #tpu.memory_space<vmem_shared>>
      tpu.enqueue_dma source(%arg17 : memref<8x128xf32, #tpu.memory_space<vmem>>) target(%dma_start3A_261 : memref<8x128xf32, #tpu.memory_space<vmem_shared>>) target_semaphore(%run_scoped3A : memref<!tpu.dma_semaphore, #tpu.memory_space<semaphore_mem>>)
      %dma_wait3A_262 = arith.constant 0 : i32
      %dma_wait3A_263 = tpu.memref_slice %arg18[%add3A_15, %dma_wait3A_262] : memref<5128x128xf32, #tpu.memory_space<vmem_shared>> -> memref<8x128xf32, #tpu.memory_space<vmem_shared>>
      %dma_wait3A_264 = arith.constant 0 : i32
      %dma_wait3A_265 = tpu.memref_slice %arg18[%add3A_15, %dma_wait3A_264] : memref<5128x128xf32, #tpu.memory_space<vmem_shared>> -> memref<8x128xf32, #tpu.memory_space<vmem_shared>>
      tpu.wait_dma2 semaphore(%run_scoped3A : memref<!tpu.dma_semaphore, #tpu.memory_space<semaphore_mem>>) src(%arg17 : memref<8x128xf32, #tpu.memory_space<vmem>>) dst(%dma_wait3A_265 : memref<8x128xf32, #tpu.memory_space<vmem_shared>>)
      tpu.yield
    }) : () -> ()
    %mul3A_16 = arith.constant 320 : i32
    %mul3A_17 = arith.muli %arg1, %mul3A_16 : i32
    %add3A_18 = arith.constant 24 : i32
    %add3A_19 = arith.addi %mul3A_17, %add3A_18 : i32
    "tpu.region"() ({
      %run_scoped3A = tpu.sem_alloc : memref<!tpu.dma_semaphore, #tpu.memory_space<semaphore_mem>>
      %dma_start3A_258 = arith.constant 0 : i32
      %dma_start3A_259 = tpu.memref_slice %arg18[%add3A_19, %dma_start3A_258] : memref<5128x128xf32, #tpu.memory_space<vmem_shared>> -> memref<8x128xf32, #tpu.memory_space<vmem_shared>>
      %dma_start3A_260 = arith.constant 0 : i32
      %dma_start3A_261 = tpu.memref_slice %arg18[%add3A_19, %dma_start3A_260] : memref<5128x128xf32, #tpu.memory_space<vmem_shared>> -> memref<8x128xf32, #tpu.memory_space<vmem_shared>>
      tpu.enqueue_dma source(%arg17 : memref<8x128xf32, #tpu.memory_space<vmem>>) target(%dma_start3A_261 : memref<8x128xf32, #tpu.memory_space<vmem_shared>>) target_semaphore(%run_scoped3A : memref<!tpu.dma_semaphore, #tpu.memory_space<semaphore_mem>>)
      %dma_wait3A_262 = arith.constant 0 : i32
      %dma_wait3A_263 = tpu.memref_slice %arg18[%add3A_19, %dma_wait3A_262] : memref<5128x128xf32, #tpu.memory_space<vmem_shared>> -> memref<8x128xf32, #tpu.memory_space<vmem_shared>>
      %dma_wait3A_264 = arith.constant 0 : i32
      %dma_wait3A_265 = tpu.memref_slice %arg18[%add3A_19, %dma_wait3A_264] : memref<5128x128xf32, #tpu.memory_space<vmem_shared>> -> memref<8x128xf32, #tpu.memory_space<vmem_shared>>
      tpu.wait_dma2 semaphore(%run_scoped3A : memref<!tpu.dma_semaphore, #tpu.memory_space<semaphore_mem>>) src(%arg17 : memref<8x128xf32, #tpu.memory_space<vmem>>) dst(%dma_wait3A_265 : memref<8x128xf32, #tpu.memory_space<vmem_shared>>)
      tpu.yield
    }) : () -> ()
    %mul3A_20 = arith.constant 320 : i32
    %mul3A_21 = arith.muli %arg1, %mul3A_20 : i32
    %add3A_22 = arith.constant 32 : i32
    %add3A_23 = arith.addi %mul3A_21, %add3A_22 : i32
    "tpu.region"() ({
      %run_scoped3A = tpu.sem_alloc : memref<!tpu.dma_semaphore, #tpu.memory_space<semaphore_mem>>
      %dma_start3A_258 = arith.constant 0 : i32
      %dma_start3A_259 = tpu.memref_slice %arg18[%add3A_23, %dma_start3A_258] : memref<5128x128xf32, #tpu.memory_space<vmem_shared>> -> memref<8x128xf32, #tpu.memory_space<vmem_shared>>
      %dma_start3A_260 = arith.constant 0 : i32
      %dma_start3A_261 = tpu.memref_slice %arg18[%add3A_23, %dma_start3A_260] : memref<5128x128xf32, #tpu.memory_space<vmem_shared>> -> memref<8x128xf32, #tpu.memory_space<vmem_shared>>
      tpu.enqueue_dma source(%arg17 : memref<8x128xf32, #tpu.memory_space<vmem>>) target(%dma_start3A_261 : memref<8x128xf32, #tpu.memory_space<vmem_shared>>) target_semaphore(%run_scoped3A : memref<!tpu.dma_semaphore, #tpu.memory_space<semaphore_mem>>)
      %dma_wait3A_262 = arith.constant 0 : i32
      %dma_wait3A_263 = tpu.memref_slice %arg18[%add3A_23, %dma_wait3A_262] : memref<5128x128xf32, #tpu.memory_space<vmem_shared>> -> memref<8x128xf32, #tpu.memory_space<vmem_shared>>
      %dma_wait3A_264 = arith.constant 0 : i32
      %dma_wait3A_265 = tpu.memref_slice %arg18[%add3A_23, %dma_wait3A_264] : memref<5128x128xf32, #tpu.memory_space<vmem_shared>> -> memref<8x128xf32, #tpu.memory_space<vmem_shared>>
      tpu.wait_dma2 semaphore(%run_scoped3A : memref<!tpu.dma_semaphore, #tpu.memory_space<semaphore_mem>>) src(%arg17 : memref<8x128xf32, #tpu.memory_space<vmem>>) dst(%dma_wait3A_265 : memref<8x128xf32, #tpu.memory_space<vmem_shared>>)
      tpu.yield
    }) : () -> ()
    %mul3A_24 = arith.constant 320 : i32
    %mul3A_25 = arith.muli %arg1, %mul3A_24 : i32
    %add3A_26 = arith.constant 40 : i32
    %add3A_27 = arith.addi %mul3A_25, %add3A_26 : i32
    "tpu.region"() ({
      %run_scoped3A = tpu.sem_alloc : memref<!tpu.dma_semaphore, #tpu.memory_space<semaphore_mem>>
      %dma_start3A_258 = arith.constant 0 : i32
      %dma_start3A_259 = tpu.memref_slice %arg18[%add3A_27, %dma_start3A_258] : memref<5128x128xf32, #tpu.memory_space<vmem_shared>> -> memref<8x128xf32, #tpu.memory_space<vmem_shared>>
      %dma_start3A_260 = arith.constant 0 : i32
      %dma_start3A_261 = tpu.memref_slice %arg18[%add3A_27, %dma_start3A_260] : memref<5128x128xf32, #tpu.memory_space<vmem_shared>> -> memref<8x128xf32, #tpu.memory_space<vmem_shared>>
      tpu.enqueue_dma source(%arg17 : memref<8x128xf32, #tpu.memory_space<vmem>>) target(%dma_start3A_261 : memref<8x128xf32, #tpu.memory_space<vmem_shared>>) target_semaphore(%run_scoped3A : memref<!tpu.dma_semaphore, #tpu.memory_space<semaphore_mem>>)
      %dma_wait3A_262 = arith.constant 0 : i32
      %dma_wait3A_263 = tpu.memref_slice %arg18[%add3A_27, %dma_wait3A_262] : memref<5128x128xf32, #tpu.memory_space<vmem_shared>> -> memref<8x128xf32, #tpu.memory_space<vmem_shared>>
      %dma_wait3A_264 = arith.constant 0 : i32
      %dma_wait3A_265 = tpu.memref_slice %arg18[%add3A_27, %dma_wait3A_264] : memref<5128x128xf32, #tpu.memory_space<vmem_shared>> -> memref<8x128xf32, #tpu.memory_space<vmem_shared>>
      tpu.wait_dma2 semaphore(%run_scoped3A : memref<!tpu.dma_semaphore, #tpu.memory_space<semaphore_mem>>) src(%arg17 : memref<8x128xf32, #tpu.memory_space<vmem>>) dst(%dma_wait3A_265 : memref<8x128xf32, #tpu.memory_space<vmem_shared>>)
      tpu.yield
    }) : () -> ()
    %mul3A_28 = arith.constant 320 : i32
    %mul3A_29 = arith.muli %arg1, %mul3A_28 : i32
    %add3A_30 = arith.constant 48 : i32
    %add3A_31 = arith.addi %mul3A_29, %add3A_30 : i32
    "tpu.region"() ({
      %run_scoped3A = tpu.sem_alloc : memref<!tpu.dma_semaphore, #tpu.memory_space<semaphore_mem>>
      %dma_start3A_258 = arith.constant 0 : i32
      %dma_start3A_259 = tpu.memref_slice %arg18[%add3A_31, %dma_start3A_258] : memref<5128x128xf32, #tpu.memory_space<vmem_shared>> -> memref<8x128xf32, #tpu.memory_space<vmem_shared>>
      %dma_start3A_260 = arith.constant 0 : i32
      %dma_start3A_261 = tpu.memref_slice %arg18[%add3A_31, %dma_start3A_260] : memref<5128x128xf32, #tpu.memory_space<vmem_shared>> -> memref<8x128xf32, #tpu.memory_space<vmem_shared>>
      tpu.enqueue_dma source(%arg17 : memref<8x128xf32, #tpu.memory_space<vmem>>) target(%dma_start3A_261 : memref<8x128xf32, #tpu.memory_space<vmem_shared>>) target_semaphore(%run_scoped3A : memref<!tpu.dma_semaphore, #tpu.memory_space<semaphore_mem>>)
      %dma_wait3A_262 = arith.constant 0 : i32
      %dma_wait3A_263 = tpu.memref_slice %arg18[%add3A_31, %dma_wait3A_262] : memref<5128x128xf32, #tpu.memory_space<vmem_shared>> -> memref<8x128xf32, #tpu.memory_space<vmem_shared>>
      %dma_wait3A_264 = arith.constant 0 : i32
      %dma_wait3A_265 = tpu.memref_slice %arg18[%add3A_31, %dma_wait3A_264] : memref<5128x128xf32, #tpu.memory_space<vmem_shared>> -> memref<8x128xf32, #tpu.memory_space<vmem_shared>>
      tpu.wait_dma2 semaphore(%run_scoped3A : memref<!tpu.dma_semaphore, #tpu.memory_space<semaphore_mem>>) src(%arg17 : memref<8x128xf32, #tpu.memory_space<vmem>>) dst(%dma_wait3A_265 : memref<8x128xf32, #tpu.memory_space<vmem_shared>>)
      tpu.yield
    }) : () -> ()
    %mul3A_32 = arith.constant 320 : i32
    %mul3A_33 = arith.muli %arg1, %mul3A_32 : i32
    %add3A_34 = arith.constant 56 : i32
    %add3A_35 = arith.addi %mul3A_33, %add3A_34 : i32
    "tpu.region"() ({
      %run_scoped3A = tpu.sem_alloc : memref<!tpu.dma_semaphore, #tpu.memory_space<semaphore_mem>>
      %dma_start3A_258 = arith.constant 0 : i32
      %dma_start3A_259 = tpu.memref_slice %arg18[%add3A_35, %dma_start3A_258] : memref<5128x128xf32, #tpu.memory_space<vmem_shared>> -> memref<8x128xf32, #tpu.memory_space<vmem_shared>>
      %dma_start3A_260 = arith.constant 0 : i32
      %dma_start3A_261 = tpu.memref_slice %arg18[%add3A_35, %dma_start3A_260] : memref<5128x128xf32, #tpu.memory_space<vmem_shared>> -> memref<8x128xf32, #tpu.memory_space<vmem_shared>>
      tpu.enqueue_dma source(%arg17 : memref<8x128xf32, #tpu.memory_space<vmem>>) target(%dma_start3A_261 : memref<8x128xf32, #tpu.memory_space<vmem_shared>>) target_semaphore(%run_scoped3A : memref<!tpu.dma_semaphore, #tpu.memory_space<semaphore_mem>>)
      %dma_wait3A_262 = arith.constant 0 : i32
      %dma_wait3A_263 = tpu.memref_slice %arg18[%add3A_35, %dma_wait3A_262] : memref<5128x128xf32, #tpu.memory_space<vmem_shared>> -> memref<8x128xf32, #tpu.memory_space<vmem_shared>>
      %dma_wait3A_264 = arith.constant 0 : i32
      %dma_wait3A_265 = tpu.memref_slice %arg18[%add3A_35, %dma_wait3A_264] : memref<5128x128xf32, #tpu.memory_space<vmem_shared>> -> memref<8x128xf32, #tpu.memory_space<vmem_shared>>
      tpu.wait_dma2 semaphore(%run_scoped3A : memref<!tpu.dma_semaphore, #tpu.memory_space<semaphore_mem>>) src(%arg17 : memref<8x128xf32, #tpu.memory_space<vmem>>) dst(%dma_wait3A_265 : memref<8x128xf32, #tpu.memory_space<vmem_shared>>)
      tpu.yield
    }) : () -> ()
    %mul3A_36 = arith.constant 320 : i32
    %mul3A_37 = arith.muli %arg1, %mul3A_36 : i32
    %add3A_38 = arith.constant 64 : i32
    %add3A_39 = arith.addi %mul3A_37, %add3A_38 : i32
    "tpu.region"() ({
      %run_scoped3A = tpu.sem_alloc : memref<!tpu.dma_semaphore, #tpu.memory_space<semaphore_mem>>
      %dma_start3A_258 = arith.constant 0 : i32
      %dma_start3A_259 = tpu.memref_slice %arg18[%add3A_39, %dma_start3A_258] : memref<5128x128xf32, #tpu.memory_space<vmem_shared>> -> memref<8x128xf32, #tpu.memory_space<vmem_shared>>
      %dma_start3A_260 = arith.constant 0 : i32
      %dma_start3A_261 = tpu.memref_slice %arg18[%add3A_39, %dma_start3A_260] : memref<5128x128xf32, #tpu.memory_space<vmem_shared>> -> memref<8x128xf32, #tpu.memory_space<vmem_shared>>
      tpu.enqueue_dma source(%arg17 : memref<8x128xf32, #tpu.memory_space<vmem>>) target(%dma_start3A_261 : memref<8x128xf32, #tpu.memory_space<vmem_shared>>) target_semaphore(%run_scoped3A : memref<!tpu.dma_semaphore, #tpu.memory_space<semaphore_mem>>)
      %dma_wait3A_262 = arith.constant 0 : i32
      %dma_wait3A_263 = tpu.memref_slice %arg18[%add3A_39, %dma_wait3A_262] : memref<5128x128xf32, #tpu.memory_space<vmem_shared>> -> memref<8x128xf32, #tpu.memory_space<vmem_shared>>
      %dma_wait3A_264 = arith.constant 0 : i32
      %dma_wait3A_265 = tpu.memref_slice %arg18[%add3A_39, %dma_wait3A_264] : memref<5128x128xf32, #tpu.memory_space<vmem_shared>> -> memref<8x128xf32, #tpu.memory_space<vmem_shared>>
      tpu.wait_dma2 semaphore(%run_scoped3A : memref<!tpu.dma_semaphore, #tpu.memory_space<semaphore_mem>>) src(%arg17 : memref<8x128xf32, #tpu.memory_space<vmem>>) dst(%dma_wait3A_265 : memref<8x128xf32, #tpu.memory_space<vmem_shared>>)
      tpu.yield
    }) : () -> ()
    %mul3A_40 = arith.constant 320 : i32
    %mul3A_41 = arith.muli %arg1, %mul3A_40 : i32
    %add3A_42 = arith.constant 72 : i32
    %add3A_43 = arith.addi %mul3A_41, %add3A_42 : i32
    "tpu.region"() ({
      %run_scoped3A = tpu.sem_alloc : memref<!tpu.dma_semaphore, #tpu.memory_space<semaphore_mem>>
      %dma_start3A_258 = arith.constant 0 : i32
      %dma_start3A_259 = tpu.memref_slice %arg18[%add3A_43, %dma_start3A_258] : memref<5128x128xf32, #tpu.memory_space<vmem_shared>> -> memref<8x128xf32, #tpu.memory_space<vmem_shared>>
      %dma_start3A_260 = arith.constant 0 : i32
      %dma_start3A_261 = tpu.memref_slice %arg18[%add3A_43, %dma_start3A_260] : memref<5128x128xf32, #tpu.memory_space<vmem_shared>> -> memref<8x128xf32, #tpu.memory_space<vmem_shared>>
      tpu.enqueue_dma source(%arg17 : memref<8x128xf32, #tpu.memory_space<vmem>>) target(%dma_start3A_261 : memref<8x128xf32, #tpu.memory_space<vmem_shared>>) target_semaphore(%run_scoped3A : memref<!tpu.dma_semaphore, #tpu.memory_space<semaphore_mem>>)
      %dma_wait3A_262 = arith.constant 0 : i32
      %dma_wait3A_263 = tpu.memref_slice %arg18[%add3A_43, %dma_wait3A_262] : memref<5128x128xf32, #tpu.memory_space<vmem_shared>> -> memref<8x128xf32, #tpu.memory_space<vmem_shared>>
      %dma_wait3A_264 = arith.constant 0 : i32
      %dma_wait3A_265 = tpu.memref_slice %arg18[%add3A_43, %dma_wait3A_264] : memref<5128x128xf32, #tpu.memory_space<vmem_shared>> -> memref<8x128xf32, #tpu.memory_space<vmem_shared>>
      tpu.wait_dma2 semaphore(%run_scoped3A : memref<!tpu.dma_semaphore, #tpu.memory_space<semaphore_mem>>) src(%arg17 : memref<8x128xf32, #tpu.memory_space<vmem>>) dst(%dma_wait3A_265 : memref<8x128xf32, #tpu.memory_space<vmem_shared>>)
      tpu.yield
    }) : () -> ()
    %mul3A_44 = arith.constant 320 : i32
    %mul3A_45 = arith.muli %arg1, %mul3A_44 : i32
    %add3A_46 = arith.constant 80 : i32
    %add3A_47 = arith.addi %mul3A_45, %add3A_46 : i32
    "tpu.region"() ({
      %run_scoped3A = tpu.sem_alloc : memref<!tpu.dma_semaphore, #tpu.memory_space<semaphore_mem>>
      %dma_start3A_258 = arith.constant 0 : i32
      %dma_start3A_259 = tpu.memref_slice %arg18[%add3A_47, %dma_start3A_258] : memref<5128x128xf32, #tpu.memory_space<vmem_shared>> -> memref<8x128xf32, #tpu.memory_space<vmem_shared>>
      %dma_start3A_260 = arith.constant 0 : i32
      %dma_start3A_261 = tpu.memref_slice %arg18[%add3A_47, %dma_start3A_260] : memref<5128x128xf32, #tpu.memory_space<vmem_shared>> -> memref<8x128xf32, #tpu.memory_space<vmem_shared>>
      tpu.enqueue_dma source(%arg17 : memref<8x128xf32, #tpu.memory_space<vmem>>) target(%dma_start3A_261 : memref<8x128xf32, #tpu.memory_space<vmem_shared>>) target_semaphore(%run_scoped3A : memref<!tpu.dma_semaphore, #tpu.memory_space<semaphore_mem>>)
      %dma_wait3A_262 = arith.constant 0 : i32
      %dma_wait3A_263 = tpu.memref_slice %arg18[%add3A_47, %dma_wait3A_262] : memref<5128x128xf32, #tpu.memory_space<vmem_shared>> -> memref<8x128xf32, #tpu.memory_space<vmem_shared>>
      %dma_wait3A_264 = arith.constant 0 : i32
      %dma_wait3A_265 = tpu.memref_slice %arg18[%add3A_47, %dma_wait3A_264] : memref<5128x128xf32, #tpu.memory_space<vmem_shared>> -> memref<8x128xf32, #tpu.memory_space<vmem_shared>>
      tpu.wait_dma2 semaphore(%run_scoped3A : memref<!tpu.dma_semaphore, #tpu.memory_space<semaphore_mem>>) src(%arg17 : memref<8x128xf32, #tpu.memory_space<vmem>>) dst(%dma_wait3A_265 : memref<8x128xf32, #tpu.memory_space<vmem_shared>>)
      tpu.yield
    }) : () -> ()
    %mul3A_48 = arith.constant 320 : i32
    %mul3A_49 = arith.muli %arg1, %mul3A_48 : i32
    %add3A_50 = arith.constant 88 : i32
    %add3A_51 = arith.addi %mul3A_49, %add3A_50 : i32
    "tpu.region"() ({
      %run_scoped3A = tpu.sem_alloc : memref<!tpu.dma_semaphore, #tpu.memory_space<semaphore_mem>>
      %dma_start3A_258 = arith.constant 0 : i32
      %dma_start3A_259 = tpu.memref_slice %arg18[%add3A_51, %dma_start3A_258] : memref<5128x128xf32, #tpu.memory_space<vmem_shared>> -> memref<8x128xf32, #tpu.memory_space<vmem_shared>>
      %dma_start3A_260 = arith.constant 0 : i32
      %dma_start3A_261 = tpu.memref_slice %arg18[%add3A_51, %dma_start3A_260] : memref<5128x128xf32, #tpu.memory_space<vmem_shared>> -> memref<8x128xf32, #tpu.memory_space<vmem_shared>>
      tpu.enqueue_dma source(%arg17 : memref<8x128xf32, #tpu.memory_space<vmem>>) target(%dma_start3A_261 : memref<8x128xf32, #tpu.memory_space<vmem_shared>>) target_semaphore(%run_scoped3A : memref<!tpu.dma_semaphore, #tpu.memory_space<semaphore_mem>>)
      %dma_wait3A_262 = arith.constant 0 : i32
      %dma_wait3A_263 = tpu.memref_slice %arg18[%add3A_51, %dma_wait3A_262] : memref<5128x128xf32, #tpu.memory_space<vmem_shared>> -> memref<8x128xf32, #tpu.memory_space<vmem_shared>>
      %dma_wait3A_264 = arith.constant 0 : i32
      %dma_wait3A_265 = tpu.memref_slice %arg18[%add3A_51, %dma_wait3A_264] : memref<5128x128xf32, #tpu.memory_space<vmem_shared>> -> memref<8x128xf32, #tpu.memory_space<vmem_shared>>
      tpu.wait_dma2 semaphore(%run_scoped3A : memref<!tpu.dma_semaphore, #tpu.memory_space<semaphore_mem>>) src(%arg17 : memref<8x128xf32, #tpu.memory_space<vmem>>) dst(%dma_wait3A_265 : memref<8x128xf32, #tpu.memory_space<vmem_shared>>)
      tpu.yield
    }) : () -> ()
    %mul3A_52 = arith.constant 320 : i32
    %mul3A_53 = arith.muli %arg1, %mul3A_52 : i32
    %add3A_54 = arith.constant 96 : i32
    %add3A_55 = arith.addi %mul3A_53, %add3A_54 : i32
    "tpu.region"() ({
      %run_scoped3A = tpu.sem_alloc : memref<!tpu.dma_semaphore, #tpu.memory_space<semaphore_mem>>
      %dma_start3A_258 = arith.constant 0 : i32
      %dma_start3A_259 = tpu.memref_slice %arg18[%add3A_55, %dma_start3A_258] : memref<5128x128xf32, #tpu.memory_space<vmem_shared>> -> memref<8x128xf32, #tpu.memory_space<vmem_shared>>
      %dma_start3A_260 = arith.constant 0 : i32
      %dma_start3A_261 = tpu.memref_slice %arg18[%add3A_55, %dma_start3A_260] : memref<5128x128xf32, #tpu.memory_space<vmem_shared>> -> memref<8x128xf32, #tpu.memory_space<vmem_shared>>
      tpu.enqueue_dma source(%arg17 : memref<8x128xf32, #tpu.memory_space<vmem>>) target(%dma_start3A_261 : memref<8x128xf32, #tpu.memory_space<vmem_shared>>) target_semaphore(%run_scoped3A : memref<!tpu.dma_semaphore, #tpu.memory_space<semaphore_mem>>)
      %dma_wait3A_262 = arith.constant 0 : i32
      %dma_wait3A_263 = tpu.memref_slice %arg18[%add3A_55, %dma_wait3A_262] : memref<5128x128xf32, #tpu.memory_space<vmem_shared>> -> memref<8x128xf32, #tpu.memory_space<vmem_shared>>
      %dma_wait3A_264 = arith.constant 0 : i32
      %dma_wait3A_265 = tpu.memref_slice %arg18[%add3A_55, %dma_wait3A_264] : memref<5128x128xf32, #tpu.memory_space<vmem_shared>> -> memref<8x128xf32, #tpu.memory_space<vmem_shared>>
      tpu.wait_dma2 semaphore(%run_scoped3A : memref<!tpu.dma_semaphore, #tpu.memory_space<semaphore_mem>>) src(%arg17 : memref<8x128xf32, #tpu.memory_space<vmem>>) dst(%dma_wait3A_265 : memref<8x128xf32, #tpu.memory_space<vmem_shared>>)
      tpu.yield
    }) : () -> ()
    %mul3A_56 = arith.constant 320 : i32
    %mul3A_57 = arith.muli %arg1, %mul3A_56 : i32
    %add3A_58 = arith.constant 104 : i32
    %add3A_59 = arith.addi %mul3A_57, %add3A_58 : i32
    "tpu.region"() ({
      %run_scoped3A = tpu.sem_alloc : memref<!tpu.dma_semaphore, #tpu.memory_space<semaphore_mem>>
      %dma_start3A_258 = arith.constant 0 : i32
      %dma_start3A_259 = tpu.memref_slice %arg18[%add3A_59, %dma_start3A_258] : memref<5128x128xf32, #tpu.memory_space<vmem_shared>> -> memref<8x128xf32, #tpu.memory_space<vmem_shared>>
      %dma_start3A_260 = arith.constant 0 : i32
      %dma_start3A_261 = tpu.memref_slice %arg18[%add3A_59, %dma_start3A_260] : memref<5128x128xf32, #tpu.memory_space<vmem_shared>> -> memref<8x128xf32, #tpu.memory_space<vmem_shared>>
      tpu.enqueue_dma source(%arg17 : memref<8x128xf32, #tpu.memory_space<vmem>>) target(%dma_start3A_261 : memref<8x128xf32, #tpu.memory_space<vmem_shared>>) target_semaphore(%run_scoped3A : memref<!tpu.dma_semaphore, #tpu.memory_space<semaphore_mem>>)
      %dma_wait3A_262 = arith.constant 0 : i32
      %dma_wait3A_263 = tpu.memref_slice %arg18[%add3A_59, %dma_wait3A_262] : memref<5128x128xf32, #tpu.memory_space<vmem_shared>> -> memref<8x128xf32, #tpu.memory_space<vmem_shared>>
      %dma_wait3A_264 = arith.constant 0 : i32
      %dma_wait3A_265 = tpu.memref_slice %arg18[%add3A_59, %dma_wait3A_264] : memref<5128x128xf32, #tpu.memory_space<vmem_shared>> -> memref<8x128xf32, #tpu.memory_space<vmem_shared>>
      tpu.wait_dma2 semaphore(%run_scoped3A : memref<!tpu.dma_semaphore, #tpu.memory_space<semaphore_mem>>) src(%arg17 : memref<8x128xf32, #tpu.memory_space<vmem>>) dst(%dma_wait3A_265 : memref<8x128xf32, #tpu.memory_space<vmem_shared>>)
      tpu.yield
    }) : () -> ()
    %mul3A_60 = arith.constant 320 : i32
    %mul3A_61 = arith.muli %arg1, %mul3A_60 : i32
    %add3A_62 = arith.constant 112 : i32
    %add3A_63 = arith.addi %mul3A_61, %add3A_62 : i32
    "tpu.region"() ({
      %run_scoped3A = tpu.sem_alloc : memref<!tpu.dma_semaphore, #tpu.memory_space<semaphore_mem>>
      %dma_start3A_258 = arith.constant 0 : i32
      %dma_start3A_259 = tpu.memref_slice %arg18[%add3A_63, %dma_start3A_258] : memref<5128x128xf32, #tpu.memory_space<vmem_shared>> -> memref<8x128xf32, #tpu.memory_space<vmem_shared>>
      %dma_start3A_260 = arith.constant 0 : i32
      %dma_start3A_261 = tpu.memref_slice %arg18[%add3A_63, %dma_start3A_260] : memref<5128x128xf32, #tpu.memory_space<vmem_shared>> -> memref<8x128xf32, #tpu.memory_space<vmem_shared>>
      tpu.enqueue_dma source(%arg17 : memref<8x128xf32, #tpu.memory_space<vmem>>) target(%dma_start3A_261 : memref<8x128xf32, #tpu.memory_space<vmem_shared>>) target_semaphore(%run_scoped3A : memref<!tpu.dma_semaphore, #tpu.memory_space<semaphore_mem>>)
      %dma_wait3A_262 = arith.constant 0 : i32
      %dma_wait3A_263 = tpu.memref_slice %arg18[%add3A_63, %dma_wait3A_262] : memref<5128x128xf32, #tpu.memory_space<vmem_shared>> -> memref<8x128xf32, #tpu.memory_space<vmem_shared>>
      %dma_wait3A_264 = arith.constant 0 : i32
      %dma_wait3A_265 = tpu.memref_slice %arg18[%add3A_63, %dma_wait3A_264] : memref<5128x128xf32, #tpu.memory_space<vmem_shared>> -> memref<8x128xf32, #tpu.memory_space<vmem_shared>>
      tpu.wait_dma2 semaphore(%run_scoped3A : memref<!tpu.dma_semaphore, #tpu.memory_space<semaphore_mem>>) src(%arg17 : memref<8x128xf32, #tpu.memory_space<vmem>>) dst(%dma_wait3A_265 : memref<8x128xf32, #tpu.memory_space<vmem_shared>>)
      tpu.yield
    }) : () -> ()
    %mul3A_64 = arith.constant 320 : i32
    %mul3A_65 = arith.muli %arg1, %mul3A_64 : i32
    %add3A_66 = arith.constant 120 : i32
    %add3A_67 = arith.addi %mul3A_65, %add3A_66 : i32
    "tpu.region"() ({
      %run_scoped3A = tpu.sem_alloc : memref<!tpu.dma_semaphore, #tpu.memory_space<semaphore_mem>>
      %dma_start3A_258 = arith.constant 0 : i32
      %dma_start3A_259 = tpu.memref_slice %arg18[%add3A_67, %dma_start3A_258] : memref<5128x128xf32, #tpu.memory_space<vmem_shared>> -> memref<8x128xf32, #tpu.memory_space<vmem_shared>>
      %dma_start3A_260 = arith.constant 0 : i32
      %dma_start3A_261 = tpu.memref_slice %arg18[%add3A_67, %dma_start3A_260] : memref<5128x128xf32, #tpu.memory_space<vmem_shared>> -> memref<8x128xf32, #tpu.memory_space<vmem_shared>>
      tpu.enqueue_dma source(%arg17 : memref<8x128xf32, #tpu.memory_space<vmem>>) target(%dma_start3A_261 : memref<8x128xf32, #tpu.memory_space<vmem_shared>>) target_semaphore(%run_scoped3A : memref<!tpu.dma_semaphore, #tpu.memory_space<semaphore_mem>>)
      %dma_wait3A_262 = arith.constant 0 : i32
      %dma_wait3A_263 = tpu.memref_slice %arg18[%add3A_67, %dma_wait3A_262] : memref<5128x128xf32, #tpu.memory_space<vmem_shared>> -> memref<8x128xf32, #tpu.memory_space<vmem_shared>>
      %dma_wait3A_264 = arith.constant 0 : i32
      %dma_wait3A_265 = tpu.memref_slice %arg18[%add3A_67, %dma_wait3A_264] : memref<5128x128xf32, #tpu.memory_space<vmem_shared>> -> memref<8x128xf32, #tpu.memory_space<vmem_shared>>
      tpu.wait_dma2 semaphore(%run_scoped3A : memref<!tpu.dma_semaphore, #tpu.memory_space<semaphore_mem>>) src(%arg17 : memref<8x128xf32, #tpu.memory_space<vmem>>) dst(%dma_wait3A_265 : memref<8x128xf32, #tpu.memory_space<vmem_shared>>)
      tpu.yield
    }) : () -> ()
    %mul3A_68 = arith.constant 320 : i32
    %mul3A_69 = arith.muli %arg1, %mul3A_68 : i32
    %add3A_70 = arith.constant 128 : i32
    %add3A_71 = arith.addi %mul3A_69, %add3A_70 : i32
    "tpu.region"() ({
      %run_scoped3A = tpu.sem_alloc : memref<!tpu.dma_semaphore, #tpu.memory_space<semaphore_mem>>
      %dma_start3A_258 = arith.constant 0 : i32
      %dma_start3A_259 = tpu.memref_slice %arg18[%add3A_71, %dma_start3A_258] : memref<5128x128xf32, #tpu.memory_space<vmem_shared>> -> memref<8x128xf32, #tpu.memory_space<vmem_shared>>
      %dma_start3A_260 = arith.constant 0 : i32
      %dma_start3A_261 = tpu.memref_slice %arg18[%add3A_71, %dma_start3A_260] : memref<5128x128xf32, #tpu.memory_space<vmem_shared>> -> memref<8x128xf32, #tpu.memory_space<vmem_shared>>
      tpu.enqueue_dma source(%arg17 : memref<8x128xf32, #tpu.memory_space<vmem>>) target(%dma_start3A_261 : memref<8x128xf32, #tpu.memory_space<vmem_shared>>) target_semaphore(%run_scoped3A : memref<!tpu.dma_semaphore, #tpu.memory_space<semaphore_mem>>)
      %dma_wait3A_262 = arith.constant 0 : i32
      %dma_wait3A_263 = tpu.memref_slice %arg18[%add3A_71, %dma_wait3A_262] : memref<5128x128xf32, #tpu.memory_space<vmem_shared>> -> memref<8x128xf32, #tpu.memory_space<vmem_shared>>
      %dma_wait3A_264 = arith.constant 0 : i32
      %dma_wait3A_265 = tpu.memref_slice %arg18[%add3A_71, %dma_wait3A_264] : memref<5128x128xf32, #tpu.memory_space<vmem_shared>> -> memref<8x128xf32, #tpu.memory_space<vmem_shared>>
      tpu.wait_dma2 semaphore(%run_scoped3A : memref<!tpu.dma_semaphore, #tpu.memory_space<semaphore_mem>>) src(%arg17 : memref<8x128xf32, #tpu.memory_space<vmem>>) dst(%dma_wait3A_265 : memref<8x128xf32, #tpu.memory_space<vmem_shared>>)
      tpu.yield
    }) : () -> ()
    %mul3A_72 = arith.constant 320 : i32
    %mul3A_73 = arith.muli %arg1, %mul3A_72 : i32
    %add3A_74 = arith.constant 136 : i32
    %add3A_75 = arith.addi %mul3A_73, %add3A_74 : i32
    "tpu.region"() ({
      %run_scoped3A = tpu.sem_alloc : memref<!tpu.dma_semaphore, #tpu.memory_space<semaphore_mem>>
      %dma_start3A_258 = arith.constant 0 : i32
      %dma_start3A_259 = tpu.memref_slice %arg18[%add3A_75, %dma_start3A_258] : memref<5128x128xf32, #tpu.memory_space<vmem_shared>> -> memref<8x128xf32, #tpu.memory_space<vmem_shared>>
      %dma_start3A_260 = arith.constant 0 : i32
      %dma_start3A_261 = tpu.memref_slice %arg18[%add3A_75, %dma_start3A_260] : memref<5128x128xf32, #tpu.memory_space<vmem_shared>> -> memref<8x128xf32, #tpu.memory_space<vmem_shared>>
      tpu.enqueue_dma source(%arg17 : memref<8x128xf32, #tpu.memory_space<vmem>>) target(%dma_start3A_261 : memref<8x128xf32, #tpu.memory_space<vmem_shared>>) target_semaphore(%run_scoped3A : memref<!tpu.dma_semaphore, #tpu.memory_space<semaphore_mem>>)
      %dma_wait3A_262 = arith.constant 0 : i32
      %dma_wait3A_263 = tpu.memref_slice %arg18[%add3A_75, %dma_wait3A_262] : memref<5128x128xf32, #tpu.memory_space<vmem_shared>> -> memref<8x128xf32, #tpu.memory_space<vmem_shared>>
      %dma_wait3A_264 = arith.constant 0 : i32
      %dma_wait3A_265 = tpu.memref_slice %arg18[%add3A_75, %dma_wait3A_264] : memref<5128x128xf32, #tpu.memory_space<vmem_shared>> -> memref<8x128xf32, #tpu.memory_space<vmem_shared>>
      tpu.wait_dma2 semaphore(%run_scoped3A : memref<!tpu.dma_semaphore, #tpu.memory_space<semaphore_mem>>) src(%arg17 : memref<8x128xf32, #tpu.memory_space<vmem>>) dst(%dma_wait3A_265 : memref<8x128xf32, #tpu.memory_space<vmem_shared>>)
      tpu.yield
    }) : () -> ()
    %mul3A_76 = arith.constant 320 : i32
    %mul3A_77 = arith.muli %arg1, %mul3A_76 : i32
    %add3A_78 = arith.constant 144 : i32
    %add3A_79 = arith.addi %mul3A_77, %add3A_78 : i32
    "tpu.region"() ({
      %run_scoped3A = tpu.sem_alloc : memref<!tpu.dma_semaphore, #tpu.memory_space<semaphore_mem>>
      %dma_start3A_258 = arith.constant 0 : i32
      %dma_start3A_259 = tpu.memref_slice %arg18[%add3A_79, %dma_start3A_258] : memref<5128x128xf32, #tpu.memory_space<vmem_shared>> -> memref<8x128xf32, #tpu.memory_space<vmem_shared>>
      %dma_start3A_260 = arith.constant 0 : i32
      %dma_start3A_261 = tpu.memref_slice %arg18[%add3A_79, %dma_start3A_260] : memref<5128x128xf32, #tpu.memory_space<vmem_shared>> -> memref<8x128xf32, #tpu.memory_space<vmem_shared>>
      tpu.enqueue_dma source(%arg17 : memref<8x128xf32, #tpu.memory_space<vmem>>) target(%dma_start3A_261 : memref<8x128xf32, #tpu.memory_space<vmem_shared>>) target_semaphore(%run_scoped3A : memref<!tpu.dma_semaphore, #tpu.memory_space<semaphore_mem>>)
      %dma_wait3A_262 = arith.constant 0 : i32
      %dma_wait3A_263 = tpu.memref_slice %arg18[%add3A_79, %dma_wait3A_262] : memref<5128x128xf32, #tpu.memory_space<vmem_shared>> -> memref<8x128xf32, #tpu.memory_space<vmem_shared>>
      %dma_wait3A_264 = arith.constant 0 : i32
      %dma_wait3A_265 = tpu.memref_slice %arg18[%add3A_79, %dma_wait3A_264] : memref<5128x128xf32, #tpu.memory_space<vmem_shared>> -> memref<8x128xf32, #tpu.memory_space<vmem_shared>>
      tpu.wait_dma2 semaphore(%run_scoped3A : memref<!tpu.dma_semaphore, #tpu.memory_space<semaphore_mem>>) src(%arg17 : memref<8x128xf32, #tpu.memory_space<vmem>>) dst(%dma_wait3A_265 : memref<8x128xf32, #tpu.memory_space<vmem_shared>>)
      tpu.yield
    }) : () -> ()
    %mul3A_80 = arith.constant 320 : i32
    %mul3A_81 = arith.muli %arg1, %mul3A_80 : i32
    %add3A_82 = arith.constant 152 : i32
    %add3A_83 = arith.addi %mul3A_81, %add3A_82 : i32
    "tpu.region"() ({
      %run_scoped3A = tpu.sem_alloc : memref<!tpu.dma_semaphore, #tpu.memory_space<semaphore_mem>>
      %dma_start3A_258 = arith.constant 0 : i32
      %dma_start3A_259 = tpu.memref_slice %arg18[%add3A_83, %dma_start3A_258] : memref<5128x128xf32, #tpu.memory_space<vmem_shared>> -> memref<8x128xf32, #tpu.memory_space<vmem_shared>>
      %dma_start3A_260 = arith.constant 0 : i32
      %dma_start3A_261 = tpu.memref_slice %arg18[%add3A_83, %dma_start3A_260] : memref<5128x128xf32, #tpu.memory_space<vmem_shared>> -> memref<8x128xf32, #tpu.memory_space<vmem_shared>>
      tpu.enqueue_dma source(%arg17 : memref<8x128xf32, #tpu.memory_space<vmem>>) target(%dma_start3A_261 : memref<8x128xf32, #tpu.memory_space<vmem_shared>>) target_semaphore(%run_scoped3A : memref<!tpu.dma_semaphore, #tpu.memory_space<semaphore_mem>>)
      %dma_wait3A_262 = arith.constant 0 : i32
      %dma_wait3A_263 = tpu.memref_slice %arg18[%add3A_83, %dma_wait3A_262] : memref<5128x128xf32, #tpu.memory_space<vmem_shared>> -> memref<8x128xf32, #tpu.memory_space<vmem_shared>>
      %dma_wait3A_264 = arith.constant 0 : i32
      %dma_wait3A_265 = tpu.memref_slice %arg18[%add3A_83, %dma_wait3A_264] : memref<5128x128xf32, #tpu.memory_space<vmem_shared>> -> memref<8x128xf32, #tpu.memory_space<vmem_shared>>
      tpu.wait_dma2 semaphore(%run_scoped3A : memref<!tpu.dma_semaphore, #tpu.memory_space<semaphore_mem>>) src(%arg17 : memref<8x128xf32, #tpu.memory_space<vmem>>) dst(%dma_wait3A_265 : memref<8x128xf32, #tpu.memory_space<vmem_shared>>)
      tpu.yield
    }) : () -> ()
    %mul3A_84 = arith.constant 320 : i32
    %mul3A_85 = arith.muli %arg1, %mul3A_84 : i32
    %add3A_86 = arith.constant 160 : i32
    %add3A_87 = arith.addi %mul3A_85, %add3A_86 : i32
    "tpu.region"() ({
      %run_scoped3A = tpu.sem_alloc : memref<!tpu.dma_semaphore, #tpu.memory_space<semaphore_mem>>
      %dma_start3A_258 = arith.constant 0 : i32
      %dma_start3A_259 = tpu.memref_slice %arg18[%add3A_87, %dma_start3A_258] : memref<5128x128xf32, #tpu.memory_space<vmem_shared>> -> memref<8x128xf32, #tpu.memory_space<vmem_shared>>
      %dma_start3A_260 = arith.constant 0 : i32
      %dma_start3A_261 = tpu.memref_slice %arg18[%add3A_87, %dma_start3A_260] : memref<5128x128xf32, #tpu.memory_space<vmem_shared>> -> memref<8x128xf32, #tpu.memory_space<vmem_shared>>
      tpu.enqueue_dma source(%arg17 : memref<8x128xf32, #tpu.memory_space<vmem>>) target(%dma_start3A_261 : memref<8x128xf32, #tpu.memory_space<vmem_shared>>) target_semaphore(%run_scoped3A : memref<!tpu.dma_semaphore, #tpu.memory_space<semaphore_mem>>)
      %dma_wait3A_262 = arith.constant 0 : i32
      %dma_wait3A_263 = tpu.memref_slice %arg18[%add3A_87, %dma_wait3A_262] : memref<5128x128xf32, #tpu.memory_space<vmem_shared>> -> memref<8x128xf32, #tpu.memory_space<vmem_shared>>
      %dma_wait3A_264 = arith.constant 0 : i32
      %dma_wait3A_265 = tpu.memref_slice %arg18[%add3A_87, %dma_wait3A_264] : memref<5128x128xf32, #tpu.memory_space<vmem_shared>> -> memref<8x128xf32, #tpu.memory_space<vmem_shared>>
      tpu.wait_dma2 semaphore(%run_scoped3A : memref<!tpu.dma_semaphore, #tpu.memory_space<semaphore_mem>>) src(%arg17 : memref<8x128xf32, #tpu.memory_space<vmem>>) dst(%dma_wait3A_265 : memref<8x128xf32, #tpu.memory_space<vmem_shared>>)
      tpu.yield
    }) : () -> ()
    %mul3A_88 = arith.constant 320 : i32
    %mul3A_89 = arith.muli %arg1, %mul3A_88 : i32
    %add3A_90 = arith.constant 168 : i32
    %add3A_91 = arith.addi %mul3A_89, %add3A_90 : i32
    "tpu.region"() ({
      %run_scoped3A = tpu.sem_alloc : memref<!tpu.dma_semaphore, #tpu.memory_space<semaphore_mem>>
      %dma_start3A_258 = arith.constant 0 : i32
      %dma_start3A_259 = tpu.memref_slice %arg18[%add3A_91, %dma_start3A_258] : memref<5128x128xf32, #tpu.memory_space<vmem_shared>> -> memref<8x128xf32, #tpu.memory_space<vmem_shared>>
      %dma_start3A_260 = arith.constant 0 : i32
      %dma_start3A_261 = tpu.memref_slice %arg18[%add3A_91, %dma_start3A_260] : memref<5128x128xf32, #tpu.memory_space<vmem_shared>> -> memref<8x128xf32, #tpu.memory_space<vmem_shared>>
      tpu.enqueue_dma source(%arg17 : memref<8x128xf32, #tpu.memory_space<vmem>>) target(%dma_start3A_261 : memref<8x128xf32, #tpu.memory_space<vmem_shared>>) target_semaphore(%run_scoped3A : memref<!tpu.dma_semaphore, #tpu.memory_space<semaphore_mem>>)
      %dma_wait3A_262 = arith.constant 0 : i32
      %dma_wait3A_263 = tpu.memref_slice %arg18[%add3A_91, %dma_wait3A_262] : memref<5128x128xf32, #tpu.memory_space<vmem_shared>> -> memref<8x128xf32, #tpu.memory_space<vmem_shared>>
      %dma_wait3A_264 = arith.constant 0 : i32
      %dma_wait3A_265 = tpu.memref_slice %arg18[%add3A_91, %dma_wait3A_264] : memref<5128x128xf32, #tpu.memory_space<vmem_shared>> -> memref<8x128xf32, #tpu.memory_space<vmem_shared>>
      tpu.wait_dma2 semaphore(%run_scoped3A : memref<!tpu.dma_semaphore, #tpu.memory_space<semaphore_mem>>) src(%arg17 : memref<8x128xf32, #tpu.memory_space<vmem>>) dst(%dma_wait3A_265 : memref<8x128xf32, #tpu.memory_space<vmem_shared>>)
      tpu.yield
    }) : () -> ()
    %mul3A_92 = arith.constant 320 : i32
    %mul3A_93 = arith.muli %arg1, %mul3A_92 : i32
    %add3A_94 = arith.constant 176 : i32
    %add3A_95 = arith.addi %mul3A_93, %add3A_94 : i32
    "tpu.region"() ({
      %run_scoped3A = tpu.sem_alloc : memref<!tpu.dma_semaphore, #tpu.memory_space<semaphore_mem>>
      %dma_start3A_258 = arith.constant 0 : i32
      %dma_start3A_259 = tpu.memref_slice %arg18[%add3A_95, %dma_start3A_258] : memref<5128x128xf32, #tpu.memory_space<vmem_shared>> -> memref<8x128xf32, #tpu.memory_space<vmem_shared>>
      %dma_start3A_260 = arith.constant 0 : i32
      %dma_start3A_261 = tpu.memref_slice %arg18[%add3A_95, %dma_start3A_260] : memref<5128x128xf32, #tpu.memory_space<vmem_shared>> -> memref<8x128xf32, #tpu.memory_space<vmem_shared>>
      tpu.enqueue_dma source(%arg17 : memref<8x128xf32, #tpu.memory_space<vmem>>) target(%dma_start3A_261 : memref<8x128xf32, #tpu.memory_space<vmem_shared>>) target_semaphore(%run_scoped3A : memref<!tpu.dma_semaphore, #tpu.memory_space<semaphore_mem>>)
      %dma_wait3A_262 = arith.constant 0 : i32
      %dma_wait3A_263 = tpu.memref_slice %arg18[%add3A_95, %dma_wait3A_262] : memref<5128x128xf32, #tpu.memory_space<vmem_shared>> -> memref<8x128xf32, #tpu.memory_space<vmem_shared>>
      %dma_wait3A_264 = arith.constant 0 : i32
      %dma_wait3A_265 = tpu.memref_slice %arg18[%add3A_95, %dma_wait3A_264] : memref<5128x128xf32, #tpu.memory_space<vmem_shared>> -> memref<8x128xf32, #tpu.memory_space<vmem_shared>>
      tpu.wait_dma2 semaphore(%run_scoped3A : memref<!tpu.dma_semaphore, #tpu.memory_space<semaphore_mem>>) src(%arg17 : memref<8x128xf32, #tpu.memory_space<vmem>>) dst(%dma_wait3A_265 : memref<8x128xf32, #tpu.memory_space<vmem_shared>>)
      tpu.yield
    }) : () -> ()
    %mul3A_96 = arith.constant 320 : i32
    %mul3A_97 = arith.muli %arg1, %mul3A_96 : i32
    %add3A_98 = arith.constant 184 : i32
    %add3A_99 = arith.addi %mul3A_97, %add3A_98 : i32
    "tpu.region"() ({
      %run_scoped3A = tpu.sem_alloc : memref<!tpu.dma_semaphore, #tpu.memory_space<semaphore_mem>>
      %dma_start3A_258 = arith.constant 0 : i32
      %dma_start3A_259 = tpu.memref_slice %arg18[%add3A_99, %dma_start3A_258] : memref<5128x128xf32, #tpu.memory_space<vmem_shared>> -> memref<8x128xf32, #tpu.memory_space<vmem_shared>>
      %dma_start3A_260 = arith.constant 0 : i32
      %dma_start3A_261 = tpu.memref_slice %arg18[%add3A_99, %dma_start3A_260] : memref<5128x128xf32, #tpu.memory_space<vmem_shared>> -> memref<8x128xf32, #tpu.memory_space<vmem_shared>>
      tpu.enqueue_dma source(%arg17 : memref<8x128xf32, #tpu.memory_space<vmem>>) target(%dma_start3A_261 : memref<8x128xf32, #tpu.memory_space<vmem_shared>>) target_semaphore(%run_scoped3A : memref<!tpu.dma_semaphore, #tpu.memory_space<semaphore_mem>>)
      %dma_wait3A_262 = arith.constant 0 : i32
      %dma_wait3A_263 = tpu.memref_slice %arg18[%add3A_99, %dma_wait3A_262] : memref<5128x128xf32, #tpu.memory_space<vmem_shared>> -> memref<8x128xf32, #tpu.memory_space<vmem_shared>>
      %dma_wait3A_264 = arith.constant 0 : i32
      %dma_wait3A_265 = tpu.memref_slice %arg18[%add3A_99, %dma_wait3A_264] : memref<5128x128xf32, #tpu.memory_space<vmem_shared>> -> memref<8x128xf32, #tpu.memory_space<vmem_shared>>
      tpu.wait_dma2 semaphore(%run_scoped3A : memref<!tpu.dma_semaphore, #tpu.memory_space<semaphore_mem>>) src(%arg17 : memref<8x128xf32, #tpu.memory_space<vmem>>) dst(%dma_wait3A_265 : memref<8x128xf32, #tpu.memory_space<vmem_shared>>)
      tpu.yield
    }) : () -> ()
    %mul3A_100 = arith.constant 320 : i32
    %mul3A_101 = arith.muli %arg1, %mul3A_100 : i32
    %add3A_102 = arith.constant 192 : i32
    %add3A_103 = arith.addi %mul3A_101, %add3A_102 : i32
    "tpu.region"() ({
      %run_scoped3A = tpu.sem_alloc : memref<!tpu.dma_semaphore, #tpu.memory_space<semaphore_mem>>
      %dma_start3A_258 = arith.constant 0 : i32
      %dma_start3A_259 = tpu.memref_slice %arg18[%add3A_103, %dma_start3A_258] : memref<5128x128xf32, #tpu.memory_space<vmem_shared>> -> memref<8x128xf32, #tpu.memory_space<vmem_shared>>
      %dma_start3A_260 = arith.constant 0 : i32
      %dma_start3A_261 = tpu.memref_slice %arg18[%add3A_103, %dma_start3A_260] : memref<5128x128xf32, #tpu.memory_space<vmem_shared>> -> memref<8x128xf32, #tpu.memory_space<vmem_shared>>
      tpu.enqueue_dma source(%arg17 : memref<8x128xf32, #tpu.memory_space<vmem>>) target(%dma_start3A_261 : memref<8x128xf32, #tpu.memory_space<vmem_shared>>) target_semaphore(%run_scoped3A : memref<!tpu.dma_semaphore, #tpu.memory_space<semaphore_mem>>)
      %dma_wait3A_262 = arith.constant 0 : i32
      %dma_wait3A_263 = tpu.memref_slice %arg18[%add3A_103, %dma_wait3A_262] : memref<5128x128xf32, #tpu.memory_space<vmem_shared>> -> memref<8x128xf32, #tpu.memory_space<vmem_shared>>
      %dma_wait3A_264 = arith.constant 0 : i32
      %dma_wait3A_265 = tpu.memref_slice %arg18[%add3A_103, %dma_wait3A_264] : memref<5128x128xf32, #tpu.memory_space<vmem_shared>> -> memref<8x128xf32, #tpu.memory_space<vmem_shared>>
      tpu.wait_dma2 semaphore(%run_scoped3A : memref<!tpu.dma_semaphore, #tpu.memory_space<semaphore_mem>>) src(%arg17 : memref<8x128xf32, #tpu.memory_space<vmem>>) dst(%dma_wait3A_265 : memref<8x128xf32, #tpu.memory_space<vmem_shared>>)
      tpu.yield
    }) : () -> ()
    %mul3A_104 = arith.constant 320 : i32
    %mul3A_105 = arith.muli %arg1, %mul3A_104 : i32
    %add3A_106 = arith.constant 200 : i32
    %add3A_107 = arith.addi %mul3A_105, %add3A_106 : i32
    "tpu.region"() ({
      %run_scoped3A = tpu.sem_alloc : memref<!tpu.dma_semaphore, #tpu.memory_space<semaphore_mem>>
      %dma_start3A_258 = arith.constant 0 : i32
      %dma_start3A_259 = tpu.memref_slice %arg18[%add3A_107, %dma_start3A_258] : memref<5128x128xf32, #tpu.memory_space<vmem_shared>> -> memref<8x128xf32, #tpu.memory_space<vmem_shared>>
      %dma_start3A_260 = arith.constant 0 : i32
      %dma_start3A_261 = tpu.memref_slice %arg18[%add3A_107, %dma_start3A_260] : memref<5128x128xf32, #tpu.memory_space<vmem_shared>> -> memref<8x128xf32, #tpu.memory_space<vmem_shared>>
      tpu.enqueue_dma source(%arg17 : memref<8x128xf32, #tpu.memory_space<vmem>>) target(%dma_start3A_261 : memref<8x128xf32, #tpu.memory_space<vmem_shared>>) target_semaphore(%run_scoped3A : memref<!tpu.dma_semaphore, #tpu.memory_space<semaphore_mem>>)
      %dma_wait3A_262 = arith.constant 0 : i32
      %dma_wait3A_263 = tpu.memref_slice %arg18[%add3A_107, %dma_wait3A_262] : memref<5128x128xf32, #tpu.memory_space<vmem_shared>> -> memref<8x128xf32, #tpu.memory_space<vmem_shared>>
      %dma_wait3A_264 = arith.constant 0 : i32
      %dma_wait3A_265 = tpu.memref_slice %arg18[%add3A_107, %dma_wait3A_264] : memref<5128x128xf32, #tpu.memory_space<vmem_shared>> -> memref<8x128xf32, #tpu.memory_space<vmem_shared>>
      tpu.wait_dma2 semaphore(%run_scoped3A : memref<!tpu.dma_semaphore, #tpu.memory_space<semaphore_mem>>) src(%arg17 : memref<8x128xf32, #tpu.memory_space<vmem>>) dst(%dma_wait3A_265 : memref<8x128xf32, #tpu.memory_space<vmem_shared>>)
      tpu.yield
    }) : () -> ()
    %mul3A_108 = arith.constant 320 : i32
    %mul3A_109 = arith.muli %arg1, %mul3A_108 : i32
    %add3A_110 = arith.constant 208 : i32
    %add3A_111 = arith.addi %mul3A_109, %add3A_110 : i32
    "tpu.region"() ({
      %run_scoped3A = tpu.sem_alloc : memref<!tpu.dma_semaphore, #tpu.memory_space<semaphore_mem>>
      %dma_start3A_258 = arith.constant 0 : i32
      %dma_start3A_259 = tpu.memref_slice %arg18[%add3A_111, %dma_start3A_258] : memref<5128x128xf32, #tpu.memory_space<vmem_shared>> -> memref<8x128xf32, #tpu.memory_space<vmem_shared>>
      %dma_start3A_260 = arith.constant 0 : i32
      %dma_start3A_261 = tpu.memref_slice %arg18[%add3A_111, %dma_start3A_260] : memref<5128x128xf32, #tpu.memory_space<vmem_shared>> -> memref<8x128xf32, #tpu.memory_space<vmem_shared>>
      tpu.enqueue_dma source(%arg17 : memref<8x128xf32, #tpu.memory_space<vmem>>) target(%dma_start3A_261 : memref<8x128xf32, #tpu.memory_space<vmem_shared>>) target_semaphore(%run_scoped3A : memref<!tpu.dma_semaphore, #tpu.memory_space<semaphore_mem>>)
      %dma_wait3A_262 = arith.constant 0 : i32
      %dma_wait3A_263 = tpu.memref_slice %arg18[%add3A_111, %dma_wait3A_262] : memref<5128x128xf32, #tpu.memory_space<vmem_shared>> -> memref<8x128xf32, #tpu.memory_space<vmem_shared>>
      %dma_wait3A_264 = arith.constant 0 : i32
      %dma_wait3A_265 = tpu.memref_slice %arg18[%add3A_111, %dma_wait3A_264] : memref<5128x128xf32, #tpu.memory_space<vmem_shared>> -> memref<8x128xf32, #tpu.memory_space<vmem_shared>>
      tpu.wait_dma2 semaphore(%run_scoped3A : memref<!tpu.dma_semaphore, #tpu.memory_space<semaphore_mem>>) src(%arg17 : memref<8x128xf32, #tpu.memory_space<vmem>>) dst(%dma_wait3A_265 : memref<8x128xf32, #tpu.memory_space<vmem_shared>>)
      tpu.yield
    }) : () -> ()
    %mul3A_112 = arith.constant 320 : i32
    %mul3A_113 = arith.muli %arg1, %mul3A_112 : i32
    %add3A_114 = arith.constant 216 : i32
    %add3A_115 = arith.addi %mul3A_113, %add3A_114 : i32
    "tpu.region"() ({
      %run_scoped3A = tpu.sem_alloc : memref<!tpu.dma_semaphore, #tpu.memory_space<semaphore_mem>>
      %dma_start3A_258 = arith.constant 0 : i32
      %dma_start3A_259 = tpu.memref_slice %arg18[%add3A_115, %dma_start3A_258] : memref<5128x128xf32, #tpu.memory_space<vmem_shared>> -> memref<8x128xf32, #tpu.memory_space<vmem_shared>>
      %dma_start3A_260 = arith.constant 0 : i32
      %dma_start3A_261 = tpu.memref_slice %arg18[%add3A_115, %dma_start3A_260] : memref<5128x128xf32, #tpu.memory_space<vmem_shared>> -> memref<8x128xf32, #tpu.memory_space<vmem_shared>>
      tpu.enqueue_dma source(%arg17 : memref<8x128xf32, #tpu.memory_space<vmem>>) target(%dma_start3A_261 : memref<8x128xf32, #tpu.memory_space<vmem_shared>>) target_semaphore(%run_scoped3A : memref<!tpu.dma_semaphore, #tpu.memory_space<semaphore_mem>>)
      %dma_wait3A_262 = arith.constant 0 : i32
      %dma_wait3A_263 = tpu.memref_slice %arg18[%add3A_115, %dma_wait3A_262] : memref<5128x128xf32, #tpu.memory_space<vmem_shared>> -> memref<8x128xf32, #tpu.memory_space<vmem_shared>>
      %dma_wait3A_264 = arith.constant 0 : i32
      %dma_wait3A_265 = tpu.memref_slice %arg18[%add3A_115, %dma_wait3A_264] : memref<5128x128xf32, #tpu.memory_space<vmem_shared>> -> memref<8x128xf32, #tpu.memory_space<vmem_shared>>
      tpu.wait_dma2 semaphore(%run_scoped3A : memref<!tpu.dma_semaphore, #tpu.memory_space<semaphore_mem>>) src(%arg17 : memref<8x128xf32, #tpu.memory_space<vmem>>) dst(%dma_wait3A_265 : memref<8x128xf32, #tpu.memory_space<vmem_shared>>)
      tpu.yield
    }) : () -> ()
    %mul3A_116 = arith.constant 320 : i32
    %mul3A_117 = arith.muli %arg1, %mul3A_116 : i32
    %add3A_118 = arith.constant 224 : i32
    %add3A_119 = arith.addi %mul3A_117, %add3A_118 : i32
    "tpu.region"() ({
      %run_scoped3A = tpu.sem_alloc : memref<!tpu.dma_semaphore, #tpu.memory_space<semaphore_mem>>
      %dma_start3A_258 = arith.constant 0 : i32
      %dma_start3A_259 = tpu.memref_slice %arg18[%add3A_119, %dma_start3A_258] : memref<5128x128xf32, #tpu.memory_space<vmem_shared>> -> memref<8x128xf32, #tpu.memory_space<vmem_shared>>
      %dma_start3A_260 = arith.constant 0 : i32
      %dma_start3A_261 = tpu.memref_slice %arg18[%add3A_119, %dma_start3A_260] : memref<5128x128xf32, #tpu.memory_space<vmem_shared>> -> memref<8x128xf32, #tpu.memory_space<vmem_shared>>
      tpu.enqueue_dma source(%arg17 : memref<8x128xf32, #tpu.memory_space<vmem>>) target(%dma_start3A_261 : memref<8x128xf32, #tpu.memory_space<vmem_shared>>) target_semaphore(%run_scoped3A : memref<!tpu.dma_semaphore, #tpu.memory_space<semaphore_mem>>)
      %dma_wait3A_262 = arith.constant 0 : i32
      %dma_wait3A_263 = tpu.memref_slice %arg18[%add3A_119, %dma_wait3A_262] : memref<5128x128xf32, #tpu.memory_space<vmem_shared>> -> memref<8x128xf32, #tpu.memory_space<vmem_shared>>
      %dma_wait3A_264 = arith.constant 0 : i32
      %dma_wait3A_265 = tpu.memref_slice %arg18[%add3A_119, %dma_wait3A_264] : memref<5128x128xf32, #tpu.memory_space<vmem_shared>> -> memref<8x128xf32, #tpu.memory_space<vmem_shared>>
      tpu.wait_dma2 semaphore(%run_scoped3A : memref<!tpu.dma_semaphore, #tpu.memory_space<semaphore_mem>>) src(%arg17 : memref<8x128xf32, #tpu.memory_space<vmem>>) dst(%dma_wait3A_265 : memref<8x128xf32, #tpu.memory_space<vmem_shared>>)
      tpu.yield
    }) : () -> ()
    %mul3A_120 = arith.constant 320 : i32
    %mul3A_121 = arith.muli %arg1, %mul3A_120 : i32
    %add3A_122 = arith.constant 232 : i32
    %add3A_123 = arith.addi %mul3A_121, %add3A_122 : i32
    "tpu.region"() ({
      %run_scoped3A = tpu.sem_alloc : memref<!tpu.dma_semaphore, #tpu.memory_space<semaphore_mem>>
      %dma_start3A_258 = arith.constant 0 : i32
      %dma_start3A_259 = tpu.memref_slice %arg18[%add3A_123, %dma_start3A_258] : memref<5128x128xf32, #tpu.memory_space<vmem_shared>> -> memref<8x128xf32, #tpu.memory_space<vmem_shared>>
      %dma_start3A_260 = arith.constant 0 : i32
      %dma_start3A_261 = tpu.memref_slice %arg18[%add3A_123, %dma_start3A_260] : memref<5128x128xf32, #tpu.memory_space<vmem_shared>> -> memref<8x128xf32, #tpu.memory_space<vmem_shared>>
      tpu.enqueue_dma source(%arg17 : memref<8x128xf32, #tpu.memory_space<vmem>>) target(%dma_start3A_261 : memref<8x128xf32, #tpu.memory_space<vmem_shared>>) target_semaphore(%run_scoped3A : memref<!tpu.dma_semaphore, #tpu.memory_space<semaphore_mem>>)
      %dma_wait3A_262 = arith.constant 0 : i32
      %dma_wait3A_263 = tpu.memref_slice %arg18[%add3A_123, %dma_wait3A_262] : memref<5128x128xf32, #tpu.memory_space<vmem_shared>> -> memref<8x128xf32, #tpu.memory_space<vmem_shared>>
      %dma_wait3A_264 = arith.constant 0 : i32
      %dma_wait3A_265 = tpu.memref_slice %arg18[%add3A_123, %dma_wait3A_264] : memref<5128x128xf32, #tpu.memory_space<vmem_shared>> -> memref<8x128xf32, #tpu.memory_space<vmem_shared>>
      tpu.wait_dma2 semaphore(%run_scoped3A : memref<!tpu.dma_semaphore, #tpu.memory_space<semaphore_mem>>) src(%arg17 : memref<8x128xf32, #tpu.memory_space<vmem>>) dst(%dma_wait3A_265 : memref<8x128xf32, #tpu.memory_space<vmem_shared>>)
      tpu.yield
    }) : () -> ()
    %mul3A_124 = arith.constant 320 : i32
    %mul3A_125 = arith.muli %arg1, %mul3A_124 : i32
    %add3A_126 = arith.constant 240 : i32
    %add3A_127 = arith.addi %mul3A_125, %add3A_126 : i32
    "tpu.region"() ({
      %run_scoped3A = tpu.sem_alloc : memref<!tpu.dma_semaphore, #tpu.memory_space<semaphore_mem>>
      %dma_start3A_258 = arith.constant 0 : i32
      %dma_start3A_259 = tpu.memref_slice %arg18[%add3A_127, %dma_start3A_258] : memref<5128x128xf32, #tpu.memory_space<vmem_shared>> -> memref<8x128xf32, #tpu.memory_space<vmem_shared>>
      %dma_start3A_260 = arith.constant 0 : i32
      %dma_start3A_261 = tpu.memref_slice %arg18[%add3A_127, %dma_start3A_260] : memref<5128x128xf32, #tpu.memory_space<vmem_shared>> -> memref<8x128xf32, #tpu.memory_space<vmem_shared>>
      tpu.enqueue_dma source(%arg17 : memref<8x128xf32, #tpu.memory_space<vmem>>) target(%dma_start3A_261 : memref<8x128xf32, #tpu.memory_space<vmem_shared>>) target_semaphore(%run_scoped3A : memref<!tpu.dma_semaphore, #tpu.memory_space<semaphore_mem>>)
      %dma_wait3A_262 = arith.constant 0 : i32
      %dma_wait3A_263 = tpu.memref_slice %arg18[%add3A_127, %dma_wait3A_262] : memref<5128x128xf32, #tpu.memory_space<vmem_shared>> -> memref<8x128xf32, #tpu.memory_space<vmem_shared>>
      %dma_wait3A_264 = arith.constant 0 : i32
      %dma_wait3A_265 = tpu.memref_slice %arg18[%add3A_127, %dma_wait3A_264] : memref<5128x128xf32, #tpu.memory_space<vmem_shared>> -> memref<8x128xf32, #tpu.memory_space<vmem_shared>>
      tpu.wait_dma2 semaphore(%run_scoped3A : memref<!tpu.dma_semaphore, #tpu.memory_space<semaphore_mem>>) src(%arg17 : memref<8x128xf32, #tpu.memory_space<vmem>>) dst(%dma_wait3A_265 : memref<8x128xf32, #tpu.memory_space<vmem_shared>>)
      tpu.yield
    }) : () -> ()
    %mul3A_128 = arith.constant 320 : i32
    %mul3A_129 = arith.muli %arg1, %mul3A_128 : i32
    %add3A_130 = arith.constant 248 : i32
    %add3A_131 = arith.addi %mul3A_129, %add3A_130 : i32
    "tpu.region"() ({
      %run_scoped3A = tpu.sem_alloc : memref<!tpu.dma_semaphore, #tpu.memory_space<semaphore_mem>>
      %dma_start3A_258 = arith.constant 0 : i32
      %dma_start3A_259 = tpu.memref_slice %arg18[%add3A_131, %dma_start3A_258] : memref<5128x128xf32, #tpu.memory_space<vmem_shared>> -> memref<8x128xf32, #tpu.memory_space<vmem_shared>>
      %dma_start3A_260 = arith.constant 0 : i32
      %dma_start3A_261 = tpu.memref_slice %arg18[%add3A_131, %dma_start3A_260] : memref<5128x128xf32, #tpu.memory_space<vmem_shared>> -> memref<8x128xf32, #tpu.memory_space<vmem_shared>>
      tpu.enqueue_dma source(%arg17 : memref<8x128xf32, #tpu.memory_space<vmem>>) target(%dma_start3A_261 : memref<8x128xf32, #tpu.memory_space<vmem_shared>>) target_semaphore(%run_scoped3A : memref<!tpu.dma_semaphore, #tpu.memory_space<semaphore_mem>>)
      %dma_wait3A_262 = arith.constant 0 : i32
      %dma_wait3A_263 = tpu.memref_slice %arg18[%add3A_131, %dma_wait3A_262] : memref<5128x128xf32, #tpu.memory_space<vmem_shared>> -> memref<8x128xf32, #tpu.memory_space<vmem_shared>>
      %dma_wait3A_264 = arith.constant 0 : i32
      %dma_wait3A_265 = tpu.memref_slice %arg18[%add3A_131, %dma_wait3A_264] : memref<5128x128xf32, #tpu.memory_space<vmem_shared>> -> memref<8x128xf32, #tpu.memory_space<vmem_shared>>
      tpu.wait_dma2 semaphore(%run_scoped3A : memref<!tpu.dma_semaphore, #tpu.memory_space<semaphore_mem>>) src(%arg17 : memref<8x128xf32, #tpu.memory_space<vmem>>) dst(%dma_wait3A_265 : memref<8x128xf32, #tpu.memory_space<vmem_shared>>)
      tpu.yield
    }) : () -> ()
    %mul3A_132 = arith.constant 320 : i32
    %mul3A_133 = arith.muli %arg1, %mul3A_132 : i32
    %add3A_134 = arith.constant 256 : i32
    %add3A_135 = arith.addi %mul3A_133, %add3A_134 : i32
    "tpu.region"() ({
      %run_scoped3A = tpu.sem_alloc : memref<!tpu.dma_semaphore, #tpu.memory_space<semaphore_mem>>
      %dma_start3A_258 = arith.constant 0 : i32
      %dma_start3A_259 = tpu.memref_slice %arg18[%add3A_135, %dma_start3A_258] : memref<5128x128xf32, #tpu.memory_space<vmem_shared>> -> memref<8x128xf32, #tpu.memory_space<vmem_shared>>
      %dma_start3A_260 = arith.constant 0 : i32
      %dma_start3A_261 = tpu.memref_slice %arg18[%add3A_135, %dma_start3A_260] : memref<5128x128xf32, #tpu.memory_space<vmem_shared>> -> memref<8x128xf32, #tpu.memory_space<vmem_shared>>
      tpu.enqueue_dma source(%arg17 : memref<8x128xf32, #tpu.memory_space<vmem>>) target(%dma_start3A_261 : memref<8x128xf32, #tpu.memory_space<vmem_shared>>) target_semaphore(%run_scoped3A : memref<!tpu.dma_semaphore, #tpu.memory_space<semaphore_mem>>)
      %dma_wait3A_262 = arith.constant 0 : i32
      %dma_wait3A_263 = tpu.memref_slice %arg18[%add3A_135, %dma_wait3A_262] : memref<5128x128xf32, #tpu.memory_space<vmem_shared>> -> memref<8x128xf32, #tpu.memory_space<vmem_shared>>
      %dma_wait3A_264 = arith.constant 0 : i32
      %dma_wait3A_265 = tpu.memref_slice %arg18[%add3A_135, %dma_wait3A_264] : memref<5128x128xf32, #tpu.memory_space<vmem_shared>> -> memref<8x128xf32, #tpu.memory_space<vmem_shared>>
      tpu.wait_dma2 semaphore(%run_scoped3A : memref<!tpu.dma_semaphore, #tpu.memory_space<semaphore_mem>>) src(%arg17 : memref<8x128xf32, #tpu.memory_space<vmem>>) dst(%dma_wait3A_265 : memref<8x128xf32, #tpu.memory_space<vmem_shared>>)
      tpu.yield
    }) : () -> ()
    %mul3A_136 = arith.constant 320 : i32
    %mul3A_137 = arith.muli %arg1, %mul3A_136 : i32
    %add3A_138 = arith.constant 264 : i32
    %add3A_139 = arith.addi %mul3A_137, %add3A_138 : i32
    "tpu.region"() ({
      %run_scoped3A = tpu.sem_alloc : memref<!tpu.dma_semaphore, #tpu.memory_space<semaphore_mem>>
      %dma_start3A_258 = arith.constant 0 : i32
      %dma_start3A_259 = tpu.memref_slice %arg18[%add3A_139, %dma_start3A_258] : memref<5128x128xf32, #tpu.memory_space<vmem_shared>> -> memref<8x128xf32, #tpu.memory_space<vmem_shared>>
      %dma_start3A_260 = arith.constant 0 : i32
      %dma_start3A_261 = tpu.memref_slice %arg18[%add3A_139, %dma_start3A_260] : memref<5128x128xf32, #tpu.memory_space<vmem_shared>> -> memref<8x128xf32, #tpu.memory_space<vmem_shared>>
      tpu.enqueue_dma source(%arg17 : memref<8x128xf32, #tpu.memory_space<vmem>>) target(%dma_start3A_261 : memref<8x128xf32, #tpu.memory_space<vmem_shared>>) target_semaphore(%run_scoped3A : memref<!tpu.dma_semaphore, #tpu.memory_space<semaphore_mem>>)
      %dma_wait3A_262 = arith.constant 0 : i32
      %dma_wait3A_263 = tpu.memref_slice %arg18[%add3A_139, %dma_wait3A_262] : memref<5128x128xf32, #tpu.memory_space<vmem_shared>> -> memref<8x128xf32, #tpu.memory_space<vmem_shared>>
      %dma_wait3A_264 = arith.constant 0 : i32
      %dma_wait3A_265 = tpu.memref_slice %arg18[%add3A_139, %dma_wait3A_264] : memref<5128x128xf32, #tpu.memory_space<vmem_shared>> -> memref<8x128xf32, #tpu.memory_space<vmem_shared>>
      tpu.wait_dma2 semaphore(%run_scoped3A : memref<!tpu.dma_semaphore, #tpu.memory_space<semaphore_mem>>) src(%arg17 : memref<8x128xf32, #tpu.memory_space<vmem>>) dst(%dma_wait3A_265 : memref<8x128xf32, #tpu.memory_space<vmem_shared>>)
      tpu.yield
    }) : () -> ()
    %mul3A_140 = arith.constant 320 : i32
    %mul3A_141 = arith.muli %arg1, %mul3A_140 : i32
    %add3A_142 = arith.constant 272 : i32
    %add3A_143 = arith.addi %mul3A_141, %add3A_142 : i32
    "tpu.region"() ({
      %run_scoped3A = tpu.sem_alloc : memref<!tpu.dma_semaphore, #tpu.memory_space<semaphore_mem>>
      %dma_start3A_258 = arith.constant 0 : i32
      %dma_start3A_259 = tpu.memref_slice %arg18[%add3A_143, %dma_start3A_258] : memref<5128x128xf32, #tpu.memory_space<vmem_shared>> -> memref<8x128xf32, #tpu.memory_space<vmem_shared>>
      %dma_start3A_260 = arith.constant 0 : i32
      %dma_start3A_261 = tpu.memref_slice %arg18[%add3A_143, %dma_start3A_260] : memref<5128x128xf32, #tpu.memory_space<vmem_shared>> -> memref<8x128xf32, #tpu.memory_space<vmem_shared>>
      tpu.enqueue_dma source(%arg17 : memref<8x128xf32, #tpu.memory_space<vmem>>) target(%dma_start3A_261 : memref<8x128xf32, #tpu.memory_space<vmem_shared>>) target_semaphore(%run_scoped3A : memref<!tpu.dma_semaphore, #tpu.memory_space<semaphore_mem>>)
      %dma_wait3A_262 = arith.constant 0 : i32
      %dma_wait3A_263 = tpu.memref_slice %arg18[%add3A_143, %dma_wait3A_262] : memref<5128x128xf32, #tpu.memory_space<vmem_shared>> -> memref<8x128xf32, #tpu.memory_space<vmem_shared>>
      %dma_wait3A_264 = arith.constant 0 : i32
      %dma_wait3A_265 = tpu.memref_slice %arg18[%add3A_143, %dma_wait3A_264] : memref<5128x128xf32, #tpu.memory_space<vmem_shared>> -> memref<8x128xf32, #tpu.memory_space<vmem_shared>>
      tpu.wait_dma2 semaphore(%run_scoped3A : memref<!tpu.dma_semaphore, #tpu.memory_space<semaphore_mem>>) src(%arg17 : memref<8x128xf32, #tpu.memory_space<vmem>>) dst(%dma_wait3A_265 : memref<8x128xf32, #tpu.memory_space<vmem_shared>>)
      tpu.yield
    }) : () -> ()
    %mul3A_144 = arith.constant 320 : i32
    %mul3A_145 = arith.muli %arg1, %mul3A_144 : i32
    %add3A_146 = arith.constant 280 : i32
    %add3A_147 = arith.addi %mul3A_145, %add3A_146 : i32
    "tpu.region"() ({
      %run_scoped3A = tpu.sem_alloc : memref<!tpu.dma_semaphore, #tpu.memory_space<semaphore_mem>>
      %dma_start3A_258 = arith.constant 0 : i32
      %dma_start3A_259 = tpu.memref_slice %arg18[%add3A_147, %dma_start3A_258] : memref<5128x128xf32, #tpu.memory_space<vmem_shared>> -> memref<8x128xf32, #tpu.memory_space<vmem_shared>>
      %dma_start3A_260 = arith.constant 0 : i32
      %dma_start3A_261 = tpu.memref_slice %arg18[%add3A_147, %dma_start3A_260] : memref<5128x128xf32, #tpu.memory_space<vmem_shared>> -> memref<8x128xf32, #tpu.memory_space<vmem_shared>>
      tpu.enqueue_dma source(%arg17 : memref<8x128xf32, #tpu.memory_space<vmem>>) target(%dma_start3A_261 : memref<8x128xf32, #tpu.memory_space<vmem_shared>>) target_semaphore(%run_scoped3A : memref<!tpu.dma_semaphore, #tpu.memory_space<semaphore_mem>>)
      %dma_wait3A_262 = arith.constant 0 : i32
      %dma_wait3A_263 = tpu.memref_slice %arg18[%add3A_147, %dma_wait3A_262] : memref<5128x128xf32, #tpu.memory_space<vmem_shared>> -> memref<8x128xf32, #tpu.memory_space<vmem_shared>>
      %dma_wait3A_264 = arith.constant 0 : i32
      %dma_wait3A_265 = tpu.memref_slice %arg18[%add3A_147, %dma_wait3A_264] : memref<5128x128xf32, #tpu.memory_space<vmem_shared>> -> memref<8x128xf32, #tpu.memory_space<vmem_shared>>
      tpu.wait_dma2 semaphore(%run_scoped3A : memref<!tpu.dma_semaphore, #tpu.memory_space<semaphore_mem>>) src(%arg17 : memref<8x128xf32, #tpu.memory_space<vmem>>) dst(%dma_wait3A_265 : memref<8x128xf32, #tpu.memory_space<vmem_shared>>)
      tpu.yield
    }) : () -> ()
    %mul3A_148 = arith.constant 320 : i32
    %mul3A_149 = arith.muli %arg1, %mul3A_148 : i32
    %add3A_150 = arith.constant 288 : i32
    %add3A_151 = arith.addi %mul3A_149, %add3A_150 : i32
    "tpu.region"() ({
      %run_scoped3A = tpu.sem_alloc : memref<!tpu.dma_semaphore, #tpu.memory_space<semaphore_mem>>
      %dma_start3A_258 = arith.constant 0 : i32
      %dma_start3A_259 = tpu.memref_slice %arg18[%add3A_151, %dma_start3A_258] : memref<5128x128xf32, #tpu.memory_space<vmem_shared>> -> memref<8x128xf32, #tpu.memory_space<vmem_shared>>
      %dma_start3A_260 = arith.constant 0 : i32
      %dma_start3A_261 = tpu.memref_slice %arg18[%add3A_151, %dma_start3A_260] : memref<5128x128xf32, #tpu.memory_space<vmem_shared>> -> memref<8x128xf32, #tpu.memory_space<vmem_shared>>
      tpu.enqueue_dma source(%arg17 : memref<8x128xf32, #tpu.memory_space<vmem>>) target(%dma_start3A_261 : memref<8x128xf32, #tpu.memory_space<vmem_shared>>) target_semaphore(%run_scoped3A : memref<!tpu.dma_semaphore, #tpu.memory_space<semaphore_mem>>)
      %dma_wait3A_262 = arith.constant 0 : i32
      %dma_wait3A_263 = tpu.memref_slice %arg18[%add3A_151, %dma_wait3A_262] : memref<5128x128xf32, #tpu.memory_space<vmem_shared>> -> memref<8x128xf32, #tpu.memory_space<vmem_shared>>
      %dma_wait3A_264 = arith.constant 0 : i32
      %dma_wait3A_265 = tpu.memref_slice %arg18[%add3A_151, %dma_wait3A_264] : memref<5128x128xf32, #tpu.memory_space<vmem_shared>> -> memref<8x128xf32, #tpu.memory_space<vmem_shared>>
      tpu.wait_dma2 semaphore(%run_scoped3A : memref<!tpu.dma_semaphore, #tpu.memory_space<semaphore_mem>>) src(%arg17 : memref<8x128xf32, #tpu.memory_space<vmem>>) dst(%dma_wait3A_265 : memref<8x128xf32, #tpu.memory_space<vmem_shared>>)
      tpu.yield
    }) : () -> ()
    %mul3A_152 = arith.constant 320 : i32
    %mul3A_153 = arith.muli %arg1, %mul3A_152 : i32
    %add3A_154 = arith.constant 296 : i32
    %add3A_155 = arith.addi %mul3A_153, %add3A_154 : i32
    "tpu.region"() ({
      %run_scoped3A = tpu.sem_alloc : memref<!tpu.dma_semaphore, #tpu.memory_space<semaphore_mem>>
      %dma_start3A_258 = arith.constant 0 : i32
      %dma_start3A_259 = tpu.memref_slice %arg18[%add3A_155, %dma_start3A_258] : memref<5128x128xf32, #tpu.memory_space<vmem_shared>> -> memref<8x128xf32, #tpu.memory_space<vmem_shared>>
      %dma_start3A_260 = arith.constant 0 : i32
      %dma_start3A_261 = tpu.memref_slice %arg18[%add3A_155, %dma_start3A_260] : memref<5128x128xf32, #tpu.memory_space<vmem_shared>> -> memref<8x128xf32, #tpu.memory_space<vmem_shared>>
      tpu.enqueue_dma source(%arg17 : memref<8x128xf32, #tpu.memory_space<vmem>>) target(%dma_start3A_261 : memref<8x128xf32, #tpu.memory_space<vmem_shared>>) target_semaphore(%run_scoped3A : memref<!tpu.dma_semaphore, #tpu.memory_space<semaphore_mem>>)
      %dma_wait3A_262 = arith.constant 0 : i32
      %dma_wait3A_263 = tpu.memref_slice %arg18[%add3A_155, %dma_wait3A_262] : memref<5128x128xf32, #tpu.memory_space<vmem_shared>> -> memref<8x128xf32, #tpu.memory_space<vmem_shared>>
      %dma_wait3A_264 = arith.constant 0 : i32
      %dma_wait3A_265 = tpu.memref_slice %arg18[%add3A_155, %dma_wait3A_264] : memref<5128x128xf32, #tpu.memory_space<vmem_shared>> -> memref<8x128xf32, #tpu.memory_space<vmem_shared>>
      tpu.wait_dma2 semaphore(%run_scoped3A : memref<!tpu.dma_semaphore, #tpu.memory_space<semaphore_mem>>) src(%arg17 : memref<8x128xf32, #tpu.memory_space<vmem>>) dst(%dma_wait3A_265 : memref<8x128xf32, #tpu.memory_space<vmem_shared>>)
      tpu.yield
    }) : () -> ()
    %mul3A_156 = arith.constant 320 : i32
    %mul3A_157 = arith.muli %arg1, %mul3A_156 : i32
    %add3A_158 = arith.constant 304 : i32
    %add3A_159 = arith.addi %mul3A_157, %add3A_158 : i32
    "tpu.region"() ({
      %run_scoped3A = tpu.sem_alloc : memref<!tpu.dma_semaphore, #tpu.memory_space<semaphore_mem>>
      %dma_start3A_258 = arith.constant 0 : i32
      %dma_start3A_259 = tpu.memref_slice %arg18[%add3A_159, %dma_start3A_258] : memref<5128x128xf32, #tpu.memory_space<vmem_shared>> -> memref<8x128xf32, #tpu.memory_space<vmem_shared>>
      %dma_start3A_260 = arith.constant 0 : i32
      %dma_start3A_261 = tpu.memref_slice %arg18[%add3A_159, %dma_start3A_260] : memref<5128x128xf32, #tpu.memory_space<vmem_shared>> -> memref<8x128xf32, #tpu.memory_space<vmem_shared>>
      tpu.enqueue_dma source(%arg17 : memref<8x128xf32, #tpu.memory_space<vmem>>) target(%dma_start3A_261 : memref<8x128xf32, #tpu.memory_space<vmem_shared>>) target_semaphore(%run_scoped3A : memref<!tpu.dma_semaphore, #tpu.memory_space<semaphore_mem>>)
      %dma_wait3A_262 = arith.constant 0 : i32
      %dma_wait3A_263 = tpu.memref_slice %arg18[%add3A_159, %dma_wait3A_262] : memref<5128x128xf32, #tpu.memory_space<vmem_shared>> -> memref<8x128xf32, #tpu.memory_space<vmem_shared>>
      %dma_wait3A_264 = arith.constant 0 : i32
      %dma_wait3A_265 = tpu.memref_slice %arg18[%add3A_159, %dma_wait3A_264] : memref<5128x128xf32, #tpu.memory_space<vmem_shared>> -> memref<8x128xf32, #tpu.memory_space<vmem_shared>>
      tpu.wait_dma2 semaphore(%run_scoped3A : memref<!tpu.dma_semaphore, #tpu.memory_space<semaphore_mem>>) src(%arg17 : memref<8x128xf32, #tpu.memory_space<vmem>>) dst(%dma_wait3A_265 : memref<8x128xf32, #tpu.memory_space<vmem_shared>>)
      tpu.yield
    }) : () -> ()
    %mul3A_160 = arith.constant 320 : i32
    %mul3A_161 = arith.muli %arg1, %mul3A_160 : i32
    %add3A_162 = arith.constant 312 : i32
    %add3A_163 = arith.addi %mul3A_161, %add3A_162 : i32
    "tpu.region"() ({
      %run_scoped3A = tpu.sem_alloc : memref<!tpu.dma_semaphore, #tpu.memory_space<semaphore_mem>>
      %dma_start3A_258 = arith.constant 0 : i32
      %dma_start3A_259 = tpu.memref_slice %arg18[%add3A_163, %dma_start3A_258] : memref<5128x128xf32, #tpu.memory_space<vmem_shared>> -> memref<8x128xf32, #tpu.memory_space<vmem_shared>>
      %dma_start3A_260 = arith.constant 0 : i32
      %dma_start3A_261 = tpu.memref_slice %arg18[%add3A_163, %dma_start3A_260] : memref<5128x128xf32, #tpu.memory_space<vmem_shared>> -> memref<8x128xf32, #tpu.memory_space<vmem_shared>>
      tpu.enqueue_dma source(%arg17 : memref<8x128xf32, #tpu.memory_space<vmem>>) target(%dma_start3A_261 : memref<8x128xf32, #tpu.memory_space<vmem_shared>>) target_semaphore(%run_scoped3A : memref<!tpu.dma_semaphore, #tpu.memory_space<semaphore_mem>>)
      %dma_wait3A_262 = arith.constant 0 : i32
      %dma_wait3A_263 = tpu.memref_slice %arg18[%add3A_163, %dma_wait3A_262] : memref<5128x128xf32, #tpu.memory_space<vmem_shared>> -> memref<8x128xf32, #tpu.memory_space<vmem_shared>>
      %dma_wait3A_264 = arith.constant 0 : i32
      %dma_wait3A_265 = tpu.memref_slice %arg18[%add3A_163, %dma_wait3A_264] : memref<5128x128xf32, #tpu.memory_space<vmem_shared>> -> memref<8x128xf32, #tpu.memory_space<vmem_shared>>
      tpu.wait_dma2 semaphore(%run_scoped3A : memref<!tpu.dma_semaphore, #tpu.memory_space<semaphore_mem>>) src(%arg17 : memref<8x128xf32, #tpu.memory_space<vmem>>) dst(%dma_wait3A_265 : memref<8x128xf32, #tpu.memory_space<vmem_shared>>)
      tpu.yield
    }) : () -> ()
    %barrier3A = arith.constant 0 : index
    tpu.barrier barrier_id(%barrier3A)
    %mul3A_164 = arith.constant 20000 : i32
    %mul3A_165 = arith.muli %arg1, %mul3A_164 : i32
    %min3A = arith.constant 0 : i32
    %min3A_166 = arith.constant 249 : i32
    %min3A_167 = arith.minsi %min3A, %min3A_166 : i32
    %mul3A_168 = arith.constant 80 : i32
    %mul3A_169 = arith.muli %min3A_167, %mul3A_168 : i32
    %add3A_170 = arith.addi %mul3A_165, %mul3A_169 : i32
    %dma_start3A = tpu.memref_slice %arg4[%add3A_170] : memref<320000xi32, #tpu.memory_space<hbm>> -> memref<80xi32, #tpu.memory_space<hbm>>
    %dma_start3A_171 = tpu.memref_slice %arg4[%add3A_170] : memref<320000xi32, #tpu.memory_space<hbm>> -> memref<80xi32, #tpu.memory_space<hbm>>
    tpu.enqueue_dma source(%dma_start3A_171 : memref<80xi32, #tpu.memory_space<hbm>>) target(%arg7 : memref<80xi32, #tpu.memory_space<vmem>>) target_semaphore(%arg19 : memref<!tpu.dma_semaphore, #tpu.memory_space<semaphore_mem>>)
    %dma_start3A_172 = tpu.memref_slice %arg5[%add3A_170] : memref<320000xi32, #tpu.memory_space<hbm>> -> memref<80xi32, #tpu.memory_space<hbm>>
    %dma_start3A_173 = tpu.memref_slice %arg5[%add3A_170] : memref<320000xi32, #tpu.memory_space<hbm>> -> memref<80xi32, #tpu.memory_space<hbm>>
    tpu.enqueue_dma source(%dma_start3A_173 : memref<80xi32, #tpu.memory_space<hbm>>) target(%arg9 : memref<80xi32, #tpu.memory_space<vmem>>) target_semaphore(%arg19 : memref<!tpu.dma_semaphore, #tpu.memory_space<semaphore_mem>>)
    %mul3A_174 = arith.constant 20000 : i32
    %mul3A_175 = arith.muli %arg1, %mul3A_174 : i32
    %min3A_176 = arith.constant 0 : i32
    %min3A_177 = arith.constant 249 : i32
    %min3A_178 = arith.minsi %min3A_176, %min3A_177 : i32
    %mul3A_179 = arith.constant 80 : i32
    %mul3A_180 = arith.muli %min3A_178, %mul3A_179 : i32
    %add3A_181 = arith.addi %mul3A_175, %mul3A_180 : i32
    %dma_start3A_182 = arith.constant 0 : i32
    %dma_start3A_183 = tpu.memref_slice %arg2[%add3A_181, %dma_start3A_182] : memref<320000x128xf32, #tpu.memory_space<hbm>> -> memref<80x128xf32, #tpu.memory_space<hbm>>
    %dma_start3A_184 = arith.constant 0 : i32
    %dma_start3A_185 = tpu.memref_slice %arg2[%add3A_181, %dma_start3A_184] : memref<320000x128xf32, #tpu.memory_space<hbm>> -> memref<80x128xf32, #tpu.memory_space<hbm>>
    tpu.enqueue_dma source(%dma_start3A_185 : memref<80x128xf32, #tpu.memory_space<hbm>>) target(%arg13 : memref<80x128xf32, #tpu.memory_space<vmem>>) target_semaphore(%arg21 : memref<!tpu.dma_semaphore, #tpu.memory_space<semaphore_mem>>)
    %dma_wait3A = arith.constant 0 : i32
    %dma_wait3A_186 = tpu.memref_slice %arg4[%dma_wait3A] : memref<320000xi32, #tpu.memory_space<hbm>> -> memref<80xi32, #tpu.memory_space<hbm>>
    %dma_wait3A_187 = arith.constant 0 : i32
    %dma_wait3A_188 = tpu.memref_slice %arg4[%dma_wait3A_187] : memref<320000xi32, #tpu.memory_space<hbm>> -> memref<80xi32, #tpu.memory_space<hbm>>
    tpu.wait_dma2 semaphore(%arg19 : memref<!tpu.dma_semaphore, #tpu.memory_space<semaphore_mem>>) src(%dma_wait3A_188 : memref<80xi32, #tpu.memory_space<hbm>>) dst(%arg7 : memref<80xi32, #tpu.memory_space<vmem>>)
    %dma_wait3A_189 = arith.constant 0 : i32
    %dma_wait3A_190 = tpu.memref_slice %arg5[%dma_wait3A_189] : memref<320000xi32, #tpu.memory_space<hbm>> -> memref<80xi32, #tpu.memory_space<hbm>>
    %dma_wait3A_191 = arith.constant 0 : i32
    %dma_wait3A_192 = tpu.memref_slice %arg5[%dma_wait3A_191] : memref<320000xi32, #tpu.memory_space<hbm>> -> memref<80xi32, #tpu.memory_space<hbm>>
    tpu.wait_dma2 semaphore(%arg19 : memref<!tpu.dma_semaphore, #tpu.memory_space<semaphore_mem>>) src(%dma_wait3A_192 : memref<80xi32, #tpu.memory_space<hbm>>) dst(%arg9 : memref<80xi32, #tpu.memory_space<vmem>>)
    %dma_start3A_193 = arith.constant 0 : i32
    %dma_start3A_194 = arith.constant 0 : i32
    %dma_start3A_195 = tpu.memref_slice %arg3[%dma_start3A_193, %dma_start3A_194] : memref<10000x128xf32, #tpu.memory_space<hbm>> -> memref<10000x128xf32, #tpu.memory_space<hbm>>
    tpu.enqueue_indirect_dma source(%dma_start3A_195 : memref<10000x128xf32, #tpu.memory_space<hbm>>) target(%arg15 : memref<80x128xf32, #tpu.memory_space<vmem>>) offsets(%arg7 : memref<80xi32, #tpu.memory_space<vmem>>) semaphore(%arg23 : memref<!tpu.dma_semaphore, #tpu.memory_space<semaphore_mem>>)
    %mul3A_196 = arith.constant 20000 : i32
    %mul3A_197 = arith.muli %arg1, %mul3A_196 : i32
    %min3A_198 = arith.constant 1 : i32
    %min3A_199 = arith.constant 249 : i32
    %min3A_200 = arith.minsi %min3A_198, %min3A_199 : i32
    %mul3A_201 = arith.constant 80 : i32
    %mul3A_202 = arith.muli %min3A_200, %mul3A_201 : i32
    %add3A_203 = arith.addi %mul3A_197, %mul3A_202 : i32
    %dma_start3A_204 = tpu.memref_slice %arg4[%add3A_203] : memref<320000xi32, #tpu.memory_space<hbm>> -> memref<80xi32, #tpu.memory_space<hbm>>
    %dma_start3A_205 = tpu.memref_slice %arg4[%add3A_203] : memref<320000xi32, #tpu.memory_space<hbm>> -> memref<80xi32, #tpu.memory_space<hbm>>
    tpu.enqueue_dma source(%dma_start3A_205 : memref<80xi32, #tpu.memory_space<hbm>>) target(%arg8 : memref<80xi32, #tpu.memory_space<vmem>>) target_semaphore(%arg20 : memref<!tpu.dma_semaphore, #tpu.memory_space<semaphore_mem>>)
    %dma_start3A_206 = tpu.memref_slice %arg5[%add3A_203] : memref<320000xi32, #tpu.memory_space<hbm>> -> memref<80xi32, #tpu.memory_space<hbm>>
    %dma_start3A_207 = tpu.memref_slice %arg5[%add3A_203] : memref<320000xi32, #tpu.memory_space<hbm>> -> memref<80xi32, #tpu.memory_space<hbm>>
    tpu.enqueue_dma source(%dma_start3A_207 : memref<80xi32, #tpu.memory_space<hbm>>) target(%arg10 : memref<80xi32, #tpu.memory_space<vmem>>) target_semaphore(%arg20 : memref<!tpu.dma_semaphore, #tpu.memory_space<semaphore_mem>>)
    %mul3A_208 = arith.constant 20000 : i32
    %mul3A_209 = arith.muli %arg1, %mul3A_208 : i32
    %min3A_210 = arith.constant 1 : i32
    %min3A_211 = arith.constant 249 : i32
    %min3A_212 = arith.minsi %min3A_210, %min3A_211 : i32
    %mul3A_213 = arith.constant 80 : i32
    %mul3A_214 = arith.muli %min3A_212, %mul3A_213 : i32
    %add3A_215 = arith.addi %mul3A_209, %mul3A_214 : i32
    %dma_start3A_216 = arith.constant 0 : i32
    %dma_start3A_217 = tpu.memref_slice %arg2[%add3A_215, %dma_start3A_216] : memref<320000x128xf32, #tpu.memory_space<hbm>> -> memref<80x128xf32, #tpu.memory_space<hbm>>
    %dma_start3A_218 = arith.constant 0 : i32
    %dma_start3A_219 = tpu.memref_slice %arg2[%add3A_215, %dma_start3A_218] : memref<320000x128xf32, #tpu.memory_space<hbm>> -> memref<80x128xf32, #tpu.memory_space<hbm>>
    tpu.enqueue_dma source(%dma_start3A_219 : memref<80x128xf32, #tpu.memory_space<hbm>>) target(%arg14 : memref<80x128xf32, #tpu.memory_space<vmem>>) target_semaphore(%arg22 : memref<!tpu.dma_semaphore, #tpu.memory_space<semaphore_mem>>)
    %scan3A_220 = arith.constant 0 : i32
    %scan3A_221 = arith.constant 0 : i32
    %scan3A_222 = arith.constant 125 : i32
    %scan3A_223 = arith.addi %scan3A_221, %scan3A_222 : i32
    %scan3A_224 = arith.constant 1 : i32
    %scan3A_225 = scf.for %scan3A_258 = %scan3A_221 to %scan3A_223 step %scan3A_224 iter_args(%scan3A_259 = %scan3A_220) -> (i32)  : i32 {
      %mul3A_260 = arith.constant 2 : i32
      %mul3A_261 = arith.muli %mul3A_260, %scan3A_258 : i32
      %add3A_262 = arith.constant 1 : i32
      %add3A_263 = arith.addi %mul3A_261, %add3A_262 : i32
      %dma_wait3A_264 = arith.constant 0 : i32
      %dma_wait3A_265 = tpu.memref_slice %arg4[%dma_wait3A_264] : memref<320000xi32, #tpu.memory_space<hbm>> -> memref<80xi32, #tpu.memory_space<hbm>>
      %dma_wait3A_266 = arith.constant 0 : i32
      %dma_wait3A_267 = tpu.memref_slice %arg4[%dma_wait3A_266] : memref<320000xi32, #tpu.memory_space<hbm>> -> memref<80xi32, #tpu.memory_space<hbm>>
      tpu.wait_dma2 semaphore(%arg20 : memref<!tpu.dma_semaphore, #tpu.memory_space<semaphore_mem>>) src(%dma_wait3A_267 : memref<80xi32, #tpu.memory_space<hbm>>) dst(%arg8 : memref<80xi32, #tpu.memory_space<vmem>>)
      %dma_wait3A_268 = arith.constant 0 : i32
      %dma_wait3A_269 = tpu.memref_slice %arg5[%dma_wait3A_268] : memref<320000xi32, #tpu.memory_space<hbm>> -> memref<80xi32, #tpu.memory_space<hbm>>
      %dma_wait3A_270 = arith.constant 0 : i32
      %dma_wait3A_271 = tpu.memref_slice %arg5[%dma_wait3A_270] : memref<320000xi32, #tpu.memory_space<hbm>> -> memref<80xi32, #tpu.memory_space<hbm>>
      tpu.wait_dma2 semaphore(%arg20 : memref<!tpu.dma_semaphore, #tpu.memory_space<semaphore_mem>>) src(%dma_wait3A_271 : memref<80xi32, #tpu.memory_space<hbm>>) dst(%arg10 : memref<80xi32, #tpu.memory_space<vmem>>)
      %dma_start3A_272 = arith.constant 0 : i32
      %dma_start3A_273 = arith.constant 0 : i32
      %dma_start3A_274 = tpu.memref_slice %arg3[%dma_start3A_272, %dma_start3A_273] : memref<10000x128xf32, #tpu.memory_space<hbm>> -> memref<10000x128xf32, #tpu.memory_space<hbm>>
      tpu.enqueue_indirect_dma source(%dma_start3A_274 : memref<10000x128xf32, #tpu.memory_space<hbm>>) target(%arg16 : memref<80x128xf32, #tpu.memory_space<vmem>>) offsets(%arg8 : memref<80xi32, #tpu.memory_space<vmem>>) semaphore(%arg24 : memref<!tpu.dma_semaphore, #tpu.memory_space<semaphore_mem>>)
      %dma_wait3A_275 = arith.constant 0 : i32
      %dma_wait3A_276 = arith.constant 0 : i32
      %dma_wait3A_277 = tpu.memref_slice %arg2[%dma_wait3A_275, %dma_wait3A_276] : memref<320000x128xf32, #tpu.memory_space<hbm>> -> memref<80x128xf32, #tpu.memory_space<hbm>>
      %dma_wait3A_278 = arith.constant 0 : i32
      %dma_wait3A_279 = arith.constant 0 : i32
      %dma_wait3A_280 = tpu.memref_slice %arg2[%dma_wait3A_278, %dma_wait3A_279] : memref<320000x128xf32, #tpu.memory_space<hbm>> -> memref<80x128xf32, #tpu.memory_space<hbm>>
      tpu.wait_dma2 semaphore(%arg21 : memref<!tpu.dma_semaphore, #tpu.memory_space<semaphore_mem>>) src(%dma_wait3A_280 : memref<80x128xf32, #tpu.memory_space<hbm>>) dst(%arg13 : memref<80x128xf32, #tpu.memory_space<vmem>>)
      %dma_wait3A_281 = arith.constant 0 : i32
      %dma_wait3A_282 = arith.constant 0 : i32
      %dma_wait3A_283 = tpu.memref_slice %arg3[%dma_wait3A_281, %dma_wait3A_282] : memref<10000x128xf32, #tpu.memory_space<hbm>> -> memref<10000x128xf32, #tpu.memory_space<hbm>>
      tpu.wait_indirect_dma semaphore(%arg23 : memref<!tpu.dma_semaphore, #tpu.memory_space<semaphore_mem>>) src(%dma_wait3A_283 : memref<10000x128xf32, #tpu.memory_space<hbm>>) dst(%arg15 : memref<80x128xf32, #tpu.memory_space<vmem>>)
      %get3A = arith.constant 0 : index
      %get3A_284 = tpu.vector_load %arg9[%get3A] {strides = array<i32>} : memref<80xi32, #tpu.memory_space<vmem>>, vector<16xi32>,
      %get3A_285 = vector.shape_cast %get3A_284 : vector<16xi32> to vector<16xi32>
      %mul3A_286 = arith.constant 5120 : i32
      %mul3A_287 = arith.muli %arg0, %mul3A_286 : i32
      %sub3A = vector.broadcast %mul3A_287 : i32 to vector<16xi32>
      %sub3A_288 = arith.subi %get3A_285, %sub3A : vector<16xi32>
      %ge3A = arith.constant 0 : i32
      %ge3A_289 = vector.broadcast %ge3A : i32 to vector<16xi32>
      %ge3A_290 = arith.cmpi sge, %sub3A_288, %ge3A_289 : vector<16xi32>
      %lt3A = arith.constant 5120 : i32
      %lt3A_291 = vector.broadcast %lt3A : i32 to vector<16xi32>
      %lt3A_292 = arith.cmpi slt, %sub3A_288, %lt3A_291 : vector<16xi32>
      %and3A = arith.andi %ge3A_290, %lt3A_292 : vector<16xi1>
      %jit3A = arith.constant 5120 : i32
      %broadcast_in_dim3A = vector.broadcast %jit3A : i32 to vector<16xi32>
      %select_n3A = arith.select %and3A, %sub3A_288, %broadcast_in_dim3A : vector<16xi1>, vector<16xi32>
      %swap3A = arith.constant 0 : index
      %swap3A_293 = tpu.vector_load %arg11[%swap3A] {strides = array<i32>} : memref<80xi32, #tpu.memory_space<vmem>>, vector<16xi32>,
      %swap3A_294 = vector.shape_cast %swap3A_293 : vector<16xi32> to vector<16xi32>
      %swap3A_295 = vector.shape_cast %select_n3A : vector<16xi32> to vector<16xi32>
      tpu.vector_store %arg11[%swap3A], %swap3A_295 {strides = array<i32>} : memref<80xi32, #tpu.memory_space<vmem>>, vector<16xi32>,
      %get3A_296 = arith.constant 16 : index
      %get3A_297 = tpu.vector_load %arg9[%get3A_296] {strides = array<i32>} : memref<80xi32, #tpu.memory_space<vmem>>, vector<16xi32>,
      %get3A_298 = vector.shape_cast %get3A_297 : vector<16xi32> to vector<16xi32>
      %mul3A_299 = arith.constant 5120 : i32
      %mul3A_300 = arith.muli %arg0, %mul3A_299 : i32
      %sub3A_301 = vector.broadcast %mul3A_300 : i32 to vector<16xi32>
      %sub3A_302 = arith.subi %get3A_298, %sub3A_301 : vector<16xi32>
      %ge3A_303 = arith.constant 0 : i32
      %ge3A_304 = vector.broadcast %ge3A_303 : i32 to vector<16xi32>
      %ge3A_305 = arith.cmpi sge, %sub3A_302, %ge3A_304 : vector<16xi32>
      %lt3A_306 = arith.constant 5120 : i32
      %lt3A_307 = vector.broadcast %lt3A_306 : i32 to vector<16xi32>
      %lt3A_308 = arith.cmpi slt, %sub3A_302, %lt3A_307 : vector<16xi32>
      %and3A_309 = arith.andi %ge3A_305, %lt3A_308 : vector<16xi1>
      %jit3A_310 = arith.constant 5120 : i32
      %broadcast_in_dim3A_311 = vector.broadcast %jit3A_310 : i32 to vector<16xi32>
      %select_n3A_312 = arith.select %and3A_309, %sub3A_302, %broadcast_in_dim3A_311 : vector<16xi1>, vector<16xi32>
      %swap3A_313 = arith.constant 16 : index
      %swap3A_314 = tpu.vector_load %arg11[%swap3A_313] {strides = array<i32>} : memref<80xi32, #tpu.memory_space<vmem>>, vector<16xi32>,
      %swap3A_315 = vector.shape_cast %swap3A_314 : vector<16xi32> to vector<16xi32>
      %swap3A_316 = vector.shape_cast %select_n3A_312 : vector<16xi32> to vector<16xi32>
      tpu.vector_store %arg11[%swap3A_313], %swap3A_316 {strides = array<i32>} : memref<80xi32, #tpu.memory_space<vmem>>, vector<16xi32>,
      %get3A_317 = arith.constant 32 : index
      %get3A_318 = tpu.vector_load %arg9[%get3A_317] {strides = array<i32>} : memref<80xi32, #tpu.memory_space<vmem>>, vector<16xi32>,
      %get3A_319 = vector.shape_cast %get3A_318 : vector<16xi32> to vector<16xi32>
      %mul3A_320 = arith.constant 5120 : i32
      %mul3A_321 = arith.muli %arg0, %mul3A_320 : i32
      %sub3A_322 = vector.broadcast %mul3A_321 : i32 to vector<16xi32>
      %sub3A_323 = arith.subi %get3A_319, %sub3A_322 : vector<16xi32>
      %ge3A_324 = arith.constant 0 : i32
      %ge3A_325 = vector.broadcast %ge3A_324 : i32 to vector<16xi32>
      %ge3A_326 = arith.cmpi sge, %sub3A_323, %ge3A_325 : vector<16xi32>
      %lt3A_327 = arith.constant 5120 : i32
      %lt3A_328 = vector.broadcast %lt3A_327 : i32 to vector<16xi32>
      %lt3A_329 = arith.cmpi slt, %sub3A_323, %lt3A_328 : vector<16xi32>
      %and3A_330 = arith.andi %ge3A_326, %lt3A_329 : vector<16xi1>
      %jit3A_331 = arith.constant 5120 : i32
      %broadcast_in_dim3A_332 = vector.broadcast %jit3A_331 : i32 to vector<16xi32>
      %select_n3A_333 = arith.select %and3A_330, %sub3A_323, %broadcast_in_dim3A_332 : vector<16xi1>, vector<16xi32>
      %swap3A_334 = arith.constant 32 : index
      %swap3A_335 = tpu.vector_load %arg11[%swap3A_334] {strides = array<i32>} : memref<80xi32, #tpu.memory_space<vmem>>, vector<16xi32>,
      %swap3A_336 = vector.shape_cast %swap3A_335 : vector<16xi32> to vector<16xi32>
      %swap3A_337 = vector.shape_cast %select_n3A_333 : vector<16xi32> to vector<16xi32>
      tpu.vector_store %arg11[%swap3A_334], %swap3A_337 {strides = array<i32>} : memref<80xi32, #tpu.memory_space<vmem>>, vector<16xi32>,
      %get3A_338 = arith.constant 48 : index
      %get3A_339 = tpu.vector_load %arg9[%get3A_338] {strides = array<i32>} : memref<80xi32, #tpu.memory_space<vmem>>, vector<16xi32>,
      %get3A_340 = vector.shape_cast %get3A_339 : vector<16xi32> to vector<16xi32>
      %mul3A_341 = arith.constant 5120 : i32
      %mul3A_342 = arith.muli %arg0, %mul3A_341 : i32
      %sub3A_343 = vector.broadcast %mul3A_342 : i32 to vector<16xi32>
      %sub3A_344 = arith.subi %get3A_340, %sub3A_343 : vector<16xi32>
      %ge3A_345 = arith.constant 0 : i32
      %ge3A_346 = vector.broadcast %ge3A_345 : i32 to vector<16xi32>
      %ge3A_347 = arith.cmpi sge, %sub3A_344, %ge3A_346 : vector<16xi32>
      %lt3A_348 = arith.constant 5120 : i32
      %lt3A_349 = vector.broadcast %lt3A_348 : i32 to vector<16xi32>
      %lt3A_350 = arith.cmpi slt, %sub3A_344, %lt3A_349 : vector<16xi32>
      %and3A_351 = arith.andi %ge3A_347, %lt3A_350 : vector<16xi1>
      %jit3A_352 = arith.constant 5120 : i32
      %broadcast_in_dim3A_353 = vector.broadcast %jit3A_352 : i32 to vector<16xi32>
      %select_n3A_354 = arith.select %and3A_351, %sub3A_344, %broadcast_in_dim3A_353 : vector<16xi1>, vector<16xi32>
      %swap3A_355 = arith.constant 48 : index
      %swap3A_356 = tpu.vector_load %arg11[%swap3A_355] {strides = array<i32>} : memref<80xi32, #tpu.memory_space<vmem>>, vector<16xi32>,
      %swap3A_357 = vector.shape_cast %swap3A_356 : vector<16xi32> to vector<16xi32>
      %swap3A_358 = vector.shape_cast %select_n3A_354 : vector<16xi32> to vector<16xi32>
      tpu.vector_store %arg11[%swap3A_355], %swap3A_358 {strides = array<i32>} : memref<80xi32, #tpu.memory_space<vmem>>, vector<16xi32>,
      %get3A_359 = arith.constant 64 : index
      %get3A_360 = tpu.vector_load %arg9[%get3A_359] {strides = array<i32>} : memref<80xi32, #tpu.memory_space<vmem>>, vector<16xi32>,
      %get3A_361 = vector.shape_cast %get3A_360 : vector<16xi32> to vector<16xi32>
      %mul3A_362 = arith.constant 5120 : i32
      %mul3A_363 = arith.muli %arg0, %mul3A_362 : i32
      %sub3A_364 = vector.broadcast %mul3A_363 : i32 to vector<16xi32>
      %sub3A_365 = arith.subi %get3A_361, %sub3A_364 : vector<16xi32>
      %ge3A_366 = arith.constant 0 : i32
      %ge3A_367 = vector.broadcast %ge3A_366 : i32 to vector<16xi32>
      %ge3A_368 = arith.cmpi sge, %sub3A_365, %ge3A_367 : vector<16xi32>
      %lt3A_369 = arith.constant 5120 : i32
      %lt3A_370 = vector.broadcast %lt3A_369 : i32 to vector<16xi32>
      %lt3A_371 = arith.cmpi slt, %sub3A_365, %lt3A_370 : vector<16xi32>
      %and3A_372 = arith.andi %ge3A_368, %lt3A_371 : vector<16xi1>
      %jit3A_373 = arith.constant 5120 : i32
      %broadcast_in_dim3A_374 = vector.broadcast %jit3A_373 : i32 to vector<16xi32>
      %select_n3A_375 = arith.select %and3A_372, %sub3A_365, %broadcast_in_dim3A_374 : vector<16xi1>, vector<16xi32>
      %swap3A_376 = arith.constant 64 : index
      %swap3A_377 = tpu.vector_load %arg11[%swap3A_376] {strides = array<i32>} : memref<80xi32, #tpu.memory_space<vmem>>, vector<16xi32>,
      %swap3A_378 = vector.shape_cast %swap3A_377 : vector<16xi32> to vector<16xi32>
      %swap3A_379 = vector.shape_cast %select_n3A_375 : vector<16xi32> to vector<16xi32>
      tpu.vector_store %arg11[%swap3A_376], %swap3A_379 {strides = array<i32>} : memref<80xi32, #tpu.memory_space<vmem>>, vector<16xi32>,
      %add3A_380 = arith.constant 2 : i32
      %add3A_381 = arith.addi %mul3A_261, %add3A_380 : i32
      %mul3A_382 = arith.constant 20000 : i32
      %mul3A_383 = arith.muli %arg1, %mul3A_382 : i32
      %min3A_384 = arith.constant 249 : i32
      %min3A_385 = arith.minsi %add3A_381, %min3A_384 : i32
      %mul3A_386 = arith.constant 80 : i32
      %mul3A_387 = arith.muli %min3A_385, %mul3A_386 : i32
      %add3A_388 = arith.addi %mul3A_383, %mul3A_387 : i32
      %dma_start3A_389 = tpu.memref_slice %arg4[%add3A_388] : memref<320000xi32, #tpu.memory_space<hbm>> -> memref<80xi32, #tpu.memory_space<hbm>>
      %dma_start3A_390 = tpu.memref_slice %arg4[%add3A_388] : memref<320000xi32, #tpu.memory_space<hbm>> -> memref<80xi32, #tpu.memory_space<hbm>>
      tpu.enqueue_dma source(%dma_start3A_390 : memref<80xi32, #tpu.memory_space<hbm>>) target(%arg7 : memref<80xi32, #tpu.memory_space<vmem>>) target_semaphore(%arg19 : memref<!tpu.dma_semaphore, #tpu.memory_space<semaphore_mem>>)
      %dma_start3A_391 = tpu.memref_slice %arg5[%add3A_388] : memref<320000xi32, #tpu.memory_space<hbm>> -> memref<80xi32, #tpu.memory_space<hbm>>
      %dma_start3A_392 = tpu.memref_slice %arg5[%add3A_388] : memref<320000xi32, #tpu.memory_space<hbm>> -> memref<80xi32, #tpu.memory_space<hbm>>
      tpu.enqueue_dma source(%dma_start3A_392 : memref<80xi32, #tpu.memory_space<hbm>>) target(%arg9 : memref<80xi32, #tpu.memory_space<vmem>>) target_semaphore(%arg19 : memref<!tpu.dma_semaphore, #tpu.memory_space<semaphore_mem>>)
      %scan3A_393 = arith.constant 0 : i32
      %scan3A_394 = arith.constant 0 : i32
      %scan3A_395 = arith.constant 80 : i32
      %scan3A_396 = arith.addi %scan3A_394, %scan3A_395 : i32
      %scan3A_397 = arith.constant 1 : i32
      %scan3A_398 = scf.for %scan3A_574 = %scan3A_394 to %scan3A_396 step %scan3A_397 iter_args(%scan3A_575 = %scan3A_393) -> (i32)  : i32 {
        %get3A_576 = arith.index_cast %scan3A_574 : i32 to index
        %get3A_577 = arith.constant 0 : index
        %get3A_578 = tpu.vector_load %arg15[%get3A_576, %get3A_577] {strides = array<i32>} : memref<80x128xf32, #tpu.memory_space<vmem>>, vector<1x16xf32>,
        %get3A_579 = vector.shape_cast %get3A_578 : vector<1x16xf32> to vector<16xf32>
        %get3A_580 = arith.index_cast %scan3A_574 : i32 to index
        %get3A_581 = arith.constant 0 : index
        %get3A_582 = tpu.vector_load %arg13[%get3A_580, %get3A_581] {strides = array<i32>} : memref<80x128xf32, #tpu.memory_space<vmem>>, vector<1x16xf32>,
        %get3A_583 = vector.shape_cast %get3A_582 : vector<1x16xf32> to vector<16xf32>
        %mul3A_584 = arith.mulf %get3A_579, %get3A_583 : vector<16xf32>
        %swap3A_585 = arith.index_cast %scan3A_574 : i32 to index
        %swap3A_586 = arith.constant 0 : index
        %swap3A_587 = tpu.vector_load %arg15[%swap3A_585, %swap3A_586] {strides = array<i32>} : memref<80x128xf32, #tpu.memory_space<vmem>>, vector<1x16xf32>,
        %swap3A_588 = vector.shape_cast %swap3A_587 : vector<1x16xf32> to vector<16xf32>
        %swap3A_589 = vector.shape_cast %mul3A_584 : vector<16xf32> to vector<1x16xf32>
        tpu.vector_store %arg15[%swap3A_585, %swap3A_586], %swap3A_589 {strides = array<i32>} : memref<80x128xf32, #tpu.memory_space<vmem>>, vector<1x16xf32>,
        %get3A_590 = arith.index_cast %scan3A_574 : i32 to index
        %get3A_591 = arith.constant 16 : index
        %get3A_592 = tpu.vector_load %arg15[%get3A_590, %get3A_591] {strides = array<i32>} : memref<80x128xf32, #tpu.memory_space<vmem>>, vector<1x16xf32>,
        %get3A_593 = vector.shape_cast %get3A_592 : vector<1x16xf32> to vector<16xf32>
        %get3A_594 = arith.index_cast %scan3A_574 : i32 to index
        %get3A_595 = arith.constant 16 : index
        %get3A_596 = tpu.vector_load %arg13[%get3A_594, %get3A_595] {strides = array<i32>} : memref<80x128xf32, #tpu.memory_space<vmem>>, vector<1x16xf32>,
        %get3A_597 = vector.shape_cast %get3A_596 : vector<1x16xf32> to vector<16xf32>
        %mul3A_598 = arith.mulf %get3A_593, %get3A_597 : vector<16xf32>
        %swap3A_599 = arith.index_cast %scan3A_574 : i32 to index
        %swap3A_600 = arith.constant 16 : index
        %swap3A_601 = tpu.vector_load %arg15[%swap3A_599, %swap3A_600] {strides = array<i32>} : memref<80x128xf32, #tpu.memory_space<vmem>>, vector<1x16xf32>,
        %swap3A_602 = vector.shape_cast %swap3A_601 : vector<1x16xf32> to vector<16xf32>
        %swap3A_603 = vector.shape_cast %mul3A_598 : vector<16xf32> to vector<1x16xf32>
        tpu.vector_store %arg15[%swap3A_599, %swap3A_600], %swap3A_603 {strides = array<i32>} : memref<80x128xf32, #tpu.memory_space<vmem>>, vector<1x16xf32>,
        %get3A_604 = arith.index_cast %scan3A_574 : i32 to index
        %get3A_605 = arith.constant 32 : index
        %get3A_606 = tpu.vector_load %arg15[%get3A_604, %get3A_605] {strides = array<i32>} : memref<80x128xf32, #tpu.memory_space<vmem>>, vector<1x16xf32>,
        %get3A_607 = vector.shape_cast %get3A_606 : vector<1x16xf32> to vector<16xf32>
        %get3A_608 = arith.index_cast %scan3A_574 : i32 to index
        %get3A_609 = arith.constant 32 : index
        %get3A_610 = tpu.vector_load %arg13[%get3A_608, %get3A_609] {strides = array<i32>} : memref<80x128xf32, #tpu.memory_space<vmem>>, vector<1x16xf32>,
        %get3A_611 = vector.shape_cast %get3A_610 : vector<1x16xf32> to vector<16xf32>
        %mul3A_612 = arith.mulf %get3A_607, %get3A_611 : vector<16xf32>
        %swap3A_613 = arith.index_cast %scan3A_574 : i32 to index
        %swap3A_614 = arith.constant 32 : index
        %swap3A_615 = tpu.vector_load %arg15[%swap3A_613, %swap3A_614] {strides = array<i32>} : memref<80x128xf32, #tpu.memory_space<vmem>>, vector<1x16xf32>,
        %swap3A_616 = vector.shape_cast %swap3A_615 : vector<1x16xf32> to vector<16xf32>
        %swap3A_617 = vector.shape_cast %mul3A_612 : vector<16xf32> to vector<1x16xf32>
        tpu.vector_store %arg15[%swap3A_613, %swap3A_614], %swap3A_617 {strides = array<i32>} : memref<80x128xf32, #tpu.memory_space<vmem>>, vector<1x16xf32>,
        %get3A_618 = arith.index_cast %scan3A_574 : i32 to index
        %get3A_619 = arith.constant 48 : index
        %get3A_620 = tpu.vector_load %arg15[%get3A_618, %get3A_619] {strides = array<i32>} : memref<80x128xf32, #tpu.memory_space<vmem>>, vector<1x16xf32>,
        %get3A_621 = vector.shape_cast %get3A_620 : vector<1x16xf32> to vector<16xf32>
        %get3A_622 = arith.index_cast %scan3A_574 : i32 to index
        %get3A_623 = arith.constant 48 : index
        %get3A_624 = tpu.vector_load %arg13[%get3A_622, %get3A_623] {strides = array<i32>} : memref<80x128xf32, #tpu.memory_space<vmem>>, vector<1x16xf32>,
        %get3A_625 = vector.shape_cast %get3A_624 : vector<1x16xf32> to vector<16xf32>
        %mul3A_626 = arith.mulf %get3A_621, %get3A_625 : vector<16xf32>
        %swap3A_627 = arith.index_cast %scan3A_574 : i32 to index
        %swap3A_628 = arith.constant 48 : index
        %swap3A_629 = tpu.vector_load %arg15[%swap3A_627, %swap3A_628] {strides = array<i32>} : memref<80x128xf32, #tpu.memory_space<vmem>>, vector<1x16xf32>,
        %swap3A_630 = vector.shape_cast %swap3A_629 : vector<1x16xf32> to vector<16xf32>
        %swap3A_631 = vector.shape_cast %mul3A_626 : vector<16xf32> to vector<1x16xf32>
        tpu.vector_store %arg15[%swap3A_627, %swap3A_628], %swap3A_631 {strides = array<i32>} : memref<80x128xf32, #tpu.memory_space<vmem>>, vector<1x16xf32>,
        %get3A_632 = arith.index_cast %scan3A_574 : i32 to index
        %get3A_633 = arith.constant 64 : index
        %get3A_634 = tpu.vector_load %arg15[%get3A_632, %get3A_633] {strides = array<i32>} : memref<80x128xf32, #tpu.memory_space<vmem>>, vector<1x16xf32>,
        %get3A_635 = vector.shape_cast %get3A_634 : vector<1x16xf32> to vector<16xf32>
        %get3A_636 = arith.index_cast %scan3A_574 : i32 to index
        %get3A_637 = arith.constant 64 : index
        %get3A_638 = tpu.vector_load %arg13[%get3A_636, %get3A_637] {strides = array<i32>} : memref<80x128xf32, #tpu.memory_space<vmem>>, vector<1x16xf32>,
        %get3A_639 = vector.shape_cast %get3A_638 : vector<1x16xf32> to vector<16xf32>
        %mul3A_640 = arith.mulf %get3A_635, %get3A_639 : vector<16xf32>
        %swap3A_641 = arith.index_cast %scan3A_574 : i32 to index
        %swap3A_642 = arith.constant 64 : index
        %swap3A_643 = tpu.vector_load %arg15[%swap3A_641, %swap3A_642] {strides = array<i32>} : memref<80x128xf32, #tpu.memory_space<vmem>>, vector<1x16xf32>,
        %swap3A_644 = vector.shape_cast %swap3A_643 : vector<1x16xf32> to vector<16xf32>
        %swap3A_645 = vector.shape_cast %mul3A_640 : vector<16xf32> to vector<1x16xf32>
        tpu.vector_store %arg15[%swap3A_641, %swap3A_642], %swap3A_645 {strides = array<i32>} : memref<80x128xf32, #tpu.memory_space<vmem>>, vector<1x16xf32>,
        %get3A_646 = arith.index_cast %scan3A_574 : i32 to index
        %get3A_647 = arith.constant 80 : index
        %get3A_648 = tpu.vector_load %arg15[%get3A_646, %get3A_647] {strides = array<i32>} : memref<80x128xf32, #tpu.memory_space<vmem>>, vector<1x16xf32>,
        %get3A_649 = vector.shape_cast %get3A_648 : vector<1x16xf32> to vector<16xf32>
        %get3A_650 = arith.index_cast %scan3A_574 : i32 to index
        %get3A_651 = arith.constant 80 : index
        %get3A_652 = tpu.vector_load %arg13[%get3A_650, %get3A_651] {strides = array<i32>} : memref<80x128xf32, #tpu.memory_space<vmem>>, vector<1x16xf32>,
        %get3A_653 = vector.shape_cast %get3A_652 : vector<1x16xf32> to vector<16xf32>
        %mul3A_654 = arith.mulf %get3A_649, %get3A_653 : vector<16xf32>
        %swap3A_655 = arith.index_cast %scan3A_574 : i32 to index
        %swap3A_656 = arith.constant 80 : index
        %swap3A_657 = tpu.vector_load %arg15[%swap3A_655, %swap3A_656] {strides = array<i32>} : memref<80x128xf32, #tpu.memory_space<vmem>>, vector<1x16xf32>,
        %swap3A_658 = vector.shape_cast %swap3A_657 : vector<1x16xf32> to vector<16xf32>
        %swap3A_659 = vector.shape_cast %mul3A_654 : vector<16xf32> to vector<1x16xf32>
        tpu.vector_store %arg15[%swap3A_655, %swap3A_656], %swap3A_659 {strides = array<i32>} : memref<80x128xf32, #tpu.memory_space<vmem>>, vector<1x16xf32>,
        %get3A_660 = arith.index_cast %scan3A_574 : i32 to index
        %get3A_661 = arith.constant 96 : index
        %get3A_662 = tpu.vector_load %arg15[%get3A_660, %get3A_661] {strides = array<i32>} : memref<80x128xf32, #tpu.memory_space<vmem>>, vector<1x16xf32>,
        %get3A_663 = vector.shape_cast %get3A_662 : vector<1x16xf32> to vector<16xf32>
        %get3A_664 = arith.index_cast %scan3A_574 : i32 to index
        %get3A_665 = arith.constant 96 : index
        %get3A_666 = tpu.vector_load %arg13[%get3A_664, %get3A_665] {strides = array<i32>} : memref<80x128xf32, #tpu.memory_space<vmem>>, vector<1x16xf32>,
        %get3A_667 = vector.shape_cast %get3A_666 : vector<1x16xf32> to vector<16xf32>
        %mul3A_668 = arith.mulf %get3A_663, %get3A_667 : vector<16xf32>
        %swap3A_669 = arith.index_cast %scan3A_574 : i32 to index
        %swap3A_670 = arith.constant 96 : index
        %swap3A_671 = tpu.vector_load %arg15[%swap3A_669, %swap3A_670] {strides = array<i32>} : memref<80x128xf32, #tpu.memory_space<vmem>>, vector<1x16xf32>,
        %swap3A_672 = vector.shape_cast %swap3A_671 : vector<1x16xf32> to vector<16xf32>
        %swap3A_673 = vector.shape_cast %mul3A_668 : vector<16xf32> to vector<1x16xf32>
        tpu.vector_store %arg15[%swap3A_669, %swap3A_670], %swap3A_673 {strides = array<i32>} : memref<80x128xf32, #tpu.memory_space<vmem>>, vector<1x16xf32>,
        %get3A_674 = arith.index_cast %scan3A_574 : i32 to index
        %get3A_675 = arith.constant 112 : index
        %get3A_676 = tpu.vector_load %arg15[%get3A_674, %get3A_675] {strides = array<i32>} : memref<80x128xf32, #tpu.memory_space<vmem>>, vector<1x16xf32>,
        %get3A_677 = vector.shape_cast %get3A_676 : vector<1x16xf32> to vector<16xf32>
        %get3A_678 = arith.index_cast %scan3A_574 : i32 to index
        %get3A_679 = arith.constant 112 : index
        %get3A_680 = tpu.vector_load %arg13[%get3A_678, %get3A_679] {strides = array<i32>} : memref<80x128xf32, #tpu.memory_space<vmem>>, vector<1x16xf32>,
        %get3A_681 = vector.shape_cast %get3A_680 : vector<1x16xf32> to vector<16xf32>
        %mul3A_682 = arith.mulf %get3A_677, %get3A_681 : vector<16xf32>
        %swap3A_683 = arith.index_cast %scan3A_574 : i32 to index
        %swap3A_684 = arith.constant 112 : index
        %swap3A_685 = tpu.vector_load %arg15[%swap3A_683, %swap3A_684] {strides = array<i32>} : memref<80x128xf32, #tpu.memory_space<vmem>>, vector<1x16xf32>,
        %swap3A_686 = vector.shape_cast %swap3A_685 : vector<1x16xf32> to vector<16xf32>
        %swap3A_687 = vector.shape_cast %mul3A_682 : vector<16xf32> to vector<1x16xf32>
        tpu.vector_store %arg15[%swap3A_683, %swap3A_684], %swap3A_687 {strides = array<i32>} : memref<80x128xf32, #tpu.memory_space<vmem>>, vector<1x16xf32>,
        %scan3A_688 = arith.constant 0 : i32
        scf.yield %scan3A_688 : i32
      }
      %scan3A_399 = arith.constant 80 : i32
      %add3A_400 = arith.constant 2 : i32
      %add3A_401 = arith.addi %mul3A_261, %add3A_400 : i32
      %mul3A_402 = arith.constant 20000 : i32
      %mul3A_403 = arith.muli %arg1, %mul3A_402 : i32
      %min3A_404 = arith.constant 249 : i32
      %min3A_405 = arith.minsi %add3A_401, %min3A_404 : i32
      %mul3A_406 = arith.constant 80 : i32
      %mul3A_407 = arith.muli %min3A_405, %mul3A_406 : i32
      %add3A_408 = arith.addi %mul3A_403, %mul3A_407 : i32
      %dma_start3A_409 = arith.constant 0 : i32
      %dma_start3A_410 = tpu.memref_slice %arg2[%add3A_408, %dma_start3A_409] : memref<320000x128xf32, #tpu.memory_space<hbm>> -> memref<80x128xf32, #tpu.memory_space<hbm>>
      %dma_start3A_411 = arith.constant 0 : i32
      %dma_start3A_412 = tpu.memref_slice %arg2[%add3A_408, %dma_start3A_411] : memref<320000x128xf32, #tpu.memory_space<hbm>> -> memref<80x128xf32, #tpu.memory_space<hbm>>
      tpu.enqueue_dma source(%dma_start3A_412 : memref<80x128xf32, #tpu.memory_space<hbm>>) target(%arg13 : memref<80x128xf32, #tpu.memory_space<vmem>>) target_semaphore(%arg21 : memref<!tpu.dma_semaphore, #tpu.memory_space<semaphore_mem>>)
      "tpu.region"() ({
        %run_scoped3A = tpu.sem_alloc : memref<!tpu.dma_semaphore, #tpu.memory_space<semaphore_mem>>
        %dma_start3A_574 = arith.constant 0 : i32
        %dma_start3A_575 = arith.constant 0 : i32
        %dma_start3A_576 = tpu.memref_slice %arg18[%dma_start3A_574, %dma_start3A_575] : memref<5128x128xf32, #tpu.memory_space<vmem_shared>> -> memref<5128x128xf32, #tpu.memory_space<vmem_shared>>
        tpu.enqueue_indirect_dma source(%arg15 : memref<80x128xf32, #tpu.memory_space<vmem>>) target(%dma_start3A_576 : memref<5128x128xf32, #tpu.memory_space<vmem_shared>>) offsets(%arg11 : memref<80xi32, #tpu.memory_space<vmem>>) semaphore(%run_scoped3A : memref<!tpu.dma_semaphore, #tpu.memory_space<semaphore_mem>>) {add = true}
        %dma_wait3A_577 = arith.constant 0 : i32
        %dma_wait3A_578 = arith.constant 0 : i32
        %dma_wait3A_579 = tpu.memref_slice %arg18[%dma_wait3A_577, %dma_wait3A_578] : memref<5128x128xf32, #tpu.memory_space<vmem_shared>> -> memref<5128x128xf32, #tpu.memory_space<vmem_shared>>
        tpu.wait_indirect_dma semaphore(%run_scoped3A : memref<!tpu.dma_semaphore, #tpu.memory_space<semaphore_mem>>) src(%arg15 : memref<80x128xf32, #tpu.memory_space<vmem>>) dst(%dma_wait3A_579 : memref<5128x128xf32, #tpu.memory_space<vmem_shared>>)
        tpu.yield
      }) : () -> ()
      %add3A_413 = arith.constant 2 : i32
      %add3A_414 = arith.addi %mul3A_261, %add3A_413 : i32
      %dma_wait3A_415 = arith.constant 0 : i32
      %dma_wait3A_416 = tpu.memref_slice %arg4[%dma_wait3A_415] : memref<320000xi32, #tpu.memory_space<hbm>> -> memref<80xi32, #tpu.memory_space<hbm>>
      %dma_wait3A_417 = arith.constant 0 : i32
      %dma_wait3A_418 = tpu.memref_slice %arg4[%dma_wait3A_417] : memref<320000xi32, #tpu.memory_space<hbm>> -> memref<80xi32, #tpu.memory_space<hbm>>
      tpu.wait_dma2 semaphore(%arg19 : memref<!tpu.dma_semaphore, #tpu.memory_space<semaphore_mem>>) src(%dma_wait3A_418 : memref<80xi32, #tpu.memory_space<hbm>>) dst(%arg7 : memref<80xi32, #tpu.memory_space<vmem>>)
      %dma_wait3A_419 = arith.constant 0 : i32
      %dma_wait3A_420 = tpu.memref_slice %arg5[%dma_wait3A_419] : memref<320000xi32, #tpu.memory_space<hbm>> -> memref<80xi32, #tpu.memory_space<hbm>>
      %dma_wait3A_421 = arith.constant 0 : i32
      %dma_wait3A_422 = tpu.memref_slice %arg5[%dma_wait3A_421] : memref<320000xi32, #tpu.memory_space<hbm>> -> memref<80xi32, #tpu.memory_space<hbm>>
      tpu.wait_dma2 semaphore(%arg19 : memref<!tpu.dma_semaphore, #tpu.memory_space<semaphore_mem>>) src(%dma_wait3A_422 : memref<80xi32, #tpu.memory_space<hbm>>) dst(%arg9 : memref<80xi32, #tpu.memory_space<vmem>>)
      %dma_start3A_423 = arith.constant 0 : i32
      %dma_start3A_424 = arith.constant 0 : i32
      %dma_start3A_425 = tpu.memref_slice %arg3[%dma_start3A_423, %dma_start3A_424] : memref<10000x128xf32, #tpu.memory_space<hbm>> -> memref<10000x128xf32, #tpu.memory_space<hbm>>
      tpu.enqueue_indirect_dma source(%dma_start3A_425 : memref<10000x128xf32, #tpu.memory_space<hbm>>) target(%arg15 : memref<80x128xf32, #tpu.memory_space<vmem>>) offsets(%arg7 : memref<80xi32, #tpu.memory_space<vmem>>) semaphore(%arg23 : memref<!tpu.dma_semaphore, #tpu.memory_space<semaphore_mem>>)
      %dma_wait3A_426 = arith.constant 0 : i32
      %dma_wait3A_427 = arith.constant 0 : i32
      %dma_wait3A_428 = tpu.memref_slice %arg2[%dma_wait3A_426, %dma_wait3A_427] : memref<320000x128xf32, #tpu.memory_space<hbm>> -> memref<80x128xf32, #tpu.memory_space<hbm>>
      %dma_wait3A_429 = arith.constant 0 : i32
      %dma_wait3A_430 = arith.constant 0 : i32
      %dma_wait3A_431 = tpu.memref_slice %arg2[%dma_wait3A_429, %dma_wait3A_430] : memref<320000x128xf32, #tpu.memory_space<hbm>> -> memref<80x128xf32, #tpu.memory_space<hbm>>
      tpu.wait_dma2 semaphore(%arg22 : memref<!tpu.dma_semaphore, #tpu.memory_space<semaphore_mem>>) src(%dma_wait3A_431 : memref<80x128xf32, #tpu.memory_space<hbm>>) dst(%arg14 : memref<80x128xf32, #tpu.memory_space<vmem>>)
      %dma_wait3A_432 = arith.constant 0 : i32
      %dma_wait3A_433 = arith.constant 0 : i32
      %dma_wait3A_434 = tpu.memref_slice %arg3[%dma_wait3A_432, %dma_wait3A_433] : memref<10000x128xf32, #tpu.memory_space<hbm>> -> memref<10000x128xf32, #tpu.memory_space<hbm>>
      tpu.wait_indirect_dma semaphore(%arg24 : memref<!tpu.dma_semaphore, #tpu.memory_space<semaphore_mem>>) src(%dma_wait3A_434 : memref<10000x128xf32, #tpu.memory_space<hbm>>) dst(%arg16 : memref<80x128xf32, #tpu.memory_space<vmem>>)
      %get3A_435 = arith.constant 0 : index
      %get3A_436 = tpu.vector_load %arg10[%get3A_435] {strides = array<i32>} : memref<80xi32, #tpu.memory_space<vmem>>, vector<16xi32>,
      %get3A_437 = vector.shape_cast %get3A_436 : vector<16xi32> to vector<16xi32>
      %mul3A_438 = arith.constant 5120 : i32
      %mul3A_439 = arith.muli %arg0, %mul3A_438 : i32
      %sub3A_440 = vector.broadcast %mul3A_439 : i32 to vector<16xi32>
      %sub3A_441 = arith.subi %get3A_437, %sub3A_440 : vector<16xi32>
      %ge3A_442 = arith.constant 0 : i32
      %ge3A_443 = vector.broadcast %ge3A_442 : i32 to vector<16xi32>
      %ge3A_444 = arith.cmpi sge, %sub3A_441, %ge3A_443 : vector<16xi32>
      %lt3A_445 = arith.constant 5120 : i32
      %lt3A_446 = vector.broadcast %lt3A_445 : i32 to vector<16xi32>
      %lt3A_447 = arith.cmpi slt, %sub3A_441, %lt3A_446 : vector<16xi32>
      %and3A_448 = arith.andi %ge3A_444, %lt3A_447 : vector<16xi1>
      %jit3A_449 = arith.constant 5120 : i32
      %broadcast_in_dim3A_450 = vector.broadcast %jit3A_449 : i32 to vector<16xi32>
      %select_n3A_451 = arith.select %and3A_448, %sub3A_441, %broadcast_in_dim3A_450 : vector<16xi1>, vector<16xi32>
      %swap3A_452 = arith.constant 0 : index
      %swap3A_453 = tpu.vector_load %arg12[%swap3A_452] {strides = array<i32>} : memref<80xi32, #tpu.memory_space<vmem>>, vector<16xi32>,
      %swap3A_454 = vector.shape_cast %swap3A_453 : vector<16xi32> to vector<16xi32>
      %swap3A_455 = vector.shape_cast %select_n3A_451 : vector<16xi32> to vector<16xi32>
      tpu.vector_store %arg12[%swap3A_452], %swap3A_455 {strides = array<i32>} : memref<80xi32, #tpu.memory_space<vmem>>, vector<16xi32>,
      %get3A_456 = arith.constant 16 : index
      %get3A_457 = tpu.vector_load %arg10[%get3A_456] {strides = array<i32>} : memref<80xi32, #tpu.memory_space<vmem>>, vector<16xi32>,
      %get3A_458 = vector.shape_cast %get3A_457 : vector<16xi32> to vector<16xi32>
      %mul3A_459 = arith.constant 5120 : i32
      %mul3A_460 = arith.muli %arg0, %mul3A_459 : i32
      %sub3A_461 = vector.broadcast %mul3A_460 : i32 to vector<16xi32>
      %sub3A_462 = arith.subi %get3A_458, %sub3A_461 : vector<16xi32>
      %ge3A_463 = arith.constant 0 : i32
      %ge3A_464 = vector.broadcast %ge3A_463 : i32 to vector<16xi32>
      %ge3A_465 = arith.cmpi sge, %sub3A_462, %ge3A_464 : vector<16xi32>
      %lt3A_466 = arith.constant 5120 : i32
      %lt3A_467 = vector.broadcast %lt3A_466 : i32 to vector<16xi32>
      %lt3A_468 = arith.cmpi slt, %sub3A_462, %lt3A_467 : vector<16xi32>
      %and3A_469 = arith.andi %ge3A_465, %lt3A_468 : vector<16xi1>
      %jit3A_470 = arith.constant 5120 : i32
      %broadcast_in_dim3A_471 = vector.broadcast %jit3A_470 : i32 to vector<16xi32>
      %select_n3A_472 = arith.select %and3A_469, %sub3A_462, %broadcast_in_dim3A_471 : vector<16xi1>, vector<16xi32>
      %swap3A_473 = arith.constant 16 : index
      %swap3A_474 = tpu.vector_load %arg12[%swap3A_473] {strides = array<i32>} : memref<80xi32, #tpu.memory_space<vmem>>, vector<16xi32>,
      %swap3A_475 = vector.shape_cast %swap3A_474 : vector<16xi32> to vector<16xi32>
      %swap3A_476 = vector.shape_cast %select_n3A_472 : vector<16xi32> to vector<16xi32>
      tpu.vector_store %arg12[%swap3A_473], %swap3A_476 {strides = array<i32>} : memref<80xi32, #tpu.memory_space<vmem>>, vector<16xi32>,
      %get3A_477 = arith.constant 32 : index
      %get3A_478 = tpu.vector_load %arg10[%get3A_477] {strides = array<i32>} : memref<80xi32, #tpu.memory_space<vmem>>, vector<16xi32>,
      %get3A_479 = vector.shape_cast %get3A_478 : vector<16xi32> to vector<16xi32>
      %mul3A_480 = arith.constant 5120 : i32
      %mul3A_481 = arith.muli %arg0, %mul3A_480 : i32
      %sub3A_482 = vector.broadcast %mul3A_481 : i32 to vector<16xi32>
      %sub3A_483 = arith.subi %get3A_479, %sub3A_482 : vector<16xi32>
      %ge3A_484 = arith.constant 0 : i32
      %ge3A_485 = vector.broadcast %ge3A_484 : i32 to vector<16xi32>
      %ge3A_486 = arith.cmpi sge, %sub3A_483, %ge3A_485 : vector<16xi32>
      %lt3A_487 = arith.constant 5120 : i32
      %lt3A_488 = vector.broadcast %lt3A_487 : i32 to vector<16xi32>
      %lt3A_489 = arith.cmpi slt, %sub3A_483, %lt3A_488 : vector<16xi32>
      %and3A_490 = arith.andi %ge3A_486, %lt3A_489 : vector<16xi1>
      %jit3A_491 = arith.constant 5120 : i32
      %broadcast_in_dim3A_492 = vector.broadcast %jit3A_491 : i32 to vector<16xi32>
      %select_n3A_493 = arith.select %and3A_490, %sub3A_483, %broadcast_in_dim3A_492 : vector<16xi1>, vector<16xi32>
      %swap3A_494 = arith.constant 32 : index
      %swap3A_495 = tpu.vector_load %arg12[%swap3A_494] {strides = array<i32>} : memref<80xi32, #tpu.memory_space<vmem>>, vector<16xi32>,
      %swap3A_496 = vector.shape_cast %swap3A_495 : vector<16xi32> to vector<16xi32>
      %swap3A_497 = vector.shape_cast %select_n3A_493 : vector<16xi32> to vector<16xi32>
      tpu.vector_store %arg12[%swap3A_494], %swap3A_497 {strides = array<i32>} : memref<80xi32, #tpu.memory_space<vmem>>, vector<16xi32>,
      %get3A_498 = arith.constant 48 : index
      %get3A_499 = tpu.vector_load %arg10[%get3A_498] {strides = array<i32>} : memref<80xi32, #tpu.memory_space<vmem>>, vector<16xi32>,
      %get3A_500 = vector.shape_cast %get3A_499 : vector<16xi32> to vector<16xi32>
      %mul3A_501 = arith.constant 5120 : i32
      %mul3A_502 = arith.muli %arg0, %mul3A_501 : i32
      %sub3A_503 = vector.broadcast %mul3A_502 : i32 to vector<16xi32>
      %sub3A_504 = arith.subi %get3A_500, %sub3A_503 : vector<16xi32>
      %ge3A_505 = arith.constant 0 : i32
      %ge3A_506 = vector.broadcast %ge3A_505 : i32 to vector<16xi32>
      %ge3A_507 = arith.cmpi sge, %sub3A_504, %ge3A_506 : vector<16xi32>
      %lt3A_508 = arith.constant 5120 : i32
      %lt3A_509 = vector.broadcast %lt3A_508 : i32 to vector<16xi32>
      %lt3A_510 = arith.cmpi slt, %sub3A_504, %lt3A_509 : vector<16xi32>
      %and3A_511 = arith.andi %ge3A_507, %lt3A_510 : vector<16xi1>
      %jit3A_512 = arith.constant 5120 : i32
      %broadcast_in_dim3A_513 = vector.broadcast %jit3A_512 : i32 to vector<16xi32>
      %select_n3A_514 = arith.select %and3A_511, %sub3A_504, %broadcast_in_dim3A_513 : vector<16xi1>, vector<16xi32>
      %swap3A_515 = arith.constant 48 : index
      %swap3A_516 = tpu.vector_load %arg12[%swap3A_515] {strides = array<i32>} : memref<80xi32, #tpu.memory_space<vmem>>, vector<16xi32>,
      %swap3A_517 = vector.shape_cast %swap3A_516 : vector<16xi32> to vector<16xi32>
      %swap3A_518 = vector.shape_cast %select_n3A_514 : vector<16xi32> to vector<16xi32>
      tpu.vector_store %arg12[%swap3A_515], %swap3A_518 {strides = array<i32>} : memref<80xi32, #tpu.memory_space<vmem>>, vector<16xi32>,
      %get3A_519 = arith.constant 64 : index
      %get3A_520 = tpu.vector_load %arg10[%get3A_519] {strides = array<i32>} : memref<80xi32, #tpu.memory_space<vmem>>, vector<16xi32>,
      %get3A_521 = vector.shape_cast %get3A_520 : vector<16xi32> to vector<16xi32>
      %mul3A_522 = arith.constant 5120 : i32
      %mul3A_523 = arith.muli %arg0, %mul3A_522 : i32
      %sub3A_524 = vector.broadcast %mul3A_523 : i32 to vector<16xi32>
      %sub3A_525 = arith.subi %get3A_521, %sub3A_524 : vector<16xi32>
      %ge3A_526 = arith.constant 0 : i32
      %ge3A_527 = vector.broadcast %ge3A_526 : i32 to vector<16xi32>
      %ge3A_528 = arith.cmpi sge, %sub3A_525, %ge3A_527 : vector<16xi32>
      %lt3A_529 = arith.constant 5120 : i32
      %lt3A_530 = vector.broadcast %lt3A_529 : i32 to vector<16xi32>
      %lt3A_531 = arith.cmpi slt, %sub3A_525, %lt3A_530 : vector<16xi32>
      %and3A_532 = arith.andi %ge3A_528, %lt3A_531 : vector<16xi1>
      %jit3A_533 = arith.constant 5120 : i32
      %broadcast_in_dim3A_534 = vector.broadcast %jit3A_533 : i32 to vector<16xi32>
      %select_n3A_535 = arith.select %and3A_532, %sub3A_525, %broadcast_in_dim3A_534 : vector<16xi1>, vector<16xi32>
      %swap3A_536 = arith.constant 64 : index
      %swap3A_537 = tpu.vector_load %arg12[%swap3A_536] {strides = array<i32>} : memref<80xi32, #tpu.memory_space<vmem>>, vector<16xi32>,
      %swap3A_538 = vector.shape_cast %swap3A_537 : vector<16xi32> to vector<16xi32>
      %swap3A_539 = vector.shape_cast %select_n3A_535 : vector<16xi32> to vector<16xi32>
      tpu.vector_store %arg12[%swap3A_536], %swap3A_539 {strides = array<i32>} : memref<80xi32, #tpu.memory_space<vmem>>, vector<16xi32>,
      %add3A_540 = arith.constant 2 : i32
      %add3A_541 = arith.addi %add3A_263, %add3A_540 : i32
      %mul3A_542 = arith.constant 20000 : i32
      %mul3A_543 = arith.muli %arg1, %mul3A_542 : i32
      %min3A_544 = arith.constant 249 : i32
      %min3A_545 = arith.minsi %add3A_541, %min3A_544 : i32
      %mul3A_546 = arith.constant 80 : i32
      %mul3A_547 = arith.muli %min3A_545, %mul3A_546 : i32
      %add3A_548 = arith.addi %mul3A_543, %mul3A_547 : i32
      %dma_start3A_549 = tpu.memref_slice %arg4[%add3A_548] : memref<320000xi32, #tpu.memory_space<hbm>> -> memref<80xi32, #tpu.memory_space<hbm>>
      %dma_start3A_550 = tpu.memref_slice %arg4[%add3A_548] : memref<320000xi32, #tpu.memory_space<hbm>> -> memref<80xi32, #tpu.memory_space<hbm>>
      tpu.enqueue_dma source(%dma_start3A_550 : memref<80xi32, #tpu.memory_space<hbm>>) target(%arg8 : memref<80xi32, #tpu.memory_space<vmem>>) target_semaphore(%arg20 : memref<!tpu.dma_semaphore, #tpu.memory_space<semaphore_mem>>)
      %dma_start3A_551 = tpu.memref_slice %arg5[%add3A_548] : memref<320000xi32, #tpu.memory_space<hbm>> -> memref<80xi32, #tpu.memory_space<hbm>>
      %dma_start3A_552 = tpu.memref_slice %arg5[%add3A_548] : memref<320000xi32, #tpu.memory_space<hbm>> -> memref<80xi32, #tpu.memory_space<hbm>>
      tpu.enqueue_dma source(%dma_start3A_552 : memref<80xi32, #tpu.memory_space<hbm>>) target(%arg10 : memref<80xi32, #tpu.memory_space<vmem>>) target_semaphore(%arg20 : memref<!tpu.dma_semaphore, #tpu.memory_space<semaphore_mem>>)
      %scan3A_553 = arith.constant 0 : i32
      %scan3A_554 = arith.constant 0 : i32
      %scan3A_555 = arith.constant 80 : i32
      %scan3A_556 = arith.addi %scan3A_554, %scan3A_555 : i32
      %scan3A_557 = arith.constant 1 : i32
      %scan3A_558 = scf.for %scan3A_574 = %scan3A_554 to %scan3A_556 step %scan3A_557 iter_args(%scan3A_575 = %scan3A_553) -> (i32)  : i32 {
        %get3A_576 = arith.index_cast %scan3A_574 : i32 to index
        %get3A_577 = arith.constant 0 : index
        %get3A_578 = tpu.vector_load %arg16[%get3A_576, %get3A_577] {strides = array<i32>} : memref<80x128xf32, #tpu.memory_space<vmem>>, vector<1x16xf32>,
        %get3A_579 = vector.shape_cast %get3A_578 : vector<1x16xf32> to vector<16xf32>
        %get3A_580 = arith.index_cast %scan3A_574 : i32 to index
        %get3A_581 = arith.constant 0 : index
        %get3A_582 = tpu.vector_load %arg14[%get3A_580, %get3A_581] {strides = array<i32>} : memref<80x128xf32, #tpu.memory_space<vmem>>, vector<1x16xf32>,
        %get3A_583 = vector.shape_cast %get3A_582 : vector<1x16xf32> to vector<16xf32>
        %mul3A_584 = arith.mulf %get3A_579, %get3A_583 : vector<16xf32>
        %swap3A_585 = arith.index_cast %scan3A_574 : i32 to index
        %swap3A_586 = arith.constant 0 : index
        %swap3A_587 = tpu.vector_load %arg16[%swap3A_585, %swap3A_586] {strides = array<i32>} : memref<80x128xf32, #tpu.memory_space<vmem>>, vector<1x16xf32>,
        %swap3A_588 = vector.shape_cast %swap3A_587 : vector<1x16xf32> to vector<16xf32>
        %swap3A_589 = vector.shape_cast %mul3A_584 : vector<16xf32> to vector<1x16xf32>
        tpu.vector_store %arg16[%swap3A_585, %swap3A_586], %swap3A_589 {strides = array<i32>} : memref<80x128xf32, #tpu.memory_space<vmem>>, vector<1x16xf32>,
        %get3A_590 = arith.index_cast %scan3A_574 : i32 to index
        %get3A_591 = arith.constant 16 : index
        %get3A_592 = tpu.vector_load %arg16[%get3A_590, %get3A_591] {strides = array<i32>} : memref<80x128xf32, #tpu.memory_space<vmem>>, vector<1x16xf32>,
        %get3A_593 = vector.shape_cast %get3A_592 : vector<1x16xf32> to vector<16xf32>
        %get3A_594 = arith.index_cast %scan3A_574 : i32 to index
        %get3A_595 = arith.constant 16 : index
        %get3A_596 = tpu.vector_load %arg14[%get3A_594, %get3A_595] {strides = array<i32>} : memref<80x128xf32, #tpu.memory_space<vmem>>, vector<1x16xf32>,
        %get3A_597 = vector.shape_cast %get3A_596 : vector<1x16xf32> to vector<16xf32>
        %mul3A_598 = arith.mulf %get3A_593, %get3A_597 : vector<16xf32>
        %swap3A_599 = arith.index_cast %scan3A_574 : i32 to index
        %swap3A_600 = arith.constant 16 : index
        %swap3A_601 = tpu.vector_load %arg16[%swap3A_599, %swap3A_600] {strides = array<i32>} : memref<80x128xf32, #tpu.memory_space<vmem>>, vector<1x16xf32>,
        %swap3A_602 = vector.shape_cast %swap3A_601 : vector<1x16xf32> to vector<16xf32>
        %swap3A_603 = vector.shape_cast %mul3A_598 : vector<16xf32> to vector<1x16xf32>
        tpu.vector_store %arg16[%swap3A_599, %swap3A_600], %swap3A_603 {strides = array<i32>} : memref<80x128xf32, #tpu.memory_space<vmem>>, vector<1x16xf32>,
        %get3A_604 = arith.index_cast %scan3A_574 : i32 to index
        %get3A_605 = arith.constant 32 : index
        %get3A_606 = tpu.vector_load %arg16[%get3A_604, %get3A_605] {strides = array<i32>} : memref<80x128xf32, #tpu.memory_space<vmem>>, vector<1x16xf32>,
        %get3A_607 = vector.shape_cast %get3A_606 : vector<1x16xf32> to vector<16xf32>
        %get3A_608 = arith.index_cast %scan3A_574 : i32 to index
        %get3A_609 = arith.constant 32 : index
        %get3A_610 = tpu.vector_load %arg14[%get3A_608, %get3A_609] {strides = array<i32>} : memref<80x128xf32, #tpu.memory_space<vmem>>, vector<1x16xf32>,
        %get3A_611 = vector.shape_cast %get3A_610 : vector<1x16xf32> to vector<16xf32>
        %mul3A_612 = arith.mulf %get3A_607, %get3A_611 : vector<16xf32>
        %swap3A_613 = arith.index_cast %scan3A_574 : i32 to index
        %swap3A_614 = arith.constant 32 : index
        %swap3A_615 = tpu.vector_load %arg16[%swap3A_613, %swap3A_614] {strides = array<i32>} : memref<80x128xf32, #tpu.memory_space<vmem>>, vector<1x16xf32>,
        %swap3A_616 = vector.shape_cast %swap3A_615 : vector<1x16xf32> to vector<16xf32>
        %swap3A_617 = vector.shape_cast %mul3A_612 : vector<16xf32> to vector<1x16xf32>
        tpu.vector_store %arg16[%swap3A_613, %swap3A_614], %swap3A_617 {strides = array<i32>} : memref<80x128xf32, #tpu.memory_space<vmem>>, vector<1x16xf32>,
        %get3A_618 = arith.index_cast %scan3A_574 : i32 to index
        %get3A_619 = arith.constant 48 : index
        %get3A_620 = tpu.vector_load %arg16[%get3A_618, %get3A_619] {strides = array<i32>} : memref<80x128xf32, #tpu.memory_space<vmem>>, vector<1x16xf32>,
        %get3A_621 = vector.shape_cast %get3A_620 : vector<1x16xf32> to vector<16xf32>
        %get3A_622 = arith.index_cast %scan3A_574 : i32 to index
        %get3A_623 = arith.constant 48 : index
        %get3A_624 = tpu.vector_load %arg14[%get3A_622, %get3A_623] {strides = array<i32>} : memref<80x128xf32, #tpu.memory_space<vmem>>, vector<1x16xf32>,
        %get3A_625 = vector.shape_cast %get3A_624 : vector<1x16xf32> to vector<16xf32>
        %mul3A_626 = arith.mulf %get3A_621, %get3A_625 : vector<16xf32>
        %swap3A_627 = arith.index_cast %scan3A_574 : i32 to index
        %swap3A_628 = arith.constant 48 : index
        %swap3A_629 = tpu.vector_load %arg16[%swap3A_627, %swap3A_628] {strides = array<i32>} : memref<80x128xf32, #tpu.memory_space<vmem>>, vector<1x16xf32>,
        %swap3A_630 = vector.shape_cast %swap3A_629 : vector<1x16xf32> to vector<16xf32>
        %swap3A_631 = vector.shape_cast %mul3A_626 : vector<16xf32> to vector<1x16xf32>
        tpu.vector_store %arg16[%swap3A_627, %swap3A_628], %swap3A_631 {strides = array<i32>} : memref<80x128xf32, #tpu.memory_space<vmem>>, vector<1x16xf32>,
        %get3A_632 = arith.index_cast %scan3A_574 : i32 to index
        %get3A_633 = arith.constant 64 : index
        %get3A_634 = tpu.vector_load %arg16[%get3A_632, %get3A_633] {strides = array<i32>} : memref<80x128xf32, #tpu.memory_space<vmem>>, vector<1x16xf32>,
        %get3A_635 = vector.shape_cast %get3A_634 : vector<1x16xf32> to vector<16xf32>
        %get3A_636 = arith.index_cast %scan3A_574 : i32 to index
        %get3A_637 = arith.constant 64 : index
        %get3A_638 = tpu.vector_load %arg14[%get3A_636, %get3A_637] {strides = array<i32>} : memref<80x128xf32, #tpu.memory_space<vmem>>, vector<1x16xf32>,
        %get3A_639 = vector.shape_cast %get3A_638 : vector<1x16xf32> to vector<16xf32>
        %mul3A_640 = arith.mulf %get3A_635, %get3A_639 : vector<16xf32>
        %swap3A_641 = arith.index_cast %scan3A_574 : i32 to index
        %swap3A_642 = arith.constant 64 : index
        %swap3A_643 = tpu.vector_load %arg16[%swap3A_641, %swap3A_642] {strides = array<i32>} : memref<80x128xf32, #tpu.memory_space<vmem>>, vector<1x16xf32>,
        %swap3A_644 = vector.shape_cast %swap3A_643 : vector<1x16xf32> to vector<16xf32>
        %swap3A_645 = vector.shape_cast %mul3A_640 : vector<16xf32> to vector<1x16xf32>
        tpu.vector_store %arg16[%swap3A_641, %swap3A_642], %swap3A_645 {strides = array<i32>} : memref<80x128xf32, #tpu.memory_space<vmem>>, vector<1x16xf32>,
        %get3A_646 = arith.index_cast %scan3A_574 : i32 to index
        %get3A_647 = arith.constant 80 : index
        %get3A_648 = tpu.vector_load %arg16[%get3A_646, %get3A_647] {strides = array<i32>} : memref<80x128xf32, #tpu.memory_space<vmem>>, vector<1x16xf32>,
        %get3A_649 = vector.shape_cast %get3A_648 : vector<1x16xf32> to vector<16xf32>
        %get3A_650 = arith.index_cast %scan3A_574 : i32 to index
        %get3A_651 = arith.constant 80 : index
        %get3A_652 = tpu.vector_load %arg14[%get3A_650, %get3A_651] {strides = array<i32>} : memref<80x128xf32, #tpu.memory_space<vmem>>, vector<1x16xf32>,
        %get3A_653 = vector.shape_cast %get3A_652 : vector<1x16xf32> to vector<16xf32>
        %mul3A_654 = arith.mulf %get3A_649, %get3A_653 : vector<16xf32>
        %swap3A_655 = arith.index_cast %scan3A_574 : i32 to index
        %swap3A_656 = arith.constant 80 : index
        %swap3A_657 = tpu.vector_load %arg16[%swap3A_655, %swap3A_656] {strides = array<i32>} : memref<80x128xf32, #tpu.memory_space<vmem>>, vector<1x16xf32>,
        %swap3A_658 = vector.shape_cast %swap3A_657 : vector<1x16xf32> to vector<16xf32>
        %swap3A_659 = vector.shape_cast %mul3A_654 : vector<16xf32> to vector<1x16xf32>
        tpu.vector_store %arg16[%swap3A_655, %swap3A_656], %swap3A_659 {strides = array<i32>} : memref<80x128xf32, #tpu.memory_space<vmem>>, vector<1x16xf32>,
        %get3A_660 = arith.index_cast %scan3A_574 : i32 to index
        %get3A_661 = arith.constant 96 : index
        %get3A_662 = tpu.vector_load %arg16[%get3A_660, %get3A_661] {strides = array<i32>} : memref<80x128xf32, #tpu.memory_space<vmem>>, vector<1x16xf32>,
        %get3A_663 = vector.shape_cast %get3A_662 : vector<1x16xf32> to vector<16xf32>
        %get3A_664 = arith.index_cast %scan3A_574 : i32 to index
        %get3A_665 = arith.constant 96 : index
        %get3A_666 = tpu.vector_load %arg14[%get3A_664, %get3A_665] {strides = array<i32>} : memref<80x128xf32, #tpu.memory_space<vmem>>, vector<1x16xf32>,
        %get3A_667 = vector.shape_cast %get3A_666 : vector<1x16xf32> to vector<16xf32>
        %mul3A_668 = arith.mulf %get3A_663, %get3A_667 : vector<16xf32>
        %swap3A_669 = arith.index_cast %scan3A_574 : i32 to index
        %swap3A_670 = arith.constant 96 : index
        %swap3A_671 = tpu.vector_load %arg16[%swap3A_669, %swap3A_670] {strides = array<i32>} : memref<80x128xf32, #tpu.memory_space<vmem>>, vector<1x16xf32>,
        %swap3A_672 = vector.shape_cast %swap3A_671 : vector<1x16xf32> to vector<16xf32>
        %swap3A_673 = vector.shape_cast %mul3A_668 : vector<16xf32> to vector<1x16xf32>
        tpu.vector_store %arg16[%swap3A_669, %swap3A_670], %swap3A_673 {strides = array<i32>} : memref<80x128xf32, #tpu.memory_space<vmem>>, vector<1x16xf32>,
        %get3A_674 = arith.index_cast %scan3A_574 : i32 to index
        %get3A_675 = arith.constant 112 : index
        %get3A_676 = tpu.vector_load %arg16[%get3A_674, %get3A_675] {strides = array<i32>} : memref<80x128xf32, #tpu.memory_space<vmem>>, vector<1x16xf32>,
        %get3A_677 = vector.shape_cast %get3A_676 : vector<1x16xf32> to vector<16xf32>
        %get3A_678 = arith.index_cast %scan3A_574 : i32 to index
        %get3A_679 = arith.constant 112 : index
        %get3A_680 = tpu.vector_load %arg14[%get3A_678, %get3A_679] {strides = array<i32>} : memref<80x128xf32, #tpu.memory_space<vmem>>, vector<1x16xf32>,
        %get3A_681 = vector.shape_cast %get3A_680 : vector<1x16xf32> to vector<16xf32>
        %mul3A_682 = arith.mulf %get3A_677, %get3A_681 : vector<16xf32>
        %swap3A_683 = arith.index_cast %scan3A_574 : i32 to index
        %swap3A_684 = arith.constant 112 : index
        %swap3A_685 = tpu.vector_load %arg16[%swap3A_683, %swap3A_684] {strides = array<i32>} : memref<80x128xf32, #tpu.memory_space<vmem>>, vector<1x16xf32>,
        %swap3A_686 = vector.shape_cast %swap3A_685 : vector<1x16xf32> to vector<16xf32>
        %swap3A_687 = vector.shape_cast %mul3A_682 : vector<16xf32> to vector<1x16xf32>
        tpu.vector_store %arg16[%swap3A_683, %swap3A_684], %swap3A_687 {strides = array<i32>} : memref<80x128xf32, #tpu.memory_space<vmem>>, vector<1x16xf32>,
        %scan3A_688 = arith.constant 0 : i32
        scf.yield %scan3A_688 : i32
      }
      %scan3A_559 = arith.constant 80 : i32
      %add3A_560 = arith.constant 2 : i32
      %add3A_561 = arith.addi %add3A_263, %add3A_560 : i32
      %mul3A_562 = arith.constant 20000 : i32
      %mul3A_563 = arith.muli %arg1, %mul3A_562 : i32
      %min3A_564 = arith.constant 249 : i32
      %min3A_565 = arith.minsi %add3A_561, %min3A_564 : i32
      %mul3A_566 = arith.constant 80 : i32
      %mul3A_567 = arith.muli %min3A_565, %mul3A_566 : i32
      %add3A_568 = arith.addi %mul3A_563, %mul3A_567 : i32
      %dma_start3A_569 = arith.constant 0 : i32
      %dma_start3A_570 = tpu.memref_slice %arg2[%add3A_568, %dma_start3A_569] : memref<320000x128xf32, #tpu.memory_space<hbm>> -> memref<80x128xf32, #tpu.memory_space<hbm>>
      %dma_start3A_571 = arith.constant 0 : i32
      %dma_start3A_572 = tpu.memref_slice %arg2[%add3A_568, %dma_start3A_571] : memref<320000x128xf32, #tpu.memory_space<hbm>> -> memref<80x128xf32, #tpu.memory_space<hbm>>
      tpu.enqueue_dma source(%dma_start3A_572 : memref<80x128xf32, #tpu.memory_space<hbm>>) target(%arg14 : memref<80x128xf32, #tpu.memory_space<vmem>>) target_semaphore(%arg22 : memref<!tpu.dma_semaphore, #tpu.memory_space<semaphore_mem>>)
      "tpu.region"() ({
        %run_scoped3A = tpu.sem_alloc : memref<!tpu.dma_semaphore, #tpu.memory_space<semaphore_mem>>
        %dma_start3A_574 = arith.constant 0 : i32
        %dma_start3A_575 = arith.constant 0 : i32
        %dma_start3A_576 = tpu.memref_slice %arg18[%dma_start3A_574, %dma_start3A_575] : memref<5128x128xf32, #tpu.memory_space<vmem_shared>> -> memref<5128x128xf32, #tpu.memory_space<vmem_shared>>
        tpu.enqueue_indirect_dma source(%arg16 : memref<80x128xf32, #tpu.memory_space<vmem>>) target(%dma_start3A_576 : memref<5128x128xf32, #tpu.memory_space<vmem_shared>>) offsets(%arg12 : memref<80xi32, #tpu.memory_space<vmem>>) semaphore(%run_scoped3A : memref<!tpu.dma_semaphore, #tpu.memory_space<semaphore_mem>>) {add = true}
        %dma_wait3A_577 = arith.constant 0 : i32
        %dma_wait3A_578 = arith.constant 0 : i32
        %dma_wait3A_579 = tpu.memref_slice %arg18[%dma_wait3A_577, %dma_wait3A_578] : memref<5128x128xf32, #tpu.memory_space<vmem_shared>> -> memref<5128x128xf32, #tpu.memory_space<vmem_shared>>
        tpu.wait_indirect_dma semaphore(%run_scoped3A : memref<!tpu.dma_semaphore, #tpu.memory_space<semaphore_mem>>) src(%arg16 : memref<80x128xf32, #tpu.memory_space<vmem>>) dst(%dma_wait3A_579 : memref<5128x128xf32, #tpu.memory_space<vmem_shared>>)
        tpu.yield
      }) : () -> ()
      %scan3A_573 = arith.constant 0 : i32
      scf.yield %scan3A_573 : i32
    }
    %scan3A_226 = arith.constant 125 : i32
    %dma_wait3A_227 = arith.constant 0 : i32
    %dma_wait3A_228 = arith.constant 0 : i32
    %dma_wait3A_229 = tpu.memref_slice %arg3[%dma_wait3A_227, %dma_wait3A_228] : memref<10000x128xf32, #tpu.memory_space<hbm>> -> memref<10000x128xf32, #tpu.memory_space<hbm>>
    tpu.wait_indirect_dma semaphore(%arg23 : memref<!tpu.dma_semaphore, #tpu.memory_space<semaphore_mem>>) src(%dma_wait3A_229 : memref<10000x128xf32, #tpu.memory_space<hbm>>) dst(%arg15 : memref<80x128xf32, #tpu.memory_space<vmem>>)
    %dma_wait3A_230 = arith.constant 0 : i32
    %dma_wait3A_231 = arith.constant 0 : i32
    %dma_wait3A_232 = tpu.memref_slice %arg2[%dma_wait3A_230, %dma_wait3A_231] : memref<320000x128xf32, #tpu.memory_space<hbm>> -> memref<80x128xf32, #tpu.memory_space<hbm>>
    %dma_wait3A_233 = arith.constant 0 : i32
    %dma_wait3A_234 = arith.constant 0 : i32
    %dma_wait3A_235 = tpu.memref_slice %arg2[%dma_wait3A_233, %dma_wait3A_234] : memref<320000x128xf32, #tpu.memory_space<hbm>> -> memref<80x128xf32, #tpu.memory_space<hbm>>
    tpu.wait_dma2 semaphore(%arg21 : memref<!tpu.dma_semaphore, #tpu.memory_space<semaphore_mem>>) src(%dma_wait3A_235 : memref<80x128xf32, #tpu.memory_space<hbm>>) dst(%arg13 : memref<80x128xf32, #tpu.memory_space<vmem>>)
    %dma_wait3A_236 = arith.constant 0 : i32
    %dma_wait3A_237 = tpu.memref_slice %arg4[%dma_wait3A_236] : memref<320000xi32, #tpu.memory_space<hbm>> -> memref<80xi32, #tpu.memory_space<hbm>>
    %dma_wait3A_238 = arith.constant 0 : i32
    %dma_wait3A_239 = tpu.memref_slice %arg4[%dma_wait3A_238] : memref<320000xi32, #tpu.memory_space<hbm>> -> memref<80xi32, #tpu.memory_space<hbm>>
    tpu.wait_dma2 semaphore(%arg20 : memref<!tpu.dma_semaphore, #tpu.memory_space<semaphore_mem>>) src(%dma_wait3A_239 : memref<80xi32, #tpu.memory_space<hbm>>) dst(%arg8 : memref<80xi32, #tpu.memory_space<vmem>>)
    %dma_wait3A_240 = arith.constant 0 : i32
    %dma_wait3A_241 = tpu.memref_slice %arg5[%dma_wait3A_240] : memref<320000xi32, #tpu.memory_space<hbm>> -> memref<80xi32, #tpu.memory_space<hbm>>
    %dma_wait3A_242 = arith.constant 0 : i32
    %dma_wait3A_243 = tpu.memref_slice %arg5[%dma_wait3A_242] : memref<320000xi32, #tpu.memory_space<hbm>> -> memref<80xi32, #tpu.memory_space<hbm>>
    tpu.wait_dma2 semaphore(%arg20 : memref<!tpu.dma_semaphore, #tpu.memory_space<semaphore_mem>>) src(%dma_wait3A_243 : memref<80xi32, #tpu.memory_space<hbm>>) dst(%arg10 : memref<80xi32, #tpu.memory_space<vmem>>)
    %dma_wait3A_244 = arith.constant 0 : i32
    %dma_wait3A_245 = arith.constant 0 : i32
    %dma_wait3A_246 = tpu.memref_slice %arg2[%dma_wait3A_244, %dma_wait3A_245] : memref<320000x128xf32, #tpu.memory_space<hbm>> -> memref<80x128xf32, #tpu.memory_space<hbm>>
    %dma_wait3A_247 = arith.constant 0 : i32
    %dma_wait3A_248 = arith.constant 0 : i32
    %dma_wait3A_249 = tpu.memref_slice %arg2[%dma_wait3A_247, %dma_wait3A_248] : memref<320000x128xf32, #tpu.memory_space<hbm>> -> memref<80x128xf32, #tpu.memory_space<hbm>>
    tpu.wait_dma2 semaphore(%arg22 : memref<!tpu.dma_semaphore, #tpu.memory_space<semaphore_mem>>) src(%dma_wait3A_249 : memref<80x128xf32, #tpu.memory_space<hbm>>) dst(%arg14 : memref<80x128xf32, #tpu.memory_space<vmem>>)
    %barrier3A_250 = arith.constant 0 : index
    tpu.barrier barrier_id(%barrier3A_250)
    %mul3A_251 = arith.constant 5120 : i32
    %mul3A_252 = arith.muli %arg0, %mul3A_251 : i32
    %mul3A_253 = arith.constant 320 : i32
    %mul3A_254 = arith.muli %arg1, %mul3A_253 : i32
    %add3A_255 = arith.addi %mul3A_252, %mul3A_254 : i32
    %mul3A_256 = arith.constant 320 : i32
    %mul3A_257 = arith.muli %arg1, %mul3A_256 : i32
    "tpu.region"() ({
      %run_scoped3A = tpu.sem_alloc : memref<!tpu.dma_semaphore, #tpu.memory_space<semaphore_mem>>
      %dma_start3A_258 = arith.constant 0 : i32
      %dma_start3A_259 = tpu.memref_slice %arg6[%add3A_255, %dma_start3A_258] : memref<10240x128xf32, #tpu.memory_space<hbm>> -> memref<320x128xf32, #tpu.memory_space<hbm>>
      %dma_start3A_260 = arith.constant 0 : i32
      %dma_start3A_261 = tpu.memref_slice %arg18[%mul3A_257, %dma_start3A_260] : memref<5128x128xf32, #tpu.memory_space<vmem_shared>> -> memref<320x128xf32, #tpu.memory_space<vmem_shared>>
      tpu.enqueue_dma source(%dma_start3A_261 : memref<320x128xf32, #tpu.memory_space<vmem_shared>>) target(%dma_start3A_259 : memref<320x128xf32, #tpu.memory_space<hbm>>) target_semaphore(%run_scoped3A : memref<!tpu.dma_semaphore, #tpu.memory_space<semaphore_mem>>)
      %dma_wait3A_262 = arith.constant 0 : i32
      %dma_wait3A_263 = tpu.memref_slice %arg6[%add3A_255, %dma_wait3A_262] : memref<10240x128xf32, #tpu.memory_space<hbm>> -> memref<320x128xf32, #tpu.memory_space<hbm>>
      %dma_wait3A_264 = arith.constant 0 : i32
      %dma_wait3A_265 = tpu.memref_slice %arg18[%mul3A_257, %dma_wait3A_264] : memref<5128x128xf32, #tpu.memory_space<vmem_shared>> -> memref<320x128xf32, #tpu.memory_space<vmem_shared>>
      tpu.wait_dma2 semaphore(%run_scoped3A : memref<!tpu.dma_semaphore, #tpu.memory_space<semaphore_mem>>) src(%dma_wait3A_265 : memref<320x128xf32, #tpu.memory_space<vmem_shared>>) dst(%dma_wait3A_263 : memref<320x128xf32, #tpu.memory_space<hbm>>)
      tpu.yield
    }) : () -> ()
    return
  }
}

#map = affine_map<(d0, d1) -> (0, 0)>
#map1 = affine_map<(d0, d1) -> (0)>
module attributes {stable_mosaic.version = 14 : i64} {
  func.func @_scatter_den_body(%arg0: i32, %arg1: i32, %arg2: memref<320000x128xf32, #tpu.memory_space<hbm>>, %arg3: memref<320000xi32, #tpu.memory_space<hbm>>, %arg4: memref<10240x128xf32, #tpu.memory_space<hbm>>, %arg5: memref<80xi32, #tpu.memory_space<vmem>>, %arg6: memref<80xi32, #tpu.memory_space<vmem>>, %arg7: memref<80xi32, #tpu.memory_space<vmem>>, %arg8: memref<80xi32, #tpu.memory_space<vmem>>, %arg9: memref<80x128xf32, #tpu.memory_space<vmem>>, %arg10: memref<80x128xf32, #tpu.memory_space<vmem>>, %arg11: memref<8x128xf32, #tpu.memory_space<vmem>>, %arg12: memref<5128x128xf32, #tpu.memory_space<vmem_shared>>, %arg13: memref<!tpu.dma_semaphore, #tpu.memory_space<semaphore_mem>>, %arg14: memref<!tpu.dma_semaphore, #tpu.memory_space<semaphore_mem>>, %arg15: memref<!tpu.dma_semaphore, #tpu.memory_space<semaphore_mem>>, %arg16: memref<!tpu.dma_semaphore, #tpu.memory_space<semaphore_mem>>) attributes {dimension_semantics = [#tpu.dimension_semantics<core_parallel>, #tpu.dimension_semantics<subcore_parallel>], iteration_bounds = array<i64: 2, 16>, scalar_prefetch = 0 : i64, scratch_operands = 12 : i64, tpu.core_type = #tpu.core_type<sc_vector_subcore>, window_params = [{transform_indices = #map}, {transform_indices = #map1}, {transform_indices = #map}]} {
    %scan3A = arith.constant 0 : i32
    %scan3A_0 = arith.constant 0 : i32
    %scan3A_1 = arith.constant 8 : i32
    %scan3A_2 = arith.addi %scan3A_0, %scan3A_1 : i32
    %scan3A_3 = arith.constant 1 : i32
    %scan3A_4 = scf.for %scan3A_240 = %scan3A_0 to %scan3A_2 step %scan3A_3 iter_args(%scan3A_241 = %scan3A) -> (i32)  : i32 {
      %broadcast_in_dim3A = arith.constant 0.000000e+00 : f32
      %broadcast_in_dim3A_242 = vector.broadcast %broadcast_in_dim3A : f32 to vector<16xf32>
      %swap3A = arith.index_cast %scan3A_240 : i32 to index
      %swap3A_243 = arith.constant 0 : index
      %swap3A_244 = tpu.vector_load %arg11[%swap3A, %swap3A_243] {strides = array<i32>} : memref<8x128xf32, #tpu.memory_space<vmem>>, vector<1x16xf32>,
      %swap3A_245 = vector.shape_cast %swap3A_244 : vector<1x16xf32> to vector<16xf32>
      %swap3A_246 = vector.shape_cast %broadcast_in_dim3A_242 : vector<16xf32> to vector<1x16xf32>
      tpu.vector_store %arg11[%swap3A, %swap3A_243], %swap3A_246 {strides = array<i32>} : memref<8x128xf32, #tpu.memory_space<vmem>>, vector<1x16xf32>,
      %broadcast_in_dim3A_247 = arith.constant 0.000000e+00 : f32
      %broadcast_in_dim3A_248 = vector.broadcast %broadcast_in_dim3A_247 : f32 to vector<16xf32>
      %swap3A_249 = arith.index_cast %scan3A_240 : i32 to index
      %swap3A_250 = arith.constant 16 : index
      %swap3A_251 = tpu.vector_load %arg11[%swap3A_249, %swap3A_250] {strides = array<i32>} : memref<8x128xf32, #tpu.memory_space<vmem>>, vector<1x16xf32>,
      %swap3A_252 = vector.shape_cast %swap3A_251 : vector<1x16xf32> to vector<16xf32>
      %swap3A_253 = vector.shape_cast %broadcast_in_dim3A_248 : vector<16xf32> to vector<1x16xf32>
      tpu.vector_store %arg11[%swap3A_249, %swap3A_250], %swap3A_253 {strides = array<i32>} : memref<8x128xf32, #tpu.memory_space<vmem>>, vector<1x16xf32>,
      %broadcast_in_dim3A_254 = arith.constant 0.000000e+00 : f32
      %broadcast_in_dim3A_255 = vector.broadcast %broadcast_in_dim3A_254 : f32 to vector<16xf32>
      %swap3A_256 = arith.index_cast %scan3A_240 : i32 to index
      %swap3A_257 = arith.constant 32 : index
      %swap3A_258 = tpu.vector_load %arg11[%swap3A_256, %swap3A_257] {strides = array<i32>} : memref<8x128xf32, #tpu.memory_space<vmem>>, vector<1x16xf32>,
      %swap3A_259 = vector.shape_cast %swap3A_258 : vector<1x16xf32> to vector<16xf32>
      %swap3A_260 = vector.shape_cast %broadcast_in_dim3A_255 : vector<16xf32> to vector<1x16xf32>
      tpu.vector_store %arg11[%swap3A_256, %swap3A_257], %swap3A_260 {strides = array<i32>} : memref<8x128xf32, #tpu.memory_space<vmem>>, vector<1x16xf32>,
      %broadcast_in_dim3A_261 = arith.constant 0.000000e+00 : f32
      %broadcast_in_dim3A_262 = vector.broadcast %broadcast_in_dim3A_261 : f32 to vector<16xf32>
      %swap3A_263 = arith.index_cast %scan3A_240 : i32 to index
      %swap3A_264 = arith.constant 48 : index
      %swap3A_265 = tpu.vector_load %arg11[%swap3A_263, %swap3A_264] {strides = array<i32>} : memref<8x128xf32, #tpu.memory_space<vmem>>, vector<1x16xf32>,
      %swap3A_266 = vector.shape_cast %swap3A_265 : vector<1x16xf32> to vector<16xf32>
      %swap3A_267 = vector.shape_cast %broadcast_in_dim3A_262 : vector<16xf32> to vector<1x16xf32>
      tpu.vector_store %arg11[%swap3A_263, %swap3A_264], %swap3A_267 {strides = array<i32>} : memref<8x128xf32, #tpu.memory_space<vmem>>, vector<1x16xf32>,
      %broadcast_in_dim3A_268 = arith.constant 0.000000e+00 : f32
      %broadcast_in_dim3A_269 = vector.broadcast %broadcast_in_dim3A_268 : f32 to vector<16xf32>
      %swap3A_270 = arith.index_cast %scan3A_240 : i32 to index
      %swap3A_271 = arith.constant 64 : index
      %swap3A_272 = tpu.vector_load %arg11[%swap3A_270, %swap3A_271] {strides = array<i32>} : memref<8x128xf32, #tpu.memory_space<vmem>>, vector<1x16xf32>,
      %swap3A_273 = vector.shape_cast %swap3A_272 : vector<1x16xf32> to vector<16xf32>
      %swap3A_274 = vector.shape_cast %broadcast_in_dim3A_269 : vector<16xf32> to vector<1x16xf32>
      tpu.vector_store %arg11[%swap3A_270, %swap3A_271], %swap3A_274 {strides = array<i32>} : memref<8x128xf32, #tpu.memory_space<vmem>>, vector<1x16xf32>,
      %broadcast_in_dim3A_275 = arith.constant 0.000000e+00 : f32
      %broadcast_in_dim3A_276 = vector.broadcast %broadcast_in_dim3A_275 : f32 to vector<16xf32>
      %swap3A_277 = arith.index_cast %scan3A_240 : i32 to index
      %swap3A_278 = arith.constant 80 : index
      %swap3A_279 = tpu.vector_load %arg11[%swap3A_277, %swap3A_278] {strides = array<i32>} : memref<8x128xf32, #tpu.memory_space<vmem>>, vector<1x16xf32>,
      %swap3A_280 = vector.shape_cast %swap3A_279 : vector<1x16xf32> to vector<16xf32>
      %swap3A_281 = vector.shape_cast %broadcast_in_dim3A_276 : vector<16xf32> to vector<1x16xf32>
      tpu.vector_store %arg11[%swap3A_277, %swap3A_278], %swap3A_281 {strides = array<i32>} : memref<8x128xf32, #tpu.memory_space<vmem>>, vector<1x16xf32>,
      %broadcast_in_dim3A_282 = arith.constant 0.000000e+00 : f32
      %broadcast_in_dim3A_283 = vector.broadcast %broadcast_in_dim3A_282 : f32 to vector<16xf32>
      %swap3A_284 = arith.index_cast %scan3A_240 : i32 to index
      %swap3A_285 = arith.constant 96 : index
      %swap3A_286 = tpu.vector_load %arg11[%swap3A_284, %swap3A_285] {strides = array<i32>} : memref<8x128xf32, #tpu.memory_space<vmem>>, vector<1x16xf32>,
      %swap3A_287 = vector.shape_cast %swap3A_286 : vector<1x16xf32> to vector<16xf32>
      %swap3A_288 = vector.shape_cast %broadcast_in_dim3A_283 : vector<16xf32> to vector<1x16xf32>
      tpu.vector_store %arg11[%swap3A_284, %swap3A_285], %swap3A_288 {strides = array<i32>} : memref<8x128xf32, #tpu.memory_space<vmem>>, vector<1x16xf32>,
      %broadcast_in_dim3A_289 = arith.constant 0.000000e+00 : f32
      %broadcast_in_dim3A_290 = vector.broadcast %broadcast_in_dim3A_289 : f32 to vector<16xf32>
      %swap3A_291 = arith.index_cast %scan3A_240 : i32 to index
      %swap3A_292 = arith.constant 112 : index
      %swap3A_293 = tpu.vector_load %arg11[%swap3A_291, %swap3A_292] {strides = array<i32>} : memref<8x128xf32, #tpu.memory_space<vmem>>, vector<1x16xf32>,
      %swap3A_294 = vector.shape_cast %swap3A_293 : vector<1x16xf32> to vector<16xf32>
      %swap3A_295 = vector.shape_cast %broadcast_in_dim3A_290 : vector<16xf32> to vector<1x16xf32>
      tpu.vector_store %arg11[%swap3A_291, %swap3A_292], %swap3A_295 {strides = array<i32>} : memref<8x128xf32, #tpu.memory_space<vmem>>, vector<1x16xf32>,
      %scan3A_296 = arith.constant 0 : i32
      scf.yield %scan3A_296 : i32
    }
    %scan3A_5 = arith.constant 8 : i32
    %mul3A = arith.constant 320 : i32
    %mul3A_6 = arith.muli %arg1, %mul3A : i32
    %add3A = arith.constant 0 : i32
    %add3A_7 = arith.addi %mul3A_6, %add3A : i32
    "tpu.region"() ({
      %run_scoped3A = tpu.sem_alloc : memref<!tpu.dma_semaphore, #tpu.memory_space<semaphore_mem>>
      %dma_start3A_240 = arith.constant 0 : i32
      %dma_start3A_241 = tpu.memref_slice %arg12[%add3A_7, %dma_start3A_240] : memref<5128x128xf32, #tpu.memory_space<vmem_shared>> -> memref<8x128xf32, #tpu.memory_space<vmem_shared>>
      %dma_start3A_242 = arith.constant 0 : i32
      %dma_start3A_243 = tpu.memref_slice %arg12[%add3A_7, %dma_start3A_242] : memref<5128x128xf32, #tpu.memory_space<vmem_shared>> -> memref<8x128xf32, #tpu.memory_space<vmem_shared>>
      tpu.enqueue_dma source(%arg11 : memref<8x128xf32, #tpu.memory_space<vmem>>) target(%dma_start3A_243 : memref<8x128xf32, #tpu.memory_space<vmem_shared>>) target_semaphore(%run_scoped3A : memref<!tpu.dma_semaphore, #tpu.memory_space<semaphore_mem>>)
      %dma_wait3A_244 = arith.constant 0 : i32
      %dma_wait3A_245 = tpu.memref_slice %arg12[%add3A_7, %dma_wait3A_244] : memref<5128x128xf32, #tpu.memory_space<vmem_shared>> -> memref<8x128xf32, #tpu.memory_space<vmem_shared>>
      %dma_wait3A_246 = arith.constant 0 : i32
      %dma_wait3A_247 = tpu.memref_slice %arg12[%add3A_7, %dma_wait3A_246] : memref<5128x128xf32, #tpu.memory_space<vmem_shared>> -> memref<8x128xf32, #tpu.memory_space<vmem_shared>>
      tpu.wait_dma2 semaphore(%run_scoped3A : memref<!tpu.dma_semaphore, #tpu.memory_space<semaphore_mem>>) src(%arg11 : memref<8x128xf32, #tpu.memory_space<vmem>>) dst(%dma_wait3A_247 : memref<8x128xf32, #tpu.memory_space<vmem_shared>>)
      tpu.yield
    }) : () -> ()
    %mul3A_8 = arith.constant 320 : i32
    %mul3A_9 = arith.muli %arg1, %mul3A_8 : i32
    %add3A_10 = arith.constant 8 : i32
    %add3A_11 = arith.addi %mul3A_9, %add3A_10 : i32
    "tpu.region"() ({
      %run_scoped3A = tpu.sem_alloc : memref<!tpu.dma_semaphore, #tpu.memory_space<semaphore_mem>>
      %dma_start3A_240 = arith.constant 0 : i32
      %dma_start3A_241 = tpu.memref_slice %arg12[%add3A_11, %dma_start3A_240] : memref<5128x128xf32, #tpu.memory_space<vmem_shared>> -> memref<8x128xf32, #tpu.memory_space<vmem_shared>>
      %dma_start3A_242 = arith.constant 0 : i32
      %dma_start3A_243 = tpu.memref_slice %arg12[%add3A_11, %dma_start3A_242] : memref<5128x128xf32, #tpu.memory_space<vmem_shared>> -> memref<8x128xf32, #tpu.memory_space<vmem_shared>>
      tpu.enqueue_dma source(%arg11 : memref<8x128xf32, #tpu.memory_space<vmem>>) target(%dma_start3A_243 : memref<8x128xf32, #tpu.memory_space<vmem_shared>>) target_semaphore(%run_scoped3A : memref<!tpu.dma_semaphore, #tpu.memory_space<semaphore_mem>>)
      %dma_wait3A_244 = arith.constant 0 : i32
      %dma_wait3A_245 = tpu.memref_slice %arg12[%add3A_11, %dma_wait3A_244] : memref<5128x128xf32, #tpu.memory_space<vmem_shared>> -> memref<8x128xf32, #tpu.memory_space<vmem_shared>>
      %dma_wait3A_246 = arith.constant 0 : i32
      %dma_wait3A_247 = tpu.memref_slice %arg12[%add3A_11, %dma_wait3A_246] : memref<5128x128xf32, #tpu.memory_space<vmem_shared>> -> memref<8x128xf32, #tpu.memory_space<vmem_shared>>
      tpu.wait_dma2 semaphore(%run_scoped3A : memref<!tpu.dma_semaphore, #tpu.memory_space<semaphore_mem>>) src(%arg11 : memref<8x128xf32, #tpu.memory_space<vmem>>) dst(%dma_wait3A_247 : memref<8x128xf32, #tpu.memory_space<vmem_shared>>)
      tpu.yield
    }) : () -> ()
    %mul3A_12 = arith.constant 320 : i32
    %mul3A_13 = arith.muli %arg1, %mul3A_12 : i32
    %add3A_14 = arith.constant 16 : i32
    %add3A_15 = arith.addi %mul3A_13, %add3A_14 : i32
    "tpu.region"() ({
      %run_scoped3A = tpu.sem_alloc : memref<!tpu.dma_semaphore, #tpu.memory_space<semaphore_mem>>
      %dma_start3A_240 = arith.constant 0 : i32
      %dma_start3A_241 = tpu.memref_slice %arg12[%add3A_15, %dma_start3A_240] : memref<5128x128xf32, #tpu.memory_space<vmem_shared>> -> memref<8x128xf32, #tpu.memory_space<vmem_shared>>
      %dma_start3A_242 = arith.constant 0 : i32
      %dma_start3A_243 = tpu.memref_slice %arg12[%add3A_15, %dma_start3A_242] : memref<5128x128xf32, #tpu.memory_space<vmem_shared>> -> memref<8x128xf32, #tpu.memory_space<vmem_shared>>
      tpu.enqueue_dma source(%arg11 : memref<8x128xf32, #tpu.memory_space<vmem>>) target(%dma_start3A_243 : memref<8x128xf32, #tpu.memory_space<vmem_shared>>) target_semaphore(%run_scoped3A : memref<!tpu.dma_semaphore, #tpu.memory_space<semaphore_mem>>)
      %dma_wait3A_244 = arith.constant 0 : i32
      %dma_wait3A_245 = tpu.memref_slice %arg12[%add3A_15, %dma_wait3A_244] : memref<5128x128xf32, #tpu.memory_space<vmem_shared>> -> memref<8x128xf32, #tpu.memory_space<vmem_shared>>
      %dma_wait3A_246 = arith.constant 0 : i32
      %dma_wait3A_247 = tpu.memref_slice %arg12[%add3A_15, %dma_wait3A_246] : memref<5128x128xf32, #tpu.memory_space<vmem_shared>> -> memref<8x128xf32, #tpu.memory_space<vmem_shared>>
      tpu.wait_dma2 semaphore(%run_scoped3A : memref<!tpu.dma_semaphore, #tpu.memory_space<semaphore_mem>>) src(%arg11 : memref<8x128xf32, #tpu.memory_space<vmem>>) dst(%dma_wait3A_247 : memref<8x128xf32, #tpu.memory_space<vmem_shared>>)
      tpu.yield
    }) : () -> ()
    %mul3A_16 = arith.constant 320 : i32
    %mul3A_17 = arith.muli %arg1, %mul3A_16 : i32
    %add3A_18 = arith.constant 24 : i32
    %add3A_19 = arith.addi %mul3A_17, %add3A_18 : i32
    "tpu.region"() ({
      %run_scoped3A = tpu.sem_alloc : memref<!tpu.dma_semaphore, #tpu.memory_space<semaphore_mem>>
      %dma_start3A_240 = arith.constant 0 : i32
      %dma_start3A_241 = tpu.memref_slice %arg12[%add3A_19, %dma_start3A_240] : memref<5128x128xf32, #tpu.memory_space<vmem_shared>> -> memref<8x128xf32, #tpu.memory_space<vmem_shared>>
      %dma_start3A_242 = arith.constant 0 : i32
      %dma_start3A_243 = tpu.memref_slice %arg12[%add3A_19, %dma_start3A_242] : memref<5128x128xf32, #tpu.memory_space<vmem_shared>> -> memref<8x128xf32, #tpu.memory_space<vmem_shared>>
      tpu.enqueue_dma source(%arg11 : memref<8x128xf32, #tpu.memory_space<vmem>>) target(%dma_start3A_243 : memref<8x128xf32, #tpu.memory_space<vmem_shared>>) target_semaphore(%run_scoped3A : memref<!tpu.dma_semaphore, #tpu.memory_space<semaphore_mem>>)
      %dma_wait3A_244 = arith.constant 0 : i32
      %dma_wait3A_245 = tpu.memref_slice %arg12[%add3A_19, %dma_wait3A_244] : memref<5128x128xf32, #tpu.memory_space<vmem_shared>> -> memref<8x128xf32, #tpu.memory_space<vmem_shared>>
      %dma_wait3A_246 = arith.constant 0 : i32
      %dma_wait3A_247 = tpu.memref_slice %arg12[%add3A_19, %dma_wait3A_246] : memref<5128x128xf32, #tpu.memory_space<vmem_shared>> -> memref<8x128xf32, #tpu.memory_space<vmem_shared>>
      tpu.wait_dma2 semaphore(%run_scoped3A : memref<!tpu.dma_semaphore, #tpu.memory_space<semaphore_mem>>) src(%arg11 : memref<8x128xf32, #tpu.memory_space<vmem>>) dst(%dma_wait3A_247 : memref<8x128xf32, #tpu.memory_space<vmem_shared>>)
      tpu.yield
    }) : () -> ()
    %mul3A_20 = arith.constant 320 : i32
    %mul3A_21 = arith.muli %arg1, %mul3A_20 : i32
    %add3A_22 = arith.constant 32 : i32
    %add3A_23 = arith.addi %mul3A_21, %add3A_22 : i32
    "tpu.region"() ({
      %run_scoped3A = tpu.sem_alloc : memref<!tpu.dma_semaphore, #tpu.memory_space<semaphore_mem>>
      %dma_start3A_240 = arith.constant 0 : i32
      %dma_start3A_241 = tpu.memref_slice %arg12[%add3A_23, %dma_start3A_240] : memref<5128x128xf32, #tpu.memory_space<vmem_shared>> -> memref<8x128xf32, #tpu.memory_space<vmem_shared>>
      %dma_start3A_242 = arith.constant 0 : i32
      %dma_start3A_243 = tpu.memref_slice %arg12[%add3A_23, %dma_start3A_242] : memref<5128x128xf32, #tpu.memory_space<vmem_shared>> -> memref<8x128xf32, #tpu.memory_space<vmem_shared>>
      tpu.enqueue_dma source(%arg11 : memref<8x128xf32, #tpu.memory_space<vmem>>) target(%dma_start3A_243 : memref<8x128xf32, #tpu.memory_space<vmem_shared>>) target_semaphore(%run_scoped3A : memref<!tpu.dma_semaphore, #tpu.memory_space<semaphore_mem>>)
      %dma_wait3A_244 = arith.constant 0 : i32
      %dma_wait3A_245 = tpu.memref_slice %arg12[%add3A_23, %dma_wait3A_244] : memref<5128x128xf32, #tpu.memory_space<vmem_shared>> -> memref<8x128xf32, #tpu.memory_space<vmem_shared>>
      %dma_wait3A_246 = arith.constant 0 : i32
      %dma_wait3A_247 = tpu.memref_slice %arg12[%add3A_23, %dma_wait3A_246] : memref<5128x128xf32, #tpu.memory_space<vmem_shared>> -> memref<8x128xf32, #tpu.memory_space<vmem_shared>>
      tpu.wait_dma2 semaphore(%run_scoped3A : memref<!tpu.dma_semaphore, #tpu.memory_space<semaphore_mem>>) src(%arg11 : memref<8x128xf32, #tpu.memory_space<vmem>>) dst(%dma_wait3A_247 : memref<8x128xf32, #tpu.memory_space<vmem_shared>>)
      tpu.yield
    }) : () -> ()
    %mul3A_24 = arith.constant 320 : i32
    %mul3A_25 = arith.muli %arg1, %mul3A_24 : i32
    %add3A_26 = arith.constant 40 : i32
    %add3A_27 = arith.addi %mul3A_25, %add3A_26 : i32
    "tpu.region"() ({
      %run_scoped3A = tpu.sem_alloc : memref<!tpu.dma_semaphore, #tpu.memory_space<semaphore_mem>>
      %dma_start3A_240 = arith.constant 0 : i32
      %dma_start3A_241 = tpu.memref_slice %arg12[%add3A_27, %dma_start3A_240] : memref<5128x128xf32, #tpu.memory_space<vmem_shared>> -> memref<8x128xf32, #tpu.memory_space<vmem_shared>>
      %dma_start3A_242 = arith.constant 0 : i32
      %dma_start3A_243 = tpu.memref_slice %arg12[%add3A_27, %dma_start3A_242] : memref<5128x128xf32, #tpu.memory_space<vmem_shared>> -> memref<8x128xf32, #tpu.memory_space<vmem_shared>>
      tpu.enqueue_dma source(%arg11 : memref<8x128xf32, #tpu.memory_space<vmem>>) target(%dma_start3A_243 : memref<8x128xf32, #tpu.memory_space<vmem_shared>>) target_semaphore(%run_scoped3A : memref<!tpu.dma_semaphore, #tpu.memory_space<semaphore_mem>>)
      %dma_wait3A_244 = arith.constant 0 : i32
      %dma_wait3A_245 = tpu.memref_slice %arg12[%add3A_27, %dma_wait3A_244] : memref<5128x128xf32, #tpu.memory_space<vmem_shared>> -> memref<8x128xf32, #tpu.memory_space<vmem_shared>>
      %dma_wait3A_246 = arith.constant 0 : i32
      %dma_wait3A_247 = tpu.memref_slice %arg12[%add3A_27, %dma_wait3A_246] : memref<5128x128xf32, #tpu.memory_space<vmem_shared>> -> memref<8x128xf32, #tpu.memory_space<vmem_shared>>
      tpu.wait_dma2 semaphore(%run_scoped3A : memref<!tpu.dma_semaphore, #tpu.memory_space<semaphore_mem>>) src(%arg11 : memref<8x128xf32, #tpu.memory_space<vmem>>) dst(%dma_wait3A_247 : memref<8x128xf32, #tpu.memory_space<vmem_shared>>)
      tpu.yield
    }) : () -> ()
    %mul3A_28 = arith.constant 320 : i32
    %mul3A_29 = arith.muli %arg1, %mul3A_28 : i32
    %add3A_30 = arith.constant 48 : i32
    %add3A_31 = arith.addi %mul3A_29, %add3A_30 : i32
    "tpu.region"() ({
      %run_scoped3A = tpu.sem_alloc : memref<!tpu.dma_semaphore, #tpu.memory_space<semaphore_mem>>
      %dma_start3A_240 = arith.constant 0 : i32
      %dma_start3A_241 = tpu.memref_slice %arg12[%add3A_31, %dma_start3A_240] : memref<5128x128xf32, #tpu.memory_space<vmem_shared>> -> memref<8x128xf32, #tpu.memory_space<vmem_shared>>
      %dma_start3A_242 = arith.constant 0 : i32
      %dma_start3A_243 = tpu.memref_slice %arg12[%add3A_31, %dma_start3A_242] : memref<5128x128xf32, #tpu.memory_space<vmem_shared>> -> memref<8x128xf32, #tpu.memory_space<vmem_shared>>
      tpu.enqueue_dma source(%arg11 : memref<8x128xf32, #tpu.memory_space<vmem>>) target(%dma_start3A_243 : memref<8x128xf32, #tpu.memory_space<vmem_shared>>) target_semaphore(%run_scoped3A : memref<!tpu.dma_semaphore, #tpu.memory_space<semaphore_mem>>)
      %dma_wait3A_244 = arith.constant 0 : i32
      %dma_wait3A_245 = tpu.memref_slice %arg12[%add3A_31, %dma_wait3A_244] : memref<5128x128xf32, #tpu.memory_space<vmem_shared>> -> memref<8x128xf32, #tpu.memory_space<vmem_shared>>
      %dma_wait3A_246 = arith.constant 0 : i32
      %dma_wait3A_247 = tpu.memref_slice %arg12[%add3A_31, %dma_wait3A_246] : memref<5128x128xf32, #tpu.memory_space<vmem_shared>> -> memref<8x128xf32, #tpu.memory_space<vmem_shared>>
      tpu.wait_dma2 semaphore(%run_scoped3A : memref<!tpu.dma_semaphore, #tpu.memory_space<semaphore_mem>>) src(%arg11 : memref<8x128xf32, #tpu.memory_space<vmem>>) dst(%dma_wait3A_247 : memref<8x128xf32, #tpu.memory_space<vmem_shared>>)
      tpu.yield
    }) : () -> ()
    %mul3A_32 = arith.constant 320 : i32
    %mul3A_33 = arith.muli %arg1, %mul3A_32 : i32
    %add3A_34 = arith.constant 56 : i32
    %add3A_35 = arith.addi %mul3A_33, %add3A_34 : i32
    "tpu.region"() ({
      %run_scoped3A = tpu.sem_alloc : memref<!tpu.dma_semaphore, #tpu.memory_space<semaphore_mem>>
      %dma_start3A_240 = arith.constant 0 : i32
      %dma_start3A_241 = tpu.memref_slice %arg12[%add3A_35, %dma_start3A_240] : memref<5128x128xf32, #tpu.memory_space<vmem_shared>> -> memref<8x128xf32, #tpu.memory_space<vmem_shared>>
      %dma_start3A_242 = arith.constant 0 : i32
      %dma_start3A_243 = tpu.memref_slice %arg12[%add3A_35, %dma_start3A_242] : memref<5128x128xf32, #tpu.memory_space<vmem_shared>> -> memref<8x128xf32, #tpu.memory_space<vmem_shared>>
      tpu.enqueue_dma source(%arg11 : memref<8x128xf32, #tpu.memory_space<vmem>>) target(%dma_start3A_243 : memref<8x128xf32, #tpu.memory_space<vmem_shared>>) target_semaphore(%run_scoped3A : memref<!tpu.dma_semaphore, #tpu.memory_space<semaphore_mem>>)
      %dma_wait3A_244 = arith.constant 0 : i32
      %dma_wait3A_245 = tpu.memref_slice %arg12[%add3A_35, %dma_wait3A_244] : memref<5128x128xf32, #tpu.memory_space<vmem_shared>> -> memref<8x128xf32, #tpu.memory_space<vmem_shared>>
      %dma_wait3A_246 = arith.constant 0 : i32
      %dma_wait3A_247 = tpu.memref_slice %arg12[%add3A_35, %dma_wait3A_246] : memref<5128x128xf32, #tpu.memory_space<vmem_shared>> -> memref<8x128xf32, #tpu.memory_space<vmem_shared>>
      tpu.wait_dma2 semaphore(%run_scoped3A : memref<!tpu.dma_semaphore, #tpu.memory_space<semaphore_mem>>) src(%arg11 : memref<8x128xf32, #tpu.memory_space<vmem>>) dst(%dma_wait3A_247 : memref<8x128xf32, #tpu.memory_space<vmem_shared>>)
      tpu.yield
    }) : () -> ()
    %mul3A_36 = arith.constant 320 : i32
    %mul3A_37 = arith.muli %arg1, %mul3A_36 : i32
    %add3A_38 = arith.constant 64 : i32
    %add3A_39 = arith.addi %mul3A_37, %add3A_38 : i32
    "tpu.region"() ({
      %run_scoped3A = tpu.sem_alloc : memref<!tpu.dma_semaphore, #tpu.memory_space<semaphore_mem>>
      %dma_start3A_240 = arith.constant 0 : i32
      %dma_start3A_241 = tpu.memref_slice %arg12[%add3A_39, %dma_start3A_240] : memref<5128x128xf32, #tpu.memory_space<vmem_shared>> -> memref<8x128xf32, #tpu.memory_space<vmem_shared>>
      %dma_start3A_242 = arith.constant 0 : i32
      %dma_start3A_243 = tpu.memref_slice %arg12[%add3A_39, %dma_start3A_242] : memref<5128x128xf32, #tpu.memory_space<vmem_shared>> -> memref<8x128xf32, #tpu.memory_space<vmem_shared>>
      tpu.enqueue_dma source(%arg11 : memref<8x128xf32, #tpu.memory_space<vmem>>) target(%dma_start3A_243 : memref<8x128xf32, #tpu.memory_space<vmem_shared>>) target_semaphore(%run_scoped3A : memref<!tpu.dma_semaphore, #tpu.memory_space<semaphore_mem>>)
      %dma_wait3A_244 = arith.constant 0 : i32
      %dma_wait3A_245 = tpu.memref_slice %arg12[%add3A_39, %dma_wait3A_244] : memref<5128x128xf32, #tpu.memory_space<vmem_shared>> -> memref<8x128xf32, #tpu.memory_space<vmem_shared>>
      %dma_wait3A_246 = arith.constant 0 : i32
      %dma_wait3A_247 = tpu.memref_slice %arg12[%add3A_39, %dma_wait3A_246] : memref<5128x128xf32, #tpu.memory_space<vmem_shared>> -> memref<8x128xf32, #tpu.memory_space<vmem_shared>>
      tpu.wait_dma2 semaphore(%run_scoped3A : memref<!tpu.dma_semaphore, #tpu.memory_space<semaphore_mem>>) src(%arg11 : memref<8x128xf32, #tpu.memory_space<vmem>>) dst(%dma_wait3A_247 : memref<8x128xf32, #tpu.memory_space<vmem_shared>>)
      tpu.yield
    }) : () -> ()
    %mul3A_40 = arith.constant 320 : i32
    %mul3A_41 = arith.muli %arg1, %mul3A_40 : i32
    %add3A_42 = arith.constant 72 : i32
    %add3A_43 = arith.addi %mul3A_41, %add3A_42 : i32
    "tpu.region"() ({
      %run_scoped3A = tpu.sem_alloc : memref<!tpu.dma_semaphore, #tpu.memory_space<semaphore_mem>>
      %dma_start3A_240 = arith.constant 0 : i32
      %dma_start3A_241 = tpu.memref_slice %arg12[%add3A_43, %dma_start3A_240] : memref<5128x128xf32, #tpu.memory_space<vmem_shared>> -> memref<8x128xf32, #tpu.memory_space<vmem_shared>>
      %dma_start3A_242 = arith.constant 0 : i32
      %dma_start3A_243 = tpu.memref_slice %arg12[%add3A_43, %dma_start3A_242] : memref<5128x128xf32, #tpu.memory_space<vmem_shared>> -> memref<8x128xf32, #tpu.memory_space<vmem_shared>>
      tpu.enqueue_dma source(%arg11 : memref<8x128xf32, #tpu.memory_space<vmem>>) target(%dma_start3A_243 : memref<8x128xf32, #tpu.memory_space<vmem_shared>>) target_semaphore(%run_scoped3A : memref<!tpu.dma_semaphore, #tpu.memory_space<semaphore_mem>>)
      %dma_wait3A_244 = arith.constant 0 : i32
      %dma_wait3A_245 = tpu.memref_slice %arg12[%add3A_43, %dma_wait3A_244] : memref<5128x128xf32, #tpu.memory_space<vmem_shared>> -> memref<8x128xf32, #tpu.memory_space<vmem_shared>>
      %dma_wait3A_246 = arith.constant 0 : i32
      %dma_wait3A_247 = tpu.memref_slice %arg12[%add3A_43, %dma_wait3A_246] : memref<5128x128xf32, #tpu.memory_space<vmem_shared>> -> memref<8x128xf32, #tpu.memory_space<vmem_shared>>
      tpu.wait_dma2 semaphore(%run_scoped3A : memref<!tpu.dma_semaphore, #tpu.memory_space<semaphore_mem>>) src(%arg11 : memref<8x128xf32, #tpu.memory_space<vmem>>) dst(%dma_wait3A_247 : memref<8x128xf32, #tpu.memory_space<vmem_shared>>)
      tpu.yield
    }) : () -> ()
    %mul3A_44 = arith.constant 320 : i32
    %mul3A_45 = arith.muli %arg1, %mul3A_44 : i32
    %add3A_46 = arith.constant 80 : i32
    %add3A_47 = arith.addi %mul3A_45, %add3A_46 : i32
    "tpu.region"() ({
      %run_scoped3A = tpu.sem_alloc : memref<!tpu.dma_semaphore, #tpu.memory_space<semaphore_mem>>
      %dma_start3A_240 = arith.constant 0 : i32
      %dma_start3A_241 = tpu.memref_slice %arg12[%add3A_47, %dma_start3A_240] : memref<5128x128xf32, #tpu.memory_space<vmem_shared>> -> memref<8x128xf32, #tpu.memory_space<vmem_shared>>
      %dma_start3A_242 = arith.constant 0 : i32
      %dma_start3A_243 = tpu.memref_slice %arg12[%add3A_47, %dma_start3A_242] : memref<5128x128xf32, #tpu.memory_space<vmem_shared>> -> memref<8x128xf32, #tpu.memory_space<vmem_shared>>
      tpu.enqueue_dma source(%arg11 : memref<8x128xf32, #tpu.memory_space<vmem>>) target(%dma_start3A_243 : memref<8x128xf32, #tpu.memory_space<vmem_shared>>) target_semaphore(%run_scoped3A : memref<!tpu.dma_semaphore, #tpu.memory_space<semaphore_mem>>)
      %dma_wait3A_244 = arith.constant 0 : i32
      %dma_wait3A_245 = tpu.memref_slice %arg12[%add3A_47, %dma_wait3A_244] : memref<5128x128xf32, #tpu.memory_space<vmem_shared>> -> memref<8x128xf32, #tpu.memory_space<vmem_shared>>
      %dma_wait3A_246 = arith.constant 0 : i32
      %dma_wait3A_247 = tpu.memref_slice %arg12[%add3A_47, %dma_wait3A_246] : memref<5128x128xf32, #tpu.memory_space<vmem_shared>> -> memref<8x128xf32, #tpu.memory_space<vmem_shared>>
      tpu.wait_dma2 semaphore(%run_scoped3A : memref<!tpu.dma_semaphore, #tpu.memory_space<semaphore_mem>>) src(%arg11 : memref<8x128xf32, #tpu.memory_space<vmem>>) dst(%dma_wait3A_247 : memref<8x128xf32, #tpu.memory_space<vmem_shared>>)
      tpu.yield
    }) : () -> ()
    %mul3A_48 = arith.constant 320 : i32
    %mul3A_49 = arith.muli %arg1, %mul3A_48 : i32
    %add3A_50 = arith.constant 88 : i32
    %add3A_51 = arith.addi %mul3A_49, %add3A_50 : i32
    "tpu.region"() ({
      %run_scoped3A = tpu.sem_alloc : memref<!tpu.dma_semaphore, #tpu.memory_space<semaphore_mem>>
      %dma_start3A_240 = arith.constant 0 : i32
      %dma_start3A_241 = tpu.memref_slice %arg12[%add3A_51, %dma_start3A_240] : memref<5128x128xf32, #tpu.memory_space<vmem_shared>> -> memref<8x128xf32, #tpu.memory_space<vmem_shared>>
      %dma_start3A_242 = arith.constant 0 : i32
      %dma_start3A_243 = tpu.memref_slice %arg12[%add3A_51, %dma_start3A_242] : memref<5128x128xf32, #tpu.memory_space<vmem_shared>> -> memref<8x128xf32, #tpu.memory_space<vmem_shared>>
      tpu.enqueue_dma source(%arg11 : memref<8x128xf32, #tpu.memory_space<vmem>>) target(%dma_start3A_243 : memref<8x128xf32, #tpu.memory_space<vmem_shared>>) target_semaphore(%run_scoped3A : memref<!tpu.dma_semaphore, #tpu.memory_space<semaphore_mem>>)
      %dma_wait3A_244 = arith.constant 0 : i32
      %dma_wait3A_245 = tpu.memref_slice %arg12[%add3A_51, %dma_wait3A_244] : memref<5128x128xf32, #tpu.memory_space<vmem_shared>> -> memref<8x128xf32, #tpu.memory_space<vmem_shared>>
      %dma_wait3A_246 = arith.constant 0 : i32
      %dma_wait3A_247 = tpu.memref_slice %arg12[%add3A_51, %dma_wait3A_246] : memref<5128x128xf32, #tpu.memory_space<vmem_shared>> -> memref<8x128xf32, #tpu.memory_space<vmem_shared>>
      tpu.wait_dma2 semaphore(%run_scoped3A : memref<!tpu.dma_semaphore, #tpu.memory_space<semaphore_mem>>) src(%arg11 : memref<8x128xf32, #tpu.memory_space<vmem>>) dst(%dma_wait3A_247 : memref<8x128xf32, #tpu.memory_space<vmem_shared>>)
      tpu.yield
    }) : () -> ()
    %mul3A_52 = arith.constant 320 : i32
    %mul3A_53 = arith.muli %arg1, %mul3A_52 : i32
    %add3A_54 = arith.constant 96 : i32
    %add3A_55 = arith.addi %mul3A_53, %add3A_54 : i32
    "tpu.region"() ({
      %run_scoped3A = tpu.sem_alloc : memref<!tpu.dma_semaphore, #tpu.memory_space<semaphore_mem>>
      %dma_start3A_240 = arith.constant 0 : i32
      %dma_start3A_241 = tpu.memref_slice %arg12[%add3A_55, %dma_start3A_240] : memref<5128x128xf32, #tpu.memory_space<vmem_shared>> -> memref<8x128xf32, #tpu.memory_space<vmem_shared>>
      %dma_start3A_242 = arith.constant 0 : i32
      %dma_start3A_243 = tpu.memref_slice %arg12[%add3A_55, %dma_start3A_242] : memref<5128x128xf32, #tpu.memory_space<vmem_shared>> -> memref<8x128xf32, #tpu.memory_space<vmem_shared>>
      tpu.enqueue_dma source(%arg11 : memref<8x128xf32, #tpu.memory_space<vmem>>) target(%dma_start3A_243 : memref<8x128xf32, #tpu.memory_space<vmem_shared>>) target_semaphore(%run_scoped3A : memref<!tpu.dma_semaphore, #tpu.memory_space<semaphore_mem>>)
      %dma_wait3A_244 = arith.constant 0 : i32
      %dma_wait3A_245 = tpu.memref_slice %arg12[%add3A_55, %dma_wait3A_244] : memref<5128x128xf32, #tpu.memory_space<vmem_shared>> -> memref<8x128xf32, #tpu.memory_space<vmem_shared>>
      %dma_wait3A_246 = arith.constant 0 : i32
      %dma_wait3A_247 = tpu.memref_slice %arg12[%add3A_55, %dma_wait3A_246] : memref<5128x128xf32, #tpu.memory_space<vmem_shared>> -> memref<8x128xf32, #tpu.memory_space<vmem_shared>>
      tpu.wait_dma2 semaphore(%run_scoped3A : memref<!tpu.dma_semaphore, #tpu.memory_space<semaphore_mem>>) src(%arg11 : memref<8x128xf32, #tpu.memory_space<vmem>>) dst(%dma_wait3A_247 : memref<8x128xf32, #tpu.memory_space<vmem_shared>>)
      tpu.yield
    }) : () -> ()
    %mul3A_56 = arith.constant 320 : i32
    %mul3A_57 = arith.muli %arg1, %mul3A_56 : i32
    %add3A_58 = arith.constant 104 : i32
    %add3A_59 = arith.addi %mul3A_57, %add3A_58 : i32
    "tpu.region"() ({
      %run_scoped3A = tpu.sem_alloc : memref<!tpu.dma_semaphore, #tpu.memory_space<semaphore_mem>>
      %dma_start3A_240 = arith.constant 0 : i32
      %dma_start3A_241 = tpu.memref_slice %arg12[%add3A_59, %dma_start3A_240] : memref<5128x128xf32, #tpu.memory_space<vmem_shared>> -> memref<8x128xf32, #tpu.memory_space<vmem_shared>>
      %dma_start3A_242 = arith.constant 0 : i32
      %dma_start3A_243 = tpu.memref_slice %arg12[%add3A_59, %dma_start3A_242] : memref<5128x128xf32, #tpu.memory_space<vmem_shared>> -> memref<8x128xf32, #tpu.memory_space<vmem_shared>>
      tpu.enqueue_dma source(%arg11 : memref<8x128xf32, #tpu.memory_space<vmem>>) target(%dma_start3A_243 : memref<8x128xf32, #tpu.memory_space<vmem_shared>>) target_semaphore(%run_scoped3A : memref<!tpu.dma_semaphore, #tpu.memory_space<semaphore_mem>>)
      %dma_wait3A_244 = arith.constant 0 : i32
      %dma_wait3A_245 = tpu.memref_slice %arg12[%add3A_59, %dma_wait3A_244] : memref<5128x128xf32, #tpu.memory_space<vmem_shared>> -> memref<8x128xf32, #tpu.memory_space<vmem_shared>>
      %dma_wait3A_246 = arith.constant 0 : i32
      %dma_wait3A_247 = tpu.memref_slice %arg12[%add3A_59, %dma_wait3A_246] : memref<5128x128xf32, #tpu.memory_space<vmem_shared>> -> memref<8x128xf32, #tpu.memory_space<vmem_shared>>
      tpu.wait_dma2 semaphore(%run_scoped3A : memref<!tpu.dma_semaphore, #tpu.memory_space<semaphore_mem>>) src(%arg11 : memref<8x128xf32, #tpu.memory_space<vmem>>) dst(%dma_wait3A_247 : memref<8x128xf32, #tpu.memory_space<vmem_shared>>)
      tpu.yield
    }) : () -> ()
    %mul3A_60 = arith.constant 320 : i32
    %mul3A_61 = arith.muli %arg1, %mul3A_60 : i32
    %add3A_62 = arith.constant 112 : i32
    %add3A_63 = arith.addi %mul3A_61, %add3A_62 : i32
    "tpu.region"() ({
      %run_scoped3A = tpu.sem_alloc : memref<!tpu.dma_semaphore, #tpu.memory_space<semaphore_mem>>
      %dma_start3A_240 = arith.constant 0 : i32
      %dma_start3A_241 = tpu.memref_slice %arg12[%add3A_63, %dma_start3A_240] : memref<5128x128xf32, #tpu.memory_space<vmem_shared>> -> memref<8x128xf32, #tpu.memory_space<vmem_shared>>
      %dma_start3A_242 = arith.constant 0 : i32
      %dma_start3A_243 = tpu.memref_slice %arg12[%add3A_63, %dma_start3A_242] : memref<5128x128xf32, #tpu.memory_space<vmem_shared>> -> memref<8x128xf32, #tpu.memory_space<vmem_shared>>
      tpu.enqueue_dma source(%arg11 : memref<8x128xf32, #tpu.memory_space<vmem>>) target(%dma_start3A_243 : memref<8x128xf32, #tpu.memory_space<vmem_shared>>) target_semaphore(%run_scoped3A : memref<!tpu.dma_semaphore, #tpu.memory_space<semaphore_mem>>)
      %dma_wait3A_244 = arith.constant 0 : i32
      %dma_wait3A_245 = tpu.memref_slice %arg12[%add3A_63, %dma_wait3A_244] : memref<5128x128xf32, #tpu.memory_space<vmem_shared>> -> memref<8x128xf32, #tpu.memory_space<vmem_shared>>
      %dma_wait3A_246 = arith.constant 0 : i32
      %dma_wait3A_247 = tpu.memref_slice %arg12[%add3A_63, %dma_wait3A_246] : memref<5128x128xf32, #tpu.memory_space<vmem_shared>> -> memref<8x128xf32, #tpu.memory_space<vmem_shared>>
      tpu.wait_dma2 semaphore(%run_scoped3A : memref<!tpu.dma_semaphore, #tpu.memory_space<semaphore_mem>>) src(%arg11 : memref<8x128xf32, #tpu.memory_space<vmem>>) dst(%dma_wait3A_247 : memref<8x128xf32, #tpu.memory_space<vmem_shared>>)
      tpu.yield
    }) : () -> ()
    %mul3A_64 = arith.constant 320 : i32
    %mul3A_65 = arith.muli %arg1, %mul3A_64 : i32
    %add3A_66 = arith.constant 120 : i32
    %add3A_67 = arith.addi %mul3A_65, %add3A_66 : i32
    "tpu.region"() ({
      %run_scoped3A = tpu.sem_alloc : memref<!tpu.dma_semaphore, #tpu.memory_space<semaphore_mem>>
      %dma_start3A_240 = arith.constant 0 : i32
      %dma_start3A_241 = tpu.memref_slice %arg12[%add3A_67, %dma_start3A_240] : memref<5128x128xf32, #tpu.memory_space<vmem_shared>> -> memref<8x128xf32, #tpu.memory_space<vmem_shared>>
      %dma_start3A_242 = arith.constant 0 : i32
      %dma_start3A_243 = tpu.memref_slice %arg12[%add3A_67, %dma_start3A_242] : memref<5128x128xf32, #tpu.memory_space<vmem_shared>> -> memref<8x128xf32, #tpu.memory_space<vmem_shared>>
      tpu.enqueue_dma source(%arg11 : memref<8x128xf32, #tpu.memory_space<vmem>>) target(%dma_start3A_243 : memref<8x128xf32, #tpu.memory_space<vmem_shared>>) target_semaphore(%run_scoped3A : memref<!tpu.dma_semaphore, #tpu.memory_space<semaphore_mem>>)
      %dma_wait3A_244 = arith.constant 0 : i32
      %dma_wait3A_245 = tpu.memref_slice %arg12[%add3A_67, %dma_wait3A_244] : memref<5128x128xf32, #tpu.memory_space<vmem_shared>> -> memref<8x128xf32, #tpu.memory_space<vmem_shared>>
      %dma_wait3A_246 = arith.constant 0 : i32
      %dma_wait3A_247 = tpu.memref_slice %arg12[%add3A_67, %dma_wait3A_246] : memref<5128x128xf32, #tpu.memory_space<vmem_shared>> -> memref<8x128xf32, #tpu.memory_space<vmem_shared>>
      tpu.wait_dma2 semaphore(%run_scoped3A : memref<!tpu.dma_semaphore, #tpu.memory_space<semaphore_mem>>) src(%arg11 : memref<8x128xf32, #tpu.memory_space<vmem>>) dst(%dma_wait3A_247 : memref<8x128xf32, #tpu.memory_space<vmem_shared>>)
      tpu.yield
    }) : () -> ()
    %mul3A_68 = arith.constant 320 : i32
    %mul3A_69 = arith.muli %arg1, %mul3A_68 : i32
    %add3A_70 = arith.constant 128 : i32
    %add3A_71 = arith.addi %mul3A_69, %add3A_70 : i32
    "tpu.region"() ({
      %run_scoped3A = tpu.sem_alloc : memref<!tpu.dma_semaphore, #tpu.memory_space<semaphore_mem>>
      %dma_start3A_240 = arith.constant 0 : i32
      %dma_start3A_241 = tpu.memref_slice %arg12[%add3A_71, %dma_start3A_240] : memref<5128x128xf32, #tpu.memory_space<vmem_shared>> -> memref<8x128xf32, #tpu.memory_space<vmem_shared>>
      %dma_start3A_242 = arith.constant 0 : i32
      %dma_start3A_243 = tpu.memref_slice %arg12[%add3A_71, %dma_start3A_242] : memref<5128x128xf32, #tpu.memory_space<vmem_shared>> -> memref<8x128xf32, #tpu.memory_space<vmem_shared>>
      tpu.enqueue_dma source(%arg11 : memref<8x128xf32, #tpu.memory_space<vmem>>) target(%dma_start3A_243 : memref<8x128xf32, #tpu.memory_space<vmem_shared>>) target_semaphore(%run_scoped3A : memref<!tpu.dma_semaphore, #tpu.memory_space<semaphore_mem>>)
      %dma_wait3A_244 = arith.constant 0 : i32
      %dma_wait3A_245 = tpu.memref_slice %arg12[%add3A_71, %dma_wait3A_244] : memref<5128x128xf32, #tpu.memory_space<vmem_shared>> -> memref<8x128xf32, #tpu.memory_space<vmem_shared>>
      %dma_wait3A_246 = arith.constant 0 : i32
      %dma_wait3A_247 = tpu.memref_slice %arg12[%add3A_71, %dma_wait3A_246] : memref<5128x128xf32, #tpu.memory_space<vmem_shared>> -> memref<8x128xf32, #tpu.memory_space<vmem_shared>>
      tpu.wait_dma2 semaphore(%run_scoped3A : memref<!tpu.dma_semaphore, #tpu.memory_space<semaphore_mem>>) src(%arg11 : memref<8x128xf32, #tpu.memory_space<vmem>>) dst(%dma_wait3A_247 : memref<8x128xf32, #tpu.memory_space<vmem_shared>>)
      tpu.yield
    }) : () -> ()
    %mul3A_72 = arith.constant 320 : i32
    %mul3A_73 = arith.muli %arg1, %mul3A_72 : i32
    %add3A_74 = arith.constant 136 : i32
    %add3A_75 = arith.addi %mul3A_73, %add3A_74 : i32
    "tpu.region"() ({
      %run_scoped3A = tpu.sem_alloc : memref<!tpu.dma_semaphore, #tpu.memory_space<semaphore_mem>>
      %dma_start3A_240 = arith.constant 0 : i32
      %dma_start3A_241 = tpu.memref_slice %arg12[%add3A_75, %dma_start3A_240] : memref<5128x128xf32, #tpu.memory_space<vmem_shared>> -> memref<8x128xf32, #tpu.memory_space<vmem_shared>>
      %dma_start3A_242 = arith.constant 0 : i32
      %dma_start3A_243 = tpu.memref_slice %arg12[%add3A_75, %dma_start3A_242] : memref<5128x128xf32, #tpu.memory_space<vmem_shared>> -> memref<8x128xf32, #tpu.memory_space<vmem_shared>>
      tpu.enqueue_dma source(%arg11 : memref<8x128xf32, #tpu.memory_space<vmem>>) target(%dma_start3A_243 : memref<8x128xf32, #tpu.memory_space<vmem_shared>>) target_semaphore(%run_scoped3A : memref<!tpu.dma_semaphore, #tpu.memory_space<semaphore_mem>>)
      %dma_wait3A_244 = arith.constant 0 : i32
      %dma_wait3A_245 = tpu.memref_slice %arg12[%add3A_75, %dma_wait3A_244] : memref<5128x128xf32, #tpu.memory_space<vmem_shared>> -> memref<8x128xf32, #tpu.memory_space<vmem_shared>>
      %dma_wait3A_246 = arith.constant 0 : i32
      %dma_wait3A_247 = tpu.memref_slice %arg12[%add3A_75, %dma_wait3A_246] : memref<5128x128xf32, #tpu.memory_space<vmem_shared>> -> memref<8x128xf32, #tpu.memory_space<vmem_shared>>
      tpu.wait_dma2 semaphore(%run_scoped3A : memref<!tpu.dma_semaphore, #tpu.memory_space<semaphore_mem>>) src(%arg11 : memref<8x128xf32, #tpu.memory_space<vmem>>) dst(%dma_wait3A_247 : memref<8x128xf32, #tpu.memory_space<vmem_shared>>)
      tpu.yield
    }) : () -> ()
    %mul3A_76 = arith.constant 320 : i32
    %mul3A_77 = arith.muli %arg1, %mul3A_76 : i32
    %add3A_78 = arith.constant 144 : i32
    %add3A_79 = arith.addi %mul3A_77, %add3A_78 : i32
    "tpu.region"() ({
      %run_scoped3A = tpu.sem_alloc : memref<!tpu.dma_semaphore, #tpu.memory_space<semaphore_mem>>
      %dma_start3A_240 = arith.constant 0 : i32
      %dma_start3A_241 = tpu.memref_slice %arg12[%add3A_79, %dma_start3A_240] : memref<5128x128xf32, #tpu.memory_space<vmem_shared>> -> memref<8x128xf32, #tpu.memory_space<vmem_shared>>
      %dma_start3A_242 = arith.constant 0 : i32
      %dma_start3A_243 = tpu.memref_slice %arg12[%add3A_79, %dma_start3A_242] : memref<5128x128xf32, #tpu.memory_space<vmem_shared>> -> memref<8x128xf32, #tpu.memory_space<vmem_shared>>
      tpu.enqueue_dma source(%arg11 : memref<8x128xf32, #tpu.memory_space<vmem>>) target(%dma_start3A_243 : memref<8x128xf32, #tpu.memory_space<vmem_shared>>) target_semaphore(%run_scoped3A : memref<!tpu.dma_semaphore, #tpu.memory_space<semaphore_mem>>)
      %dma_wait3A_244 = arith.constant 0 : i32
      %dma_wait3A_245 = tpu.memref_slice %arg12[%add3A_79, %dma_wait3A_244] : memref<5128x128xf32, #tpu.memory_space<vmem_shared>> -> memref<8x128xf32, #tpu.memory_space<vmem_shared>>
      %dma_wait3A_246 = arith.constant 0 : i32
      %dma_wait3A_247 = tpu.memref_slice %arg12[%add3A_79, %dma_wait3A_246] : memref<5128x128xf32, #tpu.memory_space<vmem_shared>> -> memref<8x128xf32, #tpu.memory_space<vmem_shared>>
      tpu.wait_dma2 semaphore(%run_scoped3A : memref<!tpu.dma_semaphore, #tpu.memory_space<semaphore_mem>>) src(%arg11 : memref<8x128xf32, #tpu.memory_space<vmem>>) dst(%dma_wait3A_247 : memref<8x128xf32, #tpu.memory_space<vmem_shared>>)
      tpu.yield
    }) : () -> ()
    %mul3A_80 = arith.constant 320 : i32
    %mul3A_81 = arith.muli %arg1, %mul3A_80 : i32
    %add3A_82 = arith.constant 152 : i32
    %add3A_83 = arith.addi %mul3A_81, %add3A_82 : i32
    "tpu.region"() ({
      %run_scoped3A = tpu.sem_alloc : memref<!tpu.dma_semaphore, #tpu.memory_space<semaphore_mem>>
      %dma_start3A_240 = arith.constant 0 : i32
      %dma_start3A_241 = tpu.memref_slice %arg12[%add3A_83, %dma_start3A_240] : memref<5128x128xf32, #tpu.memory_space<vmem_shared>> -> memref<8x128xf32, #tpu.memory_space<vmem_shared>>
      %dma_start3A_242 = arith.constant 0 : i32
      %dma_start3A_243 = tpu.memref_slice %arg12[%add3A_83, %dma_start3A_242] : memref<5128x128xf32, #tpu.memory_space<vmem_shared>> -> memref<8x128xf32, #tpu.memory_space<vmem_shared>>
      tpu.enqueue_dma source(%arg11 : memref<8x128xf32, #tpu.memory_space<vmem>>) target(%dma_start3A_243 : memref<8x128xf32, #tpu.memory_space<vmem_shared>>) target_semaphore(%run_scoped3A : memref<!tpu.dma_semaphore, #tpu.memory_space<semaphore_mem>>)
      %dma_wait3A_244 = arith.constant 0 : i32
      %dma_wait3A_245 = tpu.memref_slice %arg12[%add3A_83, %dma_wait3A_244] : memref<5128x128xf32, #tpu.memory_space<vmem_shared>> -> memref<8x128xf32, #tpu.memory_space<vmem_shared>>
      %dma_wait3A_246 = arith.constant 0 : i32
      %dma_wait3A_247 = tpu.memref_slice %arg12[%add3A_83, %dma_wait3A_246] : memref<5128x128xf32, #tpu.memory_space<vmem_shared>> -> memref<8x128xf32, #tpu.memory_space<vmem_shared>>
      tpu.wait_dma2 semaphore(%run_scoped3A : memref<!tpu.dma_semaphore, #tpu.memory_space<semaphore_mem>>) src(%arg11 : memref<8x128xf32, #tpu.memory_space<vmem>>) dst(%dma_wait3A_247 : memref<8x128xf32, #tpu.memory_space<vmem_shared>>)
      tpu.yield
    }) : () -> ()
    %mul3A_84 = arith.constant 320 : i32
    %mul3A_85 = arith.muli %arg1, %mul3A_84 : i32
    %add3A_86 = arith.constant 160 : i32
    %add3A_87 = arith.addi %mul3A_85, %add3A_86 : i32
    "tpu.region"() ({
      %run_scoped3A = tpu.sem_alloc : memref<!tpu.dma_semaphore, #tpu.memory_space<semaphore_mem>>
      %dma_start3A_240 = arith.constant 0 : i32
      %dma_start3A_241 = tpu.memref_slice %arg12[%add3A_87, %dma_start3A_240] : memref<5128x128xf32, #tpu.memory_space<vmem_shared>> -> memref<8x128xf32, #tpu.memory_space<vmem_shared>>
      %dma_start3A_242 = arith.constant 0 : i32
      %dma_start3A_243 = tpu.memref_slice %arg12[%add3A_87, %dma_start3A_242] : memref<5128x128xf32, #tpu.memory_space<vmem_shared>> -> memref<8x128xf32, #tpu.memory_space<vmem_shared>>
      tpu.enqueue_dma source(%arg11 : memref<8x128xf32, #tpu.memory_space<vmem>>) target(%dma_start3A_243 : memref<8x128xf32, #tpu.memory_space<vmem_shared>>) target_semaphore(%run_scoped3A : memref<!tpu.dma_semaphore, #tpu.memory_space<semaphore_mem>>)
      %dma_wait3A_244 = arith.constant 0 : i32
      %dma_wait3A_245 = tpu.memref_slice %arg12[%add3A_87, %dma_wait3A_244] : memref<5128x128xf32, #tpu.memory_space<vmem_shared>> -> memref<8x128xf32, #tpu.memory_space<vmem_shared>>
      %dma_wait3A_246 = arith.constant 0 : i32
      %dma_wait3A_247 = tpu.memref_slice %arg12[%add3A_87, %dma_wait3A_246] : memref<5128x128xf32, #tpu.memory_space<vmem_shared>> -> memref<8x128xf32, #tpu.memory_space<vmem_shared>>
      tpu.wait_dma2 semaphore(%run_scoped3A : memref<!tpu.dma_semaphore, #tpu.memory_space<semaphore_mem>>) src(%arg11 : memref<8x128xf32, #tpu.memory_space<vmem>>) dst(%dma_wait3A_247 : memref<8x128xf32, #tpu.memory_space<vmem_shared>>)
      tpu.yield
    }) : () -> ()
    %mul3A_88 = arith.constant 320 : i32
    %mul3A_89 = arith.muli %arg1, %mul3A_88 : i32
    %add3A_90 = arith.constant 168 : i32
    %add3A_91 = arith.addi %mul3A_89, %add3A_90 : i32
    "tpu.region"() ({
      %run_scoped3A = tpu.sem_alloc : memref<!tpu.dma_semaphore, #tpu.memory_space<semaphore_mem>>
      %dma_start3A_240 = arith.constant 0 : i32
      %dma_start3A_241 = tpu.memref_slice %arg12[%add3A_91, %dma_start3A_240] : memref<5128x128xf32, #tpu.memory_space<vmem_shared>> -> memref<8x128xf32, #tpu.memory_space<vmem_shared>>
      %dma_start3A_242 = arith.constant 0 : i32
      %dma_start3A_243 = tpu.memref_slice %arg12[%add3A_91, %dma_start3A_242] : memref<5128x128xf32, #tpu.memory_space<vmem_shared>> -> memref<8x128xf32, #tpu.memory_space<vmem_shared>>
      tpu.enqueue_dma source(%arg11 : memref<8x128xf32, #tpu.memory_space<vmem>>) target(%dma_start3A_243 : memref<8x128xf32, #tpu.memory_space<vmem_shared>>) target_semaphore(%run_scoped3A : memref<!tpu.dma_semaphore, #tpu.memory_space<semaphore_mem>>)
      %dma_wait3A_244 = arith.constant 0 : i32
      %dma_wait3A_245 = tpu.memref_slice %arg12[%add3A_91, %dma_wait3A_244] : memref<5128x128xf32, #tpu.memory_space<vmem_shared>> -> memref<8x128xf32, #tpu.memory_space<vmem_shared>>
      %dma_wait3A_246 = arith.constant 0 : i32
      %dma_wait3A_247 = tpu.memref_slice %arg12[%add3A_91, %dma_wait3A_246] : memref<5128x128xf32, #tpu.memory_space<vmem_shared>> -> memref<8x128xf32, #tpu.memory_space<vmem_shared>>
      tpu.wait_dma2 semaphore(%run_scoped3A : memref<!tpu.dma_semaphore, #tpu.memory_space<semaphore_mem>>) src(%arg11 : memref<8x128xf32, #tpu.memory_space<vmem>>) dst(%dma_wait3A_247 : memref<8x128xf32, #tpu.memory_space<vmem_shared>>)
      tpu.yield
    }) : () -> ()
    %mul3A_92 = arith.constant 320 : i32
    %mul3A_93 = arith.muli %arg1, %mul3A_92 : i32
    %add3A_94 = arith.constant 176 : i32
    %add3A_95 = arith.addi %mul3A_93, %add3A_94 : i32
    "tpu.region"() ({
      %run_scoped3A = tpu.sem_alloc : memref<!tpu.dma_semaphore, #tpu.memory_space<semaphore_mem>>
      %dma_start3A_240 = arith.constant 0 : i32
      %dma_start3A_241 = tpu.memref_slice %arg12[%add3A_95, %dma_start3A_240] : memref<5128x128xf32, #tpu.memory_space<vmem_shared>> -> memref<8x128xf32, #tpu.memory_space<vmem_shared>>
      %dma_start3A_242 = arith.constant 0 : i32
      %dma_start3A_243 = tpu.memref_slice %arg12[%add3A_95, %dma_start3A_242] : memref<5128x128xf32, #tpu.memory_space<vmem_shared>> -> memref<8x128xf32, #tpu.memory_space<vmem_shared>>
      tpu.enqueue_dma source(%arg11 : memref<8x128xf32, #tpu.memory_space<vmem>>) target(%dma_start3A_243 : memref<8x128xf32, #tpu.memory_space<vmem_shared>>) target_semaphore(%run_scoped3A : memref<!tpu.dma_semaphore, #tpu.memory_space<semaphore_mem>>)
      %dma_wait3A_244 = arith.constant 0 : i32
      %dma_wait3A_245 = tpu.memref_slice %arg12[%add3A_95, %dma_wait3A_244] : memref<5128x128xf32, #tpu.memory_space<vmem_shared>> -> memref<8x128xf32, #tpu.memory_space<vmem_shared>>
      %dma_wait3A_246 = arith.constant 0 : i32
      %dma_wait3A_247 = tpu.memref_slice %arg12[%add3A_95, %dma_wait3A_246] : memref<5128x128xf32, #tpu.memory_space<vmem_shared>> -> memref<8x128xf32, #tpu.memory_space<vmem_shared>>
      tpu.wait_dma2 semaphore(%run_scoped3A : memref<!tpu.dma_semaphore, #tpu.memory_space<semaphore_mem>>) src(%arg11 : memref<8x128xf32, #tpu.memory_space<vmem>>) dst(%dma_wait3A_247 : memref<8x128xf32, #tpu.memory_space<vmem_shared>>)
      tpu.yield
    }) : () -> ()
    %mul3A_96 = arith.constant 320 : i32
    %mul3A_97 = arith.muli %arg1, %mul3A_96 : i32
    %add3A_98 = arith.constant 184 : i32
    %add3A_99 = arith.addi %mul3A_97, %add3A_98 : i32
    "tpu.region"() ({
      %run_scoped3A = tpu.sem_alloc : memref<!tpu.dma_semaphore, #tpu.memory_space<semaphore_mem>>
      %dma_start3A_240 = arith.constant 0 : i32
      %dma_start3A_241 = tpu.memref_slice %arg12[%add3A_99, %dma_start3A_240] : memref<5128x128xf32, #tpu.memory_space<vmem_shared>> -> memref<8x128xf32, #tpu.memory_space<vmem_shared>>
      %dma_start3A_242 = arith.constant 0 : i32
      %dma_start3A_243 = tpu.memref_slice %arg12[%add3A_99, %dma_start3A_242] : memref<5128x128xf32, #tpu.memory_space<vmem_shared>> -> memref<8x128xf32, #tpu.memory_space<vmem_shared>>
      tpu.enqueue_dma source(%arg11 : memref<8x128xf32, #tpu.memory_space<vmem>>) target(%dma_start3A_243 : memref<8x128xf32, #tpu.memory_space<vmem_shared>>) target_semaphore(%run_scoped3A : memref<!tpu.dma_semaphore, #tpu.memory_space<semaphore_mem>>)
      %dma_wait3A_244 = arith.constant 0 : i32
      %dma_wait3A_245 = tpu.memref_slice %arg12[%add3A_99, %dma_wait3A_244] : memref<5128x128xf32, #tpu.memory_space<vmem_shared>> -> memref<8x128xf32, #tpu.memory_space<vmem_shared>>
      %dma_wait3A_246 = arith.constant 0 : i32
      %dma_wait3A_247 = tpu.memref_slice %arg12[%add3A_99, %dma_wait3A_246] : memref<5128x128xf32, #tpu.memory_space<vmem_shared>> -> memref<8x128xf32, #tpu.memory_space<vmem_shared>>
      tpu.wait_dma2 semaphore(%run_scoped3A : memref<!tpu.dma_semaphore, #tpu.memory_space<semaphore_mem>>) src(%arg11 : memref<8x128xf32, #tpu.memory_space<vmem>>) dst(%dma_wait3A_247 : memref<8x128xf32, #tpu.memory_space<vmem_shared>>)
      tpu.yield
    }) : () -> ()
    %mul3A_100 = arith.constant 320 : i32
    %mul3A_101 = arith.muli %arg1, %mul3A_100 : i32
    %add3A_102 = arith.constant 192 : i32
    %add3A_103 = arith.addi %mul3A_101, %add3A_102 : i32
    "tpu.region"() ({
      %run_scoped3A = tpu.sem_alloc : memref<!tpu.dma_semaphore, #tpu.memory_space<semaphore_mem>>
      %dma_start3A_240 = arith.constant 0 : i32
      %dma_start3A_241 = tpu.memref_slice %arg12[%add3A_103, %dma_start3A_240] : memref<5128x128xf32, #tpu.memory_space<vmem_shared>> -> memref<8x128xf32, #tpu.memory_space<vmem_shared>>
      %dma_start3A_242 = arith.constant 0 : i32
      %dma_start3A_243 = tpu.memref_slice %arg12[%add3A_103, %dma_start3A_242] : memref<5128x128xf32, #tpu.memory_space<vmem_shared>> -> memref<8x128xf32, #tpu.memory_space<vmem_shared>>
      tpu.enqueue_dma source(%arg11 : memref<8x128xf32, #tpu.memory_space<vmem>>) target(%dma_start3A_243 : memref<8x128xf32, #tpu.memory_space<vmem_shared>>) target_semaphore(%run_scoped3A : memref<!tpu.dma_semaphore, #tpu.memory_space<semaphore_mem>>)
      %dma_wait3A_244 = arith.constant 0 : i32
      %dma_wait3A_245 = tpu.memref_slice %arg12[%add3A_103, %dma_wait3A_244] : memref<5128x128xf32, #tpu.memory_space<vmem_shared>> -> memref<8x128xf32, #tpu.memory_space<vmem_shared>>
      %dma_wait3A_246 = arith.constant 0 : i32
      %dma_wait3A_247 = tpu.memref_slice %arg12[%add3A_103, %dma_wait3A_246] : memref<5128x128xf32, #tpu.memory_space<vmem_shared>> -> memref<8x128xf32, #tpu.memory_space<vmem_shared>>
      tpu.wait_dma2 semaphore(%run_scoped3A : memref<!tpu.dma_semaphore, #tpu.memory_space<semaphore_mem>>) src(%arg11 : memref<8x128xf32, #tpu.memory_space<vmem>>) dst(%dma_wait3A_247 : memref<8x128xf32, #tpu.memory_space<vmem_shared>>)
      tpu.yield
    }) : () -> ()
    %mul3A_104 = arith.constant 320 : i32
    %mul3A_105 = arith.muli %arg1, %mul3A_104 : i32
    %add3A_106 = arith.constant 200 : i32
    %add3A_107 = arith.addi %mul3A_105, %add3A_106 : i32
    "tpu.region"() ({
      %run_scoped3A = tpu.sem_alloc : memref<!tpu.dma_semaphore, #tpu.memory_space<semaphore_mem>>
      %dma_start3A_240 = arith.constant 0 : i32
      %dma_start3A_241 = tpu.memref_slice %arg12[%add3A_107, %dma_start3A_240] : memref<5128x128xf32, #tpu.memory_space<vmem_shared>> -> memref<8x128xf32, #tpu.memory_space<vmem_shared>>
      %dma_start3A_242 = arith.constant 0 : i32
      %dma_start3A_243 = tpu.memref_slice %arg12[%add3A_107, %dma_start3A_242] : memref<5128x128xf32, #tpu.memory_space<vmem_shared>> -> memref<8x128xf32, #tpu.memory_space<vmem_shared>>
      tpu.enqueue_dma source(%arg11 : memref<8x128xf32, #tpu.memory_space<vmem>>) target(%dma_start3A_243 : memref<8x128xf32, #tpu.memory_space<vmem_shared>>) target_semaphore(%run_scoped3A : memref<!tpu.dma_semaphore, #tpu.memory_space<semaphore_mem>>)
      %dma_wait3A_244 = arith.constant 0 : i32
      %dma_wait3A_245 = tpu.memref_slice %arg12[%add3A_107, %dma_wait3A_244] : memref<5128x128xf32, #tpu.memory_space<vmem_shared>> -> memref<8x128xf32, #tpu.memory_space<vmem_shared>>
      %dma_wait3A_246 = arith.constant 0 : i32
      %dma_wait3A_247 = tpu.memref_slice %arg12[%add3A_107, %dma_wait3A_246] : memref<5128x128xf32, #tpu.memory_space<vmem_shared>> -> memref<8x128xf32, #tpu.memory_space<vmem_shared>>
      tpu.wait_dma2 semaphore(%run_scoped3A : memref<!tpu.dma_semaphore, #tpu.memory_space<semaphore_mem>>) src(%arg11 : memref<8x128xf32, #tpu.memory_space<vmem>>) dst(%dma_wait3A_247 : memref<8x128xf32, #tpu.memory_space<vmem_shared>>)
      tpu.yield
    }) : () -> ()
    %mul3A_108 = arith.constant 320 : i32
    %mul3A_109 = arith.muli %arg1, %mul3A_108 : i32
    %add3A_110 = arith.constant 208 : i32
    %add3A_111 = arith.addi %mul3A_109, %add3A_110 : i32
    "tpu.region"() ({
      %run_scoped3A = tpu.sem_alloc : memref<!tpu.dma_semaphore, #tpu.memory_space<semaphore_mem>>
      %dma_start3A_240 = arith.constant 0 : i32
      %dma_start3A_241 = tpu.memref_slice %arg12[%add3A_111, %dma_start3A_240] : memref<5128x128xf32, #tpu.memory_space<vmem_shared>> -> memref<8x128xf32, #tpu.memory_space<vmem_shared>>
      %dma_start3A_242 = arith.constant 0 : i32
      %dma_start3A_243 = tpu.memref_slice %arg12[%add3A_111, %dma_start3A_242] : memref<5128x128xf32, #tpu.memory_space<vmem_shared>> -> memref<8x128xf32, #tpu.memory_space<vmem_shared>>
      tpu.enqueue_dma source(%arg11 : memref<8x128xf32, #tpu.memory_space<vmem>>) target(%dma_start3A_243 : memref<8x128xf32, #tpu.memory_space<vmem_shared>>) target_semaphore(%run_scoped3A : memref<!tpu.dma_semaphore, #tpu.memory_space<semaphore_mem>>)
      %dma_wait3A_244 = arith.constant 0 : i32
      %dma_wait3A_245 = tpu.memref_slice %arg12[%add3A_111, %dma_wait3A_244] : memref<5128x128xf32, #tpu.memory_space<vmem_shared>> -> memref<8x128xf32, #tpu.memory_space<vmem_shared>>
      %dma_wait3A_246 = arith.constant 0 : i32
      %dma_wait3A_247 = tpu.memref_slice %arg12[%add3A_111, %dma_wait3A_246] : memref<5128x128xf32, #tpu.memory_space<vmem_shared>> -> memref<8x128xf32, #tpu.memory_space<vmem_shared>>
      tpu.wait_dma2 semaphore(%run_scoped3A : memref<!tpu.dma_semaphore, #tpu.memory_space<semaphore_mem>>) src(%arg11 : memref<8x128xf32, #tpu.memory_space<vmem>>) dst(%dma_wait3A_247 : memref<8x128xf32, #tpu.memory_space<vmem_shared>>)
      tpu.yield
    }) : () -> ()
    %mul3A_112 = arith.constant 320 : i32
    %mul3A_113 = arith.muli %arg1, %mul3A_112 : i32
    %add3A_114 = arith.constant 216 : i32
    %add3A_115 = arith.addi %mul3A_113, %add3A_114 : i32
    "tpu.region"() ({
      %run_scoped3A = tpu.sem_alloc : memref<!tpu.dma_semaphore, #tpu.memory_space<semaphore_mem>>
      %dma_start3A_240 = arith.constant 0 : i32
      %dma_start3A_241 = tpu.memref_slice %arg12[%add3A_115, %dma_start3A_240] : memref<5128x128xf32, #tpu.memory_space<vmem_shared>> -> memref<8x128xf32, #tpu.memory_space<vmem_shared>>
      %dma_start3A_242 = arith.constant 0 : i32
      %dma_start3A_243 = tpu.memref_slice %arg12[%add3A_115, %dma_start3A_242] : memref<5128x128xf32, #tpu.memory_space<vmem_shared>> -> memref<8x128xf32, #tpu.memory_space<vmem_shared>>
      tpu.enqueue_dma source(%arg11 : memref<8x128xf32, #tpu.memory_space<vmem>>) target(%dma_start3A_243 : memref<8x128xf32, #tpu.memory_space<vmem_shared>>) target_semaphore(%run_scoped3A : memref<!tpu.dma_semaphore, #tpu.memory_space<semaphore_mem>>)
      %dma_wait3A_244 = arith.constant 0 : i32
      %dma_wait3A_245 = tpu.memref_slice %arg12[%add3A_115, %dma_wait3A_244] : memref<5128x128xf32, #tpu.memory_space<vmem_shared>> -> memref<8x128xf32, #tpu.memory_space<vmem_shared>>
      %dma_wait3A_246 = arith.constant 0 : i32
      %dma_wait3A_247 = tpu.memref_slice %arg12[%add3A_115, %dma_wait3A_246] : memref<5128x128xf32, #tpu.memory_space<vmem_shared>> -> memref<8x128xf32, #tpu.memory_space<vmem_shared>>
      tpu.wait_dma2 semaphore(%run_scoped3A : memref<!tpu.dma_semaphore, #tpu.memory_space<semaphore_mem>>) src(%arg11 : memref<8x128xf32, #tpu.memory_space<vmem>>) dst(%dma_wait3A_247 : memref<8x128xf32, #tpu.memory_space<vmem_shared>>)
      tpu.yield
    }) : () -> ()
    %mul3A_116 = arith.constant 320 : i32
    %mul3A_117 = arith.muli %arg1, %mul3A_116 : i32
    %add3A_118 = arith.constant 224 : i32
    %add3A_119 = arith.addi %mul3A_117, %add3A_118 : i32
    "tpu.region"() ({
      %run_scoped3A = tpu.sem_alloc : memref<!tpu.dma_semaphore, #tpu.memory_space<semaphore_mem>>
      %dma_start3A_240 = arith.constant 0 : i32
      %dma_start3A_241 = tpu.memref_slice %arg12[%add3A_119, %dma_start3A_240] : memref<5128x128xf32, #tpu.memory_space<vmem_shared>> -> memref<8x128xf32, #tpu.memory_space<vmem_shared>>
      %dma_start3A_242 = arith.constant 0 : i32
      %dma_start3A_243 = tpu.memref_slice %arg12[%add3A_119, %dma_start3A_242] : memref<5128x128xf32, #tpu.memory_space<vmem_shared>> -> memref<8x128xf32, #tpu.memory_space<vmem_shared>>
      tpu.enqueue_dma source(%arg11 : memref<8x128xf32, #tpu.memory_space<vmem>>) target(%dma_start3A_243 : memref<8x128xf32, #tpu.memory_space<vmem_shared>>) target_semaphore(%run_scoped3A : memref<!tpu.dma_semaphore, #tpu.memory_space<semaphore_mem>>)
      %dma_wait3A_244 = arith.constant 0 : i32
      %dma_wait3A_245 = tpu.memref_slice %arg12[%add3A_119, %dma_wait3A_244] : memref<5128x128xf32, #tpu.memory_space<vmem_shared>> -> memref<8x128xf32, #tpu.memory_space<vmem_shared>>
      %dma_wait3A_246 = arith.constant 0 : i32
      %dma_wait3A_247 = tpu.memref_slice %arg12[%add3A_119, %dma_wait3A_246] : memref<5128x128xf32, #tpu.memory_space<vmem_shared>> -> memref<8x128xf32, #tpu.memory_space<vmem_shared>>
      tpu.wait_dma2 semaphore(%run_scoped3A : memref<!tpu.dma_semaphore, #tpu.memory_space<semaphore_mem>>) src(%arg11 : memref<8x128xf32, #tpu.memory_space<vmem>>) dst(%dma_wait3A_247 : memref<8x128xf32, #tpu.memory_space<vmem_shared>>)
      tpu.yield
    }) : () -> ()
    %mul3A_120 = arith.constant 320 : i32
    %mul3A_121 = arith.muli %arg1, %mul3A_120 : i32
    %add3A_122 = arith.constant 232 : i32
    %add3A_123 = arith.addi %mul3A_121, %add3A_122 : i32
    "tpu.region"() ({
      %run_scoped3A = tpu.sem_alloc : memref<!tpu.dma_semaphore, #tpu.memory_space<semaphore_mem>>
      %dma_start3A_240 = arith.constant 0 : i32
      %dma_start3A_241 = tpu.memref_slice %arg12[%add3A_123, %dma_start3A_240] : memref<5128x128xf32, #tpu.memory_space<vmem_shared>> -> memref<8x128xf32, #tpu.memory_space<vmem_shared>>
      %dma_start3A_242 = arith.constant 0 : i32
      %dma_start3A_243 = tpu.memref_slice %arg12[%add3A_123, %dma_start3A_242] : memref<5128x128xf32, #tpu.memory_space<vmem_shared>> -> memref<8x128xf32, #tpu.memory_space<vmem_shared>>
      tpu.enqueue_dma source(%arg11 : memref<8x128xf32, #tpu.memory_space<vmem>>) target(%dma_start3A_243 : memref<8x128xf32, #tpu.memory_space<vmem_shared>>) target_semaphore(%run_scoped3A : memref<!tpu.dma_semaphore, #tpu.memory_space<semaphore_mem>>)
      %dma_wait3A_244 = arith.constant 0 : i32
      %dma_wait3A_245 = tpu.memref_slice %arg12[%add3A_123, %dma_wait3A_244] : memref<5128x128xf32, #tpu.memory_space<vmem_shared>> -> memref<8x128xf32, #tpu.memory_space<vmem_shared>>
      %dma_wait3A_246 = arith.constant 0 : i32
      %dma_wait3A_247 = tpu.memref_slice %arg12[%add3A_123, %dma_wait3A_246] : memref<5128x128xf32, #tpu.memory_space<vmem_shared>> -> memref<8x128xf32, #tpu.memory_space<vmem_shared>>
      tpu.wait_dma2 semaphore(%run_scoped3A : memref<!tpu.dma_semaphore, #tpu.memory_space<semaphore_mem>>) src(%arg11 : memref<8x128xf32, #tpu.memory_space<vmem>>) dst(%dma_wait3A_247 : memref<8x128xf32, #tpu.memory_space<vmem_shared>>)
      tpu.yield
    }) : () -> ()
    %mul3A_124 = arith.constant 320 : i32
    %mul3A_125 = arith.muli %arg1, %mul3A_124 : i32
    %add3A_126 = arith.constant 240 : i32
    %add3A_127 = arith.addi %mul3A_125, %add3A_126 : i32
    "tpu.region"() ({
      %run_scoped3A = tpu.sem_alloc : memref<!tpu.dma_semaphore, #tpu.memory_space<semaphore_mem>>
      %dma_start3A_240 = arith.constant 0 : i32
      %dma_start3A_241 = tpu.memref_slice %arg12[%add3A_127, %dma_start3A_240] : memref<5128x128xf32, #tpu.memory_space<vmem_shared>> -> memref<8x128xf32, #tpu.memory_space<vmem_shared>>
      %dma_start3A_242 = arith.constant 0 : i32
      %dma_start3A_243 = tpu.memref_slice %arg12[%add3A_127, %dma_start3A_242] : memref<5128x128xf32, #tpu.memory_space<vmem_shared>> -> memref<8x128xf32, #tpu.memory_space<vmem_shared>>
      tpu.enqueue_dma source(%arg11 : memref<8x128xf32, #tpu.memory_space<vmem>>) target(%dma_start3A_243 : memref<8x128xf32, #tpu.memory_space<vmem_shared>>) target_semaphore(%run_scoped3A : memref<!tpu.dma_semaphore, #tpu.memory_space<semaphore_mem>>)
      %dma_wait3A_244 = arith.constant 0 : i32
      %dma_wait3A_245 = tpu.memref_slice %arg12[%add3A_127, %dma_wait3A_244] : memref<5128x128xf32, #tpu.memory_space<vmem_shared>> -> memref<8x128xf32, #tpu.memory_space<vmem_shared>>
      %dma_wait3A_246 = arith.constant 0 : i32
      %dma_wait3A_247 = tpu.memref_slice %arg12[%add3A_127, %dma_wait3A_246] : memref<5128x128xf32, #tpu.memory_space<vmem_shared>> -> memref<8x128xf32, #tpu.memory_space<vmem_shared>>
      tpu.wait_dma2 semaphore(%run_scoped3A : memref<!tpu.dma_semaphore, #tpu.memory_space<semaphore_mem>>) src(%arg11 : memref<8x128xf32, #tpu.memory_space<vmem>>) dst(%dma_wait3A_247 : memref<8x128xf32, #tpu.memory_space<vmem_shared>>)
      tpu.yield
    }) : () -> ()
    %mul3A_128 = arith.constant 320 : i32
    %mul3A_129 = arith.muli %arg1, %mul3A_128 : i32
    %add3A_130 = arith.constant 248 : i32
    %add3A_131 = arith.addi %mul3A_129, %add3A_130 : i32
    "tpu.region"() ({
      %run_scoped3A = tpu.sem_alloc : memref<!tpu.dma_semaphore, #tpu.memory_space<semaphore_mem>>
      %dma_start3A_240 = arith.constant 0 : i32
      %dma_start3A_241 = tpu.memref_slice %arg12[%add3A_131, %dma_start3A_240] : memref<5128x128xf32, #tpu.memory_space<vmem_shared>> -> memref<8x128xf32, #tpu.memory_space<vmem_shared>>
      %dma_start3A_242 = arith.constant 0 : i32
      %dma_start3A_243 = tpu.memref_slice %arg12[%add3A_131, %dma_start3A_242] : memref<5128x128xf32, #tpu.memory_space<vmem_shared>> -> memref<8x128xf32, #tpu.memory_space<vmem_shared>>
      tpu.enqueue_dma source(%arg11 : memref<8x128xf32, #tpu.memory_space<vmem>>) target(%dma_start3A_243 : memref<8x128xf32, #tpu.memory_space<vmem_shared>>) target_semaphore(%run_scoped3A : memref<!tpu.dma_semaphore, #tpu.memory_space<semaphore_mem>>)
      %dma_wait3A_244 = arith.constant 0 : i32
      %dma_wait3A_245 = tpu.memref_slice %arg12[%add3A_131, %dma_wait3A_244] : memref<5128x128xf32, #tpu.memory_space<vmem_shared>> -> memref<8x128xf32, #tpu.memory_space<vmem_shared>>
      %dma_wait3A_246 = arith.constant 0 : i32
      %dma_wait3A_247 = tpu.memref_slice %arg12[%add3A_131, %dma_wait3A_246] : memref<5128x128xf32, #tpu.memory_space<vmem_shared>> -> memref<8x128xf32, #tpu.memory_space<vmem_shared>>
      tpu.wait_dma2 semaphore(%run_scoped3A : memref<!tpu.dma_semaphore, #tpu.memory_space<semaphore_mem>>) src(%arg11 : memref<8x128xf32, #tpu.memory_space<vmem>>) dst(%dma_wait3A_247 : memref<8x128xf32, #tpu.memory_space<vmem_shared>>)
      tpu.yield
    }) : () -> ()
    %mul3A_132 = arith.constant 320 : i32
    %mul3A_133 = arith.muli %arg1, %mul3A_132 : i32
    %add3A_134 = arith.constant 256 : i32
    %add3A_135 = arith.addi %mul3A_133, %add3A_134 : i32
    "tpu.region"() ({
      %run_scoped3A = tpu.sem_alloc : memref<!tpu.dma_semaphore, #tpu.memory_space<semaphore_mem>>
      %dma_start3A_240 = arith.constant 0 : i32
      %dma_start3A_241 = tpu.memref_slice %arg12[%add3A_135, %dma_start3A_240] : memref<5128x128xf32, #tpu.memory_space<vmem_shared>> -> memref<8x128xf32, #tpu.memory_space<vmem_shared>>
      %dma_start3A_242 = arith.constant 0 : i32
      %dma_start3A_243 = tpu.memref_slice %arg12[%add3A_135, %dma_start3A_242] : memref<5128x128xf32, #tpu.memory_space<vmem_shared>> -> memref<8x128xf32, #tpu.memory_space<vmem_shared>>
      tpu.enqueue_dma source(%arg11 : memref<8x128xf32, #tpu.memory_space<vmem>>) target(%dma_start3A_243 : memref<8x128xf32, #tpu.memory_space<vmem_shared>>) target_semaphore(%run_scoped3A : memref<!tpu.dma_semaphore, #tpu.memory_space<semaphore_mem>>)
      %dma_wait3A_244 = arith.constant 0 : i32
      %dma_wait3A_245 = tpu.memref_slice %arg12[%add3A_135, %dma_wait3A_244] : memref<5128x128xf32, #tpu.memory_space<vmem_shared>> -> memref<8x128xf32, #tpu.memory_space<vmem_shared>>
      %dma_wait3A_246 = arith.constant 0 : i32
      %dma_wait3A_247 = tpu.memref_slice %arg12[%add3A_135, %dma_wait3A_246] : memref<5128x128xf32, #tpu.memory_space<vmem_shared>> -> memref<8x128xf32, #tpu.memory_space<vmem_shared>>
      tpu.wait_dma2 semaphore(%run_scoped3A : memref<!tpu.dma_semaphore, #tpu.memory_space<semaphore_mem>>) src(%arg11 : memref<8x128xf32, #tpu.memory_space<vmem>>) dst(%dma_wait3A_247 : memref<8x128xf32, #tpu.memory_space<vmem_shared>>)
      tpu.yield
    }) : () -> ()
    %mul3A_136 = arith.constant 320 : i32
    %mul3A_137 = arith.muli %arg1, %mul3A_136 : i32
    %add3A_138 = arith.constant 264 : i32
    %add3A_139 = arith.addi %mul3A_137, %add3A_138 : i32
    "tpu.region"() ({
      %run_scoped3A = tpu.sem_alloc : memref<!tpu.dma_semaphore, #tpu.memory_space<semaphore_mem>>
      %dma_start3A_240 = arith.constant 0 : i32
      %dma_start3A_241 = tpu.memref_slice %arg12[%add3A_139, %dma_start3A_240] : memref<5128x128xf32, #tpu.memory_space<vmem_shared>> -> memref<8x128xf32, #tpu.memory_space<vmem_shared>>
      %dma_start3A_242 = arith.constant 0 : i32
      %dma_start3A_243 = tpu.memref_slice %arg12[%add3A_139, %dma_start3A_242] : memref<5128x128xf32, #tpu.memory_space<vmem_shared>> -> memref<8x128xf32, #tpu.memory_space<vmem_shared>>
      tpu.enqueue_dma source(%arg11 : memref<8x128xf32, #tpu.memory_space<vmem>>) target(%dma_start3A_243 : memref<8x128xf32, #tpu.memory_space<vmem_shared>>) target_semaphore(%run_scoped3A : memref<!tpu.dma_semaphore, #tpu.memory_space<semaphore_mem>>)
      %dma_wait3A_244 = arith.constant 0 : i32
      %dma_wait3A_245 = tpu.memref_slice %arg12[%add3A_139, %dma_wait3A_244] : memref<5128x128xf32, #tpu.memory_space<vmem_shared>> -> memref<8x128xf32, #tpu.memory_space<vmem_shared>>
      %dma_wait3A_246 = arith.constant 0 : i32
      %dma_wait3A_247 = tpu.memref_slice %arg12[%add3A_139, %dma_wait3A_246] : memref<5128x128xf32, #tpu.memory_space<vmem_shared>> -> memref<8x128xf32, #tpu.memory_space<vmem_shared>>
      tpu.wait_dma2 semaphore(%run_scoped3A : memref<!tpu.dma_semaphore, #tpu.memory_space<semaphore_mem>>) src(%arg11 : memref<8x128xf32, #tpu.memory_space<vmem>>) dst(%dma_wait3A_247 : memref<8x128xf32, #tpu.memory_space<vmem_shared>>)
      tpu.yield
    }) : () -> ()
    %mul3A_140 = arith.constant 320 : i32
    %mul3A_141 = arith.muli %arg1, %mul3A_140 : i32
    %add3A_142 = arith.constant 272 : i32
    %add3A_143 = arith.addi %mul3A_141, %add3A_142 : i32
    "tpu.region"() ({
      %run_scoped3A = tpu.sem_alloc : memref<!tpu.dma_semaphore, #tpu.memory_space<semaphore_mem>>
      %dma_start3A_240 = arith.constant 0 : i32
      %dma_start3A_241 = tpu.memref_slice %arg12[%add3A_143, %dma_start3A_240] : memref<5128x128xf32, #tpu.memory_space<vmem_shared>> -> memref<8x128xf32, #tpu.memory_space<vmem_shared>>
      %dma_start3A_242 = arith.constant 0 : i32
      %dma_start3A_243 = tpu.memref_slice %arg12[%add3A_143, %dma_start3A_242] : memref<5128x128xf32, #tpu.memory_space<vmem_shared>> -> memref<8x128xf32, #tpu.memory_space<vmem_shared>>
      tpu.enqueue_dma source(%arg11 : memref<8x128xf32, #tpu.memory_space<vmem>>) target(%dma_start3A_243 : memref<8x128xf32, #tpu.memory_space<vmem_shared>>) target_semaphore(%run_scoped3A : memref<!tpu.dma_semaphore, #tpu.memory_space<semaphore_mem>>)
      %dma_wait3A_244 = arith.constant 0 : i32
      %dma_wait3A_245 = tpu.memref_slice %arg12[%add3A_143, %dma_wait3A_244] : memref<5128x128xf32, #tpu.memory_space<vmem_shared>> -> memref<8x128xf32, #tpu.memory_space<vmem_shared>>
      %dma_wait3A_246 = arith.constant 0 : i32
      %dma_wait3A_247 = tpu.memref_slice %arg12[%add3A_143, %dma_wait3A_246] : memref<5128x128xf32, #tpu.memory_space<vmem_shared>> -> memref<8x128xf32, #tpu.memory_space<vmem_shared>>
      tpu.wait_dma2 semaphore(%run_scoped3A : memref<!tpu.dma_semaphore, #tpu.memory_space<semaphore_mem>>) src(%arg11 : memref<8x128xf32, #tpu.memory_space<vmem>>) dst(%dma_wait3A_247 : memref<8x128xf32, #tpu.memory_space<vmem_shared>>)
      tpu.yield
    }) : () -> ()
    %mul3A_144 = arith.constant 320 : i32
    %mul3A_145 = arith.muli %arg1, %mul3A_144 : i32
    %add3A_146 = arith.constant 280 : i32
    %add3A_147 = arith.addi %mul3A_145, %add3A_146 : i32
    "tpu.region"() ({
      %run_scoped3A = tpu.sem_alloc : memref<!tpu.dma_semaphore, #tpu.memory_space<semaphore_mem>>
      %dma_start3A_240 = arith.constant 0 : i32
      %dma_start3A_241 = tpu.memref_slice %arg12[%add3A_147, %dma_start3A_240] : memref<5128x128xf32, #tpu.memory_space<vmem_shared>> -> memref<8x128xf32, #tpu.memory_space<vmem_shared>>
      %dma_start3A_242 = arith.constant 0 : i32
      %dma_start3A_243 = tpu.memref_slice %arg12[%add3A_147, %dma_start3A_242] : memref<5128x128xf32, #tpu.memory_space<vmem_shared>> -> memref<8x128xf32, #tpu.memory_space<vmem_shared>>
      tpu.enqueue_dma source(%arg11 : memref<8x128xf32, #tpu.memory_space<vmem>>) target(%dma_start3A_243 : memref<8x128xf32, #tpu.memory_space<vmem_shared>>) target_semaphore(%run_scoped3A : memref<!tpu.dma_semaphore, #tpu.memory_space<semaphore_mem>>)
      %dma_wait3A_244 = arith.constant 0 : i32
      %dma_wait3A_245 = tpu.memref_slice %arg12[%add3A_147, %dma_wait3A_244] : memref<5128x128xf32, #tpu.memory_space<vmem_shared>> -> memref<8x128xf32, #tpu.memory_space<vmem_shared>>
      %dma_wait3A_246 = arith.constant 0 : i32
      %dma_wait3A_247 = tpu.memref_slice %arg12[%add3A_147, %dma_wait3A_246] : memref<5128x128xf32, #tpu.memory_space<vmem_shared>> -> memref<8x128xf32, #tpu.memory_space<vmem_shared>>
      tpu.wait_dma2 semaphore(%run_scoped3A : memref<!tpu.dma_semaphore, #tpu.memory_space<semaphore_mem>>) src(%arg11 : memref<8x128xf32, #tpu.memory_space<vmem>>) dst(%dma_wait3A_247 : memref<8x128xf32, #tpu.memory_space<vmem_shared>>)
      tpu.yield
    }) : () -> ()
    %mul3A_148 = arith.constant 320 : i32
    %mul3A_149 = arith.muli %arg1, %mul3A_148 : i32
    %add3A_150 = arith.constant 288 : i32
    %add3A_151 = arith.addi %mul3A_149, %add3A_150 : i32
    "tpu.region"() ({
      %run_scoped3A = tpu.sem_alloc : memref<!tpu.dma_semaphore, #tpu.memory_space<semaphore_mem>>
      %dma_start3A_240 = arith.constant 0 : i32
      %dma_start3A_241 = tpu.memref_slice %arg12[%add3A_151, %dma_start3A_240] : memref<5128x128xf32, #tpu.memory_space<vmem_shared>> -> memref<8x128xf32, #tpu.memory_space<vmem_shared>>
      %dma_start3A_242 = arith.constant 0 : i32
      %dma_start3A_243 = tpu.memref_slice %arg12[%add3A_151, %dma_start3A_242] : memref<5128x128xf32, #tpu.memory_space<vmem_shared>> -> memref<8x128xf32, #tpu.memory_space<vmem_shared>>
      tpu.enqueue_dma source(%arg11 : memref<8x128xf32, #tpu.memory_space<vmem>>) target(%dma_start3A_243 : memref<8x128xf32, #tpu.memory_space<vmem_shared>>) target_semaphore(%run_scoped3A : memref<!tpu.dma_semaphore, #tpu.memory_space<semaphore_mem>>)
      %dma_wait3A_244 = arith.constant 0 : i32
      %dma_wait3A_245 = tpu.memref_slice %arg12[%add3A_151, %dma_wait3A_244] : memref<5128x128xf32, #tpu.memory_space<vmem_shared>> -> memref<8x128xf32, #tpu.memory_space<vmem_shared>>
      %dma_wait3A_246 = arith.constant 0 : i32
      %dma_wait3A_247 = tpu.memref_slice %arg12[%add3A_151, %dma_wait3A_246] : memref<5128x128xf32, #tpu.memory_space<vmem_shared>> -> memref<8x128xf32, #tpu.memory_space<vmem_shared>>
      tpu.wait_dma2 semaphore(%run_scoped3A : memref<!tpu.dma_semaphore, #tpu.memory_space<semaphore_mem>>) src(%arg11 : memref<8x128xf32, #tpu.memory_space<vmem>>) dst(%dma_wait3A_247 : memref<8x128xf32, #tpu.memory_space<vmem_shared>>)
      tpu.yield
    }) : () -> ()
    %mul3A_152 = arith.constant 320 : i32
    %mul3A_153 = arith.muli %arg1, %mul3A_152 : i32
    %add3A_154 = arith.constant 296 : i32
    %add3A_155 = arith.addi %mul3A_153, %add3A_154 : i32
    "tpu.region"() ({
      %run_scoped3A = tpu.sem_alloc : memref<!tpu.dma_semaphore, #tpu.memory_space<semaphore_mem>>
      %dma_start3A_240 = arith.constant 0 : i32
      %dma_start3A_241 = tpu.memref_slice %arg12[%add3A_155, %dma_start3A_240] : memref<5128x128xf32, #tpu.memory_space<vmem_shared>> -> memref<8x128xf32, #tpu.memory_space<vmem_shared>>
      %dma_start3A_242 = arith.constant 0 : i32
      %dma_start3A_243 = tpu.memref_slice %arg12[%add3A_155, %dma_start3A_242] : memref<5128x128xf32, #tpu.memory_space<vmem_shared>> -> memref<8x128xf32, #tpu.memory_space<vmem_shared>>
      tpu.enqueue_dma source(%arg11 : memref<8x128xf32, #tpu.memory_space<vmem>>) target(%dma_start3A_243 : memref<8x128xf32, #tpu.memory_space<vmem_shared>>) target_semaphore(%run_scoped3A : memref<!tpu.dma_semaphore, #tpu.memory_space<semaphore_mem>>)
      %dma_wait3A_244 = arith.constant 0 : i32
      %dma_wait3A_245 = tpu.memref_slice %arg12[%add3A_155, %dma_wait3A_244] : memref<5128x128xf32, #tpu.memory_space<vmem_shared>> -> memref<8x128xf32, #tpu.memory_space<vmem_shared>>
      %dma_wait3A_246 = arith.constant 0 : i32
      %dma_wait3A_247 = tpu.memref_slice %arg12[%add3A_155, %dma_wait3A_246] : memref<5128x128xf32, #tpu.memory_space<vmem_shared>> -> memref<8x128xf32, #tpu.memory_space<vmem_shared>>
      tpu.wait_dma2 semaphore(%run_scoped3A : memref<!tpu.dma_semaphore, #tpu.memory_space<semaphore_mem>>) src(%arg11 : memref<8x128xf32, #tpu.memory_space<vmem>>) dst(%dma_wait3A_247 : memref<8x128xf32, #tpu.memory_space<vmem_shared>>)
      tpu.yield
    }) : () -> ()
    %mul3A_156 = arith.constant 320 : i32
    %mul3A_157 = arith.muli %arg1, %mul3A_156 : i32
    %add3A_158 = arith.constant 304 : i32
    %add3A_159 = arith.addi %mul3A_157, %add3A_158 : i32
    "tpu.region"() ({
      %run_scoped3A = tpu.sem_alloc : memref<!tpu.dma_semaphore, #tpu.memory_space<semaphore_mem>>
      %dma_start3A_240 = arith.constant 0 : i32
      %dma_start3A_241 = tpu.memref_slice %arg12[%add3A_159, %dma_start3A_240] : memref<5128x128xf32, #tpu.memory_space<vmem_shared>> -> memref<8x128xf32, #tpu.memory_space<vmem_shared>>
      %dma_start3A_242 = arith.constant 0 : i32
      %dma_start3A_243 = tpu.memref_slice %arg12[%add3A_159, %dma_start3A_242] : memref<5128x128xf32, #tpu.memory_space<vmem_shared>> -> memref<8x128xf32, #tpu.memory_space<vmem_shared>>
      tpu.enqueue_dma source(%arg11 : memref<8x128xf32, #tpu.memory_space<vmem>>) target(%dma_start3A_243 : memref<8x128xf32, #tpu.memory_space<vmem_shared>>) target_semaphore(%run_scoped3A : memref<!tpu.dma_semaphore, #tpu.memory_space<semaphore_mem>>)
      %dma_wait3A_244 = arith.constant 0 : i32
      %dma_wait3A_245 = tpu.memref_slice %arg12[%add3A_159, %dma_wait3A_244] : memref<5128x128xf32, #tpu.memory_space<vmem_shared>> -> memref<8x128xf32, #tpu.memory_space<vmem_shared>>
      %dma_wait3A_246 = arith.constant 0 : i32
      %dma_wait3A_247 = tpu.memref_slice %arg12[%add3A_159, %dma_wait3A_246] : memref<5128x128xf32, #tpu.memory_space<vmem_shared>> -> memref<8x128xf32, #tpu.memory_space<vmem_shared>>
      tpu.wait_dma2 semaphore(%run_scoped3A : memref<!tpu.dma_semaphore, #tpu.memory_space<semaphore_mem>>) src(%arg11 : memref<8x128xf32, #tpu.memory_space<vmem>>) dst(%dma_wait3A_247 : memref<8x128xf32, #tpu.memory_space<vmem_shared>>)
      tpu.yield
    }) : () -> ()
    %mul3A_160 = arith.constant 320 : i32
    %mul3A_161 = arith.muli %arg1, %mul3A_160 : i32
    %add3A_162 = arith.constant 312 : i32
    %add3A_163 = arith.addi %mul3A_161, %add3A_162 : i32
    "tpu.region"() ({
      %run_scoped3A = tpu.sem_alloc : memref<!tpu.dma_semaphore, #tpu.memory_space<semaphore_mem>>
      %dma_start3A_240 = arith.constant 0 : i32
      %dma_start3A_241 = tpu.memref_slice %arg12[%add3A_163, %dma_start3A_240] : memref<5128x128xf32, #tpu.memory_space<vmem_shared>> -> memref<8x128xf32, #tpu.memory_space<vmem_shared>>
      %dma_start3A_242 = arith.constant 0 : i32
      %dma_start3A_243 = tpu.memref_slice %arg12[%add3A_163, %dma_start3A_242] : memref<5128x128xf32, #tpu.memory_space<vmem_shared>> -> memref<8x128xf32, #tpu.memory_space<vmem_shared>>
      tpu.enqueue_dma source(%arg11 : memref<8x128xf32, #tpu.memory_space<vmem>>) target(%dma_start3A_243 : memref<8x128xf32, #tpu.memory_space<vmem_shared>>) target_semaphore(%run_scoped3A : memref<!tpu.dma_semaphore, #tpu.memory_space<semaphore_mem>>)
      %dma_wait3A_244 = arith.constant 0 : i32
      %dma_wait3A_245 = tpu.memref_slice %arg12[%add3A_163, %dma_wait3A_244] : memref<5128x128xf32, #tpu.memory_space<vmem_shared>> -> memref<8x128xf32, #tpu.memory_space<vmem_shared>>
      %dma_wait3A_246 = arith.constant 0 : i32
      %dma_wait3A_247 = tpu.memref_slice %arg12[%add3A_163, %dma_wait3A_246] : memref<5128x128xf32, #tpu.memory_space<vmem_shared>> -> memref<8x128xf32, #tpu.memory_space<vmem_shared>>
      tpu.wait_dma2 semaphore(%run_scoped3A : memref<!tpu.dma_semaphore, #tpu.memory_space<semaphore_mem>>) src(%arg11 : memref<8x128xf32, #tpu.memory_space<vmem>>) dst(%dma_wait3A_247 : memref<8x128xf32, #tpu.memory_space<vmem_shared>>)
      tpu.yield
    }) : () -> ()
    %barrier3A = arith.constant 0 : index
    tpu.barrier barrier_id(%barrier3A)
    %mul3A_164 = arith.constant 20000 : i32
    %mul3A_165 = arith.muli %arg1, %mul3A_164 : i32
    %min3A = arith.constant 0 : i32
    %min3A_166 = arith.constant 249 : i32
    %min3A_167 = arith.minsi %min3A, %min3A_166 : i32
    %mul3A_168 = arith.constant 80 : i32
    %mul3A_169 = arith.muli %min3A_167, %mul3A_168 : i32
    %add3A_170 = arith.addi %mul3A_165, %mul3A_169 : i32
    %dma_start3A = tpu.memref_slice %arg3[%add3A_170] : memref<320000xi32, #tpu.memory_space<hbm>> -> memref<80xi32, #tpu.memory_space<hbm>>
    %dma_start3A_171 = tpu.memref_slice %arg3[%add3A_170] : memref<320000xi32, #tpu.memory_space<hbm>> -> memref<80xi32, #tpu.memory_space<hbm>>
    tpu.enqueue_dma source(%dma_start3A_171 : memref<80xi32, #tpu.memory_space<hbm>>) target(%arg5 : memref<80xi32, #tpu.memory_space<vmem>>) target_semaphore(%arg13 : memref<!tpu.dma_semaphore, #tpu.memory_space<semaphore_mem>>)
    %mul3A_172 = arith.constant 20000 : i32
    %mul3A_173 = arith.muli %arg1, %mul3A_172 : i32
    %min3A_174 = arith.constant 0 : i32
    %min3A_175 = arith.constant 249 : i32
    %min3A_176 = arith.minsi %min3A_174, %min3A_175 : i32
    %mul3A_177 = arith.constant 80 : i32
    %mul3A_178 = arith.muli %min3A_176, %mul3A_177 : i32
    %add3A_179 = arith.addi %mul3A_173, %mul3A_178 : i32
    %dma_start3A_180 = arith.constant 0 : i32
    %dma_start3A_181 = tpu.memref_slice %arg2[%add3A_179, %dma_start3A_180] : memref<320000x128xf32, #tpu.memory_space<hbm>> -> memref<80x128xf32, #tpu.memory_space<hbm>>
    %dma_start3A_182 = arith.constant 0 : i32
    %dma_start3A_183 = tpu.memref_slice %arg2[%add3A_179, %dma_start3A_182] : memref<320000x128xf32, #tpu.memory_space<hbm>> -> memref<80x128xf32, #tpu.memory_space<hbm>>
    tpu.enqueue_dma source(%dma_start3A_183 : memref<80x128xf32, #tpu.memory_space<hbm>>) target(%arg9 : memref<80x128xf32, #tpu.memory_space<vmem>>) target_semaphore(%arg15 : memref<!tpu.dma_semaphore, #tpu.memory_space<semaphore_mem>>)
    %mul3A_184 = arith.constant 20000 : i32
    %mul3A_185 = arith.muli %arg1, %mul3A_184 : i32
    %min3A_186 = arith.constant 1 : i32
    %min3A_187 = arith.constant 249 : i32
    %min3A_188 = arith.minsi %min3A_186, %min3A_187 : i32
    %mul3A_189 = arith.constant 80 : i32
    %mul3A_190 = arith.muli %min3A_188, %mul3A_189 : i32
    %add3A_191 = arith.addi %mul3A_185, %mul3A_190 : i32
    %dma_start3A_192 = tpu.memref_slice %arg3[%add3A_191] : memref<320000xi32, #tpu.memory_space<hbm>> -> memref<80xi32, #tpu.memory_space<hbm>>
    %dma_start3A_193 = tpu.memref_slice %arg3[%add3A_191] : memref<320000xi32, #tpu.memory_space<hbm>> -> memref<80xi32, #tpu.memory_space<hbm>>
    tpu.enqueue_dma source(%dma_start3A_193 : memref<80xi32, #tpu.memory_space<hbm>>) target(%arg6 : memref<80xi32, #tpu.memory_space<vmem>>) target_semaphore(%arg14 : memref<!tpu.dma_semaphore, #tpu.memory_space<semaphore_mem>>)
    %mul3A_194 = arith.constant 20000 : i32
    %mul3A_195 = arith.muli %arg1, %mul3A_194 : i32
    %min3A_196 = arith.constant 1 : i32
    %min3A_197 = arith.constant 249 : i32
    %min3A_198 = arith.minsi %min3A_196, %min3A_197 : i32
    %mul3A_199 = arith.constant 80 : i32
    %mul3A_200 = arith.muli %min3A_198, %mul3A_199 : i32
    %add3A_201 = arith.addi %mul3A_195, %mul3A_200 : i32
    %dma_start3A_202 = arith.constant 0 : i32
    %dma_start3A_203 = tpu.memref_slice %arg2[%add3A_201, %dma_start3A_202] : memref<320000x128xf32, #tpu.memory_space<hbm>> -> memref<80x128xf32, #tpu.memory_space<hbm>>
    %dma_start3A_204 = arith.constant 0 : i32
    %dma_start3A_205 = tpu.memref_slice %arg2[%add3A_201, %dma_start3A_204] : memref<320000x128xf32, #tpu.memory_space<hbm>> -> memref<80x128xf32, #tpu.memory_space<hbm>>
    tpu.enqueue_dma source(%dma_start3A_205 : memref<80x128xf32, #tpu.memory_space<hbm>>) target(%arg10 : memref<80x128xf32, #tpu.memory_space<vmem>>) target_semaphore(%arg16 : memref<!tpu.dma_semaphore, #tpu.memory_space<semaphore_mem>>)
    %scan3A_206 = arith.constant 0 : i32
    %scan3A_207 = arith.constant 0 : i32
    %scan3A_208 = arith.constant 125 : i32
    %scan3A_209 = arith.addi %scan3A_207, %scan3A_208 : i32
    %scan3A_210 = arith.constant 1 : i32
    %scan3A_211 = scf.for %scan3A_240 = %scan3A_207 to %scan3A_209 step %scan3A_210 iter_args(%scan3A_241 = %scan3A_206) -> (i32)  : i32 {
      %mul3A_242 = arith.constant 2 : i32
      %mul3A_243 = arith.muli %mul3A_242, %scan3A_240 : i32
      %dma_wait3A_244 = arith.constant 0 : i32
      %dma_wait3A_245 = tpu.memref_slice %arg3[%dma_wait3A_244] : memref<320000xi32, #tpu.memory_space<hbm>> -> memref<80xi32, #tpu.memory_space<hbm>>
      %dma_wait3A_246 = arith.constant 0 : i32
      %dma_wait3A_247 = tpu.memref_slice %arg3[%dma_wait3A_246] : memref<320000xi32, #tpu.memory_space<hbm>> -> memref<80xi32, #tpu.memory_space<hbm>>
      tpu.wait_dma2 semaphore(%arg13 : memref<!tpu.dma_semaphore, #tpu.memory_space<semaphore_mem>>) src(%dma_wait3A_247 : memref<80xi32, #tpu.memory_space<hbm>>) dst(%arg5 : memref<80xi32, #tpu.memory_space<vmem>>)
      %dma_wait3A_248 = arith.constant 0 : i32
      %dma_wait3A_249 = arith.constant 0 : i32
      %dma_wait3A_250 = tpu.memref_slice %arg2[%dma_wait3A_248, %dma_wait3A_249] : memref<320000x128xf32, #tpu.memory_space<hbm>> -> memref<80x128xf32, #tpu.memory_space<hbm>>
      %dma_wait3A_251 = arith.constant 0 : i32
      %dma_wait3A_252 = arith.constant 0 : i32
      %dma_wait3A_253 = tpu.memref_slice %arg2[%dma_wait3A_251, %dma_wait3A_252] : memref<320000x128xf32, #tpu.memory_space<hbm>> -> memref<80x128xf32, #tpu.memory_space<hbm>>
      tpu.wait_dma2 semaphore(%arg15 : memref<!tpu.dma_semaphore, #tpu.memory_space<semaphore_mem>>) src(%dma_wait3A_253 : memref<80x128xf32, #tpu.memory_space<hbm>>) dst(%arg9 : memref<80x128xf32, #tpu.memory_space<vmem>>)
      %get3A = arith.constant 0 : index
      %get3A_254 = tpu.vector_load %arg5[%get3A] {strides = array<i32>} : memref<80xi32, #tpu.memory_space<vmem>>, vector<16xi32>,
      %get3A_255 = vector.shape_cast %get3A_254 : vector<16xi32> to vector<16xi32>
      %mul3A_256 = arith.constant 5120 : i32
      %mul3A_257 = arith.muli %arg0, %mul3A_256 : i32
      %sub3A = vector.broadcast %mul3A_257 : i32 to vector<16xi32>
      %sub3A_258 = arith.subi %get3A_255, %sub3A : vector<16xi32>
      %ge3A = arith.constant 0 : i32
      %ge3A_259 = vector.broadcast %ge3A : i32 to vector<16xi32>
      %ge3A_260 = arith.cmpi sge, %sub3A_258, %ge3A_259 : vector<16xi32>
      %lt3A = arith.constant 5120 : i32
      %lt3A_261 = vector.broadcast %lt3A : i32 to vector<16xi32>
      %lt3A_262 = arith.cmpi slt, %sub3A_258, %lt3A_261 : vector<16xi32>
      %and3A = arith.andi %ge3A_260, %lt3A_262 : vector<16xi1>
      %jit3A = arith.constant 5120 : i32
      %broadcast_in_dim3A = vector.broadcast %jit3A : i32 to vector<16xi32>
      %select_n3A = arith.select %and3A, %sub3A_258, %broadcast_in_dim3A : vector<16xi1>, vector<16xi32>
      %swap3A = arith.constant 0 : index
      %swap3A_263 = tpu.vector_load %arg7[%swap3A] {strides = array<i32>} : memref<80xi32, #tpu.memory_space<vmem>>, vector<16xi32>,
      %swap3A_264 = vector.shape_cast %swap3A_263 : vector<16xi32> to vector<16xi32>
      %swap3A_265 = vector.shape_cast %select_n3A : vector<16xi32> to vector<16xi32>
      tpu.vector_store %arg7[%swap3A], %swap3A_265 {strides = array<i32>} : memref<80xi32, #tpu.memory_space<vmem>>, vector<16xi32>,
      %get3A_266 = arith.constant 16 : index
      %get3A_267 = tpu.vector_load %arg5[%get3A_266] {strides = array<i32>} : memref<80xi32, #tpu.memory_space<vmem>>, vector<16xi32>,
      %get3A_268 = vector.shape_cast %get3A_267 : vector<16xi32> to vector<16xi32>
      %mul3A_269 = arith.constant 5120 : i32
      %mul3A_270 = arith.muli %arg0, %mul3A_269 : i32
      %sub3A_271 = vector.broadcast %mul3A_270 : i32 to vector<16xi32>
      %sub3A_272 = arith.subi %get3A_268, %sub3A_271 : vector<16xi32>
      %ge3A_273 = arith.constant 0 : i32
      %ge3A_274 = vector.broadcast %ge3A_273 : i32 to vector<16xi32>
      %ge3A_275 = arith.cmpi sge, %sub3A_272, %ge3A_274 : vector<16xi32>
      %lt3A_276 = arith.constant 5120 : i32
      %lt3A_277 = vector.broadcast %lt3A_276 : i32 to vector<16xi32>
      %lt3A_278 = arith.cmpi slt, %sub3A_272, %lt3A_277 : vector<16xi32>
      %and3A_279 = arith.andi %ge3A_275, %lt3A_278 : vector<16xi1>
      %jit3A_280 = arith.constant 5120 : i32
      %broadcast_in_dim3A_281 = vector.broadcast %jit3A_280 : i32 to vector<16xi32>
      %select_n3A_282 = arith.select %and3A_279, %sub3A_272, %broadcast_in_dim3A_281 : vector<16xi1>, vector<16xi32>
      %swap3A_283 = arith.constant 16 : index
      %swap3A_284 = tpu.vector_load %arg7[%swap3A_283] {strides = array<i32>} : memref<80xi32, #tpu.memory_space<vmem>>, vector<16xi32>,
      %swap3A_285 = vector.shape_cast %swap3A_284 : vector<16xi32> to vector<16xi32>
      %swap3A_286 = vector.shape_cast %select_n3A_282 : vector<16xi32> to vector<16xi32>
      tpu.vector_store %arg7[%swap3A_283], %swap3A_286 {strides = array<i32>} : memref<80xi32, #tpu.memory_space<vmem>>, vector<16xi32>,
      %get3A_287 = arith.constant 32 : index
      %get3A_288 = tpu.vector_load %arg5[%get3A_287] {strides = array<i32>} : memref<80xi32, #tpu.memory_space<vmem>>, vector<16xi32>,
      %get3A_289 = vector.shape_cast %get3A_288 : vector<16xi32> to vector<16xi32>
      %mul3A_290 = arith.constant 5120 : i32
      %mul3A_291 = arith.muli %arg0, %mul3A_290 : i32
      %sub3A_292 = vector.broadcast %mul3A_291 : i32 to vector<16xi32>
      %sub3A_293 = arith.subi %get3A_289, %sub3A_292 : vector<16xi32>
      %ge3A_294 = arith.constant 0 : i32
      %ge3A_295 = vector.broadcast %ge3A_294 : i32 to vector<16xi32>
      %ge3A_296 = arith.cmpi sge, %sub3A_293, %ge3A_295 : vector<16xi32>
      %lt3A_297 = arith.constant 5120 : i32
      %lt3A_298 = vector.broadcast %lt3A_297 : i32 to vector<16xi32>
      %lt3A_299 = arith.cmpi slt, %sub3A_293, %lt3A_298 : vector<16xi32>
      %and3A_300 = arith.andi %ge3A_296, %lt3A_299 : vector<16xi1>
      %jit3A_301 = arith.constant 5120 : i32
      %broadcast_in_dim3A_302 = vector.broadcast %jit3A_301 : i32 to vector<16xi32>
      %select_n3A_303 = arith.select %and3A_300, %sub3A_293, %broadcast_in_dim3A_302 : vector<16xi1>, vector<16xi32>
      %swap3A_304 = arith.constant 32 : index
      %swap3A_305 = tpu.vector_load %arg7[%swap3A_304] {strides = array<i32>} : memref<80xi32, #tpu.memory_space<vmem>>, vector<16xi32>,
      %swap3A_306 = vector.shape_cast %swap3A_305 : vector<16xi32> to vector<16xi32>
      %swap3A_307 = vector.shape_cast %select_n3A_303 : vector<16xi32> to vector<16xi32>
      tpu.vector_store %arg7[%swap3A_304], %swap3A_307 {strides = array<i32>} : memref<80xi32, #tpu.memory_space<vmem>>, vector<16xi32>,
      %get3A_308 = arith.constant 48 : index
      %get3A_309 = tpu.vector_load %arg5[%get3A_308] {strides = array<i32>} : memref<80xi32, #tpu.memory_space<vmem>>, vector<16xi32>,
      %get3A_310 = vector.shape_cast %get3A_309 : vector<16xi32> to vector<16xi32>
      %mul3A_311 = arith.constant 5120 : i32
      %mul3A_312 = arith.muli %arg0, %mul3A_311 : i32
      %sub3A_313 = vector.broadcast %mul3A_312 : i32 to vector<16xi32>
      %sub3A_314 = arith.subi %get3A_310, %sub3A_313 : vector<16xi32>
      %ge3A_315 = arith.constant 0 : i32
      %ge3A_316 = vector.broadcast %ge3A_315 : i32 to vector<16xi32>
      %ge3A_317 = arith.cmpi sge, %sub3A_314, %ge3A_316 : vector<16xi32>
      %lt3A_318 = arith.constant 5120 : i32
      %lt3A_319 = vector.broadcast %lt3A_318 : i32 to vector<16xi32>
      %lt3A_320 = arith.cmpi slt, %sub3A_314, %lt3A_319 : vector<16xi32>
      %and3A_321 = arith.andi %ge3A_317, %lt3A_320 : vector<16xi1>
      %jit3A_322 = arith.constant 5120 : i32
      %broadcast_in_dim3A_323 = vector.broadcast %jit3A_322 : i32 to vector<16xi32>
      %select_n3A_324 = arith.select %and3A_321, %sub3A_314, %broadcast_in_dim3A_323 : vector<16xi1>, vector<16xi32>
      %swap3A_325 = arith.constant 48 : index
      %swap3A_326 = tpu.vector_load %arg7[%swap3A_325] {strides = array<i32>} : memref<80xi32, #tpu.memory_space<vmem>>, vector<16xi32>,
      %swap3A_327 = vector.shape_cast %swap3A_326 : vector<16xi32> to vector<16xi32>
      %swap3A_328 = vector.shape_cast %select_n3A_324 : vector<16xi32> to vector<16xi32>
      tpu.vector_store %arg7[%swap3A_325], %swap3A_328 {strides = array<i32>} : memref<80xi32, #tpu.memory_space<vmem>>, vector<16xi32>,
      %get3A_329 = arith.constant 64 : index
      %get3A_330 = tpu.vector_load %arg5[%get3A_329] {strides = array<i32>} : memref<80xi32, #tpu.memory_space<vmem>>, vector<16xi32>,
      %get3A_331 = vector.shape_cast %get3A_330 : vector<16xi32> to vector<16xi32>
      %mul3A_332 = arith.constant 5120 : i32
      %mul3A_333 = arith.muli %arg0, %mul3A_332 : i32
      %sub3A_334 = vector.broadcast %mul3A_333 : i32 to vector<16xi32>
      %sub3A_335 = arith.subi %get3A_331, %sub3A_334 : vector<16xi32>
      %ge3A_336 = arith.constant 0 : i32
      %ge3A_337 = vector.broadcast %ge3A_336 : i32 to vector<16xi32>
      %ge3A_338 = arith.cmpi sge, %sub3A_335, %ge3A_337 : vector<16xi32>
      %lt3A_339 = arith.constant 5120 : i32
      %lt3A_340 = vector.broadcast %lt3A_339 : i32 to vector<16xi32>
      %lt3A_341 = arith.cmpi slt, %sub3A_335, %lt3A_340 : vector<16xi32>
      %and3A_342 = arith.andi %ge3A_338, %lt3A_341 : vector<16xi1>
      %jit3A_343 = arith.constant 5120 : i32
      %broadcast_in_dim3A_344 = vector.broadcast %jit3A_343 : i32 to vector<16xi32>
      %select_n3A_345 = arith.select %and3A_342, %sub3A_335, %broadcast_in_dim3A_344 : vector<16xi1>, vector<16xi32>
      %swap3A_346 = arith.constant 64 : index
      %swap3A_347 = tpu.vector_load %arg7[%swap3A_346] {strides = array<i32>} : memref<80xi32, #tpu.memory_space<vmem>>, vector<16xi32>,
      %swap3A_348 = vector.shape_cast %swap3A_347 : vector<16xi32> to vector<16xi32>
      %swap3A_349 = vector.shape_cast %select_n3A_345 : vector<16xi32> to vector<16xi32>
      tpu.vector_store %arg7[%swap3A_346], %swap3A_349 {strides = array<i32>} : memref<80xi32, #tpu.memory_space<vmem>>, vector<16xi32>,
      %add3A_350 = arith.constant 2 : i32
      %add3A_351 = arith.addi %mul3A_243, %add3A_350 : i32
      %mul3A_352 = arith.constant 20000 : i32
      %mul3A_353 = arith.muli %arg1, %mul3A_352 : i32
      %min3A_354 = arith.constant 249 : i32
      %min3A_355 = arith.minsi %add3A_351, %min3A_354 : i32
      %mul3A_356 = arith.constant 80 : i32
      %mul3A_357 = arith.muli %min3A_355, %mul3A_356 : i32
      %add3A_358 = arith.addi %mul3A_353, %mul3A_357 : i32
      %dma_start3A_359 = tpu.memref_slice %arg3[%add3A_358] : memref<320000xi32, #tpu.memory_space<hbm>> -> memref<80xi32, #tpu.memory_space<hbm>>
      %dma_start3A_360 = tpu.memref_slice %arg3[%add3A_358] : memref<320000xi32, #tpu.memory_space<hbm>> -> memref<80xi32, #tpu.memory_space<hbm>>
      tpu.enqueue_dma source(%dma_start3A_360 : memref<80xi32, #tpu.memory_space<hbm>>) target(%arg5 : memref<80xi32, #tpu.memory_space<vmem>>) target_semaphore(%arg13 : memref<!tpu.dma_semaphore, #tpu.memory_space<semaphore_mem>>)
      "tpu.region"() ({
        %run_scoped3A = tpu.sem_alloc : memref<!tpu.dma_semaphore, #tpu.memory_space<semaphore_mem>>
        %dma_start3A_518 = arith.constant 0 : i32
        %dma_start3A_519 = arith.constant 0 : i32
        %dma_start3A_520 = tpu.memref_slice %arg12[%dma_start3A_518, %dma_start3A_519] : memref<5128x128xf32, #tpu.memory_space<vmem_shared>> -> memref<5128x128xf32, #tpu.memory_space<vmem_shared>>
        tpu.enqueue_indirect_dma source(%arg9 : memref<80x128xf32, #tpu.memory_space<vmem>>) target(%dma_start3A_520 : memref<5128x128xf32, #tpu.memory_space<vmem_shared>>) offsets(%arg7 : memref<80xi32, #tpu.memory_space<vmem>>) semaphore(%run_scoped3A : memref<!tpu.dma_semaphore, #tpu.memory_space<semaphore_mem>>) {add = true}
        %dma_wait3A_521 = arith.constant 0 : i32
        %dma_wait3A_522 = arith.constant 0 : i32
        %dma_wait3A_523 = tpu.memref_slice %arg12[%dma_wait3A_521, %dma_wait3A_522] : memref<5128x128xf32, #tpu.memory_space<vmem_shared>> -> memref<5128x128xf32, #tpu.memory_space<vmem_shared>>
        tpu.wait_indirect_dma semaphore(%run_scoped3A : memref<!tpu.dma_semaphore, #tpu.memory_space<semaphore_mem>>) src(%arg9 : memref<80x128xf32, #tpu.memory_space<vmem>>) dst(%dma_wait3A_523 : memref<5128x128xf32, #tpu.memory_space<vmem_shared>>)
        tpu.yield
      }) : () -> ()
      %add3A_361 = arith.constant 2 : i32
      %add3A_362 = arith.addi %mul3A_243, %add3A_361 : i32
      %mul3A_363 = arith.constant 20000 : i32
      %mul3A_364 = arith.muli %arg1, %mul3A_363 : i32
      %min3A_365 = arith.constant 249 : i32
      %min3A_366 = arith.minsi %add3A_362, %min3A_365 : i32
      %mul3A_367 = arith.constant 80 : i32
      %mul3A_368 = arith.muli %min3A_366, %mul3A_367 : i32
      %add3A_369 = arith.addi %mul3A_364, %mul3A_368 : i32
      %dma_start3A_370 = arith.constant 0 : i32
      %dma_start3A_371 = tpu.memref_slice %arg2[%add3A_369, %dma_start3A_370] : memref<320000x128xf32, #tpu.memory_space<hbm>> -> memref<80x128xf32, #tpu.memory_space<hbm>>
      %dma_start3A_372 = arith.constant 0 : i32
      %dma_start3A_373 = tpu.memref_slice %arg2[%add3A_369, %dma_start3A_372] : memref<320000x128xf32, #tpu.memory_space<hbm>> -> memref<80x128xf32, #tpu.memory_space<hbm>>
      tpu.enqueue_dma source(%dma_start3A_373 : memref<80x128xf32, #tpu.memory_space<hbm>>) target(%arg9 : memref<80x128xf32, #tpu.memory_space<vmem>>) target_semaphore(%arg15 : memref<!tpu.dma_semaphore, #tpu.memory_space<semaphore_mem>>)
      %mul3A_374 = arith.constant 2 : i32
      %mul3A_375 = arith.muli %mul3A_374, %scan3A_240 : i32
      %add3A_376 = arith.constant 1 : i32
      %add3A_377 = arith.addi %mul3A_375, %add3A_376 : i32
      %dma_wait3A_378 = arith.constant 0 : i32
      %dma_wait3A_379 = tpu.memref_slice %arg3[%dma_wait3A_378] : memref<320000xi32, #tpu.memory_space<hbm>> -> memref<80xi32, #tpu.memory_space<hbm>>
      %dma_wait3A_380 = arith.constant 0 : i32
      %dma_wait3A_381 = tpu.memref_slice %arg3[%dma_wait3A_380] : memref<320000xi32, #tpu.memory_space<hbm>> -> memref<80xi32, #tpu.memory_space<hbm>>
      tpu.wait_dma2 semaphore(%arg14 : memref<!tpu.dma_semaphore, #tpu.memory_space<semaphore_mem>>) src(%dma_wait3A_381 : memref<80xi32, #tpu.memory_space<hbm>>) dst(%arg6 : memref<80xi32, #tpu.memory_space<vmem>>)
      %dma_wait3A_382 = arith.constant 0 : i32
      %dma_wait3A_383 = arith.constant 0 : i32
      %dma_wait3A_384 = tpu.memref_slice %arg2[%dma_wait3A_382, %dma_wait3A_383] : memref<320000x128xf32, #tpu.memory_space<hbm>> -> memref<80x128xf32, #tpu.memory_space<hbm>>
      %dma_wait3A_385 = arith.constant 0 : i32
      %dma_wait3A_386 = arith.constant 0 : i32
      %dma_wait3A_387 = tpu.memref_slice %arg2[%dma_wait3A_385, %dma_wait3A_386] : memref<320000x128xf32, #tpu.memory_space<hbm>> -> memref<80x128xf32, #tpu.memory_space<hbm>>
      tpu.wait_dma2 semaphore(%arg16 : memref<!tpu.dma_semaphore, #tpu.memory_space<semaphore_mem>>) src(%dma_wait3A_387 : memref<80x128xf32, #tpu.memory_space<hbm>>) dst(%arg10 : memref<80x128xf32, #tpu.memory_space<vmem>>)
      %get3A_388 = arith.constant 0 : index
      %get3A_389 = tpu.vector_load %arg6[%get3A_388] {strides = array<i32>} : memref<80xi32, #tpu.memory_space<vmem>>, vector<16xi32>,
      %get3A_390 = vector.shape_cast %get3A_389 : vector<16xi32> to vector<16xi32>
      %mul3A_391 = arith.constant 5120 : i32
      %mul3A_392 = arith.muli %arg0, %mul3A_391 : i32
      %sub3A_393 = vector.broadcast %mul3A_392 : i32 to vector<16xi32>
      %sub3A_394 = arith.subi %get3A_390, %sub3A_393 : vector<16xi32>
      %ge3A_395 = arith.constant 0 : i32
      %ge3A_396 = vector.broadcast %ge3A_395 : i32 to vector<16xi32>
      %ge3A_397 = arith.cmpi sge, %sub3A_394, %ge3A_396 : vector<16xi32>
      %lt3A_398 = arith.constant 5120 : i32
      %lt3A_399 = vector.broadcast %lt3A_398 : i32 to vector<16xi32>
      %lt3A_400 = arith.cmpi slt, %sub3A_394, %lt3A_399 : vector<16xi32>
      %and3A_401 = arith.andi %ge3A_397, %lt3A_400 : vector<16xi1>
      %jit3A_402 = arith.constant 5120 : i32
      %broadcast_in_dim3A_403 = vector.broadcast %jit3A_402 : i32 to vector<16xi32>
      %select_n3A_404 = arith.select %and3A_401, %sub3A_394, %broadcast_in_dim3A_403 : vector<16xi1>, vector<16xi32>
      %swap3A_405 = arith.constant 0 : index
      %swap3A_406 = tpu.vector_load %arg8[%swap3A_405] {strides = array<i32>} : memref<80xi32, #tpu.memory_space<vmem>>, vector<16xi32>,
      %swap3A_407 = vector.shape_cast %swap3A_406 : vector<16xi32> to vector<16xi32>
      %swap3A_408 = vector.shape_cast %select_n3A_404 : vector<16xi32> to vector<16xi32>
      tpu.vector_store %arg8[%swap3A_405], %swap3A_408 {strides = array<i32>} : memref<80xi32, #tpu.memory_space<vmem>>, vector<16xi32>,
      %get3A_409 = arith.constant 16 : index
      %get3A_410 = tpu.vector_load %arg6[%get3A_409] {strides = array<i32>} : memref<80xi32, #tpu.memory_space<vmem>>, vector<16xi32>,
      %get3A_411 = vector.shape_cast %get3A_410 : vector<16xi32> to vector<16xi32>
      %mul3A_412 = arith.constant 5120 : i32
      %mul3A_413 = arith.muli %arg0, %mul3A_412 : i32
      %sub3A_414 = vector.broadcast %mul3A_413 : i32 to vector<16xi32>
      %sub3A_415 = arith.subi %get3A_411, %sub3A_414 : vector<16xi32>
      %ge3A_416 = arith.constant 0 : i32
      %ge3A_417 = vector.broadcast %ge3A_416 : i32 to vector<16xi32>
      %ge3A_418 = arith.cmpi sge, %sub3A_415, %ge3A_417 : vector<16xi32>
      %lt3A_419 = arith.constant 5120 : i32
      %lt3A_420 = vector.broadcast %lt3A_419 : i32 to vector<16xi32>
      %lt3A_421 = arith.cmpi slt, %sub3A_415, %lt3A_420 : vector<16xi32>
      %and3A_422 = arith.andi %ge3A_418, %lt3A_421 : vector<16xi1>
      %jit3A_423 = arith.constant 5120 : i32
      %broadcast_in_dim3A_424 = vector.broadcast %jit3A_423 : i32 to vector<16xi32>
      %select_n3A_425 = arith.select %and3A_422, %sub3A_415, %broadcast_in_dim3A_424 : vector<16xi1>, vector<16xi32>
      %swap3A_426 = arith.constant 16 : index
      %swap3A_427 = tpu.vector_load %arg8[%swap3A_426] {strides = array<i32>} : memref<80xi32, #tpu.memory_space<vmem>>, vector<16xi32>,
      %swap3A_428 = vector.shape_cast %swap3A_427 : vector<16xi32> to vector<16xi32>
      %swap3A_429 = vector.shape_cast %select_n3A_425 : vector<16xi32> to vector<16xi32>
      tpu.vector_store %arg8[%swap3A_426], %swap3A_429 {strides = array<i32>} : memref<80xi32, #tpu.memory_space<vmem>>, vector<16xi32>,
      %get3A_430 = arith.constant 32 : index
      %get3A_431 = tpu.vector_load %arg6[%get3A_430] {strides = array<i32>} : memref<80xi32, #tpu.memory_space<vmem>>, vector<16xi32>,
      %get3A_432 = vector.shape_cast %get3A_431 : vector<16xi32> to vector<16xi32>
      %mul3A_433 = arith.constant 5120 : i32
      %mul3A_434 = arith.muli %arg0, %mul3A_433 : i32
      %sub3A_435 = vector.broadcast %mul3A_434 : i32 to vector<16xi32>
      %sub3A_436 = arith.subi %get3A_432, %sub3A_435 : vector<16xi32>
      %ge3A_437 = arith.constant 0 : i32
      %ge3A_438 = vector.broadcast %ge3A_437 : i32 to vector<16xi32>
      %ge3A_439 = arith.cmpi sge, %sub3A_436, %ge3A_438 : vector<16xi32>
      %lt3A_440 = arith.constant 5120 : i32
      %lt3A_441 = vector.broadcast %lt3A_440 : i32 to vector<16xi32>
      %lt3A_442 = arith.cmpi slt, %sub3A_436, %lt3A_441 : vector<16xi32>
      %and3A_443 = arith.andi %ge3A_439, %lt3A_442 : vector<16xi1>
      %jit3A_444 = arith.constant 5120 : i32
      %broadcast_in_dim3A_445 = vector.broadcast %jit3A_444 : i32 to vector<16xi32>
      %select_n3A_446 = arith.select %and3A_443, %sub3A_436, %broadcast_in_dim3A_445 : vector<16xi1>, vector<16xi32>
      %swap3A_447 = arith.constant 32 : index
      %swap3A_448 = tpu.vector_load %arg8[%swap3A_447] {strides = array<i32>} : memref<80xi32, #tpu.memory_space<vmem>>, vector<16xi32>,
      %swap3A_449 = vector.shape_cast %swap3A_448 : vector<16xi32> to vector<16xi32>
      %swap3A_450 = vector.shape_cast %select_n3A_446 : vector<16xi32> to vector<16xi32>
      tpu.vector_store %arg8[%swap3A_447], %swap3A_450 {strides = array<i32>} : memref<80xi32, #tpu.memory_space<vmem>>, vector<16xi32>,
      %get3A_451 = arith.constant 48 : index
      %get3A_452 = tpu.vector_load %arg6[%get3A_451] {strides = array<i32>} : memref<80xi32, #tpu.memory_space<vmem>>, vector<16xi32>,
      %get3A_453 = vector.shape_cast %get3A_452 : vector<16xi32> to vector<16xi32>
      %mul3A_454 = arith.constant 5120 : i32
      %mul3A_455 = arith.muli %arg0, %mul3A_454 : i32
      %sub3A_456 = vector.broadcast %mul3A_455 : i32 to vector<16xi32>
      %sub3A_457 = arith.subi %get3A_453, %sub3A_456 : vector<16xi32>
      %ge3A_458 = arith.constant 0 : i32
      %ge3A_459 = vector.broadcast %ge3A_458 : i32 to vector<16xi32>
      %ge3A_460 = arith.cmpi sge, %sub3A_457, %ge3A_459 : vector<16xi32>
      %lt3A_461 = arith.constant 5120 : i32
      %lt3A_462 = vector.broadcast %lt3A_461 : i32 to vector<16xi32>
      %lt3A_463 = arith.cmpi slt, %sub3A_457, %lt3A_462 : vector<16xi32>
      %and3A_464 = arith.andi %ge3A_460, %lt3A_463 : vector<16xi1>
      %jit3A_465 = arith.constant 5120 : i32
      %broadcast_in_dim3A_466 = vector.broadcast %jit3A_465 : i32 to vector<16xi32>
      %select_n3A_467 = arith.select %and3A_464, %sub3A_457, %broadcast_in_dim3A_466 : vector<16xi1>, vector<16xi32>
      %swap3A_468 = arith.constant 48 : index
      %swap3A_469 = tpu.vector_load %arg8[%swap3A_468] {strides = array<i32>} : memref<80xi32, #tpu.memory_space<vmem>>, vector<16xi32>,
      %swap3A_470 = vector.shape_cast %swap3A_469 : vector<16xi32> to vector<16xi32>
      %swap3A_471 = vector.shape_cast %select_n3A_467 : vector<16xi32> to vector<16xi32>
      tpu.vector_store %arg8[%swap3A_468], %swap3A_471 {strides = array<i32>} : memref<80xi32, #tpu.memory_space<vmem>>, vector<16xi32>,
      %get3A_472 = arith.constant 64 : index
      %get3A_473 = tpu.vector_load %arg6[%get3A_472] {strides = array<i32>} : memref<80xi32, #tpu.memory_space<vmem>>, vector<16xi32>,
      %get3A_474 = vector.shape_cast %get3A_473 : vector<16xi32> to vector<16xi32>
      %mul3A_475 = arith.constant 5120 : i32
      %mul3A_476 = arith.muli %arg0, %mul3A_475 : i32
      %sub3A_477 = vector.broadcast %mul3A_476 : i32 to vector<16xi32>
      %sub3A_478 = arith.subi %get3A_474, %sub3A_477 : vector<16xi32>
      %ge3A_479 = arith.constant 0 : i32
      %ge3A_480 = vector.broadcast %ge3A_479 : i32 to vector<16xi32>
      %ge3A_481 = arith.cmpi sge, %sub3A_478, %ge3A_480 : vector<16xi32>
      %lt3A_482 = arith.constant 5120 : i32
      %lt3A_483 = vector.broadcast %lt3A_482 : i32 to vector<16xi32>
      %lt3A_484 = arith.cmpi slt, %sub3A_478, %lt3A_483 : vector<16xi32>
      %and3A_485 = arith.andi %ge3A_481, %lt3A_484 : vector<16xi1>
      %jit3A_486 = arith.constant 5120 : i32
      %broadcast_in_dim3A_487 = vector.broadcast %jit3A_486 : i32 to vector<16xi32>
      %select_n3A_488 = arith.select %and3A_485, %sub3A_478, %broadcast_in_dim3A_487 : vector<16xi1>, vector<16xi32>
      %swap3A_489 = arith.constant 64 : index
      %swap3A_490 = tpu.vector_load %arg8[%swap3A_489] {strides = array<i32>} : memref<80xi32, #tpu.memory_space<vmem>>, vector<16xi32>,
      %swap3A_491 = vector.shape_cast %swap3A_490 : vector<16xi32> to vector<16xi32>
      %swap3A_492 = vector.shape_cast %select_n3A_488 : vector<16xi32> to vector<16xi32>
      tpu.vector_store %arg8[%swap3A_489], %swap3A_492 {strides = array<i32>} : memref<80xi32, #tpu.memory_space<vmem>>, vector<16xi32>,
      %add3A_493 = arith.constant 2 : i32
      %add3A_494 = arith.addi %add3A_377, %add3A_493 : i32
      %mul3A_495 = arith.constant 20000 : i32
      %mul3A_496 = arith.muli %arg1, %mul3A_495 : i32
      %min3A_497 = arith.constant 249 : i32
      %min3A_498 = arith.minsi %add3A_494, %min3A_497 : i32
      %mul3A_499 = arith.constant 80 : i32
      %mul3A_500 = arith.muli %min3A_498, %mul3A_499 : i32
      %add3A_501 = arith.addi %mul3A_496, %mul3A_500 : i32
      %dma_start3A_502 = tpu.memref_slice %arg3[%add3A_501] : memref<320000xi32, #tpu.memory_space<hbm>> -> memref<80xi32, #tpu.memory_space<hbm>>
      %dma_start3A_503 = tpu.memref_slice %arg3[%add3A_501] : memref<320000xi32, #tpu.memory_space<hbm>> -> memref<80xi32, #tpu.memory_space<hbm>>
      tpu.enqueue_dma source(%dma_start3A_503 : memref<80xi32, #tpu.memory_space<hbm>>) target(%arg6 : memref<80xi32, #tpu.memory_space<vmem>>) target_semaphore(%arg14 : memref<!tpu.dma_semaphore, #tpu.memory_space<semaphore_mem>>)
      "tpu.region"() ({
        %run_scoped3A = tpu.sem_alloc : memref<!tpu.dma_semaphore, #tpu.memory_space<semaphore_mem>>
        %dma_start3A_518 = arith.constant 0 : i32
        %dma_start3A_519 = arith.constant 0 : i32
        %dma_start3A_520 = tpu.memref_slice %arg12[%dma_start3A_518, %dma_start3A_519] : memref<5128x128xf32, #tpu.memory_space<vmem_shared>> -> memref<5128x128xf32, #tpu.memory_space<vmem_shared>>
        tpu.enqueue_indirect_dma source(%arg10 : memref<80x128xf32, #tpu.memory_space<vmem>>) target(%dma_start3A_520 : memref<5128x128xf32, #tpu.memory_space<vmem_shared>>) offsets(%arg8 : memref<80xi32, #tpu.memory_space<vmem>>) semaphore(%run_scoped3A : memref<!tpu.dma_semaphore, #tpu.memory_space<semaphore_mem>>) {add = true}
        %dma_wait3A_521 = arith.constant 0 : i32
        %dma_wait3A_522 = arith.constant 0 : i32
        %dma_wait3A_523 = tpu.memref_slice %arg12[%dma_wait3A_521, %dma_wait3A_522] : memref<5128x128xf32, #tpu.memory_space<vmem_shared>> -> memref<5128x128xf32, #tpu.memory_space<vmem_shared>>
        tpu.wait_indirect_dma semaphore(%run_scoped3A : memref<!tpu.dma_semaphore, #tpu.memory_space<semaphore_mem>>) src(%arg10 : memref<80x128xf32, #tpu.memory_space<vmem>>) dst(%dma_wait3A_523 : memref<5128x128xf32, #tpu.memory_space<vmem_shared>>)
        tpu.yield
      }) : () -> ()
      %add3A_504 = arith.constant 2 : i32
      %add3A_505 = arith.addi %add3A_377, %add3A_504 : i32
      %mul3A_506 = arith.constant 20000 : i32
      %mul3A_507 = arith.muli %arg1, %mul3A_506 : i32
      %min3A_508 = arith.constant 249 : i32
      %min3A_509 = arith.minsi %add3A_505, %min3A_508 : i32
      %mul3A_510 = arith.constant 80 : i32
      %mul3A_511 = arith.muli %min3A_509, %mul3A_510 : i32
      %add3A_512 = arith.addi %mul3A_507, %mul3A_511 : i32
      %dma_start3A_513 = arith.constant 0 : i32
      %dma_start3A_514 = tpu.memref_slice %arg2[%add3A_512, %dma_start3A_513] : memref<320000x128xf32, #tpu.memory_space<hbm>> -> memref<80x128xf32, #tpu.memory_space<hbm>>
      %dma_start3A_515 = arith.constant 0 : i32
      %dma_start3A_516 = tpu.memref_slice %arg2[%add3A_512, %dma_start3A_515] : memref<320000x128xf32, #tpu.memory_space<hbm>> -> memref<80x128xf32, #tpu.memory_space<hbm>>
      tpu.enqueue_dma source(%dma_start3A_516 : memref<80x128xf32, #tpu.memory_space<hbm>>) target(%arg10 : memref<80x128xf32, #tpu.memory_space<vmem>>) target_semaphore(%arg16 : memref<!tpu.dma_semaphore, #tpu.memory_space<semaphore_mem>>)
      %scan3A_517 = arith.constant 0 : i32
      scf.yield %scan3A_517 : i32
    }
    %scan3A_212 = arith.constant 125 : i32
    %dma_wait3A = arith.constant 0 : i32
    %dma_wait3A_213 = tpu.memref_slice %arg3[%dma_wait3A] : memref<320000xi32, #tpu.memory_space<hbm>> -> memref<80xi32, #tpu.memory_space<hbm>>
    %dma_wait3A_214 = arith.constant 0 : i32
    %dma_wait3A_215 = tpu.memref_slice %arg3[%dma_wait3A_214] : memref<320000xi32, #tpu.memory_space<hbm>> -> memref<80xi32, #tpu.memory_space<hbm>>
    tpu.wait_dma2 semaphore(%arg13 : memref<!tpu.dma_semaphore, #tpu.memory_space<semaphore_mem>>) src(%dma_wait3A_215 : memref<80xi32, #tpu.memory_space<hbm>>) dst(%arg5 : memref<80xi32, #tpu.memory_space<vmem>>)
    %dma_wait3A_216 = arith.constant 0 : i32
    %dma_wait3A_217 = arith.constant 0 : i32
    %dma_wait3A_218 = tpu.memref_slice %arg2[%dma_wait3A_216, %dma_wait3A_217] : memref<320000x128xf32, #tpu.memory_space<hbm>> -> memref<80x128xf32, #tpu.memory_space<hbm>>
    %dma_wait3A_219 = arith.constant 0 : i32
    %dma_wait3A_220 = arith.constant 0 : i32
    %dma_wait3A_221 = tpu.memref_slice %arg2[%dma_wait3A_219, %dma_wait3A_220] : memref<320000x128xf32, #tpu.memory_space<hbm>> -> memref<80x128xf32, #tpu.memory_space<hbm>>
    tpu.wait_dma2 semaphore(%arg15 : memref<!tpu.dma_semaphore, #tpu.memory_space<semaphore_mem>>) src(%dma_wait3A_221 : memref<80x128xf32, #tpu.memory_space<hbm>>) dst(%arg9 : memref<80x128xf32, #tpu.memory_space<vmem>>)
    %dma_wait3A_222 = arith.constant 0 : i32
    %dma_wait3A_223 = tpu.memref_slice %arg3[%dma_wait3A_222] : memref<320000xi32, #tpu.memory_space<hbm>> -> memref<80xi32, #tpu.memory_space<hbm>>
    %dma_wait3A_224 = arith.constant 0 : i32
    %dma_wait3A_225 = tpu.memref_slice %arg3[%dma_wait3A_224] : memref<320000xi32, #tpu.memory_space<hbm>> -> memref<80xi32, #tpu.memory_space<hbm>>
    tpu.wait_dma2 semaphore(%arg14 : memref<!tpu.dma_semaphore, #tpu.memory_space<semaphore_mem>>) src(%dma_wait3A_225 : memref<80xi32, #tpu.memory_space<hbm>>) dst(%arg6 : memref<80xi32, #tpu.memory_space<vmem>>)
    %dma_wait3A_226 = arith.constant 0 : i32
    %dma_wait3A_227 = arith.constant 0 : i32
    %dma_wait3A_228 = tpu.memref_slice %arg2[%dma_wait3A_226, %dma_wait3A_227] : memref<320000x128xf32, #tpu.memory_space<hbm>> -> memref<80x128xf32, #tpu.memory_space<hbm>>
    %dma_wait3A_229 = arith.constant 0 : i32
    %dma_wait3A_230 = arith.constant 0 : i32
    %dma_wait3A_231 = tpu.memref_slice %arg2[%dma_wait3A_229, %dma_wait3A_230] : memref<320000x128xf32, #tpu.memory_space<hbm>> -> memref<80x128xf32, #tpu.memory_space<hbm>>
    tpu.wait_dma2 semaphore(%arg16 : memref<!tpu.dma_semaphore, #tpu.memory_space<semaphore_mem>>) src(%dma_wait3A_231 : memref<80x128xf32, #tpu.memory_space<hbm>>) dst(%arg10 : memref<80x128xf32, #tpu.memory_space<vmem>>)
    %barrier3A_232 = arith.constant 0 : index
    tpu.barrier barrier_id(%barrier3A_232)
    %mul3A_233 = arith.constant 5120 : i32
    %mul3A_234 = arith.muli %arg0, %mul3A_233 : i32
    %mul3A_235 = arith.constant 320 : i32
    %mul3A_236 = arith.muli %arg1, %mul3A_235 : i32
    %add3A_237 = arith.addi %mul3A_234, %mul3A_236 : i32
    %mul3A_238 = arith.constant 320 : i32
    %mul3A_239 = arith.muli %arg1, %mul3A_238 : i32
    "tpu.region"() ({
      %run_scoped3A = tpu.sem_alloc : memref<!tpu.dma_semaphore, #tpu.memory_space<semaphore_mem>>
      %dma_start3A_240 = arith.constant 0 : i32
      %dma_start3A_241 = tpu.memref_slice %arg4[%add3A_237, %dma_start3A_240] : memref<10240x128xf32, #tpu.memory_space<hbm>> -> memref<320x128xf32, #tpu.memory_space<hbm>>
      %dma_start3A_242 = arith.constant 0 : i32
      %dma_start3A_243 = tpu.memref_slice %arg12[%mul3A_239, %dma_start3A_242] : memref<5128x128xf32, #tpu.memory_space<vmem_shared>> -> memref<320x128xf32, #tpu.memory_space<vmem_shared>>
      tpu.enqueue_dma source(%dma_start3A_243 : memref<320x128xf32, #tpu.memory_space<vmem_shared>>) target(%dma_start3A_241 : memref<320x128xf32, #tpu.memory_space<hbm>>) target_semaphore(%run_scoped3A : memref<!tpu.dma_semaphore, #tpu.memory_space<semaphore_mem>>)
      %dma_wait3A_244 = arith.constant 0 : i32
      %dma_wait3A_245 = tpu.memref_slice %arg4[%add3A_237, %dma_wait3A_244] : memref<10240x128xf32, #tpu.memory_space<hbm>> -> memref<320x128xf32, #tpu.memory_space<hbm>>
      %dma_wait3A_246 = arith.constant 0 : i32
      %dma_wait3A_247 = tpu.memref_slice %arg12[%mul3A_239, %dma_wait3A_246] : memref<5128x128xf32, #tpu.memory_space<vmem_shared>> -> memref<320x128xf32, #tpu.memory_space<vmem_shared>>
      tpu.wait_dma2 semaphore(%run_scoped3A : memref<!tpu.dma_semaphore, #tpu.memory_space<semaphore_mem>>) src(%dma_wait3A_247 : memref<320x128xf32, #tpu.memory_space<vmem_shared>>) dst(%dma_wait3A_245 : memref<320x128xf32, #tpu.memory_space<hbm>>)
      tpu.yield
    }) : () -> ()
    return
  }
}

#map = affine_map<(d0, d1) -> (0, 0)>
#map1 = affine_map<(d0, d1) -> (0)>
module attributes {stable_mosaic.version = 14 : i64} {
  func.func @_gather_body(%arg0: i32, %arg1: i32, %arg2: memref<10000x128xf32, #tpu.memory_space<hbm>>, %arg3: memref<10000x128xf32, #tpu.memory_space<hbm>>, %arg4: memref<320000xi32, #tpu.memory_space<hbm>>, %arg5: memref<320000xi32, #tpu.memory_space<hbm>>, %arg6: memref<320000x128xf32, #tpu.memory_space<hbm>>, %arg7: memref<80xi32, #tpu.memory_space<vmem>>, %arg8: memref<80xi32, #tpu.memory_space<vmem>>, %arg9: memref<80xi32, #tpu.memory_space<vmem>>, %arg10: memref<80xi32, #tpu.memory_space<vmem>>, %arg11: memref<80x128xf32, #tpu.memory_space<vmem>>, %arg12: memref<80x128xf32, #tpu.memory_space<vmem>>, %arg13: memref<80x128xf32, #tpu.memory_space<vmem>>, %arg14: memref<80x128xf32, #tpu.memory_space<vmem>>, %arg15: memref<!tpu.dma_semaphore, #tpu.memory_space<semaphore_mem>>, %arg16: memref<!tpu.dma_semaphore, #tpu.memory_space<semaphore_mem>>, %arg17: memref<!tpu.dma_semaphore, #tpu.memory_space<semaphore_mem>>, %arg18: memref<!tpu.dma_semaphore, #tpu.memory_space<semaphore_mem>>) attributes {dimension_semantics = [#tpu.dimension_semantics<core_parallel>, #tpu.dimension_semantics<subcore_parallel>], iteration_bounds = array<i64: 2, 16>, scalar_prefetch = 0 : i64, scratch_operands = 12 : i64, tpu.core_type = #tpu.core_type<sc_vector_subcore>, window_params = [{transform_indices = #map}, {transform_indices = #map}, {transform_indices = #map1}, {transform_indices = #map1}, {transform_indices = #map}]} {
    %mul3A = arith.constant 2 : i32
    %mul3A_0 = arith.muli %arg1, %mul3A : i32
    %add3A = arith.addi %mul3A_0, %arg0 : i32
    %mul3A_1 = arith.constant 10000 : i32
    %mul3A_2 = arith.muli %add3A, %mul3A_1 : i32
    %min3A = arith.constant 0 : i32
    %min3A_3 = arith.constant 124 : i32
    %min3A_4 = arith.minsi %min3A, %min3A_3 : i32
    %mul3A_5 = arith.constant 80 : i32
    %mul3A_6 = arith.muli %min3A_4, %mul3A_5 : i32
    %add3A_7 = arith.addi %mul3A_2, %mul3A_6 : i32
    %dma_start3A = tpu.memref_slice %arg4[%add3A_7] : memref<320000xi32, #tpu.memory_space<hbm>> -> memref<80xi32, #tpu.memory_space<hbm>>
    %dma_start3A_8 = tpu.memref_slice %arg4[%add3A_7] : memref<320000xi32, #tpu.memory_space<hbm>> -> memref<80xi32, #tpu.memory_space<hbm>>
    tpu.enqueue_dma source(%dma_start3A_8 : memref<80xi32, #tpu.memory_space<hbm>>) target(%arg7 : memref<80xi32, #tpu.memory_space<vmem>>) target_semaphore(%arg15 : memref<!tpu.dma_semaphore, #tpu.memory_space<semaphore_mem>>)
    %dma_start3A_9 = tpu.memref_slice %arg5[%add3A_7] : memref<320000xi32, #tpu.memory_space<hbm>> -> memref<80xi32, #tpu.memory_space<hbm>>
    %dma_start3A_10 = tpu.memref_slice %arg5[%add3A_7] : memref<320000xi32, #tpu.memory_space<hbm>> -> memref<80xi32, #tpu.memory_space<hbm>>
    tpu.enqueue_dma source(%dma_start3A_10 : memref<80xi32, #tpu.memory_space<hbm>>) target(%arg9 : memref<80xi32, #tpu.memory_space<vmem>>) target_semaphore(%arg15 : memref<!tpu.dma_semaphore, #tpu.memory_space<semaphore_mem>>)
    %dma_wait3A = arith.constant 0 : i32
    %dma_wait3A_11 = tpu.memref_slice %arg4[%dma_wait3A] : memref<320000xi32, #tpu.memory_space<hbm>> -> memref<80xi32, #tpu.memory_space<hbm>>
    %dma_wait3A_12 = arith.constant 0 : i32
    %dma_wait3A_13 = tpu.memref_slice %arg4[%dma_wait3A_12] : memref<320000xi32, #tpu.memory_space<hbm>> -> memref<80xi32, #tpu.memory_space<hbm>>
    tpu.wait_dma2 semaphore(%arg15 : memref<!tpu.dma_semaphore, #tpu.memory_space<semaphore_mem>>) src(%dma_wait3A_13 : memref<80xi32, #tpu.memory_space<hbm>>) dst(%arg7 : memref<80xi32, #tpu.memory_space<vmem>>)
    %dma_wait3A_14 = arith.constant 0 : i32
    %dma_wait3A_15 = tpu.memref_slice %arg5[%dma_wait3A_14] : memref<320000xi32, #tpu.memory_space<hbm>> -> memref<80xi32, #tpu.memory_space<hbm>>
    %dma_wait3A_16 = arith.constant 0 : i32
    %dma_wait3A_17 = tpu.memref_slice %arg5[%dma_wait3A_16] : memref<320000xi32, #tpu.memory_space<hbm>> -> memref<80xi32, #tpu.memory_space<hbm>>
    tpu.wait_dma2 semaphore(%arg15 : memref<!tpu.dma_semaphore, #tpu.memory_space<semaphore_mem>>) src(%dma_wait3A_17 : memref<80xi32, #tpu.memory_space<hbm>>) dst(%arg9 : memref<80xi32, #tpu.memory_space<vmem>>)
    %dma_start3A_18 = arith.constant 0 : i32
    %dma_start3A_19 = arith.constant 0 : i32
    %dma_start3A_20 = tpu.memref_slice %arg2[%dma_start3A_18, %dma_start3A_19] : memref<10000x128xf32, #tpu.memory_space<hbm>> -> memref<10000x128xf32, #tpu.memory_space<hbm>>
    tpu.enqueue_indirect_dma source(%dma_start3A_20 : memref<10000x128xf32, #tpu.memory_space<hbm>>) target(%arg11 : memref<80x128xf32, #tpu.memory_space<vmem>>) offsets(%arg7 : memref<80xi32, #tpu.memory_space<vmem>>) semaphore(%arg17 : memref<!tpu.dma_semaphore, #tpu.memory_space<semaphore_mem>>)
    %dma_start3A_21 = arith.constant 0 : i32
    %dma_start3A_22 = arith.constant 0 : i32
    %dma_start3A_23 = tpu.memref_slice %arg3[%dma_start3A_21, %dma_start3A_22] : memref<10000x128xf32, #tpu.memory_space<hbm>> -> memref<10000x128xf32, #tpu.memory_space<hbm>>
    tpu.enqueue_indirect_dma source(%dma_start3A_23 : memref<10000x128xf32, #tpu.memory_space<hbm>>) target(%arg13 : memref<80x128xf32, #tpu.memory_space<vmem>>) offsets(%arg9 : memref<80xi32, #tpu.memory_space<vmem>>) semaphore(%arg17 : memref<!tpu.dma_semaphore, #tpu.memory_space<semaphore_mem>>)
    %min3A_24 = arith.constant 1 : i32
    %min3A_25 = arith.constant 124 : i32
    %min3A_26 = arith.minsi %min3A_24, %min3A_25 : i32
    %mul3A_27 = arith.constant 80 : i32
    %mul3A_28 = arith.muli %min3A_26, %mul3A_27 : i32
    %add3A_29 = arith.addi %mul3A_2, %mul3A_28 : i32
    %dma_start3A_30 = tpu.memref_slice %arg4[%add3A_29] : memref<320000xi32, #tpu.memory_space<hbm>> -> memref<80xi32, #tpu.memory_space<hbm>>
    %dma_start3A_31 = tpu.memref_slice %arg4[%add3A_29] : memref<320000xi32, #tpu.memory_space<hbm>> -> memref<80xi32, #tpu.memory_space<hbm>>
    tpu.enqueue_dma source(%dma_start3A_31 : memref<80xi32, #tpu.memory_space<hbm>>) target(%arg8 : memref<80xi32, #tpu.memory_space<vmem>>) target_semaphore(%arg16 : memref<!tpu.dma_semaphore, #tpu.memory_space<semaphore_mem>>)
    %dma_start3A_32 = tpu.memref_slice %arg5[%add3A_29] : memref<320000xi32, #tpu.memory_space<hbm>> -> memref<80xi32, #tpu.memory_space<hbm>>
    %dma_start3A_33 = tpu.memref_slice %arg5[%add3A_29] : memref<320000xi32, #tpu.memory_space<hbm>> -> memref<80xi32, #tpu.memory_space<hbm>>
    tpu.enqueue_dma source(%dma_start3A_33 : memref<80xi32, #tpu.memory_space<hbm>>) target(%arg10 : memref<80xi32, #tpu.memory_space<vmem>>) target_semaphore(%arg16 : memref<!tpu.dma_semaphore, #tpu.memory_space<semaphore_mem>>)
    %scan3A = arith.constant 0 : i32
    %scan3A_34 = arith.constant 0 : i32
    %scan3A_35 = arith.constant 62 : i32
    %scan3A_36 = arith.addi %scan3A_34, %scan3A_35 : i32
    %scan3A_37 = arith.constant 1 : i32
    %scan3A_38 = scf.for %scan3A_93 = %scan3A_34 to %scan3A_36 step %scan3A_37 iter_args(%scan3A_94 = %scan3A) -> (i32)  : i32 {
      %mul3A_95 = arith.constant 2 : i32
      %mul3A_96 = arith.muli %mul3A_95, %scan3A_93 : i32
      %add3A_97 = arith.constant 1 : i32
      %add3A_98 = arith.addi %mul3A_96, %add3A_97 : i32
      %dma_wait3A_99 = arith.constant 0 : i32
      %dma_wait3A_100 = tpu.memref_slice %arg4[%dma_wait3A_99] : memref<320000xi32, #tpu.memory_space<hbm>> -> memref<80xi32, #tpu.memory_space<hbm>>
      %dma_wait3A_101 = arith.constant 0 : i32
      %dma_wait3A_102 = tpu.memref_slice %arg4[%dma_wait3A_101] : memref<320000xi32, #tpu.memory_space<hbm>> -> memref<80xi32, #tpu.memory_space<hbm>>
      tpu.wait_dma2 semaphore(%arg16 : memref<!tpu.dma_semaphore, #tpu.memory_space<semaphore_mem>>) src(%dma_wait3A_102 : memref<80xi32, #tpu.memory_space<hbm>>) dst(%arg8 : memref<80xi32, #tpu.memory_space<vmem>>)
      %dma_wait3A_103 = arith.constant 0 : i32
      %dma_wait3A_104 = tpu.memref_slice %arg5[%dma_wait3A_103] : memref<320000xi32, #tpu.memory_space<hbm>> -> memref<80xi32, #tpu.memory_space<hbm>>
      %dma_wait3A_105 = arith.constant 0 : i32
      %dma_wait3A_106 = tpu.memref_slice %arg5[%dma_wait3A_105] : memref<320000xi32, #tpu.memory_space<hbm>> -> memref<80xi32, #tpu.memory_space<hbm>>
      tpu.wait_dma2 semaphore(%arg16 : memref<!tpu.dma_semaphore, #tpu.memory_space<semaphore_mem>>) src(%dma_wait3A_106 : memref<80xi32, #tpu.memory_space<hbm>>) dst(%arg10 : memref<80xi32, #tpu.memory_space<vmem>>)
      %dma_start3A_107 = arith.constant 0 : i32
      %dma_start3A_108 = arith.constant 0 : i32
      %dma_start3A_109 = tpu.memref_slice %arg2[%dma_start3A_107, %dma_start3A_108] : memref<10000x128xf32, #tpu.memory_space<hbm>> -> memref<10000x128xf32, #tpu.memory_space<hbm>>
      tpu.enqueue_indirect_dma source(%dma_start3A_109 : memref<10000x128xf32, #tpu.memory_space<hbm>>) target(%arg12 : memref<80x128xf32, #tpu.memory_space<vmem>>) offsets(%arg8 : memref<80xi32, #tpu.memory_space<vmem>>) semaphore(%arg18 : memref<!tpu.dma_semaphore, #tpu.memory_space<semaphore_mem>>)
      %dma_start3A_110 = arith.constant 0 : i32
      %dma_start3A_111 = arith.constant 0 : i32
      %dma_start3A_112 = tpu.memref_slice %arg3[%dma_start3A_110, %dma_start3A_111] : memref<10000x128xf32, #tpu.memory_space<hbm>> -> memref<10000x128xf32, #tpu.memory_space<hbm>>
      tpu.enqueue_indirect_dma source(%dma_start3A_112 : memref<10000x128xf32, #tpu.memory_space<hbm>>) target(%arg14 : memref<80x128xf32, #tpu.memory_space<vmem>>) offsets(%arg10 : memref<80xi32, #tpu.memory_space<vmem>>) semaphore(%arg18 : memref<!tpu.dma_semaphore, #tpu.memory_space<semaphore_mem>>)
      %dma_wait3A_113 = arith.constant 0 : i32
      %dma_wait3A_114 = arith.constant 0 : i32
      %dma_wait3A_115 = tpu.memref_slice %arg2[%dma_wait3A_113, %dma_wait3A_114] : memref<10000x128xf32, #tpu.memory_space<hbm>> -> memref<10000x128xf32, #tpu.memory_space<hbm>>
      tpu.wait_indirect_dma semaphore(%arg17 : memref<!tpu.dma_semaphore, #tpu.memory_space<semaphore_mem>>) src(%dma_wait3A_115 : memref<10000x128xf32, #tpu.memory_space<hbm>>) dst(%arg11 : memref<80x128xf32, #tpu.memory_space<vmem>>)
      %dma_wait3A_116 = arith.constant 0 : i32
      %dma_wait3A_117 = arith.constant 0 : i32
      %dma_wait3A_118 = tpu.memref_slice %arg3[%dma_wait3A_116, %dma_wait3A_117] : memref<10000x128xf32, #tpu.memory_space<hbm>> -> memref<10000x128xf32, #tpu.memory_space<hbm>>
      tpu.wait_indirect_dma semaphore(%arg17 : memref<!tpu.dma_semaphore, #tpu.memory_space<semaphore_mem>>) src(%dma_wait3A_118 : memref<10000x128xf32, #tpu.memory_space<hbm>>) dst(%arg13 : memref<80x128xf32, #tpu.memory_space<vmem>>)
      %add3A_119 = arith.constant 2 : i32
      %add3A_120 = arith.addi %mul3A_96, %add3A_119 : i32
      %min3A_121 = arith.constant 124 : i32
      %min3A_122 = arith.minsi %add3A_120, %min3A_121 : i32
      %mul3A_123 = arith.constant 80 : i32
      %mul3A_124 = arith.muli %min3A_122, %mul3A_123 : i32
      %add3A_125 = arith.addi %mul3A_2, %mul3A_124 : i32
      %dma_start3A_126 = tpu.memref_slice %arg4[%add3A_125] : memref<320000xi32, #tpu.memory_space<hbm>> -> memref<80xi32, #tpu.memory_space<hbm>>
      %dma_start3A_127 = tpu.memref_slice %arg4[%add3A_125] : memref<320000xi32, #tpu.memory_space<hbm>> -> memref<80xi32, #tpu.memory_space<hbm>>
      tpu.enqueue_dma source(%dma_start3A_127 : memref<80xi32, #tpu.memory_space<hbm>>) target(%arg7 : memref<80xi32, #tpu.memory_space<vmem>>) target_semaphore(%arg15 : memref<!tpu.dma_semaphore, #tpu.memory_space<semaphore_mem>>)
      %dma_start3A_128 = tpu.memref_slice %arg5[%add3A_125] : memref<320000xi32, #tpu.memory_space<hbm>> -> memref<80xi32, #tpu.memory_space<hbm>>
      %dma_start3A_129 = tpu.memref_slice %arg5[%add3A_125] : memref<320000xi32, #tpu.memory_space<hbm>> -> memref<80xi32, #tpu.memory_space<hbm>>
      tpu.enqueue_dma source(%dma_start3A_129 : memref<80xi32, #tpu.memory_space<hbm>>) target(%arg9 : memref<80xi32, #tpu.memory_space<vmem>>) target_semaphore(%arg15 : memref<!tpu.dma_semaphore, #tpu.memory_space<semaphore_mem>>)
      %scan3A_130 = arith.constant 0 : i32
      %scan3A_131 = arith.constant 0 : i32
      %scan3A_132 = arith.constant 80 : i32
      %scan3A_133 = arith.addi %scan3A_131, %scan3A_132 : i32
      %scan3A_134 = arith.constant 1 : i32
      %scan3A_135 = scf.for %scan3A_184 = %scan3A_131 to %scan3A_133 step %scan3A_134 iter_args(%scan3A_185 = %scan3A_130) -> (i32)  : i32 {
        %get3A = arith.index_cast %scan3A_184 : i32 to index
        %get3A_186 = arith.constant 0 : index
        %get3A_187 = tpu.vector_load %arg11[%get3A, %get3A_186] {strides = array<i32>} : memref<80x128xf32, #tpu.memory_space<vmem>>, vector<1x16xf32>,
        %get3A_188 = vector.shape_cast %get3A_187 : vector<1x16xf32> to vector<16xf32>
        %get3A_189 = arith.index_cast %scan3A_184 : i32 to index
        %get3A_190 = arith.constant 0 : index
        %get3A_191 = tpu.vector_load %arg13[%get3A_189, %get3A_190] {strides = array<i32>} : memref<80x128xf32, #tpu.memory_space<vmem>>, vector<1x16xf32>,
        %get3A_192 = vector.shape_cast %get3A_191 : vector<1x16xf32> to vector<16xf32>
        %add3A_193 = arith.addf %get3A_188, %get3A_192 : vector<16xf32>
        %swap3A = arith.index_cast %scan3A_184 : i32 to index
        %swap3A_194 = arith.constant 0 : index
        %swap3A_195 = tpu.vector_load %arg11[%swap3A, %swap3A_194] {strides = array<i32>} : memref<80x128xf32, #tpu.memory_space<vmem>>, vector<1x16xf32>,
        %swap3A_196 = vector.shape_cast %swap3A_195 : vector<1x16xf32> to vector<16xf32>
        %swap3A_197 = vector.shape_cast %add3A_193 : vector<16xf32> to vector<1x16xf32>
        tpu.vector_store %arg11[%swap3A, %swap3A_194], %swap3A_197 {strides = array<i32>} : memref<80x128xf32, #tpu.memory_space<vmem>>, vector<1x16xf32>,
        %get3A_198 = arith.index_cast %scan3A_184 : i32 to index
        %get3A_199 = arith.constant 16 : index
        %get3A_200 = tpu.vector_load %arg11[%get3A_198, %get3A_199] {strides = array<i32>} : memref<80x128xf32, #tpu.memory_space<vmem>>, vector<1x16xf32>,
        %get3A_201 = vector.shape_cast %get3A_200 : vector<1x16xf32> to vector<16xf32>
        %get3A_202 = arith.index_cast %scan3A_184 : i32 to index
        %get3A_203 = arith.constant 16 : index
        %get3A_204 = tpu.vector_load %arg13[%get3A_202, %get3A_203] {strides = array<i32>} : memref<80x128xf32, #tpu.memory_space<vmem>>, vector<1x16xf32>,
        %get3A_205 = vector.shape_cast %get3A_204 : vector<1x16xf32> to vector<16xf32>
        %add3A_206 = arith.addf %get3A_201, %get3A_205 : vector<16xf32>
        %swap3A_207 = arith.index_cast %scan3A_184 : i32 to index
        %swap3A_208 = arith.constant 16 : index
        %swap3A_209 = tpu.vector_load %arg11[%swap3A_207, %swap3A_208] {strides = array<i32>} : memref<80x128xf32, #tpu.memory_space<vmem>>, vector<1x16xf32>,
        %swap3A_210 = vector.shape_cast %swap3A_209 : vector<1x16xf32> to vector<16xf32>
        %swap3A_211 = vector.shape_cast %add3A_206 : vector<16xf32> to vector<1x16xf32>
        tpu.vector_store %arg11[%swap3A_207, %swap3A_208], %swap3A_211 {strides = array<i32>} : memref<80x128xf32, #tpu.memory_space<vmem>>, vector<1x16xf32>,
        %get3A_212 = arith.index_cast %scan3A_184 : i32 to index
        %get3A_213 = arith.constant 32 : index
        %get3A_214 = tpu.vector_load %arg11[%get3A_212, %get3A_213] {strides = array<i32>} : memref<80x128xf32, #tpu.memory_space<vmem>>, vector<1x16xf32>,
        %get3A_215 = vector.shape_cast %get3A_214 : vector<1x16xf32> to vector<16xf32>
        %get3A_216 = arith.index_cast %scan3A_184 : i32 to index
        %get3A_217 = arith.constant 32 : index
        %get3A_218 = tpu.vector_load %arg13[%get3A_216, %get3A_217] {strides = array<i32>} : memref<80x128xf32, #tpu.memory_space<vmem>>, vector<1x16xf32>,
        %get3A_219 = vector.shape_cast %get3A_218 : vector<1x16xf32> to vector<16xf32>
        %add3A_220 = arith.addf %get3A_215, %get3A_219 : vector<16xf32>
        %swap3A_221 = arith.index_cast %scan3A_184 : i32 to index
        %swap3A_222 = arith.constant 32 : index
        %swap3A_223 = tpu.vector_load %arg11[%swap3A_221, %swap3A_222] {strides = array<i32>} : memref<80x128xf32, #tpu.memory_space<vmem>>, vector<1x16xf32>,
        %swap3A_224 = vector.shape_cast %swap3A_223 : vector<1x16xf32> to vector<16xf32>
        %swap3A_225 = vector.shape_cast %add3A_220 : vector<16xf32> to vector<1x16xf32>
        tpu.vector_store %arg11[%swap3A_221, %swap3A_222], %swap3A_225 {strides = array<i32>} : memref<80x128xf32, #tpu.memory_space<vmem>>, vector<1x16xf32>,
        %get3A_226 = arith.index_cast %scan3A_184 : i32 to index
        %get3A_227 = arith.constant 48 : index
        %get3A_228 = tpu.vector_load %arg11[%get3A_226, %get3A_227] {strides = array<i32>} : memref<80x128xf32, #tpu.memory_space<vmem>>, vector<1x16xf32>,
        %get3A_229 = vector.shape_cast %get3A_228 : vector<1x16xf32> to vector<16xf32>
        %get3A_230 = arith.index_cast %scan3A_184 : i32 to index
        %get3A_231 = arith.constant 48 : index
        %get3A_232 = tpu.vector_load %arg13[%get3A_230, %get3A_231] {strides = array<i32>} : memref<80x128xf32, #tpu.memory_space<vmem>>, vector<1x16xf32>,
        %get3A_233 = vector.shape_cast %get3A_232 : vector<1x16xf32> to vector<16xf32>
        %add3A_234 = arith.addf %get3A_229, %get3A_233 : vector<16xf32>
        %swap3A_235 = arith.index_cast %scan3A_184 : i32 to index
        %swap3A_236 = arith.constant 48 : index
        %swap3A_237 = tpu.vector_load %arg11[%swap3A_235, %swap3A_236] {strides = array<i32>} : memref<80x128xf32, #tpu.memory_space<vmem>>, vector<1x16xf32>,
        %swap3A_238 = vector.shape_cast %swap3A_237 : vector<1x16xf32> to vector<16xf32>
        %swap3A_239 = vector.shape_cast %add3A_234 : vector<16xf32> to vector<1x16xf32>
        tpu.vector_store %arg11[%swap3A_235, %swap3A_236], %swap3A_239 {strides = array<i32>} : memref<80x128xf32, #tpu.memory_space<vmem>>, vector<1x16xf32>,
        %get3A_240 = arith.index_cast %scan3A_184 : i32 to index
        %get3A_241 = arith.constant 64 : index
        %get3A_242 = tpu.vector_load %arg11[%get3A_240, %get3A_241] {strides = array<i32>} : memref<80x128xf32, #tpu.memory_space<vmem>>, vector<1x16xf32>,
        %get3A_243 = vector.shape_cast %get3A_242 : vector<1x16xf32> to vector<16xf32>
        %get3A_244 = arith.index_cast %scan3A_184 : i32 to index
        %get3A_245 = arith.constant 64 : index
        %get3A_246 = tpu.vector_load %arg13[%get3A_244, %get3A_245] {strides = array<i32>} : memref<80x128xf32, #tpu.memory_space<vmem>>, vector<1x16xf32>,
        %get3A_247 = vector.shape_cast %get3A_246 : vector<1x16xf32> to vector<16xf32>
        %add3A_248 = arith.addf %get3A_243, %get3A_247 : vector<16xf32>
        %swap3A_249 = arith.index_cast %scan3A_184 : i32 to index
        %swap3A_250 = arith.constant 64 : index
        %swap3A_251 = tpu.vector_load %arg11[%swap3A_249, %swap3A_250] {strides = array<i32>} : memref<80x128xf32, #tpu.memory_space<vmem>>, vector<1x16xf32>,
        %swap3A_252 = vector.shape_cast %swap3A_251 : vector<1x16xf32> to vector<16xf32>
        %swap3A_253 = vector.shape_cast %add3A_248 : vector<16xf32> to vector<1x16xf32>
        tpu.vector_store %arg11[%swap3A_249, %swap3A_250], %swap3A_253 {strides = array<i32>} : memref<80x128xf32, #tpu.memory_space<vmem>>, vector<1x16xf32>,
        %get3A_254 = arith.index_cast %scan3A_184 : i32 to index
        %get3A_255 = arith.constant 80 : index
        %get3A_256 = tpu.vector_load %arg11[%get3A_254, %get3A_255] {strides = array<i32>} : memref<80x128xf32, #tpu.memory_space<vmem>>, vector<1x16xf32>,
        %get3A_257 = vector.shape_cast %get3A_256 : vector<1x16xf32> to vector<16xf32>
        %get3A_258 = arith.index_cast %scan3A_184 : i32 to index
        %get3A_259 = arith.constant 80 : index
        %get3A_260 = tpu.vector_load %arg13[%get3A_258, %get3A_259] {strides = array<i32>} : memref<80x128xf32, #tpu.memory_space<vmem>>, vector<1x16xf32>,
        %get3A_261 = vector.shape_cast %get3A_260 : vector<1x16xf32> to vector<16xf32>
        %add3A_262 = arith.addf %get3A_257, %get3A_261 : vector<16xf32>
        %swap3A_263 = arith.index_cast %scan3A_184 : i32 to index
        %swap3A_264 = arith.constant 80 : index
        %swap3A_265 = tpu.vector_load %arg11[%swap3A_263, %swap3A_264] {strides = array<i32>} : memref<80x128xf32, #tpu.memory_space<vmem>>, vector<1x16xf32>,
        %swap3A_266 = vector.shape_cast %swap3A_265 : vector<1x16xf32> to vector<16xf32>
        %swap3A_267 = vector.shape_cast %add3A_262 : vector<16xf32> to vector<1x16xf32>
        tpu.vector_store %arg11[%swap3A_263, %swap3A_264], %swap3A_267 {strides = array<i32>} : memref<80x128xf32, #tpu.memory_space<vmem>>, vector<1x16xf32>,
        %get3A_268 = arith.index_cast %scan3A_184 : i32 to index
        %get3A_269 = arith.constant 96 : index
        %get3A_270 = tpu.vector_load %arg11[%get3A_268, %get3A_269] {strides = array<i32>} : memref<80x128xf32, #tpu.memory_space<vmem>>, vector<1x16xf32>,
        %get3A_271 = vector.shape_cast %get3A_270 : vector<1x16xf32> to vector<16xf32>
        %get3A_272 = arith.index_cast %scan3A_184 : i32 to index
        %get3A_273 = arith.constant 96 : index
        %get3A_274 = tpu.vector_load %arg13[%get3A_272, %get3A_273] {strides = array<i32>} : memref<80x128xf32, #tpu.memory_space<vmem>>, vector<1x16xf32>,
        %get3A_275 = vector.shape_cast %get3A_274 : vector<1x16xf32> to vector<16xf32>
        %add3A_276 = arith.addf %get3A_271, %get3A_275 : vector<16xf32>
        %swap3A_277 = arith.index_cast %scan3A_184 : i32 to index
        %swap3A_278 = arith.constant 96 : index
        %swap3A_279 = tpu.vector_load %arg11[%swap3A_277, %swap3A_278] {strides = array<i32>} : memref<80x128xf32, #tpu.memory_space<vmem>>, vector<1x16xf32>,
        %swap3A_280 = vector.shape_cast %swap3A_279 : vector<1x16xf32> to vector<16xf32>
        %swap3A_281 = vector.shape_cast %add3A_276 : vector<16xf32> to vector<1x16xf32>
        tpu.vector_store %arg11[%swap3A_277, %swap3A_278], %swap3A_281 {strides = array<i32>} : memref<80x128xf32, #tpu.memory_space<vmem>>, vector<1x16xf32>,
        %get3A_282 = arith.index_cast %scan3A_184 : i32 to index
        %get3A_283 = arith.constant 112 : index
        %get3A_284 = tpu.vector_load %arg11[%get3A_282, %get3A_283] {strides = array<i32>} : memref<80x128xf32, #tpu.memory_space<vmem>>, vector<1x16xf32>,
        %get3A_285 = vector.shape_cast %get3A_284 : vector<1x16xf32> to vector<16xf32>
        %get3A_286 = arith.index_cast %scan3A_184 : i32 to index
        %get3A_287 = arith.constant 112 : index
        %get3A_288 = tpu.vector_load %arg13[%get3A_286, %get3A_287] {strides = array<i32>} : memref<80x128xf32, #tpu.memory_space<vmem>>, vector<1x16xf32>,
        %get3A_289 = vector.shape_cast %get3A_288 : vector<1x16xf32> to vector<16xf32>
        %add3A_290 = arith.addf %get3A_285, %get3A_289 : vector<16xf32>
        %swap3A_291 = arith.index_cast %scan3A_184 : i32 to index
        %swap3A_292 = arith.constant 112 : index
        %swap3A_293 = tpu.vector_load %arg11[%swap3A_291, %swap3A_292] {strides = array<i32>} : memref<80x128xf32, #tpu.memory_space<vmem>>, vector<1x16xf32>,
        %swap3A_294 = vector.shape_cast %swap3A_293 : vector<1x16xf32> to vector<16xf32>
        %swap3A_295 = vector.shape_cast %add3A_290 : vector<16xf32> to vector<1x16xf32>
        tpu.vector_store %arg11[%swap3A_291, %swap3A_292], %swap3A_295 {strides = array<i32>} : memref<80x128xf32, #tpu.memory_space<vmem>>, vector<1x16xf32>,
        %scan3A_296 = arith.constant 0 : i32
        scf.yield %scan3A_296 : i32
      }
      %scan3A_136 = arith.constant 80 : i32
      %mul3A_137 = arith.constant 80 : i32
      %mul3A_138 = arith.muli %mul3A_96, %mul3A_137 : i32
      %add3A_139 = arith.addi %mul3A_2, %mul3A_138 : i32
      "tpu.region"() ({
        %run_scoped3A = tpu.sem_alloc : memref<!tpu.dma_semaphore, #tpu.memory_space<semaphore_mem>>
        %dma_start3A_184 = arith.constant 0 : i32
        %dma_start3A_185 = tpu.memref_slice %arg6[%add3A_139, %dma_start3A_184] : memref<320000x128xf32, #tpu.memory_space<hbm>> -> memref<80x128xf32, #tpu.memory_space<hbm>>
        %dma_start3A_186 = arith.constant 0 : i32
        %dma_start3A_187 = tpu.memref_slice %arg6[%add3A_139, %dma_start3A_186] : memref<320000x128xf32, #tpu.memory_space<hbm>> -> memref<80x128xf32, #tpu.memory_space<hbm>>
        tpu.enqueue_dma source(%arg11 : memref<80x128xf32, #tpu.memory_space<vmem>>) target(%dma_start3A_187 : memref<80x128xf32, #tpu.memory_space<hbm>>) target_semaphore(%run_scoped3A : memref<!tpu.dma_semaphore, #tpu.memory_space<semaphore_mem>>)
        %dma_wait3A_188 = arith.constant 0 : i32
        %dma_wait3A_189 = tpu.memref_slice %arg6[%add3A_139, %dma_wait3A_188] : memref<320000x128xf32, #tpu.memory_space<hbm>> -> memref<80x128xf32, #tpu.memory_space<hbm>>
        %dma_wait3A_190 = arith.constant 0 : i32
        %dma_wait3A_191 = tpu.memref_slice %arg6[%add3A_139, %dma_wait3A_190] : memref<320000x128xf32, #tpu.memory_space<hbm>> -> memref<80x128xf32, #tpu.memory_space<hbm>>
        tpu.wait_dma2 semaphore(%run_scoped3A : memref<!tpu.dma_semaphore, #tpu.memory_space<semaphore_mem>>) src(%arg11 : memref<80x128xf32, #tpu.memory_space<vmem>>) dst(%dma_wait3A_191 : memref<80x128xf32, #tpu.memory_space<hbm>>)
        tpu.yield
      }) : () -> ()
      %add3A_140 = arith.constant 2 : i32
      %add3A_141 = arith.addi %mul3A_96, %add3A_140 : i32
      %dma_wait3A_142 = arith.constant 0 : i32
      %dma_wait3A_143 = tpu.memref_slice %arg4[%dma_wait3A_142] : memref<320000xi32, #tpu.memory_space<hbm>> -> memref<80xi32, #tpu.memory_space<hbm>>
      %dma_wait3A_144 = arith.constant 0 : i32
      %dma_wait3A_145 = tpu.memref_slice %arg4[%dma_wait3A_144] : memref<320000xi32, #tpu.memory_space<hbm>> -> memref<80xi32, #tpu.memory_space<hbm>>
      tpu.wait_dma2 semaphore(%arg15 : memref<!tpu.dma_semaphore, #tpu.memory_space<semaphore_mem>>) src(%dma_wait3A_145 : memref<80xi32, #tpu.memory_space<hbm>>) dst(%arg7 : memref<80xi32, #tpu.memory_space<vmem>>)
      %dma_wait3A_146 = arith.constant 0 : i32
      %dma_wait3A_147 = tpu.memref_slice %arg5[%dma_wait3A_146] : memref<320000xi32, #tpu.memory_space<hbm>> -> memref<80xi32, #tpu.memory_space<hbm>>
      %dma_wait3A_148 = arith.constant 0 : i32
      %dma_wait3A_149 = tpu.memref_slice %arg5[%dma_wait3A_148] : memref<320000xi32, #tpu.memory_space<hbm>> -> memref<80xi32, #tpu.memory_space<hbm>>
      tpu.wait_dma2 semaphore(%arg15 : memref<!tpu.dma_semaphore, #tpu.memory_space<semaphore_mem>>) src(%dma_wait3A_149 : memref<80xi32, #tpu.memory_space<hbm>>) dst(%arg9 : memref<80xi32, #tpu.memory_space<vmem>>)
      %dma_start3A_150 = arith.constant 0 : i32
      %dma_start3A_151 = arith.constant 0 : i32
      %dma_start3A_152 = tpu.memref_slice %arg2[%dma_start3A_150, %dma_start3A_151] : memref<10000x128xf32, #tpu.memory_space<hbm>> -> memref<10000x128xf32, #tpu.memory_space<hbm>>
      tpu.enqueue_indirect_dma source(%dma_start3A_152 : memref<10000x128xf32, #tpu.memory_space<hbm>>) target(%arg11 : memref<80x128xf32, #tpu.memory_space<vmem>>) offsets(%arg7 : memref<80xi32, #tpu.memory_space<vmem>>) semaphore(%arg17 : memref<!tpu.dma_semaphore, #tpu.memory_space<semaphore_mem>>)
      %dma_start3A_153 = arith.constant 0 : i32
      %dma_start3A_154 = arith.constant 0 : i32
      %dma_start3A_155 = tpu.memref_slice %arg3[%dma_start3A_153, %dma_start3A_154] : memref<10000x128xf32, #tpu.memory_space<hbm>> -> memref<10000x128xf32, #tpu.memory_space<hbm>>
      tpu.enqueue_indirect_dma source(%dma_start3A_155 : memref<10000x128xf32, #tpu.memory_space<hbm>>) target(%arg13 : memref<80x128xf32, #tpu.memory_space<vmem>>) offsets(%arg9 : memref<80xi32, #tpu.memory_space<vmem>>) semaphore(%arg17 : memref<!tpu.dma_semaphore, #tpu.memory_space<semaphore_mem>>)
      %dma_wait3A_156 = arith.constant 0 : i32
      %dma_wait3A_157 = arith.constant 0 : i32
      %dma_wait3A_158 = tpu.memref_slice %arg2[%dma_wait3A_156, %dma_wait3A_157] : memref<10000x128xf32, #tpu.memory_space<hbm>> -> memref<10000x128xf32, #tpu.memory_space<hbm>>
      tpu.wait_indirect_dma semaphore(%arg18 : memref<!tpu.dma_semaphore, #tpu.memory_space<semaphore_mem>>) src(%dma_wait3A_158 : memref<10000x128xf32, #tpu.memory_space<hbm>>) dst(%arg12 : memref<80x128xf32, #tpu.memory_space<vmem>>)
      %dma_wait3A_159 = arith.constant 0 : i32
      %dma_wait3A_160 = arith.constant 0 : i32
      %dma_wait3A_161 = tpu.memref_slice %arg3[%dma_wait3A_159, %dma_wait3A_160] : memref<10000x128xf32, #tpu.memory_space<hbm>> -> memref<10000x128xf32, #tpu.memory_space<hbm>>
      tpu.wait_indirect_dma semaphore(%arg18 : memref<!tpu.dma_semaphore, #tpu.memory_space<semaphore_mem>>) src(%dma_wait3A_161 : memref<10000x128xf32, #tpu.memory_space<hbm>>) dst(%arg14 : memref<80x128xf32, #tpu.memory_space<vmem>>)
      %add3A_162 = arith.constant 2 : i32
      %add3A_163 = arith.addi %add3A_98, %add3A_162 : i32
      %min3A_164 = arith.constant 124 : i32
      %min3A_165 = arith.minsi %add3A_163, %min3A_164 : i32
      %mul3A_166 = arith.constant 80 : i32
      %mul3A_167 = arith.muli %min3A_165, %mul3A_166 : i32
      %add3A_168 = arith.addi %mul3A_2, %mul3A_167 : i32
      %dma_start3A_169 = tpu.memref_slice %arg4[%add3A_168] : memref<320000xi32, #tpu.memory_space<hbm>> -> memref<80xi32, #tpu.memory_space<hbm>>
      %dma_start3A_170 = tpu.memref_slice %arg4[%add3A_168] : memref<320000xi32, #tpu.memory_space<hbm>> -> memref<80xi32, #tpu.memory_space<hbm>>
      tpu.enqueue_dma source(%dma_start3A_170 : memref<80xi32, #tpu.memory_space<hbm>>) target(%arg8 : memref<80xi32, #tpu.memory_space<vmem>>) target_semaphore(%arg16 : memref<!tpu.dma_semaphore, #tpu.memory_space<semaphore_mem>>)
      %dma_start3A_171 = tpu.memref_slice %arg5[%add3A_168] : memref<320000xi32, #tpu.memory_space<hbm>> -> memref<80xi32, #tpu.memory_space<hbm>>
      %dma_start3A_172 = tpu.memref_slice %arg5[%add3A_168] : memref<320000xi32, #tpu.memory_space<hbm>> -> memref<80xi32, #tpu.memory_space<hbm>>
      tpu.enqueue_dma source(%dma_start3A_172 : memref<80xi32, #tpu.memory_space<hbm>>) target(%arg10 : memref<80xi32, #tpu.memory_space<vmem>>) target_semaphore(%arg16 : memref<!tpu.dma_semaphore, #tpu.memory_space<semaphore_mem>>)
      %scan3A_173 = arith.constant 0 : i32
      %scan3A_174 = arith.constant 0 : i32
      %scan3A_175 = arith.constant 80 : i32
      %scan3A_176 = arith.addi %scan3A_174, %scan3A_175 : i32
      %scan3A_177 = arith.constant 1 : i32
      %scan3A_178 = scf.for %scan3A_184 = %scan3A_174 to %scan3A_176 step %scan3A_177 iter_args(%scan3A_185 = %scan3A_173) -> (i32)  : i32 {
        %get3A = arith.index_cast %scan3A_184 : i32 to index
        %get3A_186 = arith.constant 0 : index
        %get3A_187 = tpu.vector_load %arg12[%get3A, %get3A_186] {strides = array<i32>} : memref<80x128xf32, #tpu.memory_space<vmem>>, vector<1x16xf32>,
        %get3A_188 = vector.shape_cast %get3A_187 : vector<1x16xf32> to vector<16xf32>
        %get3A_189 = arith.index_cast %scan3A_184 : i32 to index
        %get3A_190 = arith.constant 0 : index
        %get3A_191 = tpu.vector_load %arg14[%get3A_189, %get3A_190] {strides = array<i32>} : memref<80x128xf32, #tpu.memory_space<vmem>>, vector<1x16xf32>,
        %get3A_192 = vector.shape_cast %get3A_191 : vector<1x16xf32> to vector<16xf32>
        %add3A_193 = arith.addf %get3A_188, %get3A_192 : vector<16xf32>
        %swap3A = arith.index_cast %scan3A_184 : i32 to index
        %swap3A_194 = arith.constant 0 : index
        %swap3A_195 = tpu.vector_load %arg12[%swap3A, %swap3A_194] {strides = array<i32>} : memref<80x128xf32, #tpu.memory_space<vmem>>, vector<1x16xf32>,
        %swap3A_196 = vector.shape_cast %swap3A_195 : vector<1x16xf32> to vector<16xf32>
        %swap3A_197 = vector.shape_cast %add3A_193 : vector<16xf32> to vector<1x16xf32>
        tpu.vector_store %arg12[%swap3A, %swap3A_194], %swap3A_197 {strides = array<i32>} : memref<80x128xf32, #tpu.memory_space<vmem>>, vector<1x16xf32>,
        %get3A_198 = arith.index_cast %scan3A_184 : i32 to index
        %get3A_199 = arith.constant 16 : index
        %get3A_200 = tpu.vector_load %arg12[%get3A_198, %get3A_199] {strides = array<i32>} : memref<80x128xf32, #tpu.memory_space<vmem>>, vector<1x16xf32>,
        %get3A_201 = vector.shape_cast %get3A_200 : vector<1x16xf32> to vector<16xf32>
        %get3A_202 = arith.index_cast %scan3A_184 : i32 to index
        %get3A_203 = arith.constant 16 : index
        %get3A_204 = tpu.vector_load %arg14[%get3A_202, %get3A_203] {strides = array<i32>} : memref<80x128xf32, #tpu.memory_space<vmem>>, vector<1x16xf32>,
        %get3A_205 = vector.shape_cast %get3A_204 : vector<1x16xf32> to vector<16xf32>
        %add3A_206 = arith.addf %get3A_201, %get3A_205 : vector<16xf32>
        %swap3A_207 = arith.index_cast %scan3A_184 : i32 to index
        %swap3A_208 = arith.constant 16 : index
        %swap3A_209 = tpu.vector_load %arg12[%swap3A_207, %swap3A_208] {strides = array<i32>} : memref<80x128xf32, #tpu.memory_space<vmem>>, vector<1x16xf32>,
        %swap3A_210 = vector.shape_cast %swap3A_209 : vector<1x16xf32> to vector<16xf32>
        %swap3A_211 = vector.shape_cast %add3A_206 : vector<16xf32> to vector<1x16xf32>
        tpu.vector_store %arg12[%swap3A_207, %swap3A_208], %swap3A_211 {strides = array<i32>} : memref<80x128xf32, #tpu.memory_space<vmem>>, vector<1x16xf32>,
        %get3A_212 = arith.index_cast %scan3A_184 : i32 to index
        %get3A_213 = arith.constant 32 : index
        %get3A_214 = tpu.vector_load %arg12[%get3A_212, %get3A_213] {strides = array<i32>} : memref<80x128xf32, #tpu.memory_space<vmem>>, vector<1x16xf32>,
        %get3A_215 = vector.shape_cast %get3A_214 : vector<1x16xf32> to vector<16xf32>
        %get3A_216 = arith.index_cast %scan3A_184 : i32 to index
        %get3A_217 = arith.constant 32 : index
        %get3A_218 = tpu.vector_load %arg14[%get3A_216, %get3A_217] {strides = array<i32>} : memref<80x128xf32, #tpu.memory_space<vmem>>, vector<1x16xf32>,
        %get3A_219 = vector.shape_cast %get3A_218 : vector<1x16xf32> to vector<16xf32>
        %add3A_220 = arith.addf %get3A_215, %get3A_219 : vector<16xf32>
        %swap3A_221 = arith.index_cast %scan3A_184 : i32 to index
        %swap3A_222 = arith.constant 32 : index
        %swap3A_223 = tpu.vector_load %arg12[%swap3A_221, %swap3A_222] {strides = array<i32>} : memref<80x128xf32, #tpu.memory_space<vmem>>, vector<1x16xf32>,
        %swap3A_224 = vector.shape_cast %swap3A_223 : vector<1x16xf32> to vector<16xf32>
        %swap3A_225 = vector.shape_cast %add3A_220 : vector<16xf32> to vector<1x16xf32>
        tpu.vector_store %arg12[%swap3A_221, %swap3A_222], %swap3A_225 {strides = array<i32>} : memref<80x128xf32, #tpu.memory_space<vmem>>, vector<1x16xf32>,
        %get3A_226 = arith.index_cast %scan3A_184 : i32 to index
        %get3A_227 = arith.constant 48 : index
        %get3A_228 = tpu.vector_load %arg12[%get3A_226, %get3A_227] {strides = array<i32>} : memref<80x128xf32, #tpu.memory_space<vmem>>, vector<1x16xf32>,
        %get3A_229 = vector.shape_cast %get3A_228 : vector<1x16xf32> to vector<16xf32>
        %get3A_230 = arith.index_cast %scan3A_184 : i32 to index
        %get3A_231 = arith.constant 48 : index
        %get3A_232 = tpu.vector_load %arg14[%get3A_230, %get3A_231] {strides = array<i32>} : memref<80x128xf32, #tpu.memory_space<vmem>>, vector<1x16xf32>,
        %get3A_233 = vector.shape_cast %get3A_232 : vector<1x16xf32> to vector<16xf32>
        %add3A_234 = arith.addf %get3A_229, %get3A_233 : vector<16xf32>
        %swap3A_235 = arith.index_cast %scan3A_184 : i32 to index
        %swap3A_236 = arith.constant 48 : index
        %swap3A_237 = tpu.vector_load %arg12[%swap3A_235, %swap3A_236] {strides = array<i32>} : memref<80x128xf32, #tpu.memory_space<vmem>>, vector<1x16xf32>,
        %swap3A_238 = vector.shape_cast %swap3A_237 : vector<1x16xf32> to vector<16xf32>
        %swap3A_239 = vector.shape_cast %add3A_234 : vector<16xf32> to vector<1x16xf32>
        tpu.vector_store %arg12[%swap3A_235, %swap3A_236], %swap3A_239 {strides = array<i32>} : memref<80x128xf32, #tpu.memory_space<vmem>>, vector<1x16xf32>,
        %get3A_240 = arith.index_cast %scan3A_184 : i32 to index
        %get3A_241 = arith.constant 64 : index
        %get3A_242 = tpu.vector_load %arg12[%get3A_240, %get3A_241] {strides = array<i32>} : memref<80x128xf32, #tpu.memory_space<vmem>>, vector<1x16xf32>,
        %get3A_243 = vector.shape_cast %get3A_242 : vector<1x16xf32> to vector<16xf32>
        %get3A_244 = arith.index_cast %scan3A_184 : i32 to index
        %get3A_245 = arith.constant 64 : index
        %get3A_246 = tpu.vector_load %arg14[%get3A_244, %get3A_245] {strides = array<i32>} : memref<80x128xf32, #tpu.memory_space<vmem>>, vector<1x16xf32>,
        %get3A_247 = vector.shape_cast %get3A_246 : vector<1x16xf32> to vector<16xf32>
        %add3A_248 = arith.addf %get3A_243, %get3A_247 : vector<16xf32>
        %swap3A_249 = arith.index_cast %scan3A_184 : i32 to index
        %swap3A_250 = arith.constant 64 : index
        %swap3A_251 = tpu.vector_load %arg12[%swap3A_249, %swap3A_250] {strides = array<i32>} : memref<80x128xf32, #tpu.memory_space<vmem>>, vector<1x16xf32>,
        %swap3A_252 = vector.shape_cast %swap3A_251 : vector<1x16xf32> to vector<16xf32>
        %swap3A_253 = vector.shape_cast %add3A_248 : vector<16xf32> to vector<1x16xf32>
        tpu.vector_store %arg12[%swap3A_249, %swap3A_250], %swap3A_253 {strides = array<i32>} : memref<80x128xf32, #tpu.memory_space<vmem>>, vector<1x16xf32>,
        %get3A_254 = arith.index_cast %scan3A_184 : i32 to index
        %get3A_255 = arith.constant 80 : index
        %get3A_256 = tpu.vector_load %arg12[%get3A_254, %get3A_255] {strides = array<i32>} : memref<80x128xf32, #tpu.memory_space<vmem>>, vector<1x16xf32>,
        %get3A_257 = vector.shape_cast %get3A_256 : vector<1x16xf32> to vector<16xf32>
        %get3A_258 = arith.index_cast %scan3A_184 : i32 to index
        %get3A_259 = arith.constant 80 : index
        %get3A_260 = tpu.vector_load %arg14[%get3A_258, %get3A_259] {strides = array<i32>} : memref<80x128xf32, #tpu.memory_space<vmem>>, vector<1x16xf32>,
        %get3A_261 = vector.shape_cast %get3A_260 : vector<1x16xf32> to vector<16xf32>
        %add3A_262 = arith.addf %get3A_257, %get3A_261 : vector<16xf32>
        %swap3A_263 = arith.index_cast %scan3A_184 : i32 to index
        %swap3A_264 = arith.constant 80 : index
        %swap3A_265 = tpu.vector_load %arg12[%swap3A_263, %swap3A_264] {strides = array<i32>} : memref<80x128xf32, #tpu.memory_space<vmem>>, vector<1x16xf32>,
        %swap3A_266 = vector.shape_cast %swap3A_265 : vector<1x16xf32> to vector<16xf32>
        %swap3A_267 = vector.shape_cast %add3A_262 : vector<16xf32> to vector<1x16xf32>
        tpu.vector_store %arg12[%swap3A_263, %swap3A_264], %swap3A_267 {strides = array<i32>} : memref<80x128xf32, #tpu.memory_space<vmem>>, vector<1x16xf32>,
        %get3A_268 = arith.index_cast %scan3A_184 : i32 to index
        %get3A_269 = arith.constant 96 : index
        %get3A_270 = tpu.vector_load %arg12[%get3A_268, %get3A_269] {strides = array<i32>} : memref<80x128xf32, #tpu.memory_space<vmem>>, vector<1x16xf32>,
        %get3A_271 = vector.shape_cast %get3A_270 : vector<1x16xf32> to vector<16xf32>
        %get3A_272 = arith.index_cast %scan3A_184 : i32 to index
        %get3A_273 = arith.constant 96 : index
        %get3A_274 = tpu.vector_load %arg14[%get3A_272, %get3A_273] {strides = array<i32>} : memref<80x128xf32, #tpu.memory_space<vmem>>, vector<1x16xf32>,
        %get3A_275 = vector.shape_cast %get3A_274 : vector<1x16xf32> to vector<16xf32>
        %add3A_276 = arith.addf %get3A_271, %get3A_275 : vector<16xf32>
        %swap3A_277 = arith.index_cast %scan3A_184 : i32 to index
        %swap3A_278 = arith.constant 96 : index
        %swap3A_279 = tpu.vector_load %arg12[%swap3A_277, %swap3A_278] {strides = array<i32>} : memref<80x128xf32, #tpu.memory_space<vmem>>, vector<1x16xf32>,
        %swap3A_280 = vector.shape_cast %swap3A_279 : vector<1x16xf32> to vector<16xf32>
        %swap3A_281 = vector.shape_cast %add3A_276 : vector<16xf32> to vector<1x16xf32>
        tpu.vector_store %arg12[%swap3A_277, %swap3A_278], %swap3A_281 {strides = array<i32>} : memref<80x128xf32, #tpu.memory_space<vmem>>, vector<1x16xf32>,
        %get3A_282 = arith.index_cast %scan3A_184 : i32 to index
        %get3A_283 = arith.constant 112 : index
        %get3A_284 = tpu.vector_load %arg12[%get3A_282, %get3A_283] {strides = array<i32>} : memref<80x128xf32, #tpu.memory_space<vmem>>, vector<1x16xf32>,
        %get3A_285 = vector.shape_cast %get3A_284 : vector<1x16xf32> to vector<16xf32>
        %get3A_286 = arith.index_cast %scan3A_184 : i32 to index
        %get3A_287 = arith.constant 112 : index
        %get3A_288 = tpu.vector_load %arg14[%get3A_286, %get3A_287] {strides = array<i32>} : memref<80x128xf32, #tpu.memory_space<vmem>>, vector<1x16xf32>,
        %get3A_289 = vector.shape_cast %get3A_288 : vector<1x16xf32> to vector<16xf32>
        %add3A_290 = arith.addf %get3A_285, %get3A_289 : vector<16xf32>
        %swap3A_291 = arith.index_cast %scan3A_184 : i32 to index
        %swap3A_292 = arith.constant 112 : index
        %swap3A_293 = tpu.vector_load %arg12[%swap3A_291, %swap3A_292] {strides = array<i32>} : memref<80x128xf32, #tpu.memory_space<vmem>>, vector<1x16xf32>,
        %swap3A_294 = vector.shape_cast %swap3A_293 : vector<1x16xf32> to vector<16xf32>
        %swap3A_295 = vector.shape_cast %add3A_290 : vector<16xf32> to vector<1x16xf32>
        tpu.vector_store %arg12[%swap3A_291, %swap3A_292], %swap3A_295 {strides = array<i32>} : memref<80x128xf32, #tpu.memory_space<vmem>>, vector<1x16xf32>,
        %scan3A_296 = arith.constant 0 : i32
        scf.yield %scan3A_296 : i32
      }
      %scan3A_179 = arith.constant 80 : i32
      %mul3A_180 = arith.constant 80 : i32
      %mul3A_181 = arith.muli %add3A_98, %mul3A_180 : i32
      %add3A_182 = arith.addi %mul3A_2, %mul3A_181 : i32
      "tpu.region"() ({
        %run_scoped3A = tpu.sem_alloc : memref<!tpu.dma_semaphore, #tpu.memory_space<semaphore_mem>>
        %dma_start3A_184 = arith.constant 0 : i32
        %dma_start3A_185 = tpu.memref_slice %arg6[%add3A_182, %dma_start3A_184] : memref<320000x128xf32, #tpu.memory_space<hbm>> -> memref<80x128xf32, #tpu.memory_space<hbm>>
        %dma_start3A_186 = arith.constant 0 : i32
        %dma_start3A_187 = tpu.memref_slice %arg6[%add3A_182, %dma_start3A_186] : memref<320000x128xf32, #tpu.memory_space<hbm>> -> memref<80x128xf32, #tpu.memory_space<hbm>>
        tpu.enqueue_dma source(%arg12 : memref<80x128xf32, #tpu.memory_space<vmem>>) target(%dma_start3A_187 : memref<80x128xf32, #tpu.memory_space<hbm>>) target_semaphore(%run_scoped3A : memref<!tpu.dma_semaphore, #tpu.memory_space<semaphore_mem>>)
        %dma_wait3A_188 = arith.constant 0 : i32
        %dma_wait3A_189 = tpu.memref_slice %arg6[%add3A_182, %dma_wait3A_188] : memref<320000x128xf32, #tpu.memory_space<hbm>> -> memref<80x128xf32, #tpu.memory_space<hbm>>
        %dma_wait3A_190 = arith.constant 0 : i32
        %dma_wait3A_191 = tpu.memref_slice %arg6[%add3A_182, %dma_wait3A_190] : memref<320000x128xf32, #tpu.memory_space<hbm>> -> memref<80x128xf32, #tpu.memory_space<hbm>>
        tpu.wait_dma2 semaphore(%run_scoped3A : memref<!tpu.dma_semaphore, #tpu.memory_space<semaphore_mem>>) src(%arg12 : memref<80x128xf32, #tpu.memory_space<vmem>>) dst(%dma_wait3A_191 : memref<80x128xf32, #tpu.memory_space<hbm>>)
        tpu.yield
      }) : () -> ()
      %scan3A_183 = arith.constant 0 : i32
      scf.yield %scan3A_183 : i32
    }
    %scan3A_39 = arith.constant 62 : i32
    %dma_wait3A_40 = arith.constant 0 : i32
    %dma_wait3A_41 = tpu.memref_slice %arg4[%dma_wait3A_40] : memref<320000xi32, #tpu.memory_space<hbm>> -> memref<80xi32, #tpu.memory_space<hbm>>
    %dma_wait3A_42 = arith.constant 0 : i32
    %dma_wait3A_43 = tpu.memref_slice %arg4[%dma_wait3A_42] : memref<320000xi32, #tpu.memory_space<hbm>> -> memref<80xi32, #tpu.memory_space<hbm>>
    tpu.wait_dma2 semaphore(%arg16 : memref<!tpu.dma_semaphore, #tpu.memory_space<semaphore_mem>>) src(%dma_wait3A_43 : memref<80xi32, #tpu.memory_space<hbm>>) dst(%arg8 : memref<80xi32, #tpu.memory_space<vmem>>)
    %dma_wait3A_44 = arith.constant 0 : i32
    %dma_wait3A_45 = tpu.memref_slice %arg5[%dma_wait3A_44] : memref<320000xi32, #tpu.memory_space<hbm>> -> memref<80xi32, #tpu.memory_space<hbm>>
    %dma_wait3A_46 = arith.constant 0 : i32
    %dma_wait3A_47 = tpu.memref_slice %arg5[%dma_wait3A_46] : memref<320000xi32, #tpu.memory_space<hbm>> -> memref<80xi32, #tpu.memory_space<hbm>>
    tpu.wait_dma2 semaphore(%arg16 : memref<!tpu.dma_semaphore, #tpu.memory_space<semaphore_mem>>) src(%dma_wait3A_47 : memref<80xi32, #tpu.memory_space<hbm>>) dst(%arg10 : memref<80xi32, #tpu.memory_space<vmem>>)
    %dma_start3A_48 = arith.constant 0 : i32
    %dma_start3A_49 = arith.constant 0 : i32
    %dma_start3A_50 = tpu.memref_slice %arg2[%dma_start3A_48, %dma_start3A_49] : memref<10000x128xf32, #tpu.memory_space<hbm>> -> memref<10000x128xf32, #tpu.memory_space<hbm>>
    tpu.enqueue_indirect_dma source(%dma_start3A_50 : memref<10000x128xf32, #tpu.memory_space<hbm>>) target(%arg12 : memref<80x128xf32, #tpu.memory_space<vmem>>) offsets(%arg8 : memref<80xi32, #tpu.memory_space<vmem>>) semaphore(%arg18 : memref<!tpu.dma_semaphore, #tpu.memory_space<semaphore_mem>>)
    %dma_start3A_51 = arith.constant 0 : i32
    %dma_start3A_52 = arith.constant 0 : i32
    %dma_start3A_53 = tpu.memref_slice %arg3[%dma_start3A_51, %dma_start3A_52] : memref<10000x128xf32, #tpu.memory_space<hbm>> -> memref<10000x128xf32, #tpu.memory_space<hbm>>
    tpu.enqueue_indirect_dma source(%dma_start3A_53 : memref<10000x128xf32, #tpu.memory_space<hbm>>) target(%arg14 : memref<80x128xf32, #tpu.memory_space<vmem>>) offsets(%arg10 : memref<80xi32, #tpu.memory_space<vmem>>) semaphore(%arg18 : memref<!tpu.dma_semaphore, #tpu.memory_space<semaphore_mem>>)
    %dma_wait3A_54 = arith.constant 0 : i32
    %dma_wait3A_55 = arith.constant 0 : i32
    %dma_wait3A_56 = tpu.memref_slice %arg2[%dma_wait3A_54, %dma_wait3A_55] : memref<10000x128xf32, #tpu.memory_space<hbm>> -> memref<10000x128xf32, #tpu.memory_space<hbm>>
    tpu.wait_indirect_dma semaphore(%arg18 : memref<!tpu.dma_semaphore, #tpu.memory_space<semaphore_mem>>) src(%dma_wait3A_56 : memref<10000x128xf32, #tpu.memory_space<hbm>>) dst(%arg12 : memref<80x128xf32, #tpu.memory_space<vmem>>)
    %dma_wait3A_57 = arith.constant 0 : i32
    %dma_wait3A_58 = arith.constant 0 : i32
    %dma_wait3A_59 = tpu.memref_slice %arg3[%dma_wait3A_57, %dma_wait3A_58] : memref<10000x128xf32, #tpu.memory_space<hbm>> -> memref<10000x128xf32, #tpu.memory_space<hbm>>
    tpu.wait_indirect_dma semaphore(%arg18 : memref<!tpu.dma_semaphore, #tpu.memory_space<semaphore_mem>>) src(%dma_wait3A_59 : memref<10000x128xf32, #tpu.memory_space<hbm>>) dst(%arg14 : memref<80x128xf32, #tpu.memory_space<vmem>>)
    %min3A_60 = arith.constant 126 : i32
    %min3A_61 = arith.constant 124 : i32
    %min3A_62 = arith.minsi %min3A_60, %min3A_61 : i32
    %mul3A_63 = arith.constant 80 : i32
    %mul3A_64 = arith.muli %min3A_62, %mul3A_63 : i32
    %add3A_65 = arith.addi %mul3A_2, %mul3A_64 : i32
    %dma_start3A_66 = tpu.memref_slice %arg4[%add3A_65] : memref<320000xi32, #tpu.memory_space<hbm>> -> memref<80xi32, #tpu.memory_space<hbm>>
    %dma_start3A_67 = tpu.memref_slice %arg4[%add3A_65] : memref<320000xi32, #tpu.memory_space<hbm>> -> memref<80xi32, #tpu.memory_space<hbm>>
    tpu.enqueue_dma source(%dma_start3A_67 : memref<80xi32, #tpu.memory_space<hbm>>) target(%arg8 : memref<80xi32, #tpu.memory_space<vmem>>) target_semaphore(%arg16 : memref<!tpu.dma_semaphore, #tpu.memory_space<semaphore_mem>>)
    %dma_start3A_68 = tpu.memref_slice %arg5[%add3A_65] : memref<320000xi32, #tpu.memory_space<hbm>> -> memref<80xi32, #tpu.memory_space<hbm>>
    %dma_start3A_69 = tpu.memref_slice %arg5[%add3A_65] : memref<320000xi32, #tpu.memory_space<hbm>> -> memref<80xi32, #tpu.memory_space<hbm>>
    tpu.enqueue_dma source(%dma_start3A_69 : memref<80xi32, #tpu.memory_space<hbm>>) target(%arg10 : memref<80xi32, #tpu.memory_space<vmem>>) target_semaphore(%arg16 : memref<!tpu.dma_semaphore, #tpu.memory_space<semaphore_mem>>)
    %scan3A_70 = arith.constant 0 : i32
    %scan3A_71 = arith.constant 0 : i32
    %scan3A_72 = arith.constant 80 : i32
    %scan3A_73 = arith.addi %scan3A_71, %scan3A_72 : i32
    %scan3A_74 = arith.constant 1 : i32
    %scan3A_75 = scf.for %scan3A_93 = %scan3A_71 to %scan3A_73 step %scan3A_74 iter_args(%scan3A_94 = %scan3A_70) -> (i32)  : i32 {
      %get3A = arith.index_cast %scan3A_93 : i32 to index
      %get3A_95 = arith.constant 0 : index
      %get3A_96 = tpu.vector_load %arg12[%get3A, %get3A_95] {strides = array<i32>} : memref<80x128xf32, #tpu.memory_space<vmem>>, vector<1x16xf32>,
      %get3A_97 = vector.shape_cast %get3A_96 : vector<1x16xf32> to vector<16xf32>
      %get3A_98 = arith.index_cast %scan3A_93 : i32 to index
      %get3A_99 = arith.constant 0 : index
      %get3A_100 = tpu.vector_load %arg14[%get3A_98, %get3A_99] {strides = array<i32>} : memref<80x128xf32, #tpu.memory_space<vmem>>, vector<1x16xf32>,
      %get3A_101 = vector.shape_cast %get3A_100 : vector<1x16xf32> to vector<16xf32>
      %add3A_102 = arith.addf %get3A_97, %get3A_101 : vector<16xf32>
      %swap3A = arith.index_cast %scan3A_93 : i32 to index
      %swap3A_103 = arith.constant 0 : index
      %swap3A_104 = tpu.vector_load %arg12[%swap3A, %swap3A_103] {strides = array<i32>} : memref<80x128xf32, #tpu.memory_space<vmem>>, vector<1x16xf32>,
      %swap3A_105 = vector.shape_cast %swap3A_104 : vector<1x16xf32> to vector<16xf32>
      %swap3A_106 = vector.shape_cast %add3A_102 : vector<16xf32> to vector<1x16xf32>
      tpu.vector_store %arg12[%swap3A, %swap3A_103], %swap3A_106 {strides = array<i32>} : memref<80x128xf32, #tpu.memory_space<vmem>>, vector<1x16xf32>,
      %get3A_107 = arith.index_cast %scan3A_93 : i32 to index
      %get3A_108 = arith.constant 16 : index
      %get3A_109 = tpu.vector_load %arg12[%get3A_107, %get3A_108] {strides = array<i32>} : memref<80x128xf32, #tpu.memory_space<vmem>>, vector<1x16xf32>,
      %get3A_110 = vector.shape_cast %get3A_109 : vector<1x16xf32> to vector<16xf32>
      %get3A_111 = arith.index_cast %scan3A_93 : i32 to index
      %get3A_112 = arith.constant 16 : index
      %get3A_113 = tpu.vector_load %arg14[%get3A_111, %get3A_112] {strides = array<i32>} : memref<80x128xf32, #tpu.memory_space<vmem>>, vector<1x16xf32>,
      %get3A_114 = vector.shape_cast %get3A_113 : vector<1x16xf32> to vector<16xf32>
      %add3A_115 = arith.addf %get3A_110, %get3A_114 : vector<16xf32>
      %swap3A_116 = arith.index_cast %scan3A_93 : i32 to index
      %swap3A_117 = arith.constant 16 : index
      %swap3A_118 = tpu.vector_load %arg12[%swap3A_116, %swap3A_117] {strides = array<i32>} : memref<80x128xf32, #tpu.memory_space<vmem>>, vector<1x16xf32>,
      %swap3A_119 = vector.shape_cast %swap3A_118 : vector<1x16xf32> to vector<16xf32>
      %swap3A_120 = vector.shape_cast %add3A_115 : vector<16xf32> to vector<1x16xf32>
      tpu.vector_store %arg12[%swap3A_116, %swap3A_117], %swap3A_120 {strides = array<i32>} : memref<80x128xf32, #tpu.memory_space<vmem>>, vector<1x16xf32>,
      %get3A_121 = arith.index_cast %scan3A_93 : i32 to index
      %get3A_122 = arith.constant 32 : index
      %get3A_123 = tpu.vector_load %arg12[%get3A_121, %get3A_122] {strides = array<i32>} : memref<80x128xf32, #tpu.memory_space<vmem>>, vector<1x16xf32>,
      %get3A_124 = vector.shape_cast %get3A_123 : vector<1x16xf32> to vector<16xf32>
      %get3A_125 = arith.index_cast %scan3A_93 : i32 to index
      %get3A_126 = arith.constant 32 : index
      %get3A_127 = tpu.vector_load %arg14[%get3A_125, %get3A_126] {strides = array<i32>} : memref<80x128xf32, #tpu.memory_space<vmem>>, vector<1x16xf32>,
      %get3A_128 = vector.shape_cast %get3A_127 : vector<1x16xf32> to vector<16xf32>
      %add3A_129 = arith.addf %get3A_124, %get3A_128 : vector<16xf32>
      %swap3A_130 = arith.index_cast %scan3A_93 : i32 to index
      %swap3A_131 = arith.constant 32 : index
      %swap3A_132 = tpu.vector_load %arg12[%swap3A_130, %swap3A_131] {strides = array<i32>} : memref<80x128xf32, #tpu.memory_space<vmem>>, vector<1x16xf32>,
      %swap3A_133 = vector.shape_cast %swap3A_132 : vector<1x16xf32> to vector<16xf32>
      %swap3A_134 = vector.shape_cast %add3A_129 : vector<16xf32> to vector<1x16xf32>
      tpu.vector_store %arg12[%swap3A_130, %swap3A_131], %swap3A_134 {strides = array<i32>} : memref<80x128xf32, #tpu.memory_space<vmem>>, vector<1x16xf32>,
      %get3A_135 = arith.index_cast %scan3A_93 : i32 to index
      %get3A_136 = arith.constant 48 : index
      %get3A_137 = tpu.vector_load %arg12[%get3A_135, %get3A_136] {strides = array<i32>} : memref<80x128xf32, #tpu.memory_space<vmem>>, vector<1x16xf32>,
      %get3A_138 = vector.shape_cast %get3A_137 : vector<1x16xf32> to vector<16xf32>
      %get3A_139 = arith.index_cast %scan3A_93 : i32 to index
      %get3A_140 = arith.constant 48 : index
      %get3A_141 = tpu.vector_load %arg14[%get3A_139, %get3A_140] {strides = array<i32>} : memref<80x128xf32, #tpu.memory_space<vmem>>, vector<1x16xf32>,
      %get3A_142 = vector.shape_cast %get3A_141 : vector<1x16xf32> to vector<16xf32>
      %add3A_143 = arith.addf %get3A_138, %get3A_142 : vector<16xf32>
      %swap3A_144 = arith.index_cast %scan3A_93 : i32 to index
      %swap3A_145 = arith.constant 48 : index
      %swap3A_146 = tpu.vector_load %arg12[%swap3A_144, %swap3A_145] {strides = array<i32>} : memref<80x128xf32, #tpu.memory_space<vmem>>, vector<1x16xf32>,
      %swap3A_147 = vector.shape_cast %swap3A_146 : vector<1x16xf32> to vector<16xf32>
      %swap3A_148 = vector.shape_cast %add3A_143 : vector<16xf32> to vector<1x16xf32>
      tpu.vector_store %arg12[%swap3A_144, %swap3A_145], %swap3A_148 {strides = array<i32>} : memref<80x128xf32, #tpu.memory_space<vmem>>, vector<1x16xf32>,
      %get3A_149 = arith.index_cast %scan3A_93 : i32 to index
      %get3A_150 = arith.constant 64 : index
      %get3A_151 = tpu.vector_load %arg12[%get3A_149, %get3A_150] {strides = array<i32>} : memref<80x128xf32, #tpu.memory_space<vmem>>, vector<1x16xf32>,
      %get3A_152 = vector.shape_cast %get3A_151 : vector<1x16xf32> to vector<16xf32>
      %get3A_153 = arith.index_cast %scan3A_93 : i32 to index
      %get3A_154 = arith.constant 64 : index
      %get3A_155 = tpu.vector_load %arg14[%get3A_153, %get3A_154] {strides = array<i32>} : memref<80x128xf32, #tpu.memory_space<vmem>>, vector<1x16xf32>,
      %get3A_156 = vector.shape_cast %get3A_155 : vector<1x16xf32> to vector<16xf32>
      %add3A_157 = arith.addf %get3A_152, %get3A_156 : vector<16xf32>
      %swap3A_158 = arith.index_cast %scan3A_93 : i32 to index
      %swap3A_159 = arith.constant 64 : index
      %swap3A_160 = tpu.vector_load %arg12[%swap3A_158, %swap3A_159] {strides = array<i32>} : memref<80x128xf32, #tpu.memory_space<vmem>>, vector<1x16xf32>,
      %swap3A_161 = vector.shape_cast %swap3A_160 : vector<1x16xf32> to vector<16xf32>
      %swap3A_162 = vector.shape_cast %add3A_157 : vector<16xf32> to vector<1x16xf32>
      tpu.vector_store %arg12[%swap3A_158, %swap3A_159], %swap3A_162 {strides = array<i32>} : memref<80x128xf32, #tpu.memory_space<vmem>>, vector<1x16xf32>,
      %get3A_163 = arith.index_cast %scan3A_93 : i32 to index
      %get3A_164 = arith.constant 80 : index
      %get3A_165 = tpu.vector_load %arg12[%get3A_163, %get3A_164] {strides = array<i32>} : memref<80x128xf32, #tpu.memory_space<vmem>>, vector<1x16xf32>,
      %get3A_166 = vector.shape_cast %get3A_165 : vector<1x16xf32> to vector<16xf32>
      %get3A_167 = arith.index_cast %scan3A_93 : i32 to index
      %get3A_168 = arith.constant 80 : index
      %get3A_169 = tpu.vector_load %arg14[%get3A_167, %get3A_168] {strides = array<i32>} : memref<80x128xf32, #tpu.memory_space<vmem>>, vector<1x16xf32>,
      %get3A_170 = vector.shape_cast %get3A_169 : vector<1x16xf32> to vector<16xf32>
      %add3A_171 = arith.addf %get3A_166, %get3A_170 : vector<16xf32>
      %swap3A_172 = arith.index_cast %scan3A_93 : i32 to index
      %swap3A_173 = arith.constant 80 : index
      %swap3A_174 = tpu.vector_load %arg12[%swap3A_172, %swap3A_173] {strides = array<i32>} : memref<80x128xf32, #tpu.memory_space<vmem>>, vector<1x16xf32>,
      %swap3A_175 = vector.shape_cast %swap3A_174 : vector<1x16xf32> to vector<16xf32>
      %swap3A_176 = vector.shape_cast %add3A_171 : vector<16xf32> to vector<1x16xf32>
      tpu.vector_store %arg12[%swap3A_172, %swap3A_173], %swap3A_176 {strides = array<i32>} : memref<80x128xf32, #tpu.memory_space<vmem>>, vector<1x16xf32>,
      %get3A_177 = arith.index_cast %scan3A_93 : i32 to index
      %get3A_178 = arith.constant 96 : index
      %get3A_179 = tpu.vector_load %arg12[%get3A_177, %get3A_178] {strides = array<i32>} : memref<80x128xf32, #tpu.memory_space<vmem>>, vector<1x16xf32>,
      %get3A_180 = vector.shape_cast %get3A_179 : vector<1x16xf32> to vector<16xf32>
      %get3A_181 = arith.index_cast %scan3A_93 : i32 to index
      %get3A_182 = arith.constant 96 : index
      %get3A_183 = tpu.vector_load %arg14[%get3A_181, %get3A_182] {strides = array<i32>} : memref<80x128xf32, #tpu.memory_space<vmem>>, vector<1x16xf32>,
      %get3A_184 = vector.shape_cast %get3A_183 : vector<1x16xf32> to vector<16xf32>
      %add3A_185 = arith.addf %get3A_180, %get3A_184 : vector<16xf32>
      %swap3A_186 = arith.index_cast %scan3A_93 : i32 to index
      %swap3A_187 = arith.constant 96 : index
      %swap3A_188 = tpu.vector_load %arg12[%swap3A_186, %swap3A_187] {strides = array<i32>} : memref<80x128xf32, #tpu.memory_space<vmem>>, vector<1x16xf32>,
      %swap3A_189 = vector.shape_cast %swap3A_188 : vector<1x16xf32> to vector<16xf32>
      %swap3A_190 = vector.shape_cast %add3A_185 : vector<16xf32> to vector<1x16xf32>
      tpu.vector_store %arg12[%swap3A_186, %swap3A_187], %swap3A_190 {strides = array<i32>} : memref<80x128xf32, #tpu.memory_space<vmem>>, vector<1x16xf32>,
      %get3A_191 = arith.index_cast %scan3A_93 : i32 to index
      %get3A_192 = arith.constant 112 : index
      %get3A_193 = tpu.vector_load %arg12[%get3A_191, %get3A_192] {strides = array<i32>} : memref<80x128xf32, #tpu.memory_space<vmem>>, vector<1x16xf32>,
      %get3A_194 = vector.shape_cast %get3A_193 : vector<1x16xf32> to vector<16xf32>
      %get3A_195 = arith.index_cast %scan3A_93 : i32 to index
      %get3A_196 = arith.constant 112 : index
      %get3A_197 = tpu.vector_load %arg14[%get3A_195, %get3A_196] {strides = array<i32>} : memref<80x128xf32, #tpu.memory_space<vmem>>, vector<1x16xf32>,
      %get3A_198 = vector.shape_cast %get3A_197 : vector<1x16xf32> to vector<16xf32>
      %add3A_199 = arith.addf %get3A_194, %get3A_198 : vector<16xf32>
      %swap3A_200 = arith.index_cast %scan3A_93 : i32 to index
      %swap3A_201 = arith.constant 112 : index
      %swap3A_202 = tpu.vector_load %arg12[%swap3A_200, %swap3A_201] {strides = array<i32>} : memref<80x128xf32, #tpu.memory_space<vmem>>, vector<1x16xf32>,
      %swap3A_203 = vector.shape_cast %swap3A_202 : vector<1x16xf32> to vector<16xf32>
      %swap3A_204 = vector.shape_cast %add3A_199 : vector<16xf32> to vector<1x16xf32>
      tpu.vector_store %arg12[%swap3A_200, %swap3A_201], %swap3A_204 {strides = array<i32>} : memref<80x128xf32, #tpu.memory_space<vmem>>, vector<1x16xf32>,
      %scan3A_205 = arith.constant 0 : i32
      scf.yield %scan3A_205 : i32
    }
    %scan3A_76 = arith.constant 80 : i32
    %add3A_77 = arith.constant 9920 : i32
    %add3A_78 = arith.addi %mul3A_2, %add3A_77 : i32
    "tpu.region"() ({
      %run_scoped3A = tpu.sem_alloc : memref<!tpu.dma_semaphore, #tpu.memory_space<semaphore_mem>>
      %dma_start3A_93 = arith.constant 0 : i32
      %dma_start3A_94 = tpu.memref_slice %arg6[%add3A_78, %dma_start3A_93] : memref<320000x128xf32, #tpu.memory_space<hbm>> -> memref<80x128xf32, #tpu.memory_space<hbm>>
      %dma_start3A_95 = arith.constant 0 : i32
      %dma_start3A_96 = tpu.memref_slice %arg6[%add3A_78, %dma_start3A_95] : memref<320000x128xf32, #tpu.memory_space<hbm>> -> memref<80x128xf32, #tpu.memory_space<hbm>>
      tpu.enqueue_dma source(%arg12 : memref<80x128xf32, #tpu.memory_space<vmem>>) target(%dma_start3A_96 : memref<80x128xf32, #tpu.memory_space<hbm>>) target_semaphore(%run_scoped3A : memref<!tpu.dma_semaphore, #tpu.memory_space<semaphore_mem>>)
      %dma_wait3A_97 = arith.constant 0 : i32
      %dma_wait3A_98 = tpu.memref_slice %arg6[%add3A_78, %dma_wait3A_97] : memref<320000x128xf32, #tpu.memory_space<hbm>> -> memref<80x128xf32, #tpu.memory_space<hbm>>
      %dma_wait3A_99 = arith.constant 0 : i32
      %dma_wait3A_100 = tpu.memref_slice %arg6[%add3A_78, %dma_wait3A_99] : memref<320000x128xf32, #tpu.memory_space<hbm>> -> memref<80x128xf32, #tpu.memory_space<hbm>>
      tpu.wait_dma2 semaphore(%run_scoped3A : memref<!tpu.dma_semaphore, #tpu.memory_space<semaphore_mem>>) src(%arg12 : memref<80x128xf32, #tpu.memory_space<vmem>>) dst(%dma_wait3A_100 : memref<80x128xf32, #tpu.memory_space<hbm>>)
      tpu.yield
    }) : () -> ()
    %dma_wait3A_79 = arith.constant 0 : i32
    %dma_wait3A_80 = arith.constant 0 : i32
    %dma_wait3A_81 = tpu.memref_slice %arg2[%dma_wait3A_79, %dma_wait3A_80] : memref<10000x128xf32, #tpu.memory_space<hbm>> -> memref<10000x128xf32, #tpu.memory_space<hbm>>
    tpu.wait_indirect_dma semaphore(%arg17 : memref<!tpu.dma_semaphore, #tpu.memory_space<semaphore_mem>>) src(%dma_wait3A_81 : memref<10000x128xf32, #tpu.memory_space<hbm>>) dst(%arg11 : memref<80x128xf32, #tpu.memory_space<vmem>>)
    %dma_wait3A_82 = arith.constant 0 : i32
    %dma_wait3A_83 = arith.constant 0 : i32
    %dma_wait3A_84 = tpu.memref_slice %arg3[%dma_wait3A_82, %dma_wait3A_83] : memref<10000x128xf32, #tpu.memory_space<hbm>> -> memref<10000x128xf32, #tpu.memory_space<hbm>>
    tpu.wait_indirect_dma semaphore(%arg17 : memref<!tpu.dma_semaphore, #tpu.memory_space<semaphore_mem>>) src(%dma_wait3A_84 : memref<10000x128xf32, #tpu.memory_space<hbm>>) dst(%arg13 : memref<80x128xf32, #tpu.memory_space<vmem>>)
    %dma_wait3A_85 = arith.constant 0 : i32
    %dma_wait3A_86 = tpu.memref_slice %arg4[%dma_wait3A_85] : memref<320000xi32, #tpu.memory_space<hbm>> -> memref<80xi32, #tpu.memory_space<hbm>>
    %dma_wait3A_87 = arith.constant 0 : i32
    %dma_wait3A_88 = tpu.memref_slice %arg4[%dma_wait3A_87] : memref<320000xi32, #tpu.memory_space<hbm>> -> memref<80xi32, #tpu.memory_space<hbm>>
    tpu.wait_dma2 semaphore(%arg16 : memref<!tpu.dma_semaphore, #tpu.memory_space<semaphore_mem>>) src(%dma_wait3A_88 : memref<80xi32, #tpu.memory_space<hbm>>) dst(%arg8 : memref<80xi32, #tpu.memory_space<vmem>>)
    %dma_wait3A_89 = arith.constant 0 : i32
    %dma_wait3A_90 = tpu.memref_slice %arg5[%dma_wait3A_89] : memref<320000xi32, #tpu.memory_space<hbm>> -> memref<80xi32, #tpu.memory_space<hbm>>
    %dma_wait3A_91 = arith.constant 0 : i32
    %dma_wait3A_92 = tpu.memref_slice %arg5[%dma_wait3A_91] : memref<320000xi32, #tpu.memory_space<hbm>> -> memref<80xi32, #tpu.memory_space<hbm>>
    tpu.wait_dma2 semaphore(%arg16 : memref<!tpu.dma_semaphore, #tpu.memory_space<semaphore_mem>>) src(%dma_wait3A_92 : memref<80xi32, #tpu.memory_space<hbm>>) dst(%arg10 : memref<80xi32, #tpu.memory_space<vmem>>)
    return
  }
}

module attributes {stable_mosaic.version = 14 : i64} {
  func.func @_edge_body(%arg0: i32, %arg1: memref<1600x128xf32, #tpu.memory_space<vmem>>, %arg2: memref<1600x128xf32, #tpu.memory_space<vmem>>, %arg3: memref<128x128xf32, #tpu.memory_space<vmem>>, %arg4: memref<1x128xf32, #tpu.memory_space<vmem>>, %arg5: memref<1600x128xbf16, #tpu.memory_space<vmem>>, %arg6: memref<1600x128xf32, #tpu.memory_space<vmem>>, %arg7: memref<8x128xf32, #tpu.memory_space<vmem>>) attributes {dimension_semantics = [#tpu.dimension_semantics<arbitrary>], iteration_bounds = array<i64: 200>, scalar_prefetch = 0 : i64, scratch_operands = 0 : i64, tpu.core_type = #tpu.core_type<tc>, window_params = [{transform_indices = @transform_0, window_bounds = array<i64: 1600, 128>}, {transform_indices = @transform_1, window_bounds = array<i64: 1600, 128>}, {pipeline_mode = #tpu.pipeline_mode<synchronous>, transform_indices = @transform_2, window_bounds = array<i64: 128, 128>}, {pipeline_mode = #tpu.pipeline_mode<synchronous>, transform_indices = @transform_3, window_bounds = array<i64: 1, 128>}, {transform_indices = @transform_4, window_bounds = array<i64: 1600, 128>}, {transform_indices = @transform_5, window_bounds = array<i64: 1600, 128>}, {pipeline_mode = #tpu.pipeline_mode<synchronous>, transform_indices = @transform_6, window_bounds = array<i64: 8, 128>}]} {
    %get3A = arith.constant 0 : index
    %get3A_0 = arith.constant 0 : index
    %get3A_1 = vector.load %arg1[%get3A, %get3A_0] : memref<1600x128xf32, #tpu.memory_space<vmem>>, vector<1600x128xf32>
    %get3A_2 = arith.constant 0 : index
    %get3A_3 = arith.constant 0 : index
    %get3A_4 = vector.load %arg3[%get3A_2, %get3A_3] : memref<128x128xf32, #tpu.memory_space<vmem>>, vector<128x128xf32>
    %dot_general3A = arith.constant dense<0.000000e+00> : vector<1600x128xf32>
    %dot_general3A_5 = tpu.matmul %get3A_1, %get3A_4, %dot_general3A {dimension_numbers = #tpu.dot_dimension_numbers<[1], [0], [0], [1], [0, 0, 1, 1], [], []>, transpose_lhs_hint = false} : vector<1600x128xf32>, vector<128x128xf32>, vector<1600x128xf32> -> vector<1600x128xf32>
    %get3A_6 = arith.constant 0 : index
    %get3A_7 = arith.constant 0 : index
    %get3A_8 = vector.load %arg4[%get3A_6, %get3A_7] : memref<1x128xf32, #tpu.memory_space<vmem>>, vector<1x128xf32>
    %add3A = vector.broadcast %get3A_8 : vector<1x128xf32> to vector<1600x128xf32>
    %add3A_9 = arith.addf %dot_general3A_5, %add3A : vector<1600x128xf32>
    %get3A_10 = arith.constant 0 : index
    %get3A_11 = arith.constant 0 : index
    %get3A_12 = vector.load %arg2[%get3A_10, %get3A_11] : memref<1600x128xf32, #tpu.memory_space<vmem>>, vector<1600x128xf32>
    %add3A_13 = arith.addf %add3A_9, %get3A_12 : vector<1600x128xf32>
    %convert_element_type3A = arith.truncf %add3A_13 : vector<1600x128xf32> to vector<1600x128xbf16>
    %swap3A = arith.constant 0 : index
    %swap3A_14 = arith.constant 0 : index
    %swap3A_15 = vector.load %arg5[%swap3A, %swap3A_14] : memref<1600x128xbf16, #tpu.memory_space<vmem>>, vector<1600x128xbf16>
    tpu.vector_store %arg5[%swap3A, %swap3A_14], %convert_element_type3A {strides = array<i32>} : memref<1600x128xbf16, #tpu.memory_space<vmem>>, vector<1600x128xbf16>,
    %neg3A = arith.constant 0.000000e+00 : f32
    %neg3A_16 = vector.broadcast %neg3A : f32 to vector<1600x128xf32>
    %neg3A_17 = arith.subf %neg3A_16, %add3A_13 : vector<1600x128xf32>
    %exp3A = math.exp %neg3A_17 : vector<1600x128xf32>
    %add3A_18 = arith.constant 1.000000e+00 : f32
    %add3A_19 = vector.broadcast %add3A_18 : f32 to vector<1600x128xf32>
    %add3A_20 = arith.addf %add3A_19, %exp3A : vector<1600x128xf32>
    %div3A = arith.constant 1.000000e+00 : f32
    %div3A_21 = vector.broadcast %div3A : f32 to vector<1600x128xf32>
    %div3A_22 = arith.divf %div3A_21, %add3A_20 : vector<1600x128xf32>
    %swap3A_23 = arith.constant 0 : index
    %swap3A_24 = arith.constant 0 : index
    %swap3A_25 = vector.load %arg6[%swap3A_23, %swap3A_24] : memref<1600x128xf32, #tpu.memory_space<vmem>>, vector<1600x128xf32>
    tpu.vector_store %arg6[%swap3A_23, %swap3A_24], %div3A_22 {strides = array<i32>} : memref<1600x128xf32, #tpu.memory_space<vmem>>, vector<1600x128xf32>,
    %eq3A = arith.constant 0 : i32
    %eq3A_26 = arith.cmpi eq, %arg0, %eq3A : i32
    %convert_element_type3A_27 = arith.extui %eq3A_26 : i1 to i32
    %cond3A = arith.constant 0 : i32
    %cond3A_28 = arith.cmpi ne, %convert_element_type3A_27, %cond3A : i32
    scf.if %cond3A_28 {
      %broadcast_in_dim3A_47 = arith.constant 0.000000e+00 : f32
      %broadcast_in_dim3A_48 = vector.broadcast %broadcast_in_dim3A_47 : f32 to vector<8x128xf32>
      %swap3A_49 = arith.constant 0 : index
      %swap3A_50 = arith.constant 0 : index
      %swap3A_51 = vector.load %arg7[%swap3A_49, %swap3A_50] : memref<8x128xf32, #tpu.memory_space<vmem>>, vector<8x128xf32>
      tpu.vector_store %arg7[%swap3A_49, %swap3A_50], %broadcast_in_dim3A_48 {strides = array<i32>} : memref<8x128xf32, #tpu.memory_space<vmem>>, vector<8x128xf32>,
    } else {
    }
    %reduce_sum3A = arith.constant dense<0.000000e+00> : vector<128xf32>
    %reduce_sum3A_29 = vector.multi_reduction <add>, %add3A_13, %reduce_sum3A [0] : vector<1600x128xf32> to vector<128xf32>
    %broadcast_in_dim3A = vector.shape_cast %reduce_sum3A_29 : vector<128xf32> to vector<1x128xf32>
    %mul3A = arith.mulf %add3A_13, %add3A_13 : vector<1600x128xf32>
    %reduce_sum3A_30 = arith.constant dense<0.000000e+00> : vector<128xf32>
    %reduce_sum3A_31 = vector.multi_reduction <add>, %mul3A, %reduce_sum3A_30 [0] : vector<1600x128xf32> to vector<128xf32>
    %broadcast_in_dim3A_32 = vector.shape_cast %reduce_sum3A_31 : vector<128xf32> to vector<1x128xf32>
    %get3A_33 = arith.constant 0 : index
    %get3A_34 = arith.constant 0 : index
    %get3A_35 = vector.load %arg7[%get3A_33, %get3A_34] : memref<8x128xf32, #tpu.memory_space<vmem>>, vector<1x128xf32>
    %add3A_36 = arith.addf %get3A_35, %broadcast_in_dim3A : vector<1x128xf32>
    %swap3A_37 = arith.constant 0 : index
    %swap3A_38 = arith.constant 0 : index
    %swap3A_39 = vector.load %arg7[%swap3A_37, %swap3A_38] : memref<8x128xf32, #tpu.memory_space<vmem>>, vector<1x128xf32>
    tpu.vector_store %arg7[%swap3A_37, %swap3A_38], %add3A_36 {strides = array<i32>} : memref<8x128xf32, #tpu.memory_space<vmem>>, vector<1x128xf32>,
    %get3A_40 = arith.constant 1 : index
    %get3A_41 = arith.constant 0 : index
    %get3A_42 = vector.load %arg7[%get3A_40, %get3A_41] : memref<8x128xf32, #tpu.memory_space<vmem>>, vector<1x128xf32>
    %add3A_43 = arith.addf %get3A_42, %broadcast_in_dim3A_32 : vector<1x128xf32>
    %swap3A_44 = arith.constant 1 : index
    %swap3A_45 = arith.constant 0 : index
    %swap3A_46 = vector.load %arg7[%swap3A_44, %swap3A_45] : memref<8x128xf32, #tpu.memory_space<vmem>>, vector<1x128xf32>
    tpu.vector_store %arg7[%swap3A_44, %swap3A_45], %add3A_43 {strides = array<i32>} : memref<8x128xf32, #tpu.memory_space<vmem>>, vector<1x128xf32>,
    return
  }
  func.func @transform_0(%arg0: i32) -> (i32, i32) {
    %c0_i32 = arith.constant 0 : i32
    %c0_i32_0 = arith.constant 0 : i32
    return %arg0, %c0_i32 : i32, i32
  }
  func.func @transform_1(%arg0: i32) -> (i32, i32) {
    %c0_i32 = arith.constant 0 : i32
    %c0_i32_0 = arith.constant 0 : i32
    return %arg0, %c0_i32 : i32, i32
  }
  func.func @transform_2(%arg0: i32) -> (i32, i32) {
    %c0_i32 = arith.constant 0 : i32
    %c0_i32_0 = arith.constant 0 : i32
    %c0_i32_1 = arith.constant 0 : i32
    return %c0_i32, %c0_i32_0 : i32, i32
  }
  func.func @transform_3(%arg0: i32) -> (i32, i32) {
    %c0_i32 = arith.constant 0 : i32
    %c0_i32_0 = arith.constant 0 : i32
    %c0_i32_1 = arith.constant 0 : i32
    return %c0_i32, %c0_i32_0 : i32, i32
  }
  func.func @transform_4(%arg0: i32) -> (i32, i32) {
    %c0_i32 = arith.constant 0 : i32
    %c0_i32_0 = arith.constant 0 : i32
    return %arg0, %c0_i32 : i32, i32
  }
  func.func @transform_5(%arg0: i32) -> (i32, i32) {
    %c0_i32 = arith.constant 0 : i32
    %c0_i32_0 = arith.constant 0 : i32
    return %arg0, %c0_i32 : i32, i32
  }
  func.func @transform_6(%arg0: i32) -> (i32, i32) {
    %c0_i32 = arith.constant 0 : i32
    %c0_i32_0 = arith.constant 0 : i32
    %c0_i32_1 = arith.constant 0 : i32
    return %c0_i32, %c0_i32_0 : i32, i32
  }
}

module attributes {stable_mosaic.version = 14 : i64} {
  func.func @_node_body(%arg0: memref<10000x128xf32, #tpu.memory_space<vmem>>, %arg1: memref<10000x1xf32, #tpu.memory_space<vmem>>, %arg2: memref<128x128xf32, #tpu.memory_space<vmem>>, %arg3: memref<1x128xf32, #tpu.memory_space<vmem>>, %arg4: memref<128x128xf32, #tpu.memory_space<vmem>>, %arg5: memref<1x128xf32, #tpu.memory_space<vmem>>, %arg6: memref<128x128xf32, #tpu.memory_space<vmem>>, %arg7: memref<1x128xf32, #tpu.memory_space<vmem>>, %arg8: memref<128x128xf32, #tpu.memory_space<vmem>>, %arg9: memref<1x128xf32, #tpu.memory_space<vmem>>, %arg10: memref<10000x128xf32, #tpu.memory_space<vmem>>, %arg11: memref<10000x128xf32, #tpu.memory_space<vmem>>, %arg12: memref<10000x128xf32, #tpu.memory_space<vmem>>, %arg13: memref<10000x128xf32, #tpu.memory_space<vmem>>) attributes {dimension_semantics = [], scalar_prefetch = 0 : i64, scratch_operands = 0 : i64, tpu.core_type = #tpu.core_type<tc>} {
    %get3A = arith.constant 0 : index
    %get3A_0 = arith.constant 0 : index
    %get3A_1 = vector.load %arg0[%get3A, %get3A_0] : memref<10000x128xf32, #tpu.memory_space<vmem>>, vector<10000x128xf32>
    %get3A_2 = arith.constant 0 : index
    %get3A_3 = arith.constant 0 : index
    %get3A_4 = vector.load %arg1[%get3A_2, %get3A_3] : memref<10000x1xf32, #tpu.memory_space<vmem>>, vector<10000x1xf32>
    %mul3A = vector.broadcast %get3A_4 : vector<10000x1xf32> to vector<10000x128xf32>
    %mul3A_5 = arith.mulf %get3A_1, %mul3A : vector<10000x128xf32>
    %get3A_6 = arith.constant 0 : index
    %get3A_7 = arith.constant 0 : index
    %get3A_8 = vector.load %arg2[%get3A_6, %get3A_7] : memref<128x128xf32, #tpu.memory_space<vmem>>, vector<128x128xf32>
    %dot_general3A = arith.constant dense<0.000000e+00> : vector<10000x128xf32>
    %dot_general3A_9 = tpu.matmul %mul3A_5, %get3A_8, %dot_general3A {dimension_numbers = #tpu.dot_dimension_numbers<[1], [0], [0], [1], [0, 0, 1, 1], [], []>, transpose_lhs_hint = false} : vector<10000x128xf32>, vector<128x128xf32>, vector<10000x128xf32> -> vector<10000x128xf32>
    %get3A_10 = arith.constant 0 : index
    %get3A_11 = arith.constant 0 : index
    %get3A_12 = vector.load %arg3[%get3A_10, %get3A_11] : memref<1x128xf32, #tpu.memory_space<vmem>>, vector<1x128xf32>
    %add3A = vector.broadcast %get3A_12 : vector<1x128xf32> to vector<10000x128xf32>
    %add3A_13 = arith.addf %dot_general3A_9, %add3A : vector<10000x128xf32>
    %swap3A = arith.constant 0 : index
    %swap3A_14 = arith.constant 0 : index
    %swap3A_15 = vector.load %arg10[%swap3A, %swap3A_14] : memref<10000x128xf32, #tpu.memory_space<vmem>>, vector<10000x128xf32>
    tpu.vector_store %arg10[%swap3A, %swap3A_14], %add3A_13 {strides = array<i32>} : memref<10000x128xf32, #tpu.memory_space<vmem>>, vector<10000x128xf32>,
    %get3A_16 = arith.constant 0 : index
    %get3A_17 = arith.constant 0 : index
    %get3A_18 = vector.load %arg4[%get3A_16, %get3A_17] : memref<128x128xf32, #tpu.memory_space<vmem>>, vector<128x128xf32>
    %dot_general3A_19 = arith.constant dense<0.000000e+00> : vector<10000x128xf32>
    %dot_general3A_20 = tpu.matmul %mul3A_5, %get3A_18, %dot_general3A_19 {dimension_numbers = #tpu.dot_dimension_numbers<[1], [0], [0], [1], [0, 0, 1, 1], [], []>, transpose_lhs_hint = false} : vector<10000x128xf32>, vector<128x128xf32>, vector<10000x128xf32> -> vector<10000x128xf32>
    %get3A_21 = arith.constant 0 : index
    %get3A_22 = arith.constant 0 : index
    %get3A_23 = vector.load %arg5[%get3A_21, %get3A_22] : memref<1x128xf32, #tpu.memory_space<vmem>>, vector<1x128xf32>
    %add3A_24 = vector.broadcast %get3A_23 : vector<1x128xf32> to vector<10000x128xf32>
    %add3A_25 = arith.addf %dot_general3A_20, %add3A_24 : vector<10000x128xf32>
    %swap3A_26 = arith.constant 0 : index
    %swap3A_27 = arith.constant 0 : index
    %swap3A_28 = vector.load %arg11[%swap3A_26, %swap3A_27] : memref<10000x128xf32, #tpu.memory_space<vmem>>, vector<10000x128xf32>
    tpu.vector_store %arg11[%swap3A_26, %swap3A_27], %add3A_25 {strides = array<i32>} : memref<10000x128xf32, #tpu.memory_space<vmem>>, vector<10000x128xf32>,
    %get3A_29 = arith.constant 0 : index
    %get3A_30 = arith.constant 0 : index
    %get3A_31 = vector.load %arg6[%get3A_29, %get3A_30] : memref<128x128xf32, #tpu.memory_space<vmem>>, vector<128x128xf32>
    %dot_general3A_32 = arith.constant dense<0.000000e+00> : vector<10000x128xf32>
    %dot_general3A_33 = tpu.matmul %mul3A_5, %get3A_31, %dot_general3A_32 {dimension_numbers = #tpu.dot_dimension_numbers<[1], [0], [0], [1], [0, 0, 1, 1], [], []>, transpose_lhs_hint = false} : vector<10000x128xf32>, vector<128x128xf32>, vector<10000x128xf32> -> vector<10000x128xf32>
    %get3A_34 = arith.constant 0 : index
    %get3A_35 = arith.constant 0 : index
    %get3A_36 = vector.load %arg7[%get3A_34, %get3A_35] : memref<1x128xf32, #tpu.memory_space<vmem>>, vector<1x128xf32>
    %add3A_37 = vector.broadcast %get3A_36 : vector<1x128xf32> to vector<10000x128xf32>
    %add3A_38 = arith.addf %dot_general3A_33, %add3A_37 : vector<10000x128xf32>
    %swap3A_39 = arith.constant 0 : index
    %swap3A_40 = arith.constant 0 : index
    %swap3A_41 = vector.load %arg12[%swap3A_39, %swap3A_40] : memref<10000x128xf32, #tpu.memory_space<vmem>>, vector<10000x128xf32>
    tpu.vector_store %arg12[%swap3A_39, %swap3A_40], %add3A_38 {strides = array<i32>} : memref<10000x128xf32, #tpu.memory_space<vmem>>, vector<10000x128xf32>,
    %get3A_42 = arith.constant 0 : index
    %get3A_43 = arith.constant 0 : index
    %get3A_44 = vector.load %arg8[%get3A_42, %get3A_43] : memref<128x128xf32, #tpu.memory_space<vmem>>, vector<128x128xf32>
    %dot_general3A_45 = arith.constant dense<0.000000e+00> : vector<10000x128xf32>
    %dot_general3A_46 = tpu.matmul %mul3A_5, %get3A_44, %dot_general3A_45 {dimension_numbers = #tpu.dot_dimension_numbers<[1], [0], [0], [1], [0, 0, 1, 1], [], []>, transpose_lhs_hint = false} : vector<10000x128xf32>, vector<128x128xf32>, vector<10000x128xf32> -> vector<10000x128xf32>
    %get3A_47 = arith.constant 0 : index
    %get3A_48 = arith.constant 0 : index
    %get3A_49 = vector.load %arg9[%get3A_47, %get3A_48] : memref<1x128xf32, #tpu.memory_space<vmem>>, vector<1x128xf32>
    %add3A_50 = vector.broadcast %get3A_49 : vector<1x128xf32> to vector<10000x128xf32>
    %add3A_51 = arith.addf %dot_general3A_46, %add3A_50 : vector<10000x128xf32>
    %swap3A_52 = arith.constant 0 : index
    %swap3A_53 = arith.constant 0 : index
    %swap3A_54 = vector.load %arg13[%swap3A_52, %swap3A_53] : memref<10000x128xf32, #tpu.memory_space<vmem>>, vector<10000x128xf32>
    tpu.vector_store %arg13[%swap3A_52, %swap3A_53], %add3A_51 {strides = array<i32>} : memref<10000x128xf32, #tpu.memory_space<vmem>>, vector<10000x128xf32>,
    return
  }
}

module attributes {stable_mosaic.version = 14 : i64} {
  func.func @_eout_body(%arg0: i32, %arg1: memref<1600x128xf32, #tpu.memory_space<vmem>>, %arg2: memref<1600x128xbf16, #tpu.memory_space<vmem>>, %arg3: memref<8x128xf32, #tpu.memory_space<vmem>>, %arg4: memref<1x128xf32, #tpu.memory_space<vmem>>, %arg5: memref<1x128xf32, #tpu.memory_space<vmem>>, %arg6: memref<1600x128xf32, #tpu.memory_space<vmem>>) attributes {dimension_semantics = [#tpu.dimension_semantics<arbitrary>], iteration_bounds = array<i64: 200>, scalar_prefetch = 0 : i64, scratch_operands = 0 : i64, tpu.core_type = #tpu.core_type<tc>, window_params = [{transform_indices = @transform_0, window_bounds = array<i64: 1600, 128>}, {transform_indices = @transform_1, window_bounds = array<i64: 1600, 128>}, {pipeline_mode = #tpu.pipeline_mode<synchronous>, transform_indices = @transform_2, window_bounds = array<i64: 8, 128>}, {pipeline_mode = #tpu.pipeline_mode<synchronous>, transform_indices = @transform_3, window_bounds = array<i64: 1, 128>}, {pipeline_mode = #tpu.pipeline_mode<synchronous>, transform_indices = @transform_4, window_bounds = array<i64: 1, 128>}, {transform_indices = @transform_5, window_bounds = array<i64: 1600, 128>}]} {
    %get3A = arith.constant 0 : index
    %get3A_0 = arith.constant 0 : index
    %get3A_1 = vector.load %arg3[%get3A, %get3A_0] : memref<8x128xf32, #tpu.memory_space<vmem>>, vector<1x128xf32>
    %mul3A = arith.constant 3.125000e-06 : f32
    %mul3A_2 = vector.broadcast %mul3A : f32 to vector<1x128xf32>
    %mul3A_3 = arith.mulf %get3A_1, %mul3A_2 : vector<1x128xf32>
    %get3A_4 = arith.constant 1 : index
    %get3A_5 = arith.constant 0 : index
    %get3A_6 = vector.load %arg3[%get3A_4, %get3A_5] : memref<8x128xf32, #tpu.memory_space<vmem>>, vector<1x128xf32>
    %mul3A_7 = arith.constant 3.125000e-06 : f32
    %mul3A_8 = vector.broadcast %mul3A_7 : f32 to vector<1x128xf32>
    %mul3A_9 = arith.mulf %get3A_6, %mul3A_8 : vector<1x128xf32>
    %mul3A_10 = arith.mulf %mul3A_3, %mul3A_3 : vector<1x128xf32>
    %sub3A = arith.subf %mul3A_9, %mul3A_10 : vector<1x128xf32>
    %get3A_11 = arith.constant 0 : index
    %get3A_12 = arith.constant 0 : index
    %get3A_13 = vector.load %arg4[%get3A_11, %get3A_12] : memref<1x128xf32, #tpu.memory_space<vmem>>, vector<1x128xf32>
    %add3A = arith.constant 9.99999974E-6 : f32
    %add3A_14 = vector.broadcast %add3A : f32 to vector<1x128xf32>
    %add3A_15 = arith.addf %sub3A, %add3A_14 : vector<1x128xf32>
    %rsqrt3A = math.rsqrt %add3A_15 : vector<1x128xf32>
    %mul3A_16 = arith.mulf %get3A_13, %rsqrt3A : vector<1x128xf32>
    %get3A_17 = arith.constant 0 : index
    %get3A_18 = arith.constant 0 : index
    %get3A_19 = vector.load %arg2[%get3A_17, %get3A_18] : memref<1600x128xbf16, #tpu.memory_space<vmem>>, vector<1600x128xbf16>
    %convert_element_type3A = arith.extf %get3A_19 : vector<1600x128xbf16> to vector<1600x128xf32>
    %get3A_20 = arith.constant 0 : index
    %get3A_21 = arith.constant 0 : index
    %get3A_22 = vector.load %arg1[%get3A_20, %get3A_21] : memref<1600x128xf32, #tpu.memory_space<vmem>>, vector<1600x128xf32>
    %sub3A_23 = vector.broadcast %mul3A_3 : vector<1x128xf32> to vector<1600x128xf32>
    %sub3A_24 = arith.subf %convert_element_type3A, %sub3A_23 : vector<1600x128xf32>
    %mul3A_25 = vector.broadcast %mul3A_16 : vector<1x128xf32> to vector<1600x128xf32>
    %mul3A_26 = arith.mulf %sub3A_24, %mul3A_25 : vector<1600x128xf32>
    %add3A_27 = arith.addf %get3A_22, %mul3A_26 : vector<1600x128xf32>
    %get3A_28 = arith.constant 0 : index
    %get3A_29 = arith.constant 0 : index
    %get3A_30 = vector.load %arg5[%get3A_28, %get3A_29] : memref<1x128xf32, #tpu.memory_space<vmem>>, vector<1x128xf32>
    %add3A_31 = vector.broadcast %get3A_30 : vector<1x128xf32> to vector<1600x128xf32>
    %add3A_32 = arith.addf %add3A_27, %add3A_31 : vector<1600x128xf32>
    %swap3A = arith.constant 0 : index
    %swap3A_33 = arith.constant 0 : index
    %swap3A_34 = vector.load %arg6[%swap3A, %swap3A_33] : memref<1600x128xf32, #tpu.memory_space<vmem>>, vector<1600x128xf32>
    tpu.vector_store %arg6[%swap3A, %swap3A_33], %add3A_32 {strides = array<i32>} : memref<1600x128xf32, #tpu.memory_space<vmem>>, vector<1600x128xf32>,
    return
  }
  func.func @transform_0(%arg0: i32) -> (i32, i32) {
    %c0_i32 = arith.constant 0 : i32
    %c0_i32_0 = arith.constant 0 : i32
    return %arg0, %c0_i32 : i32, i32
  }
  func.func @transform_1(%arg0: i32) -> (i32, i32) {
    %c0_i32 = arith.constant 0 : i32
    %c0_i32_0 = arith.constant 0 : i32
    return %arg0, %c0_i32 : i32, i32
  }
  func.func @transform_2(%arg0: i32) -> (i32, i32) {
    %c0_i32 = arith.constant 0 : i32
    %c0_i32_0 = arith.constant 0 : i32
    %c0_i32_1 = arith.constant 0 : i32
    return %c0_i32, %c0_i32_0 : i32, i32
  }
  func.func @transform_3(%arg0: i32) -> (i32, i32) {
    %c0_i32 = arith.constant 0 : i32
    %c0_i32_0 = arith.constant 0 : i32
    %c0_i32_1 = arith.constant 0 : i32
    return %c0_i32, %c0_i32_0 : i32, i32
  }
  func.func @transform_4(%arg0: i32) -> (i32, i32) {
    %c0_i32 = arith.constant 0 : i32
    %c0_i32_0 = arith.constant 0 : i32
    %c0_i32_1 = arith.constant 0 : i32
    return %c0_i32, %c0_i32_0 : i32, i32
  }
  func.func @transform_5(%arg0: i32) -> (i32, i32) {
    %c0_i32 = arith.constant 0 : i32
    %c0_i32_0 = arith.constant 0 : i32
    return %arg0, %c0_i32 : i32, i32
  }
}

module attributes {stable_mosaic.version = 14 : i64} {
  func.func @_hout_body(%arg0: memref<10000x128xf32, #tpu.memory_space<vmem>>, %arg1: memref<10000x128xf32, #tpu.memory_space<vmem>>, %arg2: memref<10000x128xf32, #tpu.memory_space<vmem>>, %arg3: memref<10000x128xf32, #tpu.memory_space<vmem>>, %arg4: memref<10000x1xf32, #tpu.memory_space<vmem>>, %arg5: memref<1x128xf32, #tpu.memory_space<vmem>>, %arg6: memref<1x128xf32, #tpu.memory_space<vmem>>, %arg7: memref<10000x128xf32, #tpu.memory_space<vmem>>) attributes {dimension_semantics = [], scalar_prefetch = 0 : i64, scratch_operands = 0 : i64, tpu.core_type = #tpu.core_type<tc>} {
    %get3A = arith.constant 0 : index
    %get3A_0 = arith.constant 0 : index
    %get3A_1 = vector.load %arg1[%get3A, %get3A_0] : memref<10000x128xf32, #tpu.memory_space<vmem>>, vector<10000x128xf32>
    %get3A_2 = arith.constant 0 : index
    %get3A_3 = arith.constant 0 : index
    %get3A_4 = vector.load %arg2[%get3A_2, %get3A_3] : memref<10000x128xf32, #tpu.memory_space<vmem>>, vector<10000x128xf32>
    %get3A_5 = arith.constant 0 : index
    %get3A_6 = arith.constant 0 : index
    %get3A_7 = vector.load %arg3[%get3A_5, %get3A_6] : memref<10000x128xf32, #tpu.memory_space<vmem>>, vector<10000x128xf32>
    %add3A = arith.constant 9.99999997E-7 : f32
    %add3A_8 = vector.broadcast %add3A : f32 to vector<10000x128xf32>
    %add3A_9 = arith.addf %get3A_7, %add3A_8 : vector<10000x128xf32>
    %div3A = arith.divf %get3A_4, %add3A_9 : vector<10000x128xf32>
    %add3A_10 = arith.addf %get3A_1, %div3A : vector<10000x128xf32>
    %get3A_11 = arith.constant 0 : index
    %get3A_12 = arith.constant 0 : index
    %get3A_13 = vector.load %arg4[%get3A_11, %get3A_12] : memref<10000x1xf32, #tpu.memory_space<vmem>>, vector<10000x1xf32>
    %mul3A = vector.broadcast %get3A_13 : vector<10000x1xf32> to vector<10000x128xf32>
    %mul3A_14 = arith.mulf %add3A_10, %mul3A : vector<10000x128xf32>
    %reduce_sum3A = arith.constant dense<0.000000e+00> : vector<128xf32>
    %reduce_sum3A_15 = vector.multi_reduction <add>, %mul3A_14, %reduce_sum3A [0] : vector<10000x128xf32> to vector<128xf32>
    %broadcast_in_dim3A = vector.shape_cast %reduce_sum3A_15 : vector<128xf32> to vector<1x128xf32>
    %div3A_16 = arith.constant 1.000000e+04 : f32
    %div3A_17 = vector.broadcast %div3A_16 : f32 to vector<1x128xf32>
    %div3A_18 = arith.divf %broadcast_in_dim3A, %div3A_17 : vector<1x128xf32>
    %sub3A = vector.broadcast %div3A_18 : vector<1x128xf32> to vector<10000x128xf32>
    %sub3A_19 = arith.subf %mul3A_14, %sub3A : vector<10000x128xf32>
    %mul3A_20 = arith.mulf %sub3A_19, %sub3A_19 : vector<10000x128xf32>
    %reduce_sum3A_21 = arith.constant dense<0.000000e+00> : vector<128xf32>
    %reduce_sum3A_22 = vector.multi_reduction <add>, %mul3A_20, %reduce_sum3A_21 [0] : vector<10000x128xf32> to vector<128xf32>
    %broadcast_in_dim3A_23 = vector.shape_cast %reduce_sum3A_22 : vector<128xf32> to vector<1x128xf32>
    %div3A_24 = arith.constant 1.000000e+04 : f32
    %div3A_25 = vector.broadcast %div3A_24 : f32 to vector<1x128xf32>
    %div3A_26 = arith.divf %broadcast_in_dim3A_23, %div3A_25 : vector<1x128xf32>
    %get3A_27 = arith.constant 0 : index
    %get3A_28 = arith.constant 0 : index
    %get3A_29 = vector.load %arg0[%get3A_27, %get3A_28] : memref<10000x128xf32, #tpu.memory_space<vmem>>, vector<10000x128xf32>
    %get3A_30 = arith.constant 0 : index
    %get3A_31 = arith.constant 0 : index
    %get3A_32 = vector.load %arg5[%get3A_30, %get3A_31] : memref<1x128xf32, #tpu.memory_space<vmem>>, vector<1x128xf32>
    %mul3A_33 = vector.broadcast %get3A_32 : vector<1x128xf32> to vector<10000x128xf32>
    %mul3A_34 = arith.mulf %mul3A_33, %sub3A_19 : vector<10000x128xf32>
    %add3A_35 = arith.constant 9.99999974E-6 : f32
    %add3A_36 = vector.broadcast %add3A_35 : f32 to vector<1x128xf32>
    %add3A_37 = arith.addf %div3A_26, %add3A_36 : vector<1x128xf32>
    %rsqrt3A = math.rsqrt %add3A_37 : vector<1x128xf32>
    %mul3A_38 = vector.broadcast %rsqrt3A : vector<1x128xf32> to vector<10000x128xf32>
    %mul3A_39 = arith.mulf %mul3A_34, %mul3A_38 : vector<10000x128xf32>
    %add3A_40 = arith.addf %get3A_29, %mul3A_39 : vector<10000x128xf32>
    %get3A_41 = arith.constant 0 : index
    %get3A_42 = arith.constant 0 : index
    %get3A_43 = vector.load %arg6[%get3A_41, %get3A_42] : memref<1x128xf32, #tpu.memory_space<vmem>>, vector<1x128xf32>
    %add3A_44 = vector.broadcast %get3A_43 : vector<1x128xf32> to vector<10000x128xf32>
    %add3A_45 = arith.addf %add3A_40, %add3A_44 : vector<10000x128xf32>
    %swap3A = arith.constant 0 : index
    %swap3A_46 = arith.constant 0 : index
    %swap3A_47 = vector.load %arg7[%swap3A, %swap3A_46] : memref<10000x128xf32, #tpu.memory_space<vmem>>, vector<10000x128xf32>
    tpu.vector_store %arg7[%swap3A, %swap3A_46], %add3A_45 {strides = array<i32>} : memref<10000x128xf32, #tpu.memory_space<vmem>>, vector<10000x128xf32>,
    return
  }
}

</mosaic_0001>

<sc_bundles>
// kernel: kernel.12.cloned.1.call-start
scs
__scs_entry_jumppad:
0x0: {  	(pc) =	sbr.rel $0x88, $3  }
0x1: {  	(tag) =	ssettag $0x0;
	lr =	simm.s32 $0x1  }
0x2: {  	[smem:$0x3F8F] =	sst lr;
	_ =	strace $0xD0000000  }
0x3: {  	_ = 	snop  }
0x4: {  	_ = 	snop  }
0x5: {  	_ = 	snop  }
0x6: {  	_ = 	snop  }
0x7: {  	_ = 	snop  }
__scs_overlays_trampoline_lowered:
0x8: {  	[smem:$0x3F9E] =	sst s0  }
0x9: {  	[smem:$0x3F9F] =	sst s1  }
0xa: {  	[smem:$0x3FA0] =	sst s2  }
0xb: {  	[smem:$0x3FA1] =	sst s3  }
0xc: {  	[smem:$0x3FA2] =	sst s4  }
0xd: {  	[smem:$0x3FA3] =	sst s5  }
0xe: {  	[smem:$0x3FA4] =	sst s6  }
0xf: {  	[smem:$0x3FA5] =	sst s7  }
0x10: {  	[smem:$0x3FA6] =	sst s8  }
0x11: {  	[smem:$0x3FA7] =	sst s9;
	s0 =	simm.s32 @!p0 $0x0  }
0x12: {  	s1 =	sld [smem:$0x3F8D];
	s0 =	simm.s32 @p0 $0x1  }
0x13: {  	[smem:$0x3FA8] =	sst s0;
	s0 =	simm.s32 @!p1 $0x0  }
0x14: {  	s2 =	sld [smem:$0x3F8C];
	s0 =	simm.s32 @p1 $0x1  }
0x15: {  	[smem:$0x3FA9] =	sst s0;
	s0 =	simm.s32 @!p2 $0x0  }
0x16: {  	s3 =	sld [smem:$0x3FDB];
	s0 =	simm.s32 @p2 $0x1  }
0x17: {  	s4 =	simm.s32 $0x1BF5;
	[smem:$0x3FAB] =	sst s0  }
0x18: {  	s0 =	sld [smem:$0x3F8E];
	_ =	swait.ge [sflag:s4], $0x0  }
0x19: {  	s7 =	sld [smem:$0x3F8F]  }
0x1a: {  	s8 =	sadd.s32 $0xFFFFE003, lr  }
0x1b: {  	s9 =	sadd.s32 $0xFFFFFEF7, lr;
	s5 =	simm.s32 $0xFFFFFFFF;
	p2 =	slt.u32 s8, $0xFFFFF086  }
0x1c: {  	p1 =	slt.u32 s9, $0xF7A;
	s5 =	simm.s32 @!p2 $0x0  }
0x1d: {  	s5 =	simm.s32 @p1 $0x1;
	p0 =	seq.s32 s7, s2  }
0x1e: {  	s7 =	smul.u32 @!p0 $0xF7A, s2;
	p2 =	seq.s32 @!p0 s5, $0x0  }
0x1f: {  	s9 =	smul.u32 $0xF7A, s1;
	s8 =	simm.s32 @!p0 $0x1BF5;
	p2 =	por !p2, p0  }
0x20: {  	[sflag:s8] =	ssyncset.s32 @!p0 $0xFFFFF086;
	s6 =	sadd.s32 @!p0 s3, s7;
	s7 =	simm.s32 @!p0 $0x108  }
0x21: {  	s3 =	sadd.s32 s3, s9;
	s6 =	sadd.s32 @!p0 $0x88, s6;
	s7 =	simm.s32 @p2 $0x1082  }
0x22: {  	[simem:s7], [sflag:s8] =	dma.local @!p0 [hbm:s6], $0xF7A  }
0x23: {  	s9 =	sor.u32 $0xD0000000, s2;
	s6 =	simm.s32 $0x108;
	_ =	swait.ge @!p0 [sflag:s8], $0x0  }
0x24: {  	s3 =	sadd.s32 $0x88, s3;
	s6 =	simm.s32 @!p1 $0x1082;
	[sflag:s4] =	ssyncset.s32 $0xFFFFF086  }
0x25: {  	[simem:s6], [sflag:s4] =	dma.local [hbm:s3], $0xF7A  }
0x26: {  	[smem:$0x3F8F] =	sst s1;
	(tag) =	ssettag s2;
	_ =	strace s9  }
0x27: {  	s1 =	sld [smem:$0x3F9F]  }
0x28: {  	s2 =	sld [smem:$0x3FA0]  }
0x29: {  	s4 =	sld [smem:$0x3FA2]  }
0x2a: {  	p0 =	seq.s32 s5, $0x0;
	s5 =	sld [smem:$0x3FA3]  }
0x2b: {  	s6 =	sld [smem:$0x3FA4]  }
0x2c: {  	s7 =	sld [smem:$0x3FA5]  }
0x2d: {  	s3 =	simm.s32 $0x108;
	s8 =	sld [smem:$0x3FA6]  }
0x2e: {  	s3 =	simm.s32 @!p0 $0x1082;
	s9 =	sld [smem:$0x3FA7]  }
0x2f: {  	lr =	sadd.s32 s0, s3;
	s0 =	sld [smem:$0x3F9E]  }
0x30: {  	s3 =	sld [smem:$0x3FA1]  }
0x31: {  	[smem:$0x3FAA] =	sst s10  }
0x32: {  	s10 =	sld [smem:$0x3FA8];
	_ =	sdelay $0x3  }
0x33: {  	p0 =	seq.s32 s10, $0x1;
	s10 =	sld [smem:$0x3FAA];
	_ =	sdelay $0x3  }
0x34: {  	[smem:$0x3FAA] =	sst s10  }
0x35: {  	s10 =	sld [smem:$0x3FA9];
	_ =	sdelay $0x3  }
0x36: {  	p1 =	seq.s32 s10, $0x1;
	s10 =	sld [smem:$0x3FAA];
	_ =	sdelay $0x3  }
0x37: {  	[smem:$0x3FAA] =	sst s10  }
0x38: {  	s10 =	sld [smem:$0x3FAB]  }
0x39: {  	_ = 	snop;
	(pc) =	sbr.ind lr, $3  }
0x3a: {  	_ = 	snop  }
0x3b: {  	_ = 	snop  }
0x3c: {  	p2 =	seq.s32 s10, $0x1;
	s10 =	sld [smem:$0x3FAA]  }
0x3d: {  	_ =	shalt  }
0x3e: {  	_ =	shalt  }
0x3f: {  	_ =	shalt  }
0x40: {  	_ =	shalt  }
0x41: {  	_ =	shalt  }
0x42: {  	_ =	shalt  }
0x43: {  	_ =	shalt  }
0x44: {  	_ =	shalt  }
0x45: {  	_ =	shalt  }
0x46: {  	_ =	shalt  }
0x47: {  	_ =	shalt  }
0x48: {  	_ =	shalt  }
0x49: {  	_ =	shalt  }
0x4a: {  	_ =	shalt  }
0x4b: {  	_ =	shalt  }
0x4c: {  	_ =	shalt  }
0x4d: {  	_ =	shalt  }
0x4e: {  	_ =	shalt  }
0x4f: {  	_ =	shalt  }
0x50: {  	_ =	shalt  }
0x51: {  	_ =	shalt  }
0x52: {  	_ =	shalt  }
0x53: {  	_ =	shalt  }
0x54: {  	_ =	shalt  }
0x55: {  	_ =	shalt  }
0x56: {  	_ =	shalt  }
0x57: {  	_ =	shalt  }
0x58: {  	_ =	shalt  }
0x59: {  	_ =	shalt  }
0x5a: {  	_ =	shalt  }
0x5b: {  	_ =	shalt  }
0x5c: {  	_ =	shalt  }
0x5d: {  	_ =	shalt  }
0x5e: {  	_ =	shalt  }
0x5f: {  	_ =	shalt  }
0x60: {  	_ =	shalt  }
0x61: {  	_ =	shalt  }
0x62: {  	_ =	shalt  }
0x63: {  	_ =	shalt  }
0x64: {  	_ =	shalt  }
0x65: {  	_ =	shalt  }
0x66: {  	_ =	shalt  }
0x67: {  	_ =	shalt  }
0x68: {  	_ =	shalt  }
0x69: {  	_ =	shalt  }
0x6a: {  	_ =	shalt  }
0x6b: {  	_ =	shalt  }
0x6c: {  	_ =	shalt  }
0x6d: {  	_ =	shalt  }
0x6e: {  	_ =	shalt  }
0x6f: {  	_ =	shalt  }
0x70: {  	_ =	shalt  }
0x71: {  	_ =	shalt  }
0x72: {  	_ =	shalt  }
0x73: {  	_ =	shalt  }
0x74: {  	_ =	shalt  }
0x75: {  	_ =	shalt  }
0x76: {  	_ =	shalt  }
0x77: {  	_ =	shalt  }
0x78: {  	_ =	shalt  }
0x79: {  	_ =	shalt  }
0x7a: {  	_ =	shalt  }
0x7b: {  	_ =	shalt  }
0x7c: {  	_ =	shalt  }
0x7d: {  	_ =	shalt  }
0x7e: {  	_ =	shalt  }
0x7f: {  	_ =	shalt  }
0x80: {  	_ =	shalt  }
0x81: {  	_ =	shalt  }
0x82: {  	_ =	shalt  }
0x83: {  	_ =	shalt  }
0x84: {  	_ =	shalt  }
0x85: {  	_ =	shalt  }
0x86: {  	_ =	shalt  }
0x87: {  	_ =	shalt  }
.Lfunc_end0:
.L_simem_size_0:
called_computation.1_lowered:
.L_overlay_start_0:
0x88: {  	s2 =	sld [smem:$0x3FD9]  }
0x89: {  	s3 =	sld [smem:$0x3FFE];
	_ =	sdelay $0x1  }
0x8a: {  	s1 =	srdreg.scid  }
0x8b: {  	s0 =	sand.u32 $0x1, s1  }
0x8c: {  	s17 =	sshll.u32 s0, $0xA;
	s2 =	sadd.s32 s3, s2  }
0x8d: {  	s2 =	sadd.s32 s2, s17  }
0x8e: {  	[smem:$0x3FB6] =	sst s2  }
0x8f: {  	_ = 	snop  }
0x90: {  	(tm) =	ssettm $0x1  }
0x91: {  	s18 =	sld [smem:$0x3FFB];
	_ =	sdelay $0x3  }
0x92: {  	_ =	strace s18  }
0x93: {  	s2 =	sld [smem:$0x3FFC];
	_ =	sdelay $0x3  }
0x94: {  	_ =	strace s2  }
0x95: {  	s2 =	sld [smem:$0x3FFD];
	_ =	sdelay $0x3  }
0x96: {  	_ =	strace s2  }
0x97: {  	_ =	strace $0x8FFFFFFF  }
0x98: {  	s19 =	sld [smem:$0x3FDB];
	_ =	sdelay $0x1  }
0x99: {  	s20 =	simm.s32 $_scs_section_size  }
0x9a: {  	s4 =	simm.s32 $_size__tile_overlayer_lowered;
	s5 =	simm.s32 $_tile_overlayer_lowered  }
0x9b: {  	s6 =	simm.s32 $0x1BFF;
	s21 =	sshll.u32 s5, $0x1;
	s3 =	sadd.s32 s20, s19  }
0x9c: {  	s22 =	simm.s32 $0x0;
	s4 =	sshll.u32 s4, $0x1;
	s5 =	sadd.s32 s21, s3  }
0x9d: {  	[timem:s22], [sflag:s6] =	dma.local [hbm:s5], s4  }
0x9e: {  	_ =	swait.ge [sflag:s6], s4  }
0x9f: {  	s4 =	ssub.s32 $0x0, s4;
	[sflag:s6] =	ssyncset.done $0x0  }
0xa0: {  	[sflag:s6] =	ssyncadd.s32 s4;
	_ =	sdelay $0x1  }
0xa1: {  	s23 =	simm.s32 $0x1B8B  }
0xa2: {  	_ =	swait.ge [sflag:s23], $0x1  }
0xa3: {  	[sflag:s23] =	ssyncset.done $0x0  }
0xa4: {  	[sflag:s23] =	ssyncadd.s32 $0xFFFFFFFF  }
0xa5: {  	s4 =	sld [smem:$0x0]  }
0xa6: {  	s5 =	sand.u32 $0xFFFFFFFE, s1  }
0xa7: {  	p0 =	sne.s32 s1, s5  }
0xa8: {  	s5 =	sshll.u32 @p0 s5, $0xE  }
0xa9: {  	s5 =	sadd.s32 @p0 $0x11B8D, s5;
	s6 =	sshll.u32 @p0 s4, $0x11  }
0xaa: {  	s5 =	sor.u32 @p0 s6, s5  }
0xab: {  	[sflag:s5] =	ssyncadd.remote.s32 @p0 $0x1;
	_ =	sdelay $0x1  }
0xac: {  	s5 =	simm.s32 @p0 $0x1B8D  }
0xad: {  	_ =	swait.eq @p0 [sflag:s5], $0x1  }
0xae: {  	[sflag:s5] =	ssyncadd.s32 @p0 $0xFFFFFFFF  }
0xaf: {  	s6 =	sshll.u32 @!p0 s1, $0xE  }
0xb0: {  	s6 =	sor.u32 @!p0 $0x4000, s6;
	s5 =	simm.s32 @!p0 $0x1B8D  }
0xb1: {  	s4 =	sshll.u32 @!p0 s4, $0x11;
	s6 =	sadd.s32 @!p0 $0x11B8D, s6;
	_ =	swait.eq @!p0 [sflag:s5], $0x1  }
0xb2: {  	s4 =	sor.u32 @!p0 s4, s6;
	[sflag:s5] =	ssyncadd.s32 @!p0 $0xFFFFFFFF  }
0xb3: {  	s25 =	simm.s32 $0x1B8E;
	s24 =	sld [smem:$0x3FFE];
	[sflag:s4] =	ssyncadd.remote.s32 @!p0 $0x1  }
0xb4: {  	s26 =	simm.s32 $execute0_lowered;
	[smem:$0x3FD2] =	sst s25  }
0xb5: {  	s5 =	sshll.u32 s26, $0x1;
	_ =	strace $0x8000004C;
	[dreg:$0x1] =	wrdreg $0xFFFFFFFF  }
0xb6: {  	s28 =	simm.s32 $_size_execute0_lowered;
	s3 =	sadd.s32 s3, s5;
	[dreg:$0x0] =	wrdreg $0x0  }
0xb7: {  	s5 =	sshll.u32 s28, $0x1;
	[dreg:$0x2] =	wrdreg s3  }
0xb8: {  	[dreg:$0x3] =	wrdreg s5  }
0xb9: {  	[dreg:$0x4] =	wrdreg $0xC0  }
0xba: {  	_ =	task [dreg:s22], $0x5FFFF  }
0xbb: {  	[dreg:$0x1] =	wrdreg $0xFFFFFFFF  }
0xbc: {  	[dreg:$0x0] =	wrdreg $0x60  }
0xbd: {  	[dreg:$0x2] =	wrdreg s24  }
0xbe: {  	[dreg:$0x3] =	wrdreg $0xA7000  }
0xbf: {  	[dreg:$0x4] =	wrdreg $0x9  }
0xc0: {  	_ =	task.clear_ibuf [dreg:s22], $0x5FFFF;
	_ =	strace $0x9000004C  }
0xc1: {  	s29 =	simm.s32 $0x9;
	_ =	strace $0x8000004E  }
0xc2: {  	_ =	swait.ge [sflag:s29], $0x1  }
0xc3: {  	[sflag:s29] =	ssyncadd.s32 $0xFFFFFFFF  }
0xc4: {  	_ =	strace $0x9000004E  }
0xc5: {  	_ =	sfence  }
0xc6: {  	s30 =	sld [smem:$0x0];
	_ =	sdelay $0x2  }
0xc7: {  	s31 =	sshll.u32 s1, $0xD;
	s1 =	sshrl.u32 s1, $0x2  }
0xc8: {  	s4 =	sand.u32 $0x4000, s31;
	s1 =	sadd.s32 s1, s30  }
0xc9: {  	s0 =	sor.u32 s4, s0;
	s1 =	sshll.u32 s1, $0x11  }
0xca: {  	s0 =	sor.u32 s1, s0  }
0xcb: {  	s0 =	sadd.s32 $0x8F2B, s0  }
0xcc: {  	[sflag:s0] =	ssyncadd.remote.s32 $0x1  }
0xcd: {  	_ =	sfence.sel $0xFFFF  }
0xce: {  	[dreg:$0x0] =	wrdreg $0xFFFFFFFF;
	(pc) =	sbr.abs _section_cstart, $3  }
0xcf: {  	[dreg:$0x1] =	wrdreg $0xFFFFFFFF  }
0xd0: {  	_ =	task.clear_ibuf [dreg:s22], $0x2FFFF;
	_ =	strace $0x9FFFFFFF  }
0xd1: {  	(tm) =	ssettm $0x7FFFFFFF  }
tec
execute0_lowered:
.L_overlay_start_1:
0x0: {  	(tag) =	ssettag $0x1  }
0x1: {  	s0 =	rddreg [dreg:$0x0]  }
0x2: {  	s2 =	rddreg [dreg:$0x1];
	s12 =	stileid.u32  }
0x3: {  	s3 =	simm.s32 $0x0;
	s1 =	srdreg.scid;
	s10 =	smul.u32 $0x28000, s12  }
0x4: {  	[smem:$0x7FF] =	sst s3;
	s1 =	sand.u32 $0x1, s1;
	s17 =	smul.u32 $0x4E20, s12  }
0x5: {  	s4 =	sadd.s32 $0x325600, s0;
	s6 =	sadd.s32 $0xE000, s0;
	s22 =	smul.u32 $0x4E200, s12  }
0x6: {  	_ =	strace $0x8000004D;
	s11 =	ssub.s32 $0x2, s1;
	s21 =	sshrl.u32 s17, $0x3  }
0x7: {  	s13 =	sshrl.u32 s11, $0x1;
	s10 =	sshrl.u32 s10, $0x2;
	s23 =	sadd.s32 s6, s21  }
0x8: {  	s14 =	ssub.s32 s11, s13;
	s11 =	sadd.s32 s4, s22;
	[dreg:$0xa] =	wrdreg s23  }
0x9: {  	s29 =	sadd.s32 s10, s2;
	[dreg:$0xc] =	wrdreg s11  }
0xa: {  	s15 =	sadd.s32 $0x400, s29;
	[dreg:$0x3] =	wrdreg s29  }
0xb: {  	s8 =	smul.u32 $0x1400, s12;
	s16 =	sadd.s32 $0x800, s29;
	[dreg:$0x4] =	wrdreg s15  }
0xc: {  	s5 =	sadd.s32 $0x8D400, s0;
	s10 =	sadd.s32 $0xC00, s29;
	[dreg:$0x5] =	wrdreg s16  }
0xd: {  	s9 =	smul.u32 $0x14000, s1;
	s18 =	sadd.s32 $0x1000, s29;
	[dreg:$0x6] =	wrdreg s10  }
0xe: {  	s24 =	sadd.s32 $0x50, s17;
	s19 =	sadd.s32 $0x1400, s29;
	[dreg:$0x7] =	wrdreg s18  }
0xf: {  	s25 =	sshrl.u32 s24, $0x3;
	s20 =	sadd.s32 $0x1800, s29;
	[dreg:$0x8] =	wrdreg s19  }
0x10: {  	s7 =	sadd.s32 $0x4200, s0;
	s26 =	sadd.s32 s6, s25;
	[dreg:$0x9] =	wrdreg s20  }
0x11: {  	s8 =	sadd.s32 s8, s9;
	s11 =	sadd.s32 s7, s25;
	[dreg:$0xd] =	wrdreg s26  }
0x12: {  	s0 =	sadd.s32 s8, s0;
	s8 =	smax.u32 s14, $0x1;
	[dreg:$0xe] =	wrdreg s11  }
0x13: {  	s9 =	sadd.s32 $0x1C00, s29;
	[dreg:$0x11] =	wrdreg s8  }
0x14: {  	s12 =	sadd.s32 $0x2800, s29;
	[dreg:$0x12] =	wrdreg s9  }
0x15: {  	s13 =	sadd.s32 $0x2C00, s29;
	[dreg:$0x15] =	wrdreg s12  }
0x16: {  	s14 =	sadd.s32 $0x3000, s29;
	[dreg:$0x16] =	wrdreg s13  }
0x17: {  	s23 =	sadd.s32 $0x4C00, s29;
	[dreg:$0x17] =	wrdreg s14  }
0x18: {  	s25 =	sadd.s32 $0x5400, s29;
	[dreg:$0x1e] =	wrdreg s23  }
0x19: {  	s10 =	sadd.s32 s7, s21;
	[smem:$0x7EB] =	sst s25  }
0x1a: {  	s0 =	sadd.s32 $0x807600, s0;
	[dreg:$0xb] =	wrdreg s10  }
0x1b: {  	s11 =	sadd.s32 $0x2400, s29;
	[dreg:$0x10] =	wrdreg s0  }
0x1c: {  	s15 =	sadd.s32 $0x3400, s29;
	[dreg:$0x14] =	wrdreg s11  }
0x1d: {  	s22 =	sadd.s32 $0xF0, s17;
	s16 =	sadd.s32 $0x3800, s29;
	[dreg:$0x18] =	wrdreg s15  }
0x1e: {  	s21 =	sadd.s32 $0xA0, s17;
	s17 =	sadd.s32 $0x3C00, s29;
	[dreg:$0x19] =	wrdreg s16  }
0x1f: {  	s18 =	sadd.s32 $0x4000, s29;
	[dreg:$0x1a] =	wrdreg s17  }
0x20: {  	s19 =	sadd.s32 $0x4400, s29;
	[dreg:$0x1b] =	wrdreg s18  }
0x21: {  	s20 =	sadd.s32 $0x4800, s29;
	[dreg:$0x1c] =	wrdreg s19  }
0x22: {  	s26 =	sadd.s32 $0x5800, s29;
	[dreg:$0x1d] =	wrdreg s20  }
0x23: {  	s8 =	sadd.s32 $0x5C00, s29;
	[smem:$0x7EC] =	sst s26  }
0x24: {  	s9 =	sadd.s32 $0x6000, s29;
	[smem:$0x7ED] =	sst s8  }
0x25: {  	s28 =	simm.s32 $0x5;
	s12 =	sadd.s32 $0x6C00, s29;
	[smem:$0x7EE] =	sst s9  }
0x26: {  	s30 =	simm.s32 $0x4;
	s13 =	sadd.s32 $0x7000, s29;
	[smem:$0x7F1] =	sst s12  }
0x27: {  	s31 =	simm.s32 $0x6;
	s14 =	sadd.s32 $0x7400, s29;
	[smem:$0x7F2] =	sst s13  }
0x28: {  	s1 =	smul.u32 $0x1400, s1;
	s23 =	sadd.s32 $0x9000, s29;
	[smem:$0x7F3] =	sst s14  }
0x29: {  	s25 =	sadd.s32 $0x9800, s29;
	s10 =	sshll.u32 s24, $0x4;
	[smem:$0x7FA] =	sst s23  }
0x2a: {  	s24 =	sadd.s32 $0x5000, s29;
	s11 =	sadd.s32 $0x6800, s29;
	[smem:$0x7FC] =	sst s25  }
0x2b: {  	s15 =	sadd.s32 $0x7800, s29;
	s16 =	sadd.s32 $0x7C00, s29;
	[dreg:$0x1f] =	wrdreg s24  }
0x2c: {  	s17 =	sadd.s32 $0x8000, s29;
	s18 =	sadd.s32 $0x8400, s29;
	[smem:$0x7F0] =	sst s11  }
0x2d: {  	s19 =	sadd.s32 $0x8800, s29;
	s20 =	sadd.s32 $0x8C00, s29;
	[smem:$0x7F4] =	sst s15  }
0x2e: {  	s26 =	sadd.s32 $0x9C00, s29;
	s12 =	simm.s32 $0xA300;
	[smem:$0x7F5] =	sst s16  }
0x2f: {  	s13 =	simm.s32 $0x7;
	s14 =	simm.s32 $0x100;
	[smem:$0x7F6] =	sst s17  }
0x30: {  	s23 =	simm.s32 $0x2B00;
	s25 =	simm.s32 $0x7B00;
	[smem:$0x7F7] =	sst s18  }
0x31: {  	s0 =	simm.s32 $0x280;
	s8 =	simm.s32 $0x0;
	[smem:$0x7F8] =	sst s19  }
0x32: {  	s10 =	sadd.s32 s4, s10;
	[smem:$0x7F9] =	sst s20;
	s24 =	sadd.s32 $0x9400, s29  }
0x33: {  	[smem:$0x7FD] =	sst s26;
	s15 =	simm.s32 $0x300;
	s16 =	simm.s32 $0x1  }
0x34: {  	s17 =	simm.s32 $0x50;
	s18 =	simm.s32 $0x5300;
	[dreg:$0xf] =	wrdreg s10  }
0x35: {  	s19 =	simm.s32 $0x80;
	s10 =	sadd.s32 $0x2000, s29;
	[smem:$0x7FB] =	sst s24  }
0x36: {  	s20 =	simm.s32 $0x180;
	[dreg:$0x13] =	wrdreg s10;
	s10 =	sadd.s32 $0x6400, s29  }
0x37: {  	v1 =	vimm.f32 $0.0e+00;
	v0 =	vmov s1;
	s26 =	simm.s32 $0x3;
	s24 =	simm.s32 $0x2;
	[smem:$0x7EF] =	sst s10  }
.LBB2_1:
0x38: {  	[tilespmem:$0xA300] =	vst v1  }
0x39: {  	[tilespmem:$0xA310] =	vst v1  }
0x3a: {  	[tilespmem:$0xA320] =	vst v1  }
0x3b: {  	[tilespmem:$0xA330] =	vst v1  }
0x3c: {  	[tilespmem:$0xA340] =	vst v1  }
0x3d: {  	[tilespmem:$0xA350] =	vst v1  }
0x3e: {  	[tilespmem:$0xA360] =	vst v1  }
0x3f: {  	[tilespmem:$0xA370] =	vst v1  }
0x40: {  	[tilespmem:$0xA380] =	vst v1  }
0x41: {  	[tilespmem:$0xA390] =	vst v1  }
0x42: {  	[tilespmem:$0xA3A0] =	vst v1  }
0x43: {  	[tilespmem:$0xA3B0] =	vst v1  }
0x44: {  	[tilespmem:$0xA3C0] =	vst v1  }
0x45: {  	[tilespmem:$0xA3D0] =	vst v1  }
0x46: {  	[tilespmem:$0xA3E0] =	vst v1  }
0x47: {  	[tilespmem:$0xA3F0] =	vst v1  }
0x48: {  	[tilespmem:$0xA400] =	vst v1  }
0x49: {  	[tilespmem:$0xA410] =	vst v1  }
0x4a: {  	[tilespmem:$0xA420] =	vst v1  }
0x4b: {  	[tilespmem:$0xA430] =	vst v1  }
0x4c: {  	[tilespmem:$0xA440] =	vst v1  }
0x4d: {  	[tilespmem:$0xA450] =	vst v1  }
0x4e: {  	[tilespmem:$0xA460] =	vst v1  }
0x4f: {  	[tilespmem:$0xA470] =	vst v1  }
0x50: {  	[tilespmem:$0xA480] =	vst v1  }
0x51: {  	[tilespmem:$0xA490] =	vst v1  }
0x52: {  	[tilespmem:$0xA4A0] =	vst v1  }
0x53: {  	[tilespmem:$0xA4B0] =	vst v1  }
0x54: {  	[tilespmem:$0xA4C0] =	vst v1  }
0x55: {  	[tilespmem:$0xA4D0] =	vst v1  }
0x56: {  	[tilespmem:$0xA4E0] =	vst v1  }
0x57: {  	[tilespmem:$0xA4F0] =	vst v1  }
0x58: {  	[tilespmem:$0xA500] =	vst v1  }
0x59: {  	[tilespmem:$0xA510] =	vst v1  }
0x5a: {  	[tilespmem:$0xA520] =	vst v1  }
0x5b: {  	[tilespmem:$0xA530] =	vst v1  }
0x5c: {  	[tilespmem:$0xA540] =	vst v1  }
0x5d: {  	[tilespmem:$0xA550] =	vst v1  }
0x5e: {  	[tilespmem:$0xA560] =	vst v1  }
0x5f: {  	[tilespmem:$0xA570] =	vst v1  }
0x60: {  	[tilespmem:$0xA580] =	vst v1  }
0x61: {  	[tilespmem:$0xA590] =	vst v1  }
0x62: {  	[tilespmem:$0xA5A0] =	vst v1  }
0x63: {  	[tilespmem:$0xA5B0] =	vst v1  }
0x64: {  	[tilespmem:$0xA5C0] =	vst v1  }
0x65: {  	[tilespmem:$0xA5D0] =	vst v1  }
0x66: {  	[tilespmem:$0xA5E0] =	vst v1  }
0x67: {  	[tilespmem:$0xA5F0] =	vst v1  }
0x68: {  	[tilespmem:$0xA600] =	vst v1  }
0x69: {  	[tilespmem:$0xA610] =	vst v1  }
0x6a: {  	[tilespmem:$0xA620] =	vst v1  }
0x6b: {  	[tilespmem:$0xA630] =	vst v1  }
0x6c: {  	[tilespmem:$0xA640] =	vst v1  }
0x6d: {  	[tilespmem:$0xA650] =	vst v1  }
0x6e: {  	[tilespmem:$0xA660] =	vst v1  }
0x6f: {  	[tilespmem:$0xA670] =	vst v1  }
0x70: {  	[tilespmem:$0xA680] =	vst v1  }
0x71: {  	[tilespmem:$0xA690] =	vst v1  }
0x72: {  	[tilespmem:$0xA6A0] =	vst v1  }
0x73: {  	[tilespmem:$0xA6B0] =	vst v1  }
0x74: {  	[tilespmem:$0xA6C0] =	vst v1  }
0x75: {  	[tilespmem:$0xA6D0] =	vst v1  }
0x76: {  	[tilespmem:$0xA6E0] =	vst v1  }
0x77: {  	[smem:$0x7EA] =	sst s8;
	[tilespmem:$0xA6F0] =	vst v1  }
0x78: {  	[spmem:s29] =	stream.linear.scatter [tilespmem:s12], [sflag:$0x7], $0x400, $0x38;
	[tilespmem:$0x14740] =	vst v63  }
0x79: {  	_ =	swait.ge [sflag:s13], $0x400  }
0x7a: {  	[sflag:s13] =	ssyncset.done $0x0  }
0x7b: {  	s1 =	rddreg [dreg:$0x4];
	[sflag:s13] =	ssyncadd.s32 $0xFFFFFC00  }
0x7c: {  	[spmem:s1] =	stream.linear.scatter [tilespmem:s12], [sflag:$0x7], $0x400, $0x38;
	[tilespmem:$0x14740] =	vst v63  }
0x7d: {  	_ =	swait.ge [sflag:s13], $0x400  }
0x7e: {  	[sflag:s13] =	ssyncset.done $0x0  }
0x7f: {  	s9 =	rddreg [dreg:$0x5];
	[sflag:s13] =	ssyncadd.s32 $0xFFFFFC00  }
0x80: {  	[spmem:s9] =	stream.linear.scatter [tilespmem:s12], [sflag:$0x7], $0x400, $0x38;
	[tilespmem:$0x14740] =	vst v63  }
0x81: {  	_ =	swait.ge [sflag:s13], $0x400  }
0x82: {  	[sflag:s13] =	ssyncset.done $0x0  }
0x83: {  	s10 =	rddreg [dreg:$0x6];
	[sflag:s13] =	ssyncadd.s32 $0xFFFFFC00  }
0x84: {  	[spmem:s10] =	stream.linear.scatter [tilespmem:s12], [sflag:$0x7], $0x400, $0x38;
	[tilespmem:$0x14740] =	vst v63  }
0x85: {  	_ =	swait.ge [sflag:s13], $0x400  }
0x86: {  	[sflag:s13] =	ssyncset.done $0x0  }
0x87: {  	s11 =	rddreg [dreg:$0x7];
	[sflag:s13] =	ssyncadd.s32 $0xFFFFFC00  }
0x88: {  	[spmem:s11] =	stream.linear.scatter [tilespmem:s12], [sflag:$0x7], $0x400, $0x38;
	[tilespmem:$0x14740] =	vst v63  }
0x89: {  	_ =	swait.ge [sflag:s13], $0x400  }
0x8a: {  	[sflag:s13] =	ssyncset.done $0x0  }
0x8b: {  	s29 =	rddreg [dreg:$0x8];
	[sflag:s13] =	ssyncadd.s32 $0xFFFFFC00  }
0x8c: {  	[spmem:s29] =	stream.linear.scatter [tilespmem:s12], [sflag:$0x7], $0x400, $0x38;
	[tilespmem:$0x14740] =	vst v63  }
0x8d: {  	_ =	swait.ge [sflag:s13], $0x400  }
0x8e: {  	[sflag:s13] =	ssyncset.done $0x0  }
0x8f: {  	s8 =	rddreg [dreg:$0x9];
	[sflag:s13] =	ssyncadd.s32 $0xFFFFFC00  }
0x90: {  	[spmem:s8] =	stream.linear.scatter [tilespmem:s12], [sflag:$0x7], $0x400, $0x38;
	[tilespmem:$0x14740] =	vst v63  }
0x91: {  	_ =	swait.ge [sflag:s13], $0x400  }
0x92: {  	[sflag:s13] =	ssyncset.done $0x0  }
0x93: {  	s9 =	rddreg [dreg:$0x12];
	[sflag:s13] =	ssyncadd.s32 $0xFFFFFC00  }
0x94: {  	[spmem:s9] =	stream.linear.scatter [tilespmem:s12], [sflag:$0x7], $0x400, $0x38;
	[tilespmem:$0x14740] =	vst v63  }
0x95: {  	_ =	swait.ge [sflag:s13], $0x400  }
0x96: {  	[sflag:s13] =	ssyncset.done $0x0  }
0x97: {  	s10 =	rddreg [dreg:$0x13];
	[sflag:s13] =	ssyncadd.s32 $0xFFFFFC00  }
0x98: {  	[spmem:s10] =	stream.linear.scatter [tilespmem:s12], [sflag:$0x7], $0x400, $0x38;
	[tilespmem:$0x14740] =	vst v63  }
0x99: {  	_ =	swait.ge [sflag:s13], $0x400  }
0x9a: {  	[sflag:s13] =	ssyncset.done $0x0  }
0x9b: {  	s11 =	rddreg [dreg:$0x14];
	[sflag:s13] =	ssyncadd.s32 $0xFFFFFC00  }
0x9c: {  	[spmem:s11] =	stream.linear.scatter [tilespmem:s12], [sflag:$0x7], $0x400, $0x38;
	[tilespmem:$0x14740] =	vst v63  }
0x9d: {  	_ =	swait.ge [sflag:s13], $0x400  }
0x9e: {  	[sflag:s13] =	ssyncset.done $0x0  }
0x9f: {  	s29 =	rddreg [dreg:$0x15];
	[sflag:s13] =	ssyncadd.s32 $0xFFFFFC00  }
0xa0: {  	[spmem:s29] =	stream.linear.scatter [tilespmem:s12], [sflag:$0x7], $0x400, $0x38;
	[tilespmem:$0x14740] =	vst v63  }
0xa1: {  	_ =	swait.ge [sflag:s13], $0x400  }
0xa2: {  	[sflag:s13] =	ssyncset.done $0x0  }
0xa3: {  	s8 =	rddreg [dreg:$0x16];
	[sflag:s13] =	ssyncadd.s32 $0xFFFFFC00  }
0xa4: {  	[spmem:s8] =	stream.linear.scatter [tilespmem:s12], [sflag:$0x7], $0x400, $0x38;
	[tilespmem:$0x14740] =	vst v63  }
0xa5: {  	_ =	swait.ge [sflag:s13], $0x400  }
0xa6: {  	[sflag:s13] =	ssyncset.done $0x0  }
0xa7: {  	s9 =	rddreg [dreg:$0x17];
	[sflag:s13] =	ssyncadd.s32 $0xFFFFFC00  }
0xa8: {  	[spmem:s9] =	stream.linear.scatter [tilespmem:s12], [sflag:$0x7], $0x400, $0x38;
	[tilespmem:$0x14740] =	vst v63  }
0xa9: {  	_ =	swait.ge [sflag:s13], $0x400  }
0xaa: {  	[sflag:s13] =	ssyncset.done $0x0  }
0xab: {  	s10 =	rddreg [dreg:$0x18];
	[sflag:s13] =	ssyncadd.s32 $0xFFFFFC00  }
0xac: {  	[spmem:s10] =	stream.linear.scatter [tilespmem:s12], [sflag:$0x7], $0x400, $0x38;
	[tilespmem:$0x14740] =	vst v63  }
0xad: {  	_ =	swait.ge [sflag:s13], $0x400  }
0xae: {  	[sflag:s13] =	ssyncset.done $0x0  }
0xaf: {  	s11 =	rddreg [dreg:$0x19];
	[sflag:s13] =	ssyncadd.s32 $0xFFFFFC00  }
0xb0: {  	[spmem:s11] =	stream.linear.scatter [tilespmem:s12], [sflag:$0x7], $0x400, $0x38;
	[tilespmem:$0x14740] =	vst v63  }
0xb1: {  	_ =	swait.ge [sflag:s13], $0x400  }
0xb2: {  	[sflag:s13] =	ssyncset.done $0x0  }
0xb3: {  	s29 =	rddreg [dreg:$0x1a];
	[sflag:s13] =	ssyncadd.s32 $0xFFFFFC00  }
0xb4: {  	[spmem:s29] =	stream.linear.scatter [tilespmem:s12], [sflag:$0x7], $0x400, $0x38;
	[tilespmem:$0x14740] =	vst v63  }
0xb5: {  	_ =	swait.ge [sflag:s13], $0x400  }
0xb6: {  	[sflag:s13] =	ssyncset.done $0x0  }
0xb7: {  	s8 =	rddreg [dreg:$0x1b];
	[sflag:s13] =	ssyncadd.s32 $0xFFFFFC00  }
0xb8: {  	[spmem:s8] =	stream.linear.scatter [tilespmem:s12], [sflag:$0x7], $0x400, $0x38;
	[tilespmem:$0x14740] =	vst v63  }
0xb9: {  	_ =	swait.ge [sflag:s13], $0x400  }
0xba: {  	[sflag:s13] =	ssyncset.done $0x0  }
0xbb: {  	s9 =	rddreg [dreg:$0x1c];
	[sflag:s13] =	ssyncadd.s32 $0xFFFFFC00  }
0xbc: {  	[spmem:s9] =	stream.linear.scatter [tilespmem:s12], [sflag:$0x7], $0x400, $0x38;
	[tilespmem:$0x14740] =	vst v63  }
0xbd: {  	_ =	swait.ge [sflag:s13], $0x400  }
0xbe: {  	[sflag:s13] =	ssyncset.done $0x0  }
0xbf: {  	s10 =	rddreg [dreg:$0x1d];
	[sflag:s13] =	ssyncadd.s32 $0xFFFFFC00  }
0xc0: {  	[spmem:s10] =	stream.linear.scatter [tilespmem:s12], [sflag:$0x7], $0x400, $0x38;
	[tilespmem:$0x14740] =	vst v63  }
0xc1: {  	_ =	swait.ge [sflag:s13], $0x400  }
0xc2: {  	[sflag:s13] =	ssyncset.done $0x0  }
0xc3: {  	s11 =	rddreg [dreg:$0x1e];
	[sflag:s13] =	ssyncadd.s32 $0xFFFFFC00  }
0xc4: {  	[spmem:s11] =	stream.linear.scatter [tilespmem:s12], [sflag:$0x7], $0x400, $0x38;
	[tilespmem:$0x14740] =	vst v63  }
0xc5: {  	_ =	swait.ge [sflag:s13], $0x400  }
0xc6: {  	[sflag:s13] =	ssyncset.done $0x0  }
0xc7: {  	s29 =	rddreg [dreg:$0x1f];
	[sflag:s13] =	ssyncadd.s32 $0xFFFFFC00  }
0xc8: {  	[spmem:s29] =	stream.linear.scatter [tilespmem:s12], [sflag:$0x7], $0x400, $0x38;
	[tilespmem:$0x14740] =	vst v63  }
0xc9: {  	_ =	swait.ge [sflag:s13], $0x400  }
0xca: {  	s8 =	sld [smem:$0x7EB]  }
0xcb: {  	[sflag:s13] =	ssyncset.done $0x0  }
0xcc: {  	[sflag:s13] =	ssyncadd.s32 $0xFFFFFC00  }
0xcd: {  	[spmem:s8] =	stream.linear.scatter [tilespmem:s12], [sflag:$0x7], $0x400, $0x38;
	[tilespmem:$0x14740] =	vst v63  }
0xce: {  	_ =	swait.ge [sflag:s13], $0x400  }
0xcf: {  	s9 =	sld [smem:$0x7EC]  }
0xd0: {  	[sflag:s13] =	ssyncset.done $0x0  }
0xd1: {  	[sflag:s13] =	ssyncadd.s32 $0xFFFFFC00  }
0xd2: {  	[spmem:s9] =	stream.linear.scatter [tilespmem:s12], [sflag:$0x7], $0x400, $0x38;
	[tilespmem:$0x14740] =	vst v63  }
0xd3: {  	_ =	swait.ge [sflag:s13], $0x400  }
0xd4: {  	s10 =	sld [smem:$0x7ED]  }
0xd5: {  	[sflag:s13] =	ssyncset.done $0x0  }
0xd6: {  	[sflag:s13] =	ssyncadd.s32 $0xFFFFFC00  }
0xd7: {  	[spmem:s10] =	stream.linear.scatter [tilespmem:s12], [sflag:$0x7], $0x400, $0x38;
	[tilespmem:$0x14740] =	vst v63  }
0xd8: {  	_ =	swait.ge [sflag:s13], $0x400  }
0xd9: {  	s11 =	sld [smem:$0x7EE]  }
0xda: {  	[sflag:s13] =	ssyncset.done $0x0  }
0xdb: {  	[sflag:s13] =	ssyncadd.s32 $0xFFFFFC00  }
0xdc: {  	[spmem:s11] =	stream.linear.scatter [tilespmem:s12], [sflag:$0x7], $0x400, $0x38;
	[tilespmem:$0x14740] =	vst v63  }
0xdd: {  	_ =	swait.ge [sflag:s13], $0x400  }
0xde: {  	s29 =	sld [smem:$0x7EF]  }
0xdf: {  	[sflag:s13] =	ssyncset.done $0x0  }
0xe0: {  	[sflag:s13] =	ssyncadd.s32 $0xFFFFFC00  }
0xe1: {  	[spmem:s29] =	stream.linear.scatter [tilespmem:s12], [sflag:$0x7], $0x400, $0x38;
	[tilespmem:$0x14740] =	vst v63  }
0xe2: {  	_ =	swait.ge [sflag:s13], $0x400  }
0xe3: {  	s8 =	sld [smem:$0x7F0]  }
0xe4: {  	[sflag:s13] =	ssyncset.done $0x0  }
0xe5: {  	[sflag:s13] =	ssyncadd.s32 $0xFFFFFC00  }
0xe6: {  	[spmem:s8] =	stream.linear.scatter [tilespmem:s12], [sflag:$0x7], $0x400, $0x38;
	[tilespmem:$0x14740] =	vst v63  }
0xe7: {  	_ =	swait.ge [sflag:s13], $0x400  }
0xe8: {  	s9 =	sld [smem:$0x7F1]  }
0xe9: {  	[sflag:s13] =	ssyncset.done $0x0  }
0xea: {  	[sflag:s13] =	ssyncadd.s32 $0xFFFFFC00  }
0xeb: {  	[spmem:s9] =	stream.linear.scatter [tilespmem:s12], [sflag:$0x7], $0x400, $0x38;
	[tilespmem:$0x14740] =	vst v63  }
0xec: {  	_ =	swait.ge [sflag:s13], $0x400  }
0xed: {  	s10 =	sld [smem:$0x7F2]  }
0xee: {  	[sflag:s13] =	ssyncset.done $0x0  }
0xef: {  	[sflag:s13] =	ssyncadd.s32 $0xFFFFFC00  }
0xf0: {  	[spmem:s10] =	stream.linear.scatter [tilespmem:s12], [sflag:$0x7], $0x400, $0x38;
	[tilespmem:$0x14740] =	vst v63  }
0xf1: {  	_ =	swait.ge [sflag:s13], $0x400  }
0xf2: {  	s11 =	sld [smem:$0x7F3]  }
0xf3: {  	[sflag:s13] =	ssyncset.done $0x0  }
0xf4: {  	[sflag:s13] =	ssyncadd.s32 $0xFFFFFC00  }
0xf5: {  	[spmem:s11] =	stream.linear.scatter [tilespmem:s12], [sflag:$0x7], $0x400, $0x38;
	[tilespmem:$0x14740] =	vst v63  }
0xf6: {  	_ =	swait.ge [sflag:s13], $0x400  }
0xf7: {  	s29 =	sld [smem:$0x7F4]  }
0xf8: {  	[sflag:s13] =	ssyncset.done $0x0  }
0xf9: {  	[sflag:s13] =	ssyncadd.s32 $0xFFFFFC00  }
0xfa: {  	[spmem:s29] =	stream.linear.scatter [tilespmem:s12], [sflag:$0x7], $0x400, $0x38;
	[tilespmem:$0x14740] =	vst v63  }
0xfb: {  	_ =	swait.ge [sflag:s13], $0x400  }
0xfc: {  	s8 =	sld [smem:$0x7F5]  }
0xfd: {  	[sflag:s13] =	ssyncset.done $0x0  }
0xfe: {  	[sflag:s13] =	ssyncadd.s32 $0xFFFFFC00  }
0xff: {  	[spmem:s8] =	stream.linear.scatter [tilespmem:s12], [sflag:$0x7], $0x400, $0x38;
	[tilespmem:$0x14740] =	vst v63  }
0x100: {  	_ =	swait.ge [sflag:s13], $0x400  }
0x101: {  	s9 =	sld [smem:$0x7F6]  }
0x102: {  	[sflag:s13] =	ssyncset.done $0x0  }
0x103: {  	[sflag:s13] =	ssyncadd.s32 $0xFFFFFC00  }
0x104: {  	[spmem:s9] =	stream.linear.scatter [tilespmem:s12], [sflag:$0x7], $0x400, $0x38;
	[tilespmem:$0x14740] =	vst v63  }
0x105: {  	_ =	swait.ge [sflag:s13], $0x400  }
0x106: {  	s10 =	sld [smem:$0x7F7]  }
0x107: {  	[sflag:s13] =	ssyncset.done $0x0  }
0x108: {  	[sflag:s13] =	ssyncadd.s32 $0xFFFFFC00  }
0x109: {  	[spmem:s10] =	stream.linear.scatter [tilespmem:s12], [sflag:$0x7], $0x400, $0x38;
	[tilespmem:$0x14740] =	vst v63  }
0x10a: {  	_ =	swait.ge [sflag:s13], $0x400  }
0x10b: {  	s11 =	sld [smem:$0x7F8]  }
0x10c: {  	[sflag:s13] =	ssyncset.done $0x0  }
0x10d: {  	[sflag:s13] =	ssyncadd.s32 $0xFFFFFC00  }
0x10e: {  	[spmem:s11] =	stream.linear.scatter [tilespmem:s12], [sflag:$0x7], $0x400, $0x38;
	[tilespmem:$0x14740] =	vst v63  }
0x10f: {  	_ =	swait.ge [sflag:s13], $0x400  }
0x110: {  	s29 =	sld [smem:$0x7F9]  }
0x111: {  	[sflag:s13] =	ssyncset.done $0x0  }
0x112: {  	[sflag:s13] =	ssyncadd.s32 $0xFFFFFC00  }
0x113: {  	[spmem:s29] =	stream.linear.scatter [tilespmem:s12], [sflag:$0x7], $0x400, $0x38;
	[tilespmem:$0x14740] =	vst v63  }
0x114: {  	_ =	swait.ge [sflag:s13], $0x400  }
0x115: {  	s8 =	sld [smem:$0x7FA]  }
0x116: {  	[sflag:s13] =	ssyncset.done $0x0  }
0x117: {  	[sflag:s13] =	ssyncadd.s32 $0xFFFFFC00  }
0x118: {  	[spmem:s8] =	stream.linear.scatter [tilespmem:s12], [sflag:$0x7], $0x400, $0x38;
	[tilespmem:$0x14740] =	vst v63  }
0x119: {  	_ =	swait.ge [sflag:s13], $0x400  }
0x11a: {  	s9 =	sld [smem:$0x7FB]  }
0x11b: {  	[sflag:s13] =	ssyncset.done $0x0  }
0x11c: {  	[sflag:s13] =	ssyncadd.s32 $0xFFFFFC00  }
0x11d: {  	[spmem:s9] =	stream.linear.scatter [tilespmem:s12], [sflag:$0x7], $0x400, $0x38;
	[tilespmem:$0x14740] =	vst v63  }
0x11e: {  	_ =	swait.ge [sflag:s13], $0x400  }
0x11f: {  	s10 =	sld [smem:$0x7FC]  }
0x120: {  	[sflag:s13] =	ssyncset.done $0x0  }
0x121: {  	[sflag:s13] =	ssyncadd.s32 $0xFFFFFC00  }
0x122: {  	[spmem:s10] =	stream.linear.scatter [tilespmem:s12], [sflag:$0x7], $0x400, $0x38;
	[tilespmem:$0x14740] =	vst v63  }
0x123: {  	_ =	swait.ge [sflag:s13], $0x400  }
0x124: {  	s11 =	sld [smem:$0x7FD]  }
0x125: {  	[sflag:s13] =	ssyncset.done $0x0  }
0x126: {  	[sflag:s13] =	ssyncadd.s32 $0xFFFFFC00  }
0x127: {  	[spmem:s11] =	stream.linear.scatter [tilespmem:s12], [sflag:$0x7], $0x400, $0x38;
	[tilespmem:$0x14740] =	vst v63  }
0x128: {  	_ =	swait.ge [sflag:s13], $0x400  }
0x129: {  	[sflag:s13] =	ssyncset.done $0x0  }
0x12a: {  	[sflag:s13] =	ssyncadd.s32 $0xFFFFFC00  }
0x12b: {  	[bflag:$0x0] =	sbarrier.arrive $0xFFFF  }
0x12c: {  	s29 =	rddreg [dreg:$0xa]  }
0x12d: {  	[tilespmem:s3], [sflag:$0x1] =	stream.linear.gather [hbm4b:s29+s3], $0x50, $0x38;
	[tilespmem:$0x14740] =	vst v63  }
0x12e: {  	s8 =	rddreg [dreg:$0xb]  }
0x12f: {  	[tilespmem:s14], [sflag:$0x1] =	stream.linear.gather [hbm4b:s8+s3], $0x50, $0x38;
	[tilespmem:$0x14740] =	vst v63  }
0x130: {  	s9 =	rddreg [dreg:$0xc]  }
0x131: {  	[tilespmem:s15], [sflag:$0x3] =	stream.linear.gather [hbm4b:s9+s3], $0x2800, $0x38;
	[tilespmem:$0x14740] =	vst v63  }
0x132: {  	_ =	swait.ge [sflag:s16], $0x50  }
0x133: {  	[sflag:s16] =	ssyncset.done $0x0  }
0x134: {  	[sflag:s16] =	ssyncadd.s32 $0xFFFFFFB0  }
0x135: {  	_ =	swait.ge [sflag:s16], $0x50  }
0x136: {  	[sflag:s16] =	ssyncset.done $0x0  }
0x137: {  	[sflag:s16] =	ssyncadd.s32 $0xFFFFFFB0  }
0x138: {  	[tilespmem:s18], [sflag:$0x5] =	stream.indirect.gather [hbm4b:s5+s17], $0x80, s3, s17, $0xb8;
	[tilespmem:$0x14740] =	vst v63  }
0x139: {  	s10 =	rddreg [dreg:$0xd]  }
0x13a: {  	[tilespmem:s19], [sflag:$0x2] =	stream.linear.gather [hbm4b:s10+s3], $0x50, $0x38;
	[tilespmem:$0x14740] =	vst v63  }
0x13b: {  	s11 =	rddreg [dreg:$0xe]  }
0x13c: {  	[tilespmem:s20], [sflag:$0x2] =	stream.linear.gather [hbm4b:s11+s3], $0x50, $0x38;
	[tilespmem:$0x14740] =	vst v63  }
0x13d: {  	s9 =	simm.s32 $0x0;
	s29 =	rddreg [dreg:$0xf]  }
0x13e: {  	[tilespmem:s23], [sflag:$0x4] =	stream.linear.gather [hbm4b:s29+s3], $0x2800, $0x38;
	[tilespmem:$0x14740] =	vst v63  }
.LBB2_2:
0x13f: {  	_ =	swait.ge [sflag:s24], $0x50  }
0x140: {  	[sflag:s24] =	ssyncset.done $0x0  }
0x141: {  	[sflag:s24] =	ssyncadd.s32 $0xFFFFFFB0  }
0x142: {  	_ =	swait.ge [sflag:s24], $0x50  }
0x143: {  	[sflag:s24] =	ssyncset.done $0x0  }
0x144: {  	[sflag:s24] =	ssyncadd.s32 $0xFFFFFFB0  }
0x145: {  	[tilespmem:s25], [sflag:$0x6] =	stream.indirect.gather [hbm4b:s5+s17], $0x80, s19, s17, $0xb8;
	[tilespmem:$0x14740] =	vst v63  }
0x146: {  	_ =	swait.ge [sflag:s26], $0x2800  }
0x147: {  	[sflag:s26] =	ssyncset.done $0x0  }
0x148: {  	[sflag:s26] =	ssyncadd.s32 $0xFFFFD800  }
0x149: {  	_ =	swait.ge [sflag:s28], $0x2800  }
0x14a: {  	[sflag:s28] =	ssyncset.done $0x0  }
0x14b: {  	[sflag:s28] =	ssyncadd.s32 $0xFFFFD800  }
0x14c: {  	v2 =	vld [tilespmem:$0x100]  }
0x14d: {  	v3 =	vld [tilespmem:$0x110]  }
0x14e: {  	v4 =	vld [tilespmem:$0x120]  }
0x14f: {  	v5 =	vld [tilespmem:$0x130]  }
0x150: {  	v6 =	vld [tilespmem:$0x140]  }
0x151: {  	s10 =	sshll.u32 s9, $0x1;
	v2 =	vsub.s32 v2, v0  }
0x152: {  	s1 =	smin.u32 s10, $0xF7;
	v3 =	vsub.s32 v3, v0;
	v2 =	vmin.u32 v2, $0x1400  }
0x153: {  	s1 =	smul.u32 $0x50, s1;
	[tilespmem:$0x200] =	vst v2;
	v2 =	vmin.u32 v3, $0x1400;
	v3 =	vsub.s32 v4, v0  }
0x154: {  	[tilespmem:$0x210] =	vst v2;
	v2 =	vmin.u32 v3, $0x1400;
	v3 =	vsub.s32 v5, v0  }
0x155: {  	s11 =	sadd.s32 s1, s21;
	[tilespmem:$0x220] =	vst v2;
	v2 =	vmin.u32 v3, $0x1400;
	v3 =	vsub.s32 v6, v0  }
0x156: {  	s1 =	sshrl.u32 s11, $0x3;
	[tilespmem:$0x230] =	vst v2;
	v2 =	vmin.u32 v3, $0x1400  }
0x157: {  	s29 =	simm.s32 $0x0;
	s8 =	sadd.s32 s6, s1;
	[tilespmem:$0x240] =	vst v2  }
0x158: {  	[tilespmem:s29], [sflag:$0x1] =	stream.linear.gather [hbm4b:s8+s29], $0x50, $0x38;
	[tilespmem:$0x14740] =	vst v63  }
0x159: {  	s1 =	sadd.s32 s7, s1;
	s8 =	simm.s32 $0x0  }
0x15a: {  	[tilespmem:s14], [sflag:$0x1] =	stream.linear.gather [hbm4b:s1+s29], $0x50, $0x38;
	[tilespmem:$0x14740] =	vst v63  }
0x15b: {  	v9 =	vld [tilespmem:s8+$0x300]  }
0x15c: {  	v13 =	vld [tilespmem:s8+$0x310]  }
0x15d: {  	v7 =	vld [tilespmem:s8+$0x320]  }
0x15e: {  	v6 =	vld [tilespmem:s8+$0x330]  }
0x15f: {  	v5 =	vld [tilespmem:s8+$0x340]  }
0x160: {  	v4 =	vld [tilespmem:s8+$0x350]  }
0x161: {  	v3 =	vld [tilespmem:s8+$0x360]  }
0x162: {  	v2 =	vld [tilespmem:s8+$0x370]  }
0x163: {  	v14 =	vld [tilespmem:s8+$0x5300]  }
0x164: {  	v15 =	vld [tilespmem:s8+$0x5310]  }
0x165: {  	v12 =	vld [tilespmem:s8+$0x5320]  }
0x166: {  	v11 =	vld [tilespmem:s8+$0x5330]  }
0x167: {  	v10 =	vld [tilespmem:s8+$0x5340]  }
0x168: {  	v8 =	vld [tilespmem:s8+$0x5350];
	v14 =	vmul.f32 v9, v14  }
0x169: {  	s1 =	simm.s32 $0x200;
	v13 =	vmul.f32 v13, v15;
	v9 =	vld [tilespmem:s8+$0x5360]  }
.LBB2_3:
0x16a: {  	s29 =	sshra.s32 s1, $0x2;
	p0 =	sne.s32 s1, $0x9E00;
	[tilespmem:s8+$0x5300] =	vst v14;
	v7 =	vmul.f32 v7, v12;
	v12 =	vld [tilespmem:s8+$0x5370]  }
0x16b: {  	v14 =	vld [tilespmem:s29+$0x300];
	[tilespmem:s8+$0x5310] =	vst v13;
	v6 =	vmul.f32 v6, v11  }
0x16c: {  	v13 =	vld [tilespmem:s29+$0x310];
	[tilespmem:s8+$0x5320] =	vst v7;
	v5 =	vmul.f32 v5, v10  }
0x16d: {  	v7 =	vld [tilespmem:s29+$0x320];
	[tilespmem:s8+$0x5330] =	vst v6;
	v4 =	vmul.f32 v4, v8  }
0x16e: {  	v6 =	vld [tilespmem:s29+$0x330];
	[tilespmem:s8+$0x5340] =	vst v5;
	v3 =	vmul.f32 v3, v9  }
0x16f: {  	v5 =	vld [tilespmem:s29+$0x340];
	[tilespmem:s8+$0x5350] =	vst v4;
	v2 =	vmul.f32 v2, v12  }
0x170: {  	v4 =	vld [tilespmem:s29+$0x350];
	[tilespmem:s8+$0x5360] =	vst v3  }
0x171: {  	v3 =	vld [tilespmem:s29+$0x360];
	[tilespmem:s8+$0x5370] =	vst v2;
	s8 =	smov.u32 s29  }
0x172: {  	v2 =	vld [tilespmem:s8+$0x370]  }
0x173: {  	v8 =	vld [tilespmem:s8+$0x5300]  }
0x174: {  	v9 =	vld [tilespmem:s8+$0x5310]  }
.Ltmp0:
0x175: {  	v12 =	vld [tilespmem:s8+$0x5320];
	(pc) =	sbr.rel @p0 .LBB2_3-.Ltmp0, $4  }
0x176: {  	v11 =	vld [tilespmem:s8+$0x5330]  }
0x177: {  	v10 =	vld [tilespmem:s8+$0x5340]  }
0x178: {  	v14 =	vmul.f32 v14, v8;
	v8 =	vld [tilespmem:s8+$0x5350]  }
0x179: {  	s1 =	sadd.s32 $0x200, s1;
	v13 =	vmul.f32 v13, v9;
	v9 =	vld [tilespmem:s8+$0x5360]  }
0x17a: {  	[tilespmem:s8+$0x5300] =	vst v14;
	v7 =	vmul.f32 v7, v12;
	v12 =	vld [tilespmem:s8+$0x5370]  }
0x17b: {  	[tilespmem:s8+$0x5310] =	vst v13;
	v6 =	vmul.f32 v6, v11  }
0x17c: {  	[tilespmem:s8+$0x5320] =	vst v7;
	v5 =	vmul.f32 v5, v10  }
0x17d: {  	[tilespmem:s8+$0x5330] =	vst v6;
	v4 =	vmul.f32 v4, v8  }
0x17e: {  	[tilespmem:s8+$0x5340] =	vst v5;
	v3 =	vmul.f32 v3, v9  }
0x17f: {  	[tilespmem:s8+$0x5350] =	vst v4;
	v2 =	vmul.f32 v2, v12  }
0x180: {  	s1 =	sshll.u32 s11, $0x4;
	[tilespmem:s8+$0x5360] =	vst v3  }
0x181: {  	s1 =	sadd.s32 s4, s1;
	[tilespmem:s8+$0x5370] =	vst v2;
	s8 =	simm.s32 $0x0  }
0x182: {  	[tilespmem:s15], [sflag:$0x3] =	stream.linear.gather [hbm4b:s1+s8], $0x2800, $0x38;
	[tilespmem:$0x14740] =	vst v63  }
0x183: {  	s29 =	simm.s32 $0x200  }
0x184: {  	[spmem:s2] =	stream.indirect.scatter.add.f32 [tilespmem:s18], [sflag:$0x7], $0x80, s29, s17, $0xb8;
	[tilespmem:$0x14740] =	vst v63  }
0x185: {  	_ =	swait.ge [sflag:s13], $0x2800  }
0x186: {  	[sflag:s13] =	ssyncset.done $0x0  }
0x187: {  	[sflag:s13] =	ssyncadd.s32 $0xFFFFD800  }
0x188: {  	_ =	swait.ge [sflag:s16], $0x50  }
0x189: {  	[sflag:s16] =	ssyncset.done $0x0  }
0x18a: {  	[sflag:s16] =	ssyncadd.s32 $0xFFFFFFB0  }
0x18b: {  	_ =	swait.ge [sflag:s16], $0x50  }
0x18c: {  	[sflag:s16] =	ssyncset.done $0x0  }
0x18d: {  	[sflag:s16] =	ssyncadd.s32 $0xFFFFFFB0  }
0x18e: {  	[tilespmem:s18], [sflag:$0x5] =	stream.indirect.gather [hbm4b:s5+s17], $0x80, s8, s17, $0xb8;
	[tilespmem:$0x14740] =	vst v63  }
0x18f: {  	_ =	swait.ge [sflag:s30], $0x2800  }
0x190: {  	[sflag:s30] =	ssyncset.done $0x0  }
0x191: {  	[sflag:s30] =	ssyncadd.s32 $0xFFFFD800  }
0x192: {  	_ =	swait.ge [sflag:s31], $0x2800  }
0x193: {  	[sflag:s31] =	ssyncset.done $0x0  }
0x194: {  	[sflag:s31] =	ssyncadd.s32 $0xFFFFD800  }
0x195: {  	v2 =	vld [tilespmem:$0x180]  }
0x196: {  	v3 =	vld [tilespmem:$0x190]  }
0x197: {  	v4 =	vld [tilespmem:$0x1A0]  }
0x198: {  	v5 =	vld [tilespmem:$0x1B0]  }
0x199: {  	v6 =	vld [tilespmem:$0x1C0]  }
0x19a: {  	v2 =	vsub.s32 v2, v0  }
0x19b: {  	s11 =	smin.u32 s10, $0xF6;
	v3 =	vsub.s32 v3, v0;
	v2 =	vmin.u32 v2, $0x1400  }
0x19c: {  	s1 =	smul.u32 $0x50, s11;
	[tilespmem:$0x280] =	vst v2;
	v2 =	vmin.u32 v3, $0x1400;
	v3 =	vsub.s32 v4, v0  }
0x19d: {  	[tilespmem:$0x290] =	vst v2;
	v2 =	vmin.u32 v3, $0x1400;
	v3 =	vsub.s32 v5, v0  }
0x19e: {  	s10 =	sadd.s32 s1, s22;
	[tilespmem:$0x2A0] =	vst v2;
	v2 =	vmin.u32 v3, $0x1400;
	v3 =	vsub.s32 v6, v0  }
0x19f: {  	s1 =	sshrl.u32 s10, $0x3;
	[tilespmem:$0x2B0] =	vst v2;
	v2 =	vmin.u32 v3, $0x1400  }
0x1a0: {  	s29 =	sadd.s32 s6, s1;
	[tilespmem:$0x2C0] =	vst v2  }
0x1a1: {  	[tilespmem:s19], [sflag:$0x2] =	stream.linear.gather [hbm4b:s29+s8], $0x50, $0x38;
	[tilespmem:$0x14740] =	vst v63  }
0x1a2: {  	s1 =	sadd.s32 s7, s1  }
0x1a3: {  	[tilespmem:s20], [sflag:$0x2] =	stream.linear.gather [hbm4b:s1+s8], $0x50, $0x38;
	[tilespmem:$0x14740] =	vst v63  }
0x1a4: {  	s8 =	simm.s32 $0x0  }
0x1a5: {  	v9 =	vld [tilespmem:s8+$0x2B00]  }
0x1a6: {  	v13 =	vld [tilespmem:s8+$0x2B10]  }
0x1a7: {  	v7 =	vld [tilespmem:s8+$0x2B20]  }
0x1a8: {  	v6 =	vld [tilespmem:s8+$0x2B30]  }
0x1a9: {  	v5 =	vld [tilespmem:s8+$0x2B40]  }
0x1aa: {  	v4 =	vld [tilespmem:s8+$0x2B50]  }
0x1ab: {  	v3 =	vld [tilespmem:s8+$0x2B60]  }
0x1ac: {  	v2 =	vld [tilespmem:s8+$0x2B70]  }
0x1ad: {  	v14 =	vld [tilespmem:s8+$0x7B00]  }
0x1ae: {  	v15 =	vld [tilespmem:s8+$0x7B10]  }
0x1af: {  	v12 =	vld [tilespmem:s8+$0x7B20]  }
0x1b0: {  	v11 =	vld [tilespmem:s8+$0x7B30]  }
0x1b1: {  	v10 =	vld [tilespmem:s8+$0x7B40]  }
0x1b2: {  	v8 =	vld [tilespmem:s8+$0x7B50];
	v14 =	vmul.f32 v9, v14  }
0x1b3: {  	s1 =	simm.s32 $0x200;
	v13 =	vmul.f32 v13, v15;
	v9 =	vld [tilespmem:s8+$0x7B60]  }
.LBB2_5:
0x1b4: {  	s11 =	sshra.s32 s1, $0x2;
	p0 =	sne.s32 s1, $0x9E00;
	[tilespmem:s8+$0x7B00] =	vst v14;
	v7 =	vmul.f32 v7, v12;
	v12 =	vld [tilespmem:s8+$0x7B70]  }
0x1b5: {  	v14 =	vld [tilespmem:s11+$0x2B00];
	[tilespmem:s8+$0x7B10] =	vst v13;
	v6 =	vmul.f32 v6, v11  }
0x1b6: {  	v13 =	vld [tilespmem:s11+$0x2B10];
	[tilespmem:s8+$0x7B20] =	vst v7;
	v5 =	vmul.f32 v5, v10  }
0x1b7: {  	v7 =	vld [tilespmem:s11+$0x2B20];
	[tilespmem:s8+$0x7B30] =	vst v6;
	v4 =	vmul.f32 v4, v8  }
0x1b8: {  	v6 =	vld [tilespmem:s11+$0x2B30];
	[tilespmem:s8+$0x7B40] =	vst v5;
	v3 =	vmul.f32 v3, v9  }
0x1b9: {  	v5 =	vld [tilespmem:s11+$0x2B40];
	[tilespmem:s8+$0x7B50] =	vst v4;
	v2 =	vmul.f32 v2, v12  }
0x1ba: {  	v4 =	vld [tilespmem:s11+$0x2B50];
	[tilespmem:s8+$0x7B60] =	vst v3  }
0x1bb: {  	v3 =	vld [tilespmem:s11+$0x2B60];
	[tilespmem:s8+$0x7B70] =	vst v2;
	s8 =	smov.u32 s11  }
0x1bc: {  	v2 =	vld [tilespmem:s8+$0x2B70]  }
0x1bd: {  	v8 =	vld [tilespmem:s8+$0x7B00]  }
0x1be: {  	v9 =	vld [tilespmem:s8+$0x7B10]  }
.Ltmp1:
0x1bf: {  	v12 =	vld [tilespmem:s8+$0x7B20];
	(pc) =	sbr.rel @p0 .LBB2_5-.Ltmp1, $4  }
0x1c0: {  	v11 =	vld [tilespmem:s8+$0x7B30]  }
0x1c1: {  	v10 =	vld [tilespmem:s8+$0x7B40]  }
0x1c2: {  	v14 =	vmul.f32 v14, v8;
	v8 =	vld [tilespmem:s8+$0x7B50]  }
0x1c3: {  	s1 =	sadd.s32 $0x200, s1;
	v13 =	vmul.f32 v13, v9;
	v9 =	vld [tilespmem:s8+$0x7B60]  }
0x1c4: {  	[tilespmem:s8+$0x7B00] =	vst v14;
	v7 =	vmul.f32 v7, v12;
	v63 =	vld [tilespmem:s8+$0x7B70]  }
0x1c5: {  	[tilespmem:s8+$0x7B10] =	vst v13;
	v6 =	vmul.f32 v6, v11  }
0x1c6: {  	[tilespmem:s8+$0x7B20] =	vst v7;
	v5 =	vmul.f32 v5, v10  }
0x1c7: {  	[tilespmem:s8+$0x7B30] =	vst v6;
	v4 =	vmul.f32 v4, v8  }
0x1c8: {  	[tilespmem:s8+$0x7B40] =	vst v5;
	v3 =	vmul.f32 v3, v9  }
0x1c9: {  	[tilespmem:s8+$0x7B50] =	vst v4;
	v2 =	vmul.f32 v2, v63  }
0x1ca: {  	s1 =	sshll.u32 s10, $0x4;
	s9 =	sadd.s32 $0x1, s9;
	[tilespmem:s8+$0x7B60] =	vst v3  }
0x1cb: {  	s1 =	sadd.s32 s4, s1;
	p0 =	sne.s32 s9, $0x7D;
	[tilespmem:s8+$0x7B70] =	vst v2  }
0x1cc: {  	[tilespmem:s23], [sflag:$0x4] =	stream.linear.gather [hbm4b:s1+s3], $0x2800, $0x38;
	[tilespmem:$0x14740] =	vst v63  }
.Ltmp2:
0x1cd: {  	_ = 	snop;
	(pc) =	sbr.rel @p0 .LBB2_2-.Ltmp2, $4  }
0x1ce: {  	[spmem:s2] =	stream.indirect.scatter.add.f32 [tilespmem:s25], [sflag:$0x7], $0x80, s0, s17, $0xb8;
	[tilespmem:$0x14740] =	vst v63  }
0x1cf: {  	_ =	swait.ge [sflag:s13], $0x2800  }
0x1d0: {  	[sflag:s13] =	ssyncset.done $0x0  }
0x1d1: {  	[sflag:s13] =	ssyncadd.s32 $0xFFFFD800  }
0x1d2: {  	_ =	swait.ge [sflag:s28], $0x2800  }
0x1d3: {  	[sflag:s28] =	ssyncset.done $0x0  }
0x1d4: {  	[sflag:s28] =	ssyncadd.s32 $0xFFFFD800  }
0x1d5: {  	_ =	swait.ge [sflag:s26], $0x2800  }
0x1d6: {  	[sflag:s26] =	ssyncset.done $0x0  }
0x1d7: {  	[sflag:s26] =	ssyncadd.s32 $0xFFFFD800  }
0x1d8: {  	_ =	swait.ge [sflag:s24], $0x50  }
0x1d9: {  	[sflag:s24] =	ssyncset.done $0x0  }
0x1da: {  	[sflag:s24] =	ssyncadd.s32 $0xFFFFFFB0  }
0x1db: {  	_ =	swait.ge [sflag:s24], $0x50  }
0x1dc: {  	[sflag:s24] =	ssyncset.done $0x0  }
0x1dd: {  	[sflag:s24] =	ssyncadd.s32 $0xFFFFFFB0  }
0x1de: {  	_ =	swait.ge [sflag:s30], $0x2800  }
0x1df: {  	[sflag:s30] =	ssyncset.done $0x0  }
0x1e0: {  	[sflag:s30] =	ssyncadd.s32 $0xFFFFD800  }
0x1e1: {  	s1 =	stileid.u32;
	[bflag:$0x0] =	sbarrier.arrive $0xFFFF  }
0x1e2: {  	s1 =	sshll.u32 s1, $0x6;
	s29 =	rddreg [dreg:$0x3]  }
0x1e3: {  	s1 =	sor.u32 $0x1C07, s1;
	s9 =	rddreg [dreg:$0x10];
	s8 =	sshrl.u32 s29, $0x3  }
0x1e4: {  	[hbm:s9], [sflag:s1] =	dma.local [spmem:s8], $0x1400  }
0x1e5: {  	_ =	swait.ge [sflag:s13], $0x1400  }
0x1e6: {  	s10 =	sld [smem:$0x7EA];
	_ =	sdelay $0x2  }
0x1e7: {  	s11 =	rddreg [dreg:$0x11];
	s8 =	sadd.s32 $0x1, s10  }
0x1e8: {  	p0 =	sne.s32 s8, s11  }
.Ltmp3:
0x1e9: {  	_ = 	snop;
	(pc) =	sbr.rel @p0 .LBB2_1-.Ltmp3, $3  }
0x1ea: {  	_ =	sdelay $0x1  }
0x1eb: {  	[sflag:s13] =	ssyncset.done $0x0  }
0x1ec: {  	[sflag:s13] =	ssyncadd.s32 $0xFFFFEC00  }
0x1ed: {  	_ =	sfence.sel $0x180000  }
0x1ee: {  	[bflag:$0x0] =	sbarrier.arrive $0xFFFF  }
0x1ef: {  	_ =	strace $0x9000004D  }
0x1f0: {  	s0 =	stileid.u32;
	[bflag:$0x2] =	sbarrier.arrive $0xFFFF  }
0x1f1: {  	p0 =	sne.s32 s0, $0x0;
	s0 =	rddreg [dreg:$0x2]  }
0x1f2: {  	s0 =	sadd.s32 @!p0 $0x100000, s0  }
0x1f3: {  	[sflag:s0] =	ssyncadd.tile.s32 @!p0 $0x1;
	_ =	shalt  }
.Lfunc_end2:
_tile_overlayer_lowered:
.L_overlay_start_2:
0x1f4: {  	(tag) =	ssettag $0x2  }
0x1f5: {  	s0 =	rddreg [dreg:$0x0];
	s2 =	stileid.u32  }
0x1f6: {  	s1 =	rddreg [dreg:$0x1];
	p0 =	sne.s32 s2, $0x0  }
0x1f7: {  	s3 =	rddreg [dreg:$0x2];
	[bflag:$0x3] =	sbarrier.arrive $0xFFFF;
	s2 =	simm.s32 @!p0 $0x1C07  }
0x1f8: {  	[timem:s3], [sflag:s2] =	dma.local @!p0 [hbm:s0], s1  }
0x1f9: {  	s0 =	simm.s32 @!p0 $0x7  }
0x1fa: {  	_ =	swait.ge @!p0 [sflag:s0], s1  }
0x1fb: {  	s1 =	ssub.s32 @!p0 $0x0, s1;
	[sflag:s0] =	ssyncset.done @!p0 $0x0  }
0x1fc: {  	[sflag:s0] =	ssyncadd.s32 @!p0 s1  }
0x1fd: {  	[bflag:$0x3] =	sbarrier.arrive $0xFFFF  }
0x1fe: {  	_ =	shalt  }

// kernel: kernel.15.cloned.1.call-start
scs
__scs_entry_jumppad:
0x0: {  	(pc) =	sbr.rel $0x88, $3  }
0x1: {  	(tag) =	ssettag $0x0;
	lr =	simm.s32 $0x1  }
0x2: {  	[smem:$0x3F8F] =	sst lr;
	_ =	strace $0xD0000000  }
0x3: {  	_ = 	snop  }
0x4: {  	_ = 	snop  }
0x5: {  	_ = 	snop  }
0x6: {  	_ = 	snop  }
0x7: {  	_ = 	snop  }
__scs_overlays_trampoline_lowered:
0x8: {  	[smem:$0x3F9E] =	sst s0  }
0x9: {  	[smem:$0x3F9F] =	sst s1  }
0xa: {  	[smem:$0x3FA0] =	sst s2  }
0xb: {  	[smem:$0x3FA1] =	sst s3  }
0xc: {  	[smem:$0x3FA2] =	sst s4  }
0xd: {  	[smem:$0x3FA3] =	sst s5  }
0xe: {  	[smem:$0x3FA4] =	sst s6  }
0xf: {  	[smem:$0x3FA5] =	sst s7  }
0x10: {  	[smem:$0x3FA6] =	sst s8  }
0x11: {  	[smem:$0x3FA7] =	sst s9;
	s0 =	simm.s32 @!p0 $0x0  }
0x12: {  	s1 =	sld [smem:$0x3F8D];
	s0 =	simm.s32 @p0 $0x1  }
0x13: {  	[smem:$0x3FA8] =	sst s0;
	s0 =	simm.s32 @!p1 $0x0  }
0x14: {  	s2 =	sld [smem:$0x3F8C];
	s0 =	simm.s32 @p1 $0x1  }
0x15: {  	[smem:$0x3FA9] =	sst s0;
	s0 =	simm.s32 @!p2 $0x0  }
0x16: {  	s3 =	sld [smem:$0x3FDB];
	s0 =	simm.s32 @p2 $0x1  }
0x17: {  	s4 =	simm.s32 $0x1BF5;
	[smem:$0x3FAB] =	sst s0  }
0x18: {  	s0 =	sld [smem:$0x3F8E];
	_ =	swait.ge [sflag:s4], $0x0  }
0x19: {  	s7 =	sld [smem:$0x3F8F]  }
0x1a: {  	s8 =	sadd.s32 $0xFFFFE003, lr  }
0x1b: {  	s9 =	sadd.s32 $0xFFFFFEF7, lr;
	s5 =	simm.s32 $0xFFFFFFFF;
	p2 =	slt.u32 s8, $0xFFFFF086  }
0x1c: {  	p1 =	slt.u32 s9, $0xF7A;
	s5 =	simm.s32 @!p2 $0x0  }
0x1d: {  	s5 =	simm.s32 @p1 $0x1;
	p0 =	seq.s32 s7, s2  }
0x1e: {  	s7 =	smul.u32 @!p0 $0xF7A, s2;
	p2 =	seq.s32 @!p0 s5, $0x0  }
0x1f: {  	s9 =	smul.u32 $0xF7A, s1;
	s8 =	simm.s32 @!p0 $0x1BF5;
	p2 =	por !p2, p0  }
0x20: {  	[sflag:s8] =	ssyncset.s32 @!p0 $0xFFFFF086;
	s6 =	sadd.s32 @!p0 s3, s7;
	s7 =	simm.s32 @!p0 $0x108  }
0x21: {  	s3 =	sadd.s32 s3, s9;
	s6 =	sadd.s32 @!p0 $0x88, s6;
	s7 =	simm.s32 @p2 $0x1082  }
0x22: {  	[simem:s7], [sflag:s8] =	dma.local @!p0 [hbm:s6], $0xF7A  }
0x23: {  	s9 =	sor.u32 $0xD0000000, s2;
	s6 =	simm.s32 $0x108;
	_ =	swait.ge @!p0 [sflag:s8], $0x0  }
0x24: {  	s3 =	sadd.s32 $0x88, s3;
	s6 =	simm.s32 @!p1 $0x1082;
	[sflag:s4] =	ssyncset.s32 $0xFFFFF086  }
0x25: {  	[simem:s6], [sflag:s4] =	dma.local [hbm:s3], $0xF7A  }
0x26: {  	[smem:$0x3F8F] =	sst s1;
	(tag) =	ssettag s2;
	_ =	strace s9  }
0x27: {  	s1 =	sld [smem:$0x3F9F]  }
0x28: {  	s2 =	sld [smem:$0x3FA0]  }
0x29: {  	s4 =	sld [smem:$0x3FA2]  }
0x2a: {  	p0 =	seq.s32 s5, $0x0;
	s5 =	sld [smem:$0x3FA3]  }
0x2b: {  	s6 =	sld [smem:$0x3FA4]  }
0x2c: {  	s7 =	sld [smem:$0x3FA5]  }
0x2d: {  	s3 =	simm.s32 $0x108;
	s8 =	sld [smem:$0x3FA6]  }
0x2e: {  	s3 =	simm.s32 @!p0 $0x1082;
	s9 =	sld [smem:$0x3FA7]  }
0x2f: {  	lr =	sadd.s32 s0, s3;
	s0 =	sld [smem:$0x3F9E]  }
0x30: {  	s3 =	sld [smem:$0x3FA1]  }
0x31: {  	[smem:$0x3FAA] =	sst s10  }
0x32: {  	s10 =	sld [smem:$0x3FA8];
	_ =	sdelay $0x3  }
0x33: {  	p0 =	seq.s32 s10, $0x1;
	s10 =	sld [smem:$0x3FAA];
	_ =	sdelay $0x3  }
0x34: {  	[smem:$0x3FAA] =	sst s10  }
0x35: {  	s10 =	sld [smem:$0x3FA9];
	_ =	sdelay $0x3  }
0x36: {  	p1 =	seq.s32 s10, $0x1;
	s10 =	sld [smem:$0x3FAA];
	_ =	sdelay $0x3  }
0x37: {  	[smem:$0x3FAA] =	sst s10  }
0x38: {  	s10 =	sld [smem:$0x3FAB]  }
0x39: {  	_ = 	snop;
	(pc) =	sbr.ind lr, $3  }
0x3a: {  	_ = 	snop  }
0x3b: {  	_ = 	snop  }
0x3c: {  	p2 =	seq.s32 s10, $0x1;
	s10 =	sld [smem:$0x3FAA]  }
0x3d: {  	_ =	shalt  }
0x3e: {  	_ =	shalt  }
0x3f: {  	_ =	shalt  }
0x40: {  	_ =	shalt  }
0x41: {  	_ =	shalt  }
0x42: {  	_ =	shalt  }
0x43: {  	_ =	shalt  }
0x44: {  	_ =	shalt  }
0x45: {  	_ =	shalt  }
0x46: {  	_ =	shalt  }
0x47: {  	_ =	shalt  }
0x48: {  	_ =	shalt  }
0x49: {  	_ =	shalt  }
0x4a: {  	_ =	shalt  }
0x4b: {  	_ =	shalt  }
0x4c: {  	_ =	shalt  }
0x4d: {  	_ =	shalt  }
0x4e: {  	_ =	shalt  }
0x4f: {  	_ =	shalt  }
0x50: {  	_ =	shalt  }
0x51: {  	_ =	shalt  }
0x52: {  	_ =	shalt  }
0x53: {  	_ =	shalt  }
0x54: {  	_ =	shalt  }
0x55: {  	_ =	shalt  }
0x56: {  	_ =	shalt  }
0x57: {  	_ =	shalt  }
0x58: {  	_ =	shalt  }
0x59: {  	_ =	shalt  }
0x5a: {  	_ =	shalt  }
0x5b: {  	_ =	shalt  }
0x5c: {  	_ =	shalt  }
0x5d: {  	_ =	shalt  }
0x5e: {  	_ =	shalt  }
0x5f: {  	_ =	shalt  }
0x60: {  	_ =	shalt  }
0x61: {  	_ =	shalt  }
0x62: {  	_ =	shalt  }
0x63: {  	_ =	shalt  }
0x64: {  	_ =	shalt  }
0x65: {  	_ =	shalt  }
0x66: {  	_ =	shalt  }
0x67: {  	_ =	shalt  }
0x68: {  	_ =	shalt  }
0x69: {  	_ =	shalt  }
0x6a: {  	_ =	shalt  }
0x6b: {  	_ =	shalt  }
0x6c: {  	_ =	shalt  }
0x6d: {  	_ =	shalt  }
0x6e: {  	_ =	shalt  }
0x6f: {  	_ =	shalt  }
0x70: {  	_ =	shalt  }
0x71: {  	_ =	shalt  }
0x72: {  	_ =	shalt  }
0x73: {  	_ =	shalt  }
0x74: {  	_ =	shalt  }
0x75: {  	_ =	shalt  }
0x76: {  	_ =	shalt  }
0x77: {  	_ =	shalt  }
0x78: {  	_ =	shalt  }
0x79: {  	_ =	shalt  }
0x7a: {  	_ =	shalt  }
0x7b: {  	_ =	shalt  }
0x7c: {  	_ =	shalt  }
0x7d: {  	_ =	shalt  }
0x7e: {  	_ =	shalt  }
0x7f: {  	_ =	shalt  }
0x80: {  	_ =	shalt  }
0x81: {  	_ =	shalt  }
0x82: {  	_ =	shalt  }
0x83: {  	_ =	shalt  }
0x84: {  	_ =	shalt  }
0x85: {  	_ =	shalt  }
0x86: {  	_ =	shalt  }
0x87: {  	_ =	shalt  }
.Lfunc_end0:
.L_simem_size_0:
called_computation.2_lowered:
.L_overlay_start_0:
0x88: {  	s2 =	sld [smem:$0x3FD9]  }
0x89: {  	s3 =	sld [smem:$0x3FFE];
	_ =	sdelay $0x1  }
0x8a: {  	s1 =	srdreg.scid  }
0x8b: {  	s0 =	sand.u32 $0x1, s1  }
0x8c: {  	s16 =	sshll.u32 s0, $0xA;
	s2 =	sadd.s32 s3, s2  }
0x8d: {  	s2 =	sadd.s32 s2, s16  }
0x8e: {  	[smem:$0x3FB6] =	sst s2  }
0x8f: {  	_ = 	snop  }
0x90: {  	(tm) =	ssettm $0x1  }
0x91: {  	s17 =	sld [smem:$0x3FFB];
	_ =	sdelay $0x3  }
0x92: {  	_ =	strace s17  }
0x93: {  	s2 =	sld [smem:$0x3FFC];
	_ =	sdelay $0x3  }
0x94: {  	_ =	strace s2  }
0x95: {  	s2 =	sld [smem:$0x3FFD];
	_ =	sdelay $0x3  }
0x96: {  	_ =	strace s2  }
0x97: {  	_ =	strace $0x8FFFFFFF  }
0x98: {  	s18 =	sld [smem:$0x3FDB];
	_ =	sdelay $0x1  }
0x99: {  	s19 =	simm.s32 $_scs_section_size  }
0x9a: {  	s4 =	simm.s32 $_size__tile_overlayer_lowered;
	s5 =	simm.s32 $_tile_overlayer_lowered  }
0x9b: {  	s22 =	simm.s32 $0x1BFF;
	s21 =	sshll.u32 s5, $0x1;
	s2 =	sadd.s32 s19, s18  }
0x9c: {  	s6 =	simm.s32 $0x0;
	s20 =	sshll.u32 s4, $0x1;
	s4 =	sadd.s32 s21, s2  }
0x9d: {  	[timem:s6], [sflag:s22] =	dma.local [hbm:s4], s20  }
0x9e: {  	_ =	swait.ge [sflag:s22], s20  }
0x9f: {  	s3 =	ssub.s32 $0x0, s20;
	[sflag:s22] =	ssyncset.done $0x0  }
0xa0: {  	[sflag:s22] =	ssyncadd.s32 s3;
	_ =	sdelay $0x1  }
0xa1: {  	s23 =	simm.s32 $0x1B8B  }
0xa2: {  	_ =	swait.ge [sflag:s23], $0x1  }
0xa3: {  	[sflag:s23] =	ssyncset.done $0x0  }
0xa4: {  	s25 =	simm.s32 $0x1B8E;
	s24 =	sld [smem:$0x3FFE];
	[sflag:s23] =	ssyncadd.s32 $0xFFFFFFFF  }
0xa5: {  	s26 =	simm.s32 $execute0_lowered;
	[smem:$0x3FD2] =	sst s25  }
0xa6: {  	s4 =	sshll.u32 s26, $0x1;
	_ =	strace $0x80000049;
	[dreg:$0x1] =	wrdreg $0xFFFFFFFF  }
0xa7: {  	s28 =	simm.s32 $_size_execute0_lowered;
	s2 =	sadd.s32 s2, s4;
	[dreg:$0x0] =	wrdreg $0x0  }
0xa8: {  	s4 =	sshll.u32 s28, $0x1;
	[dreg:$0x2] =	wrdreg s2  }
0xa9: {  	[dreg:$0x3] =	wrdreg s4  }
0xaa: {  	[dreg:$0x4] =	wrdreg $0xC0  }
0xab: {  	_ =	task [dreg:s6], $0x5FFFF  }
0xac: {  	[dreg:$0x1] =	wrdreg $0xFFFFFFFF  }
0xad: {  	[dreg:$0x0] =	wrdreg $0x60  }
0xae: {  	[dreg:$0x2] =	wrdreg s24  }
0xaf: {  	[dreg:$0x3] =	wrdreg $0x56000  }
0xb0: {  	[dreg:$0x4] =	wrdreg $0xA  }
0xb1: {  	_ =	task.clear_ibuf [dreg:s6], $0x5FFFF;
	_ =	strace $0x90000049  }
0xb2: {  	s29 =	simm.s32 $0xA;
	_ =	strace $0x8000004B  }
0xb3: {  	_ =	swait.ge [sflag:s29], $0x1  }
0xb4: {  	[sflag:s29] =	ssyncadd.s32 $0xFFFFFFFF  }
0xb5: {  	_ =	strace $0x9000004B  }
0xb6: {  	_ =	sfence  }
0xb7: {  	s30 =	sld [smem:$0x0];
	_ =	sdelay $0x2  }
0xb8: {  	s31 =	sshll.u32 s1, $0xD;
	s1 =	sshrl.u32 s1, $0x2  }
0xb9: {  	s3 =	sand.u32 $0x4000, s31;
	s1 =	sadd.s32 s1, s30  }
0xba: {  	s0 =	sor.u32 s3, s0;
	s1 =	sshll.u32 s1, $0x11  }
0xbb: {  	s0 =	sor.u32 s1, s0  }
0xbc: {  	s0 =	sadd.s32 $0x8F2B, s0  }
0xbd: {  	[sflag:s0] =	ssyncadd.remote.s32 $0x1  }
0xbe: {  	_ =	sfence.sel $0xFFFF  }
0xbf: {  	[dreg:$0x0] =	wrdreg $0xFFFFFFFF;
	(pc) =	sbr.abs _section_cstart, $3  }
0xc0: {  	[dreg:$0x1] =	wrdreg $0xFFFFFFFF  }
0xc1: {  	_ =	task.clear_ibuf [dreg:s6], $0x2FFFF;
	_ =	strace $0x9FFFFFFF  }
0xc2: {  	(tm) =	ssettm $0x7FFFFFFF  }
0xc3: {  	_ =	shalt  }
tec
execute0_lowered:
.L_overlay_start_1:
0x0: {  	(tag) =	ssettag $0x1  }
0x1: {  	s0 =	rddreg [dreg:$0x0];
	s11 =	stileid.u32  }
0x2: {  	s2 =	rddreg [dreg:$0x1];
	s6 =	smul.u32 $0x1400, s11  }
0x3: {  	s3 =	simm.s32 $0x0;
	s1 =	srdreg.scid;
	s7 =	smul.u32 $0x28000, s11  }
0x4: {  	[smem:$0x7FF] =	sst s3;
	s1 =	sand.u32 $0x1, s1;
	s26 =	smul.u32 $0x4E20, s11  }
0x5: {  	s4 =	sadd.s32 $0x325600, s0;
	s5 =	sadd.s32 $0x4200, s0;
	s8 =	smul.u32 $0x14000, s1  }
0x6: {  	s16 =	smul.u32 $0x4E200, s11;
	s9 =	ssub.s32 $0x2, s1;
	s7 =	sshrl.u32 s7, $0x2  }
0x7: {  	s10 =	sshrl.u32 s9, $0x1;
	s15 =	sshrl.u32 s26, $0x3;
	s8 =	sadd.s32 s6, s8  }
0x8: {  	s6 =	sadd.s32 s7, s2;
	s7 =	ssub.s32 s9, s10;
	s9 =	sadd.s32 s5, s15  }
0x9: {  	_ =	strace $0x8000004A;
	s10 =	sadd.s32 s4, s16;
	[dreg:$0xd] =	wrdreg s9  }
0xa: {  	s20 =	sadd.s32 $0x400, s6;
	[dreg:$0xe] =	wrdreg s10  }
0xb: {  	s21 =	sadd.s32 $0x800, s6;
	[dreg:$0x3] =	wrdreg s20  }
0xc: {  	s22 =	sadd.s32 $0xC00, s6;
	[dreg:$0x4] =	wrdreg s21  }
0xd: {  	s23 =	sadd.s32 $0x1000, s6;
	[dreg:$0x5] =	wrdreg s22  }
0xe: {  	s24 =	sadd.s32 $0x1400, s6;
	[dreg:$0x6] =	wrdreg s23  }
0xf: {  	s25 =	sadd.s32 $0x1800, s6;
	[dreg:$0x7] =	wrdreg s24  }
0x10: {  	s12 =	sadd.s32 $0x1C00, s6;
	[dreg:$0x8] =	wrdreg s25  }
0x11: {  	s17 =	sadd.s32 $0x50, s26;
	s13 =	sadd.s32 $0x2000, s6;
	[dreg:$0x9] =	wrdreg s12  }
0x12: {  	s18 =	sshrl.u32 s17, $0x3;
	s14 =	sadd.s32 $0x2400, s6;
	[dreg:$0xa] =	wrdreg s13  }
0x13: {  	s9 =	sadd.s32 s5, s18;
	[dreg:$0xb] =	wrdreg s14  }
0x14: {  	s0 =	sadd.s32 s8, s0;
	s8 =	sadd.s32 $0x4400, s6;
	[dreg:$0xf] =	wrdreg s9  }
0x15: {  	s10 =	sadd.s32 $0x4C00, s6;
	[dreg:$0x19] =	wrdreg s8  }
0x16: {  	s11 =	sadd.s32 $0x5000, s6;
	[dreg:$0x1b] =	wrdreg s10  }
0x17: {  	s15 =	sadd.s32 $0x5C00, s6;
	[dreg:$0x1c] =	wrdreg s11  }
0x18: {  	s16 =	sadd.s32 $0x6000, s6;
	[dreg:$0x1f] =	wrdreg s15  }
0x19: {  	s19 =	sshll.u32 s17, $0x4;
	s17 =	sadd.s32 $0x6400, s6;
	[smem:$0x7F5] =	sst s16  }
0x1a: {  	s18 =	sadd.s32 $0x6800, s6;
	[smem:$0x7F6] =	sst s17  }
0x1b: {  	s12 =	sadd.s32 $0x2800, s6;
	[smem:$0x7F7] =	sst s18  }
0x1c: {  	s9 =	sadd.s32 s4, s19;
	[dreg:$0xc] =	wrdreg s12  }
0x1d: {  	s0 =	sadd.s32 $0x3F000, s0;
	[dreg:$0x10] =	wrdreg s9  }
0x1e: {  	s20 =	smax.u32 s7, $0x1;
	[dreg:$0x11] =	wrdreg s0  }
0x1f: {  	s31 =	simm.s32 $0x5200;
	s23 =	sadd.s32 $0x2C00, s6;
	[dreg:$0x12] =	wrdreg s20  }
0x20: {  	s28 =	sadd.s32 $0x9400, s6;
	s24 =	sadd.s32 $0x3000, s6;
	[dreg:$0x13] =	wrdreg s23  }
0x21: {  	s21 =	sadd.s32 $0xA0, s26;
	s25 =	sadd.s32 $0x3400, s6;
	[dreg:$0x14] =	wrdreg s24  }
0x22: {  	s22 =	sadd.s32 $0xF0, s26;
	s26 =	sadd.s32 $0x3800, s6;
	[dreg:$0x15] =	wrdreg s25  }
0x23: {  	s14 =	smul.u32 $0x1400, s1;
	s1 =	sadd.s32 $0x3C00, s6;
	[dreg:$0x16] =	wrdreg s26  }
0x24: {  	s29 =	sadd.s32 $0x9800, s6;
	s7 =	sadd.s32 $0x4000, s6;
	[dreg:$0x17] =	wrdreg s1  }
0x25: {  	s30 =	sadd.s32 $0x9C00, s6;
	s13 =	sadd.s32 $0x5800, s6;
	[dreg:$0x18] =	wrdreg s7  }
0x26: {  	s19 =	sadd.s32 $0x6C00, s6;
	s8 =	simm.s32 $0x2A00;
	[dreg:$0x1e] =	wrdreg s13  }
0x27: {  	s10 =	simm.s32 $0x3;
	s9 =	sadd.s32 $0x4800, s6;
	[smem:$0x7F8] =	sst s19  }
0x28: {  	s11 =	simm.s32 $0x50;
	s12 =	sadd.s32 $0x5400, s6;
	[dreg:$0x1a] =	wrdreg s9  }
0x29: {  	s15 =	simm.s32 $0x180;
	s20 =	sadd.s32 $0x7000, s6;
	[dreg:$0x1d] =	wrdreg s12  }
0x2a: {  	s16 =	simm.s32 $0x0;
	s23 =	sadd.s32 $0x7400, s6;
	[smem:$0x7F9] =	sst s20  }
0x2b: {  	s24 =	sadd.s32 $0x7800, s6;
	s25 =	sadd.s32 $0x7C00, s6;
	[smem:$0x7FA] =	sst s23  }
0x2c: {  	s26 =	sadd.s32 $0x8000, s6;
	s0 =	simm.s32 $0x5;
	[smem:$0x7FB] =	sst s24  }
0x2d: {  	s1 =	simm.s32 $0x200;
	s7 =	simm.s32 $0x80;
	[smem:$0x7FC] =	sst s25  }
0x2e: {  	s13 =	simm.s32 $0x2;
	[smem:$0x7FD] =	sst s26;
	s23 =	sadd.s32 $0x8400, s6  }
0x2f: {  	s24 =	sadd.s32 $0x8800, s6;
	s25 =	sadd.s32 $0x8C00, s6;
	s26 =	sadd.s32 $0x9000, s6  }
0x30: {  	v1 =	vimm.f32 $0.0e+00;
	s9 =	simm.s32 $0x1;
	s12 =	simm.s32 $0x100;
	v0 =	vmov s14;
	s14 =	simm.s32 $0x4  }
.LBB2_1:
0x31: {  	[tilespmem:$0x5200] =	vst v1  }
0x32: {  	[tilespmem:$0x5210] =	vst v1  }
0x33: {  	[tilespmem:$0x5220] =	vst v1  }
0x34: {  	[tilespmem:$0x5230] =	vst v1  }
0x35: {  	[tilespmem:$0x5240] =	vst v1  }
0x36: {  	[tilespmem:$0x5250] =	vst v1  }
0x37: {  	[tilespmem:$0x5260] =	vst v1  }
0x38: {  	[tilespmem:$0x5270] =	vst v1  }
0x39: {  	[tilespmem:$0x5280] =	vst v1  }
0x3a: {  	[tilespmem:$0x5290] =	vst v1  }
0x3b: {  	[tilespmem:$0x52A0] =	vst v1  }
0x3c: {  	[tilespmem:$0x52B0] =	vst v1  }
0x3d: {  	[tilespmem:$0x52C0] =	vst v1  }
0x3e: {  	[tilespmem:$0x52D0] =	vst v1  }
0x3f: {  	[tilespmem:$0x52E0] =	vst v1  }
0x40: {  	[tilespmem:$0x52F0] =	vst v1  }
0x41: {  	[tilespmem:$0x5300] =	vst v1  }
0x42: {  	[tilespmem:$0x5310] =	vst v1  }
0x43: {  	[tilespmem:$0x5320] =	vst v1  }
0x44: {  	[tilespmem:$0x5330] =	vst v1  }
0x45: {  	[tilespmem:$0x5340] =	vst v1  }
0x46: {  	[tilespmem:$0x5350] =	vst v1  }
0x47: {  	[tilespmem:$0x5360] =	vst v1  }
0x48: {  	[tilespmem:$0x5370] =	vst v1  }
0x49: {  	[tilespmem:$0x5380] =	vst v1  }
0x4a: {  	[tilespmem:$0x5390] =	vst v1  }
0x4b: {  	[tilespmem:$0x53A0] =	vst v1  }
0x4c: {  	[tilespmem:$0x53B0] =	vst v1  }
0x4d: {  	[tilespmem:$0x53C0] =	vst v1  }
0x4e: {  	[tilespmem:$0x53D0] =	vst v1  }
0x4f: {  	[tilespmem:$0x53E0] =	vst v1  }
0x50: {  	[tilespmem:$0x53F0] =	vst v1  }
0x51: {  	[tilespmem:$0x5400] =	vst v1  }
0x52: {  	[tilespmem:$0x5410] =	vst v1  }
0x53: {  	[tilespmem:$0x5420] =	vst v1  }
0x54: {  	[tilespmem:$0x5430] =	vst v1  }
0x55: {  	[tilespmem:$0x5440] =	vst v1  }
0x56: {  	[tilespmem:$0x5450] =	vst v1  }
0x57: {  	[tilespmem:$0x5460] =	vst v1  }
0x58: {  	[tilespmem:$0x5470] =	vst v1  }
0x59: {  	[tilespmem:$0x5480] =	vst v1  }
0x5a: {  	[tilespmem:$0x5490] =	vst v1  }
0x5b: {  	[tilespmem:$0x54A0] =	vst v1  }
0x5c: {  	[tilespmem:$0x54B0] =	vst v1  }
0x5d: {  	[tilespmem:$0x54C0] =	vst v1  }
0x5e: {  	[tilespmem:$0x54D0] =	vst v1  }
0x5f: {  	[tilespmem:$0x54E0] =	vst v1  }
0x60: {  	[tilespmem:$0x54F0] =	vst v1  }
0x61: {  	[tilespmem:$0x5500] =	vst v1  }
0x62: {  	[tilespmem:$0x5510] =	vst v1  }
0x63: {  	[tilespmem:$0x5520] =	vst v1  }
0x64: {  	[tilespmem:$0x5530] =	vst v1  }
0x65: {  	[tilespmem:$0x5540] =	vst v1  }
0x66: {  	[tilespmem:$0x5550] =	vst v1  }
0x67: {  	[tilespmem:$0x5560] =	vst v1  }
0x68: {  	[tilespmem:$0x5570] =	vst v1  }
0x69: {  	[tilespmem:$0x5580] =	vst v1  }
0x6a: {  	[tilespmem:$0x5590] =	vst v1  }
0x6b: {  	[tilespmem:$0x55A0] =	vst v1  }
0x6c: {  	[tilespmem:$0x55B0] =	vst v1  }
0x6d: {  	[tilespmem:$0x55C0] =	vst v1  }
0x6e: {  	[tilespmem:$0x55D0] =	vst v1  }
0x6f: {  	[tilespmem:$0x55E0] =	vst v1  }
0x70: {  	[tilespmem:$0x55F0] =	vst v1  }
0x71: {  	[spmem:s6] =	stream.linear.scatter [tilespmem:s31], [sflag:$0x5], $0x400, $0x38;
	[tilespmem:$0xF640] =	vst v63  }
0x72: {  	_ =	swait.ge [sflag:s0], $0x400  }
0x73: {  	[sflag:s0] =	ssyncset.done $0x0  }
0x74: {  	s17 =	rddreg [dreg:$0x3];
	[sflag:s0] =	ssyncadd.s32 $0xFFFFFC00  }
0x75: {  	[spmem:s17] =	stream.linear.scatter [tilespmem:s31], [sflag:$0x5], $0x400, $0x38;
	[tilespmem:$0xF640] =	vst v63  }
0x76: {  	_ =	swait.ge [sflag:s0], $0x400  }
0x77: {  	[sflag:s0] =	ssyncset.done $0x0  }
0x78: {  	s18 =	rddreg [dreg:$0x4];
	[sflag:s0] =	ssyncadd.s32 $0xFFFFFC00  }
0x79: {  	[spmem:s18] =	stream.linear.scatter [tilespmem:s31], [sflag:$0x5], $0x400, $0x38;
	[tilespmem:$0xF640] =	vst v63  }
0x7a: {  	_ =	swait.ge [sflag:s0], $0x400  }
0x7b: {  	[sflag:s0] =	ssyncset.done $0x0  }
0x7c: {  	s19 =	rddreg [dreg:$0x5];
	[sflag:s0] =	ssyncadd.s32 $0xFFFFFC00  }
0x7d: {  	[spmem:s19] =	stream.linear.scatter [tilespmem:s31], [sflag:$0x5], $0x400, $0x38;
	[tilespmem:$0xF640] =	vst v63  }
0x7e: {  	_ =	swait.ge [sflag:s0], $0x400  }
0x7f: {  	[sflag:s0] =	ssyncset.done $0x0  }
0x80: {  	s20 =	rddreg [dreg:$0x6];
	[sflag:s0] =	ssyncadd.s32 $0xFFFFFC00  }
0x81: {  	[spmem:s20] =	stream.linear.scatter [tilespmem:s31], [sflag:$0x5], $0x400, $0x38;
	[tilespmem:$0xF640] =	vst v63  }
0x82: {  	_ =	swait.ge [sflag:s0], $0x400  }
0x83: {  	[sflag:s0] =	ssyncset.done $0x0  }
0x84: {  	s18 =	rddreg [dreg:$0x7];
	[sflag:s0] =	ssyncadd.s32 $0xFFFFFC00  }
0x85: {  	[spmem:s18] =	stream.linear.scatter [tilespmem:s31], [sflag:$0x5], $0x400, $0x38;
	[tilespmem:$0xF640] =	vst v63  }
0x86: {  	_ =	swait.ge [sflag:s0], $0x400  }
0x87: {  	[sflag:s0] =	ssyncset.done $0x0  }
0x88: {  	s19 =	rddreg [dreg:$0x8];
	[sflag:s0] =	ssyncadd.s32 $0xFFFFFC00  }
0x89: {  	[spmem:s19] =	stream.linear.scatter [tilespmem:s31], [sflag:$0x5], $0x400, $0x38;
	[tilespmem:$0xF640] =	vst v63  }
0x8a: {  	_ =	swait.ge [sflag:s0], $0x400  }
0x8b: {  	[sflag:s0] =	ssyncset.done $0x0  }
0x8c: {  	s20 =	rddreg [dreg:$0x9];
	[sflag:s0] =	ssyncadd.s32 $0xFFFFFC00  }
0x8d: {  	[spmem:s20] =	stream.linear.scatter [tilespmem:s31], [sflag:$0x5], $0x400, $0x38;
	[tilespmem:$0xF640] =	vst v63  }
0x8e: {  	_ =	swait.ge [sflag:s0], $0x400  }
0x8f: {  	[sflag:s0] =	ssyncset.done $0x0  }
0x90: {  	s18 =	rddreg [dreg:$0xa];
	[sflag:s0] =	ssyncadd.s32 $0xFFFFFC00  }
0x91: {  	[spmem:s18] =	stream.linear.scatter [tilespmem:s31], [sflag:$0x5], $0x400, $0x38;
	[tilespmem:$0xF640] =	vst v63  }
0x92: {  	_ =	swait.ge [sflag:s0], $0x400  }
0x93: {  	[sflag:s0] =	ssyncset.done $0x0  }
0x94: {  	s19 =	rddreg [dreg:$0xb];
	[sflag:s0] =	ssyncadd.s32 $0xFFFFFC00  }
0x95: {  	[spmem:s19] =	stream.linear.scatter [tilespmem:s31], [sflag:$0x5], $0x400, $0x38;
	[tilespmem:$0xF640] =	vst v63  }
0x96: {  	_ =	swait.ge [sflag:s0], $0x400  }
0x97: {  	[sflag:s0] =	ssyncset.done $0x0  }
0x98: {  	s20 =	rddreg [dreg:$0xc];
	[sflag:s0] =	ssyncadd.s32 $0xFFFFFC00  }
0x99: {  	[spmem:s20] =	stream.linear.scatter [tilespmem:s31], [sflag:$0x5], $0x400, $0x38;
	[tilespmem:$0xF640] =	vst v63  }
0x9a: {  	_ =	swait.ge [sflag:s0], $0x400  }
0x9b: {  	[sflag:s0] =	ssyncset.done $0x0  }
0x9c: {  	s18 =	rddreg [dreg:$0x13];
	[sflag:s0] =	ssyncadd.s32 $0xFFFFFC00  }
0x9d: {  	[spmem:s18] =	stream.linear.scatter [tilespmem:s31], [sflag:$0x5], $0x400, $0x38;
	[tilespmem:$0xF640] =	vst v63  }
0x9e: {  	_ =	swait.ge [sflag:s0], $0x400  }
0x9f: {  	[sflag:s0] =	ssyncset.done $0x0  }
0xa0: {  	s19 =	rddreg [dreg:$0x14];
	[sflag:s0] =	ssyncadd.s32 $0xFFFFFC00  }
0xa1: {  	[spmem:s19] =	stream.linear.scatter [tilespmem:s31], [sflag:$0x5], $0x400, $0x38;
	[tilespmem:$0xF640] =	vst v63  }
0xa2: {  	_ =	swait.ge [sflag:s0], $0x400  }
0xa3: {  	[sflag:s0] =	ssyncset.done $0x0  }
0xa4: {  	s20 =	rddreg [dreg:$0x15];
	[sflag:s0] =	ssyncadd.s32 $0xFFFFFC00  }
0xa5: {  	[spmem:s20] =	stream.linear.scatter [tilespmem:s31], [sflag:$0x5], $0x400, $0x38;
	[tilespmem:$0xF640] =	vst v63  }
0xa6: {  	_ =	swait.ge [sflag:s0], $0x400  }
0xa7: {  	[sflag:s0] =	ssyncset.done $0x0  }
0xa8: {  	s18 =	rddreg [dreg:$0x16];
	[sflag:s0] =	ssyncadd.s32 $0xFFFFFC00  }
0xa9: {  	[spmem:s18] =	stream.linear.scatter [tilespmem:s31], [sflag:$0x5], $0x400, $0x38;
	[tilespmem:$0xF640] =	vst v63  }
0xaa: {  	_ =	swait.ge [sflag:s0], $0x400  }
0xab: {  	[sflag:s0] =	ssyncset.done $0x0  }
0xac: {  	s19 =	rddreg [dreg:$0x17];
	[sflag:s0] =	ssyncadd.s32 $0xFFFFFC00  }
0xad: {  	[spmem:s19] =	stream.linear.scatter [tilespmem:s31], [sflag:$0x5], $0x400, $0x38;
	[tilespmem:$0xF640] =	vst v63  }
0xae: {  	_ =	swait.ge [sflag:s0], $0x400  }
0xaf: {  	[sflag:s0] =	ssyncset.done $0x0  }
0xb0: {  	s20 =	rddreg [dreg:$0x18];
	[sflag:s0] =	ssyncadd.s32 $0xFFFFFC00  }
0xb1: {  	[spmem:s20] =	stream.linear.scatter [tilespmem:s31], [sflag:$0x5], $0x400, $0x38;
	[tilespmem:$0xF640] =	vst v63  }
0xb2: {  	_ =	swait.ge [sflag:s0], $0x400  }
0xb3: {  	[sflag:s0] =	ssyncset.done $0x0  }
0xb4: {  	s18 =	rddreg [dreg:$0x19];
	[sflag:s0] =	ssyncadd.s32 $0xFFFFFC00  }
0xb5: {  	[spmem:s18] =	stream.linear.scatter [tilespmem:s31], [sflag:$0x5], $0x400, $0x38;
	[tilespmem:$0xF640] =	vst v63  }
0xb6: {  	_ =	swait.ge [sflag:s0], $0x400  }
0xb7: {  	[sflag:s0] =	ssyncset.done $0x0  }
0xb8: {  	s19 =	rddreg [dreg:$0x1a];
	[sflag:s0] =	ssyncadd.s32 $0xFFFFFC00  }
0xb9: {  	[spmem:s19] =	stream.linear.scatter [tilespmem:s31], [sflag:$0x5], $0x400, $0x38;
	[tilespmem:$0xF640] =	vst v63  }
0xba: {  	_ =	swait.ge [sflag:s0], $0x400  }
0xbb: {  	[sflag:s0] =	ssyncset.done $0x0  }
0xbc: {  	s20 =	rddreg [dreg:$0x1b];
	[sflag:s0] =	ssyncadd.s32 $0xFFFFFC00  }
0xbd: {  	[spmem:s20] =	stream.linear.scatter [tilespmem:s31], [sflag:$0x5], $0x400, $0x38;
	[tilespmem:$0xF640] =	vst v63  }
0xbe: {  	_ =	swait.ge [sflag:s0], $0x400  }
0xbf: {  	[sflag:s0] =	ssyncset.done $0x0  }
0xc0: {  	s18 =	rddreg [dreg:$0x1c];
	[sflag:s0] =	ssyncadd.s32 $0xFFFFFC00  }
0xc1: {  	[spmem:s18] =	stream.linear.scatter [tilespmem:s31], [sflag:$0x5], $0x400, $0x38;
	[tilespmem:$0xF640] =	vst v63  }
0xc2: {  	_ =	swait.ge [sflag:s0], $0x400  }
0xc3: {  	[sflag:s0] =	ssyncset.done $0x0  }
0xc4: {  	s19 =	rddreg [dreg:$0x1d];
	[sflag:s0] =	ssyncadd.s32 $0xFFFFFC00  }
0xc5: {  	[spmem:s19] =	stream.linear.scatter [tilespmem:s31], [sflag:$0x5], $0x400, $0x38;
	[tilespmem:$0xF640] =	vst v63  }
0xc6: {  	_ =	swait.ge [sflag:s0], $0x400  }
0xc7: {  	[sflag:s0] =	ssyncset.done $0x0  }
0xc8: {  	s20 =	rddreg [dreg:$0x1e];
	[sflag:s0] =	ssyncadd.s32 $0xFFFFFC00  }
0xc9: {  	[spmem:s20] =	stream.linear.scatter [tilespmem:s31], [sflag:$0x5], $0x400, $0x38;
	[tilespmem:$0xF640] =	vst v63  }
0xca: {  	_ =	swait.ge [sflag:s0], $0x400  }
0xcb: {  	[sflag:s0] =	ssyncset.done $0x0  }
0xcc: {  	s18 =	rddreg [dreg:$0x1f];
	[sflag:s0] =	ssyncadd.s32 $0xFFFFFC00  }
0xcd: {  	[spmem:s18] =	stream.linear.scatter [tilespmem:s31], [sflag:$0x5], $0x400, $0x38;
	[tilespmem:$0xF640] =	vst v63  }
0xce: {  	_ =	swait.ge [sflag:s0], $0x400  }
0xcf: {  	s19 =	sld [smem:$0x7F5]  }
0xd0: {  	[sflag:s0] =	ssyncset.done $0x0  }
0xd1: {  	[sflag:s0] =	ssyncadd.s32 $0xFFFFFC00  }
0xd2: {  	[spmem:s19] =	stream.linear.scatter [tilespmem:s31], [sflag:$0x5], $0x400, $0x38;
	[tilespmem:$0xF640] =	vst v63  }
0xd3: {  	_ =	swait.ge [sflag:s0], $0x400  }
0xd4: {  	s20 =	sld [smem:$0x7F6]  }
0xd5: {  	[sflag:s0] =	ssyncset.done $0x0  }
0xd6: {  	[sflag:s0] =	ssyncadd.s32 $0xFFFFFC00  }
0xd7: {  	[spmem:s20] =	stream.linear.scatter [tilespmem:s31], [sflag:$0x5], $0x400, $0x38;
	[tilespmem:$0xF640] =	vst v63  }
0xd8: {  	_ =	swait.ge [sflag:s0], $0x400  }
0xd9: {  	s18 =	sld [smem:$0x7F7]  }
0xda: {  	[sflag:s0] =	ssyncset.done $0x0  }
0xdb: {  	[sflag:s0] =	ssyncadd.s32 $0xFFFFFC00  }
0xdc: {  	[spmem:s18] =	stream.linear.scatter [tilespmem:s31], [sflag:$0x5], $0x400, $0x38;
	[tilespmem:$0xF640] =	vst v63  }
0xdd: {  	_ =	swait.ge [sflag:s0], $0x400  }
0xde: {  	s19 =	sld [smem:$0x7F8]  }
0xdf: {  	[sflag:s0] =	ssyncset.done $0x0  }
0xe0: {  	[sflag:s0] =	ssyncadd.s32 $0xFFFFFC00  }
0xe1: {  	[spmem:s19] =	stream.linear.scatter [tilespmem:s31], [sflag:$0x5], $0x400, $0x38;
	[tilespmem:$0xF640] =	vst v63  }
0xe2: {  	_ =	swait.ge [sflag:s0], $0x400  }
0xe3: {  	s20 =	sld [smem:$0x7F9]  }
0xe4: {  	[sflag:s0] =	ssyncset.done $0x0  }
0xe5: {  	[sflag:s0] =	ssyncadd.s32 $0xFFFFFC00  }
0xe6: {  	[spmem:s20] =	stream.linear.scatter [tilespmem:s31], [sflag:$0x5], $0x400, $0x38;
	[tilespmem:$0xF640] =	vst v63  }
0xe7: {  	_ =	swait.ge [sflag:s0], $0x400  }
0xe8: {  	s18 =	sld [smem:$0x7FA]  }
0xe9: {  	[sflag:s0] =	ssyncset.done $0x0  }
0xea: {  	[sflag:s0] =	ssyncadd.s32 $0xFFFFFC00  }
0xeb: {  	[spmem:s18] =	stream.linear.scatter [tilespmem:s31], [sflag:$0x5], $0x400, $0x38;
	[tilespmem:$0xF640] =	vst v63  }
0xec: {  	_ =	swait.ge [sflag:s0], $0x400  }
0xed: {  	s19 =	sld [smem:$0x7FB]  }
0xee: {  	[sflag:s0] =	ssyncset.done $0x0  }
0xef: {  	[sflag:s0] =	ssyncadd.s32 $0xFFFFFC00  }
0xf0: {  	[spmem:s19] =	stream.linear.scatter [tilespmem:s31], [sflag:$0x5], $0x400, $0x38;
	[tilespmem:$0xF640] =	vst v63  }
0xf1: {  	_ =	swait.ge [sflag:s0], $0x400  }
0xf2: {  	s20 =	sld [smem:$0x7FC]  }
0xf3: {  	[sflag:s0] =	ssyncset.done $0x0  }
0xf4: {  	[sflag:s0] =	ssyncadd.s32 $0xFFFFFC00  }
0xf5: {  	[spmem:s20] =	stream.linear.scatter [tilespmem:s31], [sflag:$0x5], $0x400, $0x38;
	[tilespmem:$0xF640] =	vst v63  }
0xf6: {  	_ =	swait.ge [sflag:s0], $0x400  }
0xf7: {  	s18 =	sld [smem:$0x7FD]  }
0xf8: {  	[sflag:s0] =	ssyncset.done $0x0  }
0xf9: {  	[sflag:s0] =	ssyncadd.s32 $0xFFFFFC00  }
0xfa: {  	[spmem:s18] =	stream.linear.scatter [tilespmem:s31], [sflag:$0x5], $0x400, $0x38;
	[tilespmem:$0xF640] =	vst v63  }
0xfb: {  	_ =	swait.ge [sflag:s0], $0x400  }
0xfc: {  	[sflag:s0] =	ssyncset.done $0x0  }
0xfd: {  	[sflag:s0] =	ssyncadd.s32 $0xFFFFFC00  }
0xfe: {  	[spmem:s23] =	stream.linear.scatter [tilespmem:s31], [sflag:$0x5], $0x400, $0x38;
	[tilespmem:$0xF640] =	vst v63  }
0xff: {  	_ =	swait.ge [sflag:s0], $0x400  }
0x100: {  	[sflag:s0] =	ssyncset.done $0x0  }
0x101: {  	[sflag:s0] =	ssyncadd.s32 $0xFFFFFC00  }
0x102: {  	[spmem:s24] =	stream.linear.scatter [tilespmem:s31], [sflag:$0x5], $0x400, $0x38;
	[tilespmem:$0xF640] =	vst v63  }
0x103: {  	_ =	swait.ge [sflag:s0], $0x400  }
0x104: {  	[sflag:s0] =	ssyncset.done $0x0  }
0x105: {  	[sflag:s0] =	ssyncadd.s32 $0xFFFFFC00  }
0x106: {  	[spmem:s25] =	stream.linear.scatter [tilespmem:s31], [sflag:$0x5], $0x400, $0x38;
	[tilespmem:$0xF640] =	vst v63  }
0x107: {  	_ =	swait.ge [sflag:s0], $0x400  }
0x108: {  	[sflag:s0] =	ssyncset.done $0x0  }
0x109: {  	[sflag:s0] =	ssyncadd.s32 $0xFFFFFC00  }
0x10a: {  	[spmem:s26] =	stream.linear.scatter [tilespmem:s31], [sflag:$0x5], $0x400, $0x38;
	[tilespmem:$0xF640] =	vst v63  }
0x10b: {  	_ =	swait.ge [sflag:s0], $0x400  }
0x10c: {  	[sflag:s0] =	ssyncset.done $0x0  }
0x10d: {  	[sflag:s0] =	ssyncadd.s32 $0xFFFFFC00  }
0x10e: {  	[spmem:s28] =	stream.linear.scatter [tilespmem:s31], [sflag:$0x5], $0x400, $0x38;
	[tilespmem:$0xF640] =	vst v63  }
0x10f: {  	_ =	swait.ge [sflag:s0], $0x400  }
0x110: {  	[sflag:s0] =	ssyncset.done $0x0  }
0x111: {  	[sflag:s0] =	ssyncadd.s32 $0xFFFFFC00  }
0x112: {  	[spmem:s29] =	stream.linear.scatter [tilespmem:s31], [sflag:$0x5], $0x400, $0x38;
	[tilespmem:$0xF640] =	vst v63  }
0x113: {  	_ =	swait.ge [sflag:s0], $0x400  }
0x114: {  	[sflag:s0] =	ssyncset.done $0x0  }
0x115: {  	[sflag:s0] =	ssyncadd.s32 $0xFFFFFC00  }
0x116: {  	[spmem:s30] =	stream.linear.scatter [tilespmem:s31], [sflag:$0x5], $0x400, $0x38;
	[tilespmem:$0xF640] =	vst v63  }
0x117: {  	_ =	swait.ge [sflag:s0], $0x400  }
0x118: {  	[sflag:s0] =	ssyncset.done $0x0  }
0x119: {  	[sflag:s0] =	ssyncadd.s32 $0xFFFFFC00  }
0x11a: {  	[bflag:$0x0] =	sbarrier.arrive $0xFFFF  }
0x11b: {  	s19 =	rddreg [dreg:$0xd]  }
0x11c: {  	[tilespmem:s3], [sflag:$0x1] =	stream.linear.gather [hbm4b:s19+s3], $0x50, $0x38;
	[tilespmem:$0xF640] =	vst v63  }
0x11d: {  	s20 =	rddreg [dreg:$0xe]  }
0x11e: {  	[tilespmem:s1], [sflag:$0x3] =	stream.linear.gather [hbm4b:s20+s3], $0x2800, $0x38;
	[tilespmem:$0xF640] =	vst v63  }
0x11f: {  	s18 =	rddreg [dreg:$0xf]  }
0x120: {  	[tilespmem:s7], [sflag:$0x2] =	stream.linear.gather [hbm4b:s18+s3], $0x50, $0x38;
	[tilespmem:$0xF640] =	vst v63  }
0x121: {  	s19 =	rddreg [dreg:$0x10]  }
0x122: {  	[tilespmem:s8], [sflag:$0x4] =	stream.linear.gather [hbm4b:s19+s3], $0x2800, $0x38;
	[tilespmem:$0xF640] =	vst v63  }
0x123: {  	_ =	swait.ge [sflag:s9], $0x50  }
0x124: {  	[sflag:s9] =	ssyncset.done $0x0  }
0x125: {  	[sflag:s9] =	ssyncadd.s32 $0xFFFFFFB0  }
0x126: {  	_ =	swait.ge [sflag:s10], $0x2800  }
0x127: {  	[sflag:s10] =	ssyncset.done $0x0  }
0x128: {  	[sflag:s10] =	ssyncadd.s32 $0xFFFFD800  }
0x129: {  	v2 =	vld [tilespmem:$0x30]  }
0x12a: {  	v4 =	vld [tilespmem:$0x10]  }
0x12b: {  	v3 =	vld [tilespmem:$0x40]  }
0x12c: {  	v5 =	vld [tilespmem:$0x0]  }
0x12d: {  	v6 =	vld [tilespmem:$0x20]  }
0x12e: {  	v2 =	vsub.s32 v2, v0  }
0x12f: {  	s20 =	smin.u32 s3, $0xF7;
	v4 =	vsub.s32 v4, v0;
	v2 =	vmin.u32 v2, $0x1400  }
0x130: {  	s17 =	smul.u32 $0x50, s20;
	v3 =	vsub.s32 v3, v0;
	v4 =	vmin.u32 v4, $0x1400;
	[tilespmem:$0x130] =	vst v2  }
0x131: {  	v2 =	vmin.u32 v3, $0x1400;
	v3 =	vsub.s32 v5, v0;
	[tilespmem:$0x110] =	vst v4  }
0x132: {  	s17 =	sadd.s32 s17, s21;
	[tilespmem:$0x140] =	vst v2;
	v2 =	vmin.u32 v3, $0x1400;
	v3 =	vsub.s32 v6, v0  }
0x133: {  	s18 =	sshrl.u32 s17, $0x3;
	[tilespmem:$0x100] =	vst v2;
	v2 =	vmin.u32 v3, $0x1400  }
0x134: {  	s18 =	sadd.s32 s5, s18;
	[tilespmem:$0x120] =	vst v2  }
0x135: {  	[tilespmem:s3], [sflag:$0x1] =	stream.linear.gather [hbm4b:s18+s3], $0x50, $0x38;
	[tilespmem:$0xF640] =	vst v63  }
0x136: {  	_ = 	snop  }
0x137: {  	[spmem:s2] =	stream.indirect.scatter.add.f32 [tilespmem:s1], [sflag:$0x5], $0x80, s12, s11, $0xb8;
	[tilespmem:$0xF640] =	vst v63  }
0x138: {  	_ =	swait.ge [sflag:s0], $0x2800  }
0x139: {  	s17 =	sshll.u32 s17, $0x4;
	[sflag:s0] =	ssyncset.done $0x0  }
0x13a: {  	s17 =	sadd.s32 s4, s17;
	[sflag:s0] =	ssyncadd.s32 $0xFFFFD800  }
0x13b: {  	[tilespmem:s1], [sflag:$0x3] =	stream.linear.gather [hbm4b:s17+s3], $0x2800, $0x38;
	[tilespmem:$0xF640] =	vst v63  }
0x13c: {  	_ =	swait.ge [sflag:s13], $0x50  }
0x13d: {  	[sflag:s13] =	ssyncset.done $0x0  }
0x13e: {  	[sflag:s13] =	ssyncadd.s32 $0xFFFFFFB0  }
0x13f: {  	_ =	swait.ge [sflag:s14], $0x2800  }
0x140: {  	[sflag:s14] =	ssyncset.done $0x0  }
0x141: {  	[sflag:s14] =	ssyncadd.s32 $0xFFFFD800  }
0x142: {  	v5 =	vld [tilespmem:$0x80]  }
0x143: {  	v4 =	vld [tilespmem:$0x90]  }
0x144: {  	v3 =	vld [tilespmem:$0xA0]  }
0x145: {  	s18 =	simm.s32 $0x2;
	s17 =	simm.s32 $0x0;
	v2 =	vld [tilespmem:$0xB0]  }
.LBB2_2:
0x146: {  	p0 =	sne.s32 s18, $0xF8;
	v6 =	vld [tilespmem:$0xC0];
	s19 =	smov.u32 s18;
	s18 =	sadd.s32 $0x2, s18  }
0x147: {  	v5 =	vsub.s32 v5, v0  }
0x148: {  	s20 =	smin.u32 s17, $0xF6;
	s17 =	smov.u32 s19;
	v5 =	vmin.u32 v5, $0x1400;
	v4 =	vsub.s32 v4, v0  }
0x149: {  	s19 =	smul.u32 $0x50, s20;
	[tilespmem:$0x180] =	vst v5;
	v4 =	vmin.u32 v4, $0x1400;
	v3 =	vsub.s32 v3, v0  }
0x14a: {  	[tilespmem:$0x190] =	vst v4;
	v3 =	vmin.u32 v3, $0x1400;
	v2 =	vsub.s32 v2, v0  }
0x14b: {  	s19 =	sadd.s32 s19, s22;
	[tilespmem:$0x1A0] =	vst v3;
	v2 =	vmin.u32 v2, $0x1400;
	v3 =	vsub.s32 v6, v0  }
0x14c: {  	s20 =	sshrl.u32 s19, $0x3;
	s19 =	sshll.u32 s19, $0x4;
	[tilespmem:$0x1B0] =	vst v2;
	v2 =	vmin.u32 v3, $0x1400  }
0x14d: {  	s20 =	sadd.s32 s5, s20;
	[tilespmem:$0x1C0] =	vst v2  }
0x14e: {  	[tilespmem:s7], [sflag:$0x2] =	stream.linear.gather [hbm4b:s20+s3], $0x50, $0x38;
	[tilespmem:$0xF640] =	vst v63  }
0x14f: {  	_ = 	snop  }
0x150: {  	[spmem:s2] =	stream.indirect.scatter.add.f32 [tilespmem:s8], [sflag:$0x5], $0x80, s15, s11, $0xb8;
	[tilespmem:$0xF640] =	vst v63  }
0x151: {  	_ =	swait.ge [sflag:s0], $0x2800  }
0x152: {  	[sflag:s0] =	ssyncset.done $0x0  }
0x153: {  	s19 =	sadd.s32 s4, s19;
	[sflag:s0] =	ssyncadd.s32 $0xFFFFD800  }
0x154: {  	[tilespmem:s8], [sflag:$0x4] =	stream.linear.gather [hbm4b:s19+s3], $0x2800, $0x38;
	[tilespmem:$0xF640] =	vst v63  }
0x155: {  	_ =	swait.ge [sflag:s9], $0x50  }
0x156: {  	[sflag:s9] =	ssyncset.done $0x0  }
0x157: {  	[sflag:s9] =	ssyncadd.s32 $0xFFFFFFB0  }
0x158: {  	_ =	swait.ge [sflag:s10], $0x2800  }
0x159: {  	[sflag:s10] =	ssyncset.done $0x0  }
0x15a: {  	[sflag:s10] =	ssyncadd.s32 $0xFFFFD800  }
0x15b: {  	v2 =	vld [tilespmem:$0x30]  }
0x15c: {  	v3 =	vld [tilespmem:$0x40]  }
0x15d: {  	v4 =	vld [tilespmem:$0x10]  }
0x15e: {  	v5 =	vld [tilespmem:$0x0]  }
0x15f: {  	v6 =	vld [tilespmem:$0x20]  }
0x160: {  	v2 =	vsub.s32 v2, v0  }
0x161: {  	s19 =	smin.u32 s17, $0xF7;
	v2 =	vmin.u32 v2, $0x1400;
	v3 =	vsub.s32 v3, v0  }
0x162: {  	s19 =	smul.u32 $0x50, s19;
	v4 =	vsub.s32 v4, v0;
	[tilespmem:$0x130] =	vst v2;
	v2 =	vmin.u32 v3, $0x1400  }
0x163: {  	v3 =	vsub.s32 v5, v0;
	v4 =	vmin.u32 v4, $0x1400;
	[tilespmem:$0x140] =	vst v2  }
0x164: {  	s19 =	sadd.s32 s19, s21;
	v2 =	vmin.u32 v3, $0x1400;
	[tilespmem:$0x110] =	vst v4;
	v3 =	vsub.s32 v6, v0  }
0x165: {  	s20 =	sshrl.u32 s19, $0x3;
	s19 =	sshll.u32 s19, $0x4;
	[tilespmem:$0x100] =	vst v2;
	v2 =	vmin.u32 v3, $0x1400  }
0x166: {  	s20 =	sadd.s32 s5, s20;
	[tilespmem:$0x120] =	vst v2  }
0x167: {  	[tilespmem:s3], [sflag:$0x1] =	stream.linear.gather [hbm4b:s20+s3], $0x50, $0x38;
	[tilespmem:$0xF640] =	vst v63  }
0x168: {  	_ = 	snop  }
0x169: {  	[spmem:s2] =	stream.indirect.scatter.add.f32 [tilespmem:s1], [sflag:$0x5], $0x80, s12, s11, $0xb8;
	[tilespmem:$0xF640] =	vst v63  }
0x16a: {  	_ =	swait.ge [sflag:s0], $0x2800  }
0x16b: {  	[sflag:s0] =	ssyncset.done $0x0  }
0x16c: {  	s19 =	sadd.s32 s4, s19;
	[sflag:s0] =	ssyncadd.s32 $0xFFFFD800  }
0x16d: {  	[tilespmem:s1], [sflag:$0x3] =	stream.linear.gather [hbm4b:s19+s3], $0x2800, $0x38;
	[tilespmem:$0xF640] =	vst v63  }
0x16e: {  	_ =	swait.ge [sflag:s13], $0x50  }
0x16f: {  	[sflag:s13] =	ssyncset.done $0x0  }
0x170: {  	[sflag:s13] =	ssyncadd.s32 $0xFFFFFFB0  }
0x171: {  	_ =	swait.ge [sflag:s14], $0x2800  }
0x172: {  	[sflag:s14] =	ssyncset.done $0x0  }
.Ltmp0:
0x173: {  	[sflag:s14] =	ssyncadd.s32 $0xFFFFD800;
	(pc) =	sbr.rel @p0 .LBB2_2-.Ltmp0, $4  }
0x174: {  	v5 =	vld [tilespmem:$0x80]  }
0x175: {  	v4 =	vld [tilespmem:$0x90]  }
0x176: {  	v3 =	vld [tilespmem:$0xA0]  }
0x177: {  	v2 =	vld [tilespmem:$0xB0]  }
0x178: {  	v6 =	vld [tilespmem:$0xC0]  }
0x179: {  	v5 =	vsub.s32 v5, v0  }
0x17a: {  	s17 =	smin.u32 s17, $0xF6;
	v5 =	vmin.u32 v5, $0x1400;
	v4 =	vsub.s32 v4, v0  }
0x17b: {  	s17 =	smul.u32 $0x50, s17;
	[tilespmem:$0x180] =	vst v5;
	v4 =	vmin.u32 v4, $0x1400;
	v3 =	vsub.s32 v3, v0  }
0x17c: {  	[tilespmem:$0x190] =	vst v4;
	v3 =	vmin.u32 v3, $0x1400;
	v2 =	vsub.s32 v2, v0  }
0x17d: {  	s17 =	sadd.s32 s17, s22;
	[tilespmem:$0x1A0] =	vst v3;
	v2 =	vmin.u32 v2, $0x1400;
	v3 =	vsub.s32 v6, v0  }
0x17e: {  	s18 =	sshrl.u32 s17, $0x3;
	[tilespmem:$0x1B0] =	vst v2;
	v2 =	vmin.u32 v3, $0x1400  }
0x17f: {  	s18 =	sadd.s32 s5, s18;
	[tilespmem:$0x1C0] =	vst v2  }
0x180: {  	[tilespmem:s7], [sflag:$0x2] =	stream.linear.gather [hbm4b:s18+s3], $0x50, $0x38;
	[tilespmem:$0xF640] =	vst v63  }
0x181: {  	_ = 	snop  }
0x182: {  	[spmem:s2] =	stream.indirect.scatter.add.f32 [tilespmem:s8], [sflag:$0x5], $0x80, s15, s11, $0xb8;
	[tilespmem:$0xF640] =	vst v63  }
0x183: {  	_ =	swait.ge [sflag:s0], $0x2800  }
0x184: {  	s17 =	sshll.u32 s17, $0x4;
	[sflag:s0] =	ssyncset.done $0x0  }
0x185: {  	s17 =	sadd.s32 s4, s17;
	[sflag:s0] =	ssyncadd.s32 $0xFFFFD800  }
0x186: {  	[tilespmem:s8], [sflag:$0x4] =	stream.linear.gather [hbm4b:s17+s3], $0x2800, $0x38;
	[tilespmem:$0xF640] =	vst v63  }
0x187: {  	_ =	swait.ge [sflag:s9], $0x50  }
0x188: {  	[sflag:s9] =	ssyncset.done $0x0  }
0x189: {  	[sflag:s9] =	ssyncadd.s32 $0xFFFFFFB0  }
0x18a: {  	_ =	swait.ge [sflag:s10], $0x2800  }
0x18b: {  	[sflag:s10] =	ssyncset.done $0x0  }
0x18c: {  	[sflag:s10] =	ssyncadd.s32 $0xFFFFD800  }
0x18d: {  	_ =	swait.ge [sflag:s13], $0x50  }
0x18e: {  	[sflag:s13] =	ssyncset.done $0x0  }
0x18f: {  	[sflag:s13] =	ssyncadd.s32 $0xFFFFFFB0  }
0x190: {  	_ =	swait.ge [sflag:s14], $0x2800  }
0x191: {  	[sflag:s14] =	ssyncset.done $0x0  }
0x192: {  	s19 =	stileid.u32;
	[sflag:s14] =	ssyncadd.s32 $0xFFFFD800  }
0x193: {  	s17 =	sshll.u32 s19, $0x6;
	[bflag:$0x0] =	sbarrier.arrive $0xFFFF  }
0x194: {  	s20 =	sshrl.u32 s6, $0x3;
	s17 =	sor.u32 $0x1C05, s17;
	s19 =	rddreg [dreg:$0x11]  }
0x195: {  	[hbm:s19], [sflag:s17] =	dma.local [spmem:s20], $0x1400  }
0x196: {  	_ =	swait.ge [sflag:s0], $0x1400  }
0x197: {  	s16 =	sadd.s32 $0x1, s16;
	s20 =	rddreg [dreg:$0x12]  }
0x198: {  	p0 =	sne.s32 s16, s20  }
.Ltmp1:
0x199: {  	_ = 	snop;
	(pc) =	sbr.rel @p0 .LBB2_1-.Ltmp1, $3  }
0x19a: {  	_ =	sdelay $0x1  }
0x19b: {  	[sflag:s0] =	ssyncset.done $0x0  }
0x19c: {  	[sflag:s0] =	ssyncadd.s32 $0xFFFFEC00  }
0x19d: {  	_ =	sfence.sel $0x180000  }
0x19e: {  	[bflag:$0x0] =	sbarrier.arrive $0xFFFF  }
0x19f: {  	_ =	strace $0x9000004A  }
0x1a0: {  	s0 =	stileid.u32;
	[bflag:$0x2] =	sbarrier.arrive $0xFFFF  }
0x1a1: {  	p0 =	sne.s32 s0, $0x0;
	s0 =	rddreg [dreg:$0x2]  }
0x1a2: {  	s0 =	sadd.s32 @!p0 $0x100000, s0  }
0x1a3: {  	[sflag:s0] =	ssyncadd.tile.s32 @!p0 $0x1;
	_ =	shalt  }
.Lfunc_end2:
_tile_overlayer_lowered:
.L_overlay_start_2:
0x1a4: {  	(tag) =	ssettag $0x2  }
0x1a5: {  	s0 =	rddreg [dreg:$0x0];
	s2 =	stileid.u32  }
0x1a6: {  	s1 =	rddreg [dreg:$0x1];
	p0 =	sne.s32 s2, $0x0  }
0x1a7: {  	s3 =	rddreg [dreg:$0x2];
	[bflag:$0x3] =	sbarrier.arrive $0xFFFF;
	s2 =	simm.s32 @!p0 $0x1C05  }
0x1a8: {  	[timem:s3], [sflag:s2] =	dma.local @!p0 [hbm:s0], s1  }
0x1a9: {  	s0 =	simm.s32 @!p0 $0x5  }
0x1aa: {  	_ =	swait.ge @!p0 [sflag:s0], s1  }
0x1ab: {  	s1 =	ssub.s32 @!p0 $0x0, s1;
	[sflag:s0] =	ssyncset.done @!p0 $0x0  }
0x1ac: {  	[sflag:s0] =	ssyncadd.s32 @!p0 s1  }
0x1ad: {  	[bflag:$0x3] =	sbarrier.arrive $0xFFFF  }
0x1ae: {  	_ =	shalt  }

// kernel: kernel.9.cloned.1.call-start
scs
__scs_entry_jumppad:
0x0: {  	(pc) =	sbr.rel $0x88, $3  }
0x1: {  	(tag) =	ssettag $0x0;
	lr =	simm.s32 $0x1  }
0x2: {  	[smem:$0x3F8F] =	sst lr;
	_ =	strace $0xD0000000  }
0x3: {  	_ = 	snop  }
0x4: {  	_ = 	snop  }
0x5: {  	_ = 	snop  }
0x6: {  	_ = 	snop  }
0x7: {  	_ = 	snop  }
__scs_overlays_trampoline_lowered:
0x8: {  	[smem:$0x3F9E] =	sst s0  }
0x9: {  	[smem:$0x3F9F] =	sst s1  }
0xa: {  	[smem:$0x3FA0] =	sst s2  }
0xb: {  	[smem:$0x3FA1] =	sst s3  }
0xc: {  	[smem:$0x3FA2] =	sst s4  }
0xd: {  	[smem:$0x3FA3] =	sst s5  }
0xe: {  	[smem:$0x3FA4] =	sst s6  }
0xf: {  	[smem:$0x3FA5] =	sst s7  }
0x10: {  	[smem:$0x3FA6] =	sst s8  }
0x11: {  	[smem:$0x3FA7] =	sst s9;
	s0 =	simm.s32 @!p0 $0x0  }
0x12: {  	s1 =	sld [smem:$0x3F8D];
	s0 =	simm.s32 @p0 $0x1  }
0x13: {  	[smem:$0x3FA8] =	sst s0;
	s0 =	simm.s32 @!p1 $0x0  }
0x14: {  	s2 =	sld [smem:$0x3F8C];
	s0 =	simm.s32 @p1 $0x1  }
0x15: {  	[smem:$0x3FA9] =	sst s0;
	s0 =	simm.s32 @!p2 $0x0  }
0x16: {  	s3 =	sld [smem:$0x3FDB];
	s0 =	simm.s32 @p2 $0x1  }
0x17: {  	s4 =	simm.s32 $0x1BF5;
	[smem:$0x3FAB] =	sst s0  }
0x18: {  	s0 =	sld [smem:$0x3F8E];
	_ =	swait.ge [sflag:s4], $0x0  }
0x19: {  	s7 =	sld [smem:$0x3F8F]  }
0x1a: {  	s8 =	sadd.s32 $0xFFFFE003, lr  }
0x1b: {  	s9 =	sadd.s32 $0xFFFFFEF7, lr;
	s5 =	simm.s32 $0xFFFFFFFF;
	p2 =	slt.u32 s8, $0xFFFFF086  }
0x1c: {  	p1 =	slt.u32 s9, $0xF7A;
	s5 =	simm.s32 @!p2 $0x0  }
0x1d: {  	s5 =	simm.s32 @p1 $0x1;
	p0 =	seq.s32 s7, s2  }
0x1e: {  	s7 =	smul.u32 @!p0 $0xF7A, s2;
	p2 =	seq.s32 @!p0 s5, $0x0  }
0x1f: {  	s9 =	smul.u32 $0xF7A, s1;
	s8 =	simm.s32 @!p0 $0x1BF5;
	p2 =	por !p2, p0  }
0x20: {  	[sflag:s8] =	ssyncset.s32 @!p0 $0xFFFFF086;
	s6 =	sadd.s32 @!p0 s3, s7;
	s7 =	simm.s32 @!p0 $0x108  }
0x21: {  	s3 =	sadd.s32 s3, s9;
	s6 =	sadd.s32 @!p0 $0x88, s6;
	s7 =	simm.s32 @p2 $0x1082  }
0x22: {  	[simem:s7], [sflag:s8] =	dma.local @!p0 [hbm:s6], $0xF7A  }
0x23: {  	s9 =	sor.u32 $0xD0000000, s2;
	s6 =	simm.s32 $0x108;
	_ =	swait.ge @!p0 [sflag:s8], $0x0  }
0x24: {  	s3 =	sadd.s32 $0x88, s3;
	s6 =	simm.s32 @!p1 $0x1082;
	[sflag:s4] =	ssyncset.s32 $0xFFFFF086  }
0x25: {  	[simem:s6], [sflag:s4] =	dma.local [hbm:s3], $0xF7A  }
0x26: {  	[smem:$0x3F8F] =	sst s1;
	(tag) =	ssettag s2;
	_ =	strace s9  }
0x27: {  	s1 =	sld [smem:$0x3F9F]  }
0x28: {  	s2 =	sld [smem:$0x3FA0]  }
0x29: {  	s4 =	sld [smem:$0x3FA2]  }
0x2a: {  	p0 =	seq.s32 s5, $0x0;
	s5 =	sld [smem:$0x3FA3]  }
0x2b: {  	s6 =	sld [smem:$0x3FA4]  }
0x2c: {  	s7 =	sld [smem:$0x3FA5]  }
0x2d: {  	s3 =	simm.s32 $0x108;
	s8 =	sld [smem:$0x3FA6]  }
0x2e: {  	s3 =	simm.s32 @!p0 $0x1082;
	s9 =	sld [smem:$0x3FA7]  }
0x2f: {  	lr =	sadd.s32 s0, s3;
	s0 =	sld [smem:$0x3F9E]  }
0x30: {  	s3 =	sld [smem:$0x3FA1]  }
0x31: {  	[smem:$0x3FAA] =	sst s10  }
0x32: {  	s10 =	sld [smem:$0x3FA8];
	_ =	sdelay $0x3  }
0x33: {  	p0 =	seq.s32 s10, $0x1;
	s10 =	sld [smem:$0x3FAA];
	_ =	sdelay $0x3  }
0x34: {  	[smem:$0x3FAA] =	sst s10  }
0x35: {  	s10 =	sld [smem:$0x3FA9];
	_ =	sdelay $0x3  }
0x36: {  	p1 =	seq.s32 s10, $0x1;
	s10 =	sld [smem:$0x3FAA];
	_ =	sdelay $0x3  }
0x37: {  	[smem:$0x3FAA] =	sst s10  }
0x38: {  	s10 =	sld [smem:$0x3FAB]  }
0x39: {  	_ = 	snop;
	(pc) =	sbr.ind lr, $3  }
0x3a: {  	_ = 	snop  }
0x3b: {  	_ = 	snop  }
0x3c: {  	p2 =	seq.s32 s10, $0x1;
	s10 =	sld [smem:$0x3FAA]  }
0x3d: {  	_ =	shalt  }
0x3e: {  	_ =	shalt  }
0x3f: {  	_ =	shalt  }
0x40: {  	_ =	shalt  }
0x41: {  	_ =	shalt  }
0x42: {  	_ =	shalt  }
0x43: {  	_ =	shalt  }
0x44: {  	_ =	shalt  }
0x45: {  	_ =	shalt  }
0x46: {  	_ =	shalt  }
0x47: {  	_ =	shalt  }
0x48: {  	_ =	shalt  }
0x49: {  	_ =	shalt  }
0x4a: {  	_ =	shalt  }
0x4b: {  	_ =	shalt  }
0x4c: {  	_ =	shalt  }
0x4d: {  	_ =	shalt  }
0x4e: {  	_ =	shalt  }
0x4f: {  	_ =	shalt  }
0x50: {  	_ =	shalt  }
0x51: {  	_ =	shalt  }
0x52: {  	_ =	shalt  }
0x53: {  	_ =	shalt  }
0x54: {  	_ =	shalt  }
0x55: {  	_ =	shalt  }
0x56: {  	_ =	shalt  }
0x57: {  	_ =	shalt  }
0x58: {  	_ =	shalt  }
0x59: {  	_ =	shalt  }
0x5a: {  	_ =	shalt  }
0x5b: {  	_ =	shalt  }
0x5c: {  	_ =	shalt  }
0x5d: {  	_ =	shalt  }
0x5e: {  	_ =	shalt  }
0x5f: {  	_ =	shalt  }
0x60: {  	_ =	shalt  }
0x61: {  	_ =	shalt  }
0x62: {  	_ =	shalt  }
0x63: {  	_ =	shalt  }
0x64: {  	_ =	shalt  }
0x65: {  	_ =	shalt  }
0x66: {  	_ =	shalt  }
0x67: {  	_ =	shalt  }
0x68: {  	_ =	shalt  }
0x69: {  	_ =	shalt  }
0x6a: {  	_ =	shalt  }
0x6b: {  	_ =	shalt  }
0x6c: {  	_ =	shalt  }
0x6d: {  	_ =	shalt  }
0x6e: {  	_ =	shalt  }
0x6f: {  	_ =	shalt  }
0x70: {  	_ =	shalt  }
0x71: {  	_ =	shalt  }
0x72: {  	_ =	shalt  }
0x73: {  	_ =	shalt  }
0x74: {  	_ =	shalt  }
0x75: {  	_ =	shalt  }
0x76: {  	_ =	shalt  }
0x77: {  	_ =	shalt  }
0x78: {  	_ =	shalt  }
0x79: {  	_ =	shalt  }
0x7a: {  	_ =	shalt  }
0x7b: {  	_ =	shalt  }
0x7c: {  	_ =	shalt  }
0x7d: {  	_ =	shalt  }
0x7e: {  	_ =	shalt  }
0x7f: {  	_ =	shalt  }
0x80: {  	_ =	shalt  }
0x81: {  	_ =	shalt  }
0x82: {  	_ =	shalt  }
0x83: {  	_ =	shalt  }
0x84: {  	_ =	shalt  }
0x85: {  	_ =	shalt  }
0x86: {  	_ =	shalt  }
0x87: {  	_ =	shalt  }
.Lfunc_end0:
.L_simem_size_0:
called_computation_lowered:
.L_overlay_start_0:
0x88: {  	s2 =	sld [smem:$0x3FD9]  }
0x89: {  	s3 =	sld [smem:$0x3FFE];
	_ =	sdelay $0x1  }
0x8a: {  	s1 =	srdreg.scid  }
0x8b: {  	s0 =	sand.u32 $0x1, s1  }
0x8c: {  	s14 =	sshll.u32 s0, $0xA;
	s2 =	sadd.s32 s3, s2  }
0x8d: {  	s2 =	sadd.s32 s2, s14  }
0x8e: {  	[smem:$0x3FB6] =	sst s2  }
0x8f: {  	_ = 	snop  }
0x90: {  	s2 =	sld [smem:$0x3FD0];
	_ =	sdelay $0x2  }
0x91: {  	s15 =	simm.s32 $0xB;
	s4 =	simm.s32 $0x10  }
0x92: {  	[smem:s4], [sflag:s15] =	dma.local [hbm:s2], $0x1  }
0x93: {  	_ =	swait.eq [sflag:s15], $0x1  }
0x94: {  	[sflag:s15] =	ssyncset.done $0x0  }
0x95: {  	[sflag:s15] =	ssyncadd.s32 $0xFFFFFFFF  }
0x96: {  	s16 =	sld [smem:$0x11];
	(tm) =	ssettm $0x1  }
0x97: {  	s17 =	sld [smem:$0x3FFB];
	_ =	sdelay $0x3  }
0x98: {  	_ =	strace s17  }
0x99: {  	s3 =	sld [smem:$0x3FFC];
	_ =	sdelay $0x3  }
0x9a: {  	_ =	strace s3  }
0x9b: {  	s3 =	sld [smem:$0x3FFD];
	_ =	sdelay $0x3  }
0x9c: {  	_ =	strace s3  }
0x9d: {  	_ =	strace $0x8FFFFFFF  }
0x9e: {  	s18 =	sld [smem:$0x3FDB];
	_ =	sdelay $0x1  }
0x9f: {  	s19 =	simm.s32 $_scs_section_size  }
0xa0: {  	s5 =	simm.s32 $_size__tile_overlayer_lowered;
	s6 =	simm.s32 $_tile_overlayer_lowered  }
0xa1: {  	s22 =	simm.s32 $0x1BFF;
	s21 =	sshll.u32 s6, $0x1;
	s3 =	sadd.s32 s19, s18  }
0xa2: {  	s7 =	simm.s32 $0x0;
	s20 =	sshll.u32 s5, $0x1;
	s5 =	sadd.s32 s21, s3  }
0xa3: {  	[timem:s7], [sflag:s22] =	dma.local [hbm:s5], s20  }
0xa4: {  	_ =	swait.ge [sflag:s22], s20  }
0xa5: {  	s4 =	ssub.s32 $0x0, s20;
	[sflag:s22] =	ssyncset.done $0x0  }
0xa6: {  	[sflag:s22] =	ssyncadd.s32 s4;
	_ =	sdelay $0x1  }
0xa7: {  	s23 =	simm.s32 $0x1B8B  }
0xa8: {  	_ =	swait.ge [sflag:s23], $0x1  }
0xa9: {  	[sflag:s23] =	ssyncset.done $0x0  }
0xaa: {  	s25 =	simm.s32 $0x1B8E;
	s24 =	sld [smem:$0x3FFE];
	[sflag:s23] =	ssyncadd.s32 $0xFFFFFFFF  }
0xab: {  	s26 =	simm.s32 $execute0_lowered;
	[smem:$0x3FD2] =	sst s25  }
0xac: {  	s5 =	sshll.u32 s26, $0x1;
	_ =	strace $0x80000046;
	[dreg:$0x1] =	wrdreg $0xFFFFFFFF  }
0xad: {  	s28 =	simm.s32 $_size_execute0_lowered;
	s3 =	sadd.s32 s3, s5;
	[dreg:$0x0] =	wrdreg $0x0  }
0xae: {  	s5 =	sshll.u32 s28, $0x1;
	[dreg:$0x2] =	wrdreg s3  }
0xaf: {  	[dreg:$0x3] =	wrdreg s5  }
0xb0: {  	[dreg:$0x4] =	wrdreg $0xC0  }
0xb1: {  	_ =	task [dreg:s7], $0x5FFFF  }
0xb2: {  	[dreg:$0x1] =	wrdreg $0xFFFFFFFF  }
0xb3: {  	[dreg:$0x0] =	wrdreg $0x60  }
0xb4: {  	[dreg:$0x2] =	wrdreg s24  }
0xb5: {  	[dreg:$0x3] =	wrdreg s16  }
0xb6: {  	[dreg:$0x4] =	wrdreg $0x9  }
0xb7: {  	_ =	task.clear_ibuf [dreg:s7], $0x5FFFF;
	_ =	strace $0x90000046  }
0xb8: {  	s29 =	simm.s32 $0x9;
	_ =	strace $0x80000048  }
0xb9: {  	_ =	swait.ge [sflag:s29], $0x1  }
0xba: {  	[sflag:s29] =	ssyncadd.s32 $0xFFFFFFFF  }
0xbb: {  	_ =	strace $0x90000048  }
0xbc: {  	_ =	sfence  }
0xbd: {  	s30 =	sld [smem:$0x0];
	_ =	sdelay $0x2  }
0xbe: {  	s31 =	sshll.u32 s1, $0xD;
	s1 =	sshrl.u32 s1, $0x2  }
0xbf: {  	s3 =	sand.u32 $0x4000, s31;
	s1 =	sadd.s32 s1, s30  }
0xc0: {  	s0 =	sor.u32 s3, s0;
	s1 =	sshll.u32 s1, $0x11  }
0xc1: {  	s0 =	sor.u32 s1, s0  }
0xc2: {  	s0 =	sadd.s32 $0x8F2B, s0  }
0xc3: {  	[sflag:s0] =	ssyncadd.remote.s32 $0x1  }
0xc4: {  	_ =	sfence.sel $0xFFFF  }
0xc5: {  	[dreg:$0x0] =	wrdreg $0xFFFFFFFF;
	(pc) =	sbr.abs _section_cstart, $3  }
0xc6: {  	[dreg:$0x1] =	wrdreg $0xFFFFFFFF  }
0xc7: {  	_ =	task.clear_ibuf [dreg:s7], $0x2FFFF;
	_ =	strace $0x9FFFFFFF  }
0xc8: {  	(tm) =	ssettm $0x7FFFFFFF  }
0xc9: {  	_ =	shalt  }
tec
execute0_lowered:
.L_overlay_start_1:
0x0: {  	(tag) =	ssettag $0x1  }
0x1: {  	s0 =	rddreg [dreg:$0x0]  }
0x2: {  	s2 =	rddreg [dreg:$0x1];
	s1 =	srdreg.scid  }
0x3: {  	s4 =	stileid.u32;
	s3 =	simm.s32 $0x0;
	s28 =	simm.s32 $0x2  }
0x4: {  	s29 =	simm.s32 $0x2A00;
	s30 =	simm.s32 $0x7A00;
	s31 =	simm.s32 $0x3  }
0x5: {  	s1 =	sand.u32 $0x1, s1;
	s4 =	sshll.u32 s4, $0x1;
	[smem:$0x7FF] =	sst s3  }
0x6: {  	s6 =	sadd.s32 $0x66200, s0;
	s7 =	sadd.s32 $0xE000, s0;
	s5 =	sor.u32 s1, s4  }
0x7: {  	s8 =	sadd.s32 $0x4200, s0;
	s1 =	ssub.s32 $0x2, s1;
	s5 =	smul.u32 $0x2710, s5  }
0x8: {  	_ =	strace $0x80000047;
	s4 =	sadd.s32 $0x3F000, s0;
	s20 =	sshrl.u32 s1, $0x1  }
0x9: {  	s0 =	ssub.s32 s1, s20;
	s20 =	simm.s32 $0x100;
	s9 =	sadd.s32 $0x50, s5  }
0xa: {  	s21 =	sshrl.u32 s5, $0x3;
	s14 =	sadd.s32 $0xA0, s5;
	s24 =	sadd.s32 $0x26C0, s5  }
0xb: {  	s15 =	sadd.s32 $0xF0, s5;
	s19 =	smax.u32 s0, $0x1;
	s11 =	sadd.s32 s7, s21  }
0xc: {  	s10 =	sshrl.u32 s9, $0x3;
	s1 =	sadd.s32 s8, s21;
	[dreg:$0x3] =	wrdreg s11  }
0xd: {  	s0 =	simm.s32 $0x5;
	[dreg:$0x4] =	wrdreg s1;
	s22 =	sadd.s32 s7, s10  }
0xe: {  	s25 =	sshrl.u32 s24, $0x3;
	s23 =	sadd.s32 s8, s10;
	[dreg:$0x5] =	wrdreg s22  }
0xf: {  	s21 =	simm.s32 $0x1;
	s26 =	sadd.s32 s7, s25;
	[dreg:$0x6] =	wrdreg s23  }
0x10: {  	s1 =	sshll.u32 s24, $0x4;
	s10 =	sadd.s32 s8, s25;
	[dreg:$0x7] =	wrdreg s26  }
0x11: {  	s24 =	simm.s32 $0x5200;
	s25 =	simm.s32 $0x80;
	[dreg:$0x8] =	wrdreg s10  }
0x12: {  	s18 =	sadd.s32 s2, s1;
	s22 =	simm.s32 $0x50;
	s23 =	simm.s32 $0x200  }
0x13: {  	s26 =	simm.s32 $0x180;
	s1 =	simm.s32 $0x4;
	s10 =	simm.s32 $0x0  }
.LBB2_1:
0x14: {  	s11 =	rddreg [dreg:$0x3]  }
0x15: {  	[tilespmem:s3], [sflag:$0x1] =	stream.linear.gather [hbm4b:s11+s3], $0x50, $0x38;
	[tilespmem:$0xA200] =	vst v63  }
0x16: {  	s13 =	rddreg [dreg:$0x4]  }
0x17: {  	[tilespmem:s20], [sflag:$0x1] =	stream.linear.gather [hbm4b:s13+s3], $0x50, $0x38;
	[tilespmem:$0xA200] =	vst v63  }
0x18: {  	_ =	swait.ge [sflag:s21], $0x50  }
0x19: {  	[sflag:s21] =	ssyncset.done $0x0  }
0x1a: {  	[sflag:s21] =	ssyncadd.s32 $0xFFFFFFB0  }
0x1b: {  	_ =	swait.ge [sflag:s21], $0x50  }
0x1c: {  	[sflag:s21] =	ssyncset.done $0x0  }
0x1d: {  	[sflag:s21] =	ssyncadd.s32 $0xFFFFFFB0  }
0x1e: {  	[tilespmem:s23], [sflag:$0x3] =	stream.indirect.gather [hbm4b:s4+s22], $0x80, s3, s22, $0xb8;
	[tilespmem:$0xA200] =	vst v63  }
0x1f: {  	_ = 	snop  }
0x20: {  	[tilespmem:s24], [sflag:$0x3] =	stream.indirect.gather [hbm4b:s6+s22], $0x80, s20, s22, $0xb8;
	[tilespmem:$0xA200] =	vst v63  }
0x21: {  	s16 =	rddreg [dreg:$0x5]  }
0x22: {  	[tilespmem:s25], [sflag:$0x2] =	stream.linear.gather [hbm4b:s16+s3], $0x50, $0x38;
	[tilespmem:$0xA200] =	vst v63  }
0x23: {  	s11 =	simm.s32 $0x0;
	s17 =	rddreg [dreg:$0x6]  }
0x24: {  	[tilespmem:s26], [sflag:$0x2] =	stream.linear.gather [hbm4b:s17+s3], $0x50, $0x38;
	[tilespmem:$0xA200] =	vst v63  }
.LBB2_2:
0x25: {  	_ =	swait.ge [sflag:s28], $0x50  }
0x26: {  	[sflag:s28] =	ssyncset.done $0x0  }
0x27: {  	[sflag:s28] =	ssyncadd.s32 $0xFFFFFFB0  }
0x28: {  	_ =	swait.ge [sflag:s28], $0x50  }
0x29: {  	[sflag:s28] =	ssyncset.done $0x0  }
0x2a: {  	[sflag:s28] =	ssyncadd.s32 $0xFFFFFFB0  }
0x2b: {  	[tilespmem:s29], [sflag:$0x4] =	stream.indirect.gather [hbm4b:s4+s22], $0x80, s25, s22, $0xb8;
	[tilespmem:$0xA200] =	vst v63  }
0x2c: {  	_ = 	snop  }
0x2d: {  	[tilespmem:s30], [sflag:$0x4] =	stream.indirect.gather [hbm4b:s6+s22], $0x80, s26, s22, $0xb8;
	[tilespmem:$0xA200] =	vst v63  }
0x2e: {  	_ =	swait.ge [sflag:s31], $0x2800  }
0x2f: {  	s12 =	smul.u32 $0xA0, s11;
	[sflag:s31] =	ssyncset.done $0x0  }
0x30: {  	[sflag:s31] =	ssyncadd.s32 $0xFFFFD800  }
0x31: {  	s13 =	sadd.s32 s12, s14;
	_ =	swait.ge [sflag:s31], $0x2800  }
0x32: {  	s13 =	sshrl.u32 s13, $0x3;
	[sflag:s31] =	ssyncset.done $0x0  }
0x33: {  	s17 =	simm.s32 $0x0;
	s16 =	sadd.s32 s7, s13;
	[sflag:s31] =	ssyncadd.s32 $0xFFFFD800  }
0x34: {  	[tilespmem:s17], [sflag:$0x1] =	stream.linear.gather [hbm4b:s16+s17], $0x50, $0x38;
	[tilespmem:$0xA200] =	vst v63  }
0x35: {  	s13 =	sadd.s32 s8, s13  }
0x36: {  	[tilespmem:s20], [sflag:$0x1] =	stream.linear.gather [hbm4b:s13+s17], $0x50, $0x38;
	[tilespmem:$0xA200] =	vst v63  }
0x37: {  	s13 =	simm.s32 $0x0  }
0x38: {  	v7 =	vld [tilespmem:s13+$0x5200]  }
0x39: {  	v11 =	vld [tilespmem:s13+$0x5210]  }
0x3a: {  	v5 =	vld [tilespmem:s13+$0x5220]  }
0x3b: {  	v4 =	vld [tilespmem:s13+$0x5230]  }
0x3c: {  	v3 =	vld [tilespmem:s13+$0x5240]  }
0x3d: {  	v2 =	vld [tilespmem:s13+$0x5250]  }
0x3e: {  	v1 =	vld [tilespmem:s13+$0x5260]  }
0x3f: {  	v0 =	vld [tilespmem:s13+$0x5270]  }
0x40: {  	v12 =	vld [tilespmem:s13+$0x200]  }
0x41: {  	v13 =	vld [tilespmem:s13+$0x210]  }
0x42: {  	v10 =	vld [tilespmem:s13+$0x220]  }
0x43: {  	v9 =	vld [tilespmem:s13+$0x230]  }
0x44: {  	v8 =	vld [tilespmem:s13+$0x240]  }
0x45: {  	v6 =	vld [tilespmem:s13+$0x250];
	v12 =	vadd.f32 v7, v12  }
0x46: {  	s16 =	simm.s32 $0x200;
	v11 =	vadd.f32 v11, v13;
	v7 =	vld [tilespmem:s13+$0x260]  }
.LBB2_3:
0x47: {  	s17 =	sshra.s32 s16, $0x2;
	p0 =	sne.s32 s16, $0x9E00;
	[tilespmem:s13+$0x200] =	vst v12;
	v5 =	vadd.f32 v5, v10;
	v10 =	vld [tilespmem:s13+$0x270]  }
0x48: {  	v12 =	vld [tilespmem:s17+$0x5200];
	[tilespmem:s13+$0x210] =	vst v11;
	v4 =	vadd.f32 v4, v9  }
0x49: {  	v11 =	vld [tilespmem:s17+$0x5210];
	[tilespmem:s13+$0x220] =	vst v5;
	v3 =	vadd.f32 v3, v8  }
0x4a: {  	v5 =	vld [tilespmem:s17+$0x5220];
	[tilespmem:s13+$0x230] =	vst v4;
	v2 =	vadd.f32 v2, v6  }
0x4b: {  	v4 =	vld [tilespmem:s17+$0x5230];
	[tilespmem:s13+$0x240] =	vst v3;
	v1 =	vadd.f32 v1, v7  }
0x4c: {  	v3 =	vld [tilespmem:s17+$0x5240];
	[tilespmem:s13+$0x250] =	vst v2;
	v0 =	vadd.f32 v0, v10  }
0x4d: {  	v2 =	vld [tilespmem:s17+$0x5250];
	[tilespmem:s13+$0x260] =	vst v1  }
0x4e: {  	v1 =	vld [tilespmem:s17+$0x5260];
	[tilespmem:s13+$0x270] =	vst v0;
	s13 =	smov.u32 s17  }
0x4f: {  	v0 =	vld [tilespmem:s13+$0x5270]  }
0x50: {  	v6 =	vld [tilespmem:s13+$0x200]  }
0x51: {  	v7 =	vld [tilespmem:s13+$0x210]  }
.Ltmp0:
0x52: {  	v10 =	vld [tilespmem:s13+$0x220];
	(pc) =	sbr.rel @p0 .LBB2_3-.Ltmp0, $4  }
0x53: {  	v9 =	vld [tilespmem:s13+$0x230]  }
0x54: {  	v8 =	vld [tilespmem:s13+$0x240]  }
0x55: {  	v12 =	vadd.f32 v12, v6;
	v6 =	vld [tilespmem:s13+$0x250]  }
0x56: {  	s16 =	sadd.s32 $0x200, s16;
	v11 =	vadd.f32 v11, v7;
	v7 =	vld [tilespmem:s13+$0x260]  }
0x57: {  	[tilespmem:s13+$0x200] =	vst v12;
	v5 =	vadd.f32 v5, v10;
	v10 =	vld [tilespmem:s13+$0x270]  }
0x58: {  	[tilespmem:s13+$0x210] =	vst v11;
	v4 =	vadd.f32 v4, v9  }
0x59: {  	[tilespmem:s13+$0x220] =	vst v5;
	v3 =	vadd.f32 v3, v8  }
0x5a: {  	[tilespmem:s13+$0x230] =	vst v4;
	v2 =	vadd.f32 v2, v6  }
0x5b: {  	[tilespmem:s13+$0x240] =	vst v3;
	v1 =	vadd.f32 v1, v7  }
0x5c: {  	s16 =	sadd.s32 s5, s12;
	[tilespmem:s13+$0x250] =	vst v2;
	v0 =	vadd.f32 v0, v10  }
0x5d: {  	s16 =	sshll.u32 s16, $0x4;
	[tilespmem:s13+$0x260] =	vst v1  }
0x5e: {  	s17 =	sadd.s32 s2, s16;
	s16 =	simm.s32 $0x0;
	[tilespmem:s13+$0x270] =	vst v0  }
0x5f: {  	[hbm4b:s17+s16] =	stream.linear.scatter [tilespmem:s23], [sflag:$0x5], $0x2800, $0x38;
	[tilespmem:$0xA200] =	vst v63  }
0x60: {  	_ =	swait.ge [sflag:s0], $0x2800  }
0x61: {  	[sflag:s0] =	ssyncset.done $0x0  }
0x62: {  	[sflag:s0] =	ssyncadd.s32 $0xFFFFD800  }
0x63: {  	_ =	swait.ge [sflag:s21], $0x50  }
0x64: {  	[sflag:s21] =	ssyncset.done $0x0  }
0x65: {  	[sflag:s21] =	ssyncadd.s32 $0xFFFFFFB0  }
0x66: {  	_ =	swait.ge [sflag:s21], $0x50  }
0x67: {  	[sflag:s21] =	ssyncset.done $0x0  }
0x68: {  	[sflag:s21] =	ssyncadd.s32 $0xFFFFFFB0  }
0x69: {  	[tilespmem:s23], [sflag:$0x3] =	stream.indirect.gather [hbm4b:s4+s22], $0x80, s16, s22, $0xb8;
	[tilespmem:$0xA200] =	vst v63  }
0x6a: {  	s17 =	sshll.u32 s11, $0x1  }
0x6b: {  	[tilespmem:s24], [sflag:$0x3] =	stream.indirect.gather [hbm4b:s6+s22], $0x80, s20, s22, $0xb8;
	[tilespmem:$0xA200] =	vst v63  }
0x6c: {  	s13 =	smin.u32 s17, $0x79;
	_ =	swait.ge [sflag:s1], $0x2800  }
0x6d: {  	s13 =	smul.u32 $0x50, s13;
	[sflag:s1] =	ssyncset.done $0x0  }
0x6e: {  	[sflag:s1] =	ssyncadd.s32 $0xFFFFD800  }
0x6f: {  	s13 =	sadd.s32 s13, s15;
	_ =	swait.ge [sflag:s1], $0x2800  }
0x70: {  	s13 =	sshrl.u32 s13, $0x3;
	[sflag:s1] =	ssyncset.done $0x0  }
0x71: {  	s17 =	sadd.s32 s7, s13;
	[sflag:s1] =	ssyncadd.s32 $0xFFFFD800  }
0x72: {  	[tilespmem:s25], [sflag:$0x2] =	stream.linear.gather [hbm4b:s17+s16], $0x50, $0x38;
	[tilespmem:$0xA200] =	vst v63  }
0x73: {  	s13 =	sadd.s32 s8, s13  }
0x74: {  	[tilespmem:s26], [sflag:$0x2] =	stream.linear.gather [hbm4b:s13+s16], $0x50, $0x38;
	[tilespmem:$0xA200] =	vst v63  }
0x75: {  	s13 =	simm.s32 $0x0  }
0x76: {  	v7 =	vld [tilespmem:s13+$0x7A00]  }
0x77: {  	v11 =	vld [tilespmem:s13+$0x7A10]  }
0x78: {  	v5 =	vld [tilespmem:s13+$0x7A20]  }
0x79: {  	v4 =	vld [tilespmem:s13+$0x7A30]  }
0x7a: {  	v3 =	vld [tilespmem:s13+$0x7A40]  }
0x7b: {  	v2 =	vld [tilespmem:s13+$0x7A50]  }
0x7c: {  	v1 =	vld [tilespmem:s13+$0x7A60]  }
0x7d: {  	v0 =	vld [tilespmem:s13+$0x7A70]  }
0x7e: {  	v12 =	vld [tilespmem:s13+$0x2A00]  }
0x7f: {  	v13 =	vld [tilespmem:s13+$0x2A10]  }
0x80: {  	v10 =	vld [tilespmem:s13+$0x2A20]  }
0x81: {  	v9 =	vld [tilespmem:s13+$0x2A30]  }
0x82: {  	v8 =	vld [tilespmem:s13+$0x2A40]  }
0x83: {  	v6 =	vld [tilespmem:s13+$0x2A50];
	v12 =	vadd.f32 v7, v12  }
0x84: {  	s16 =	simm.s32 $0x200;
	v11 =	vadd.f32 v11, v13;
	v7 =	vld [tilespmem:s13+$0x2A60]  }
.LBB2_5:
0x85: {  	s17 =	sshra.s32 s16, $0x2;
	p0 =	sne.s32 s16, $0x9E00;
	[tilespmem:s13+$0x2A00] =	vst v12;
	v5 =	vadd.f32 v5, v10;
	v10 =	vld [tilespmem:s13+$0x2A70]  }
0x86: {  	v12 =	vld [tilespmem:s17+$0x7A00];
	[tilespmem:s13+$0x2A10] =	vst v11;
	v4 =	vadd.f32 v4, v9  }
0x87: {  	v11 =	vld [tilespmem:s17+$0x7A10];
	[tilespmem:s13+$0x2A20] =	vst v5;
	v3 =	vadd.f32 v3, v8  }
0x88: {  	v5 =	vld [tilespmem:s17+$0x7A20];
	[tilespmem:s13+$0x2A30] =	vst v4;
	v2 =	vadd.f32 v2, v6  }
0x89: {  	v4 =	vld [tilespmem:s17+$0x7A30];
	[tilespmem:s13+$0x2A40] =	vst v3;
	v1 =	vadd.f32 v1, v7  }
0x8a: {  	v3 =	vld [tilespmem:s17+$0x7A40];
	[tilespmem:s13+$0x2A50] =	vst v2;
	v0 =	vadd.f32 v0, v10  }
0x8b: {  	v2 =	vld [tilespmem:s17+$0x7A50];
	[tilespmem:s13+$0x2A60] =	vst v1  }
0x8c: {  	v1 =	vld [tilespmem:s17+$0x7A60];
	[tilespmem:s13+$0x2A70] =	vst v0;
	s13 =	smov.u32 s17  }
0x8d: {  	v0 =	vld [tilespmem:s13+$0x7A70]  }
0x8e: {  	v6 =	vld [tilespmem:s13+$0x2A00]  }
0x8f: {  	v7 =	vld [tilespmem:s13+$0x2A10]  }
.Ltmp1:
0x90: {  	v10 =	vld [tilespmem:s13+$0x2A20];
	(pc) =	sbr.rel @p0 .LBB2_5-.Ltmp1, $4  }
0x91: {  	v9 =	vld [tilespmem:s13+$0x2A30]  }
0x92: {  	v8 =	vld [tilespmem:s13+$0x2A40]  }
0x93: {  	v12 =	vadd.f32 v12, v6;
	v6 =	vld [tilespmem:s13+$0x2A50]  }
0x94: {  	s16 =	sadd.s32 $0x200, s16;
	v11 =	vadd.f32 v11, v7;
	v7 =	vld [tilespmem:s13+$0x2A60]  }
0x95: {  	[tilespmem:s13+$0x2A00] =	vst v12;
	v5 =	vadd.f32 v5, v10;
	v63 =	vld [tilespmem:s13+$0x2A70]  }
0x96: {  	[tilespmem:s13+$0x2A10] =	vst v11;
	v4 =	vadd.f32 v4, v9  }
0x97: {  	[tilespmem:s13+$0x2A20] =	vst v5;
	v3 =	vadd.f32 v3, v8  }
0x98: {  	[tilespmem:s13+$0x2A30] =	vst v4;
	v2 =	vadd.f32 v2, v6  }
0x99: {  	[tilespmem:s13+$0x2A40] =	vst v3;
	v1 =	vadd.f32 v1, v7  }
0x9a: {  	s12 =	sadd.s32 s12, s9;
	s11 =	sadd.s32 $0x1, s11;
	[tilespmem:s13+$0x2A50] =	vst v2;
	v0 =	vadd.f32 v0, v63  }
0x9b: {  	s12 =	sshll.u32 s12, $0x4;
	p0 =	sne.s32 s11, $0x3E;
	[tilespmem:s13+$0x2A60] =	vst v1  }
.Ltmp2:
0x9c: {  	s12 =	sadd.s32 s2, s12;
	[tilespmem:s13+$0x2A70] =	vst v0;
	(pc) =	sbr.rel @p0 .LBB2_2-.Ltmp2, $4  }
0x9d: {  	[hbm4b:s12+s3] =	stream.linear.scatter [tilespmem:s29], [sflag:$0x5], $0x2800, $0x38;
	[tilespmem:$0xA200] =	vst v63  }
0x9e: {  	_ =	swait.ge [sflag:s0], $0x2800  }
0x9f: {  	[sflag:s0] =	ssyncset.done $0x0  }
0xa0: {  	[sflag:s0] =	ssyncadd.s32 $0xFFFFD800  }
0xa1: {  	_ =	swait.ge [sflag:s28], $0x50  }
0xa2: {  	[sflag:s28] =	ssyncset.done $0x0  }
0xa3: {  	[sflag:s28] =	ssyncadd.s32 $0xFFFFFFB0  }
0xa4: {  	_ =	swait.ge [sflag:s28], $0x50  }
0xa5: {  	[sflag:s28] =	ssyncset.done $0x0  }
0xa6: {  	[sflag:s28] =	ssyncadd.s32 $0xFFFFFFB0  }
0xa7: {  	[tilespmem:s29], [sflag:$0x4] =	stream.indirect.gather [hbm4b:s4+s22], $0x80, s25, s22, $0xb8;
	[tilespmem:$0xA200] =	vst v63  }
0xa8: {  	_ = 	snop  }
0xa9: {  	[tilespmem:s30], [sflag:$0x4] =	stream.indirect.gather [hbm4b:s6+s22], $0x80, s26, s22, $0xb8;
	[tilespmem:$0xA200] =	vst v63  }
0xaa: {  	_ =	swait.ge [sflag:s1], $0x2800  }
0xab: {  	[sflag:s1] =	ssyncset.done $0x0  }
0xac: {  	[sflag:s1] =	ssyncadd.s32 $0xFFFFD800  }
0xad: {  	_ =	swait.ge [sflag:s1], $0x2800  }
0xae: {  	[sflag:s1] =	ssyncset.done $0x0  }
0xaf: {  	s11 =	simm.s32 $0x0;
	s12 =	rddreg [dreg:$0x7];
	[sflag:s1] =	ssyncadd.s32 $0xFFFFD800  }
0xb0: {  	[tilespmem:s25], [sflag:$0x2] =	stream.linear.gather [hbm4b:s12+s11], $0x50, $0x38;
	[tilespmem:$0xA200] =	vst v63  }
0xb1: {  	s17 =	rddreg [dreg:$0x8]  }
0xb2: {  	[tilespmem:s26], [sflag:$0x2] =	stream.linear.gather [hbm4b:s17+s11], $0x50, $0x38;
	[tilespmem:$0xA200] =	vst v63  }
0xb3: {  	s11 =	simm.s32 $0x0  }
0xb4: {  	v7 =	vld [tilespmem:s11+$0x7A00]  }
0xb5: {  	v11 =	vld [tilespmem:s11+$0x7A10]  }
0xb6: {  	v5 =	vld [tilespmem:s11+$0x7A20]  }
0xb7: {  	v4 =	vld [tilespmem:s11+$0x7A30]  }
0xb8: {  	v3 =	vld [tilespmem:s11+$0x7A40]  }
0xb9: {  	v2 =	vld [tilespmem:s11+$0x7A50]  }
0xba: {  	v1 =	vld [tilespmem:s11+$0x7A60]  }
0xbb: {  	v0 =	vld [tilespmem:s11+$0x7A70]  }
0xbc: {  	v12 =	vld [tilespmem:s11+$0x2A00]  }
0xbd: {  	v13 =	vld [tilespmem:s11+$0x2A10]  }
0xbe: {  	v10 =	vld [tilespmem:s11+$0x2A20]  }
0xbf: {  	v9 =	vld [tilespmem:s11+$0x2A30]  }
0xc0: {  	v8 =	vld [tilespmem:s11+$0x2A40]  }
0xc1: {  	v6 =	vld [tilespmem:s11+$0x2A50];
	v12 =	vadd.f32 v7, v12  }
0xc2: {  	s12 =	simm.s32 $0x200;
	v11 =	vadd.f32 v11, v13;
	v7 =	vld [tilespmem:s11+$0x2A60]  }
.LBB2_8:
0xc3: {  	s13 =	sshra.s32 s12, $0x2;
	p0 =	sne.s32 s12, $0x9E00;
	[tilespmem:s11+$0x2A00] =	vst v12;
	v5 =	vadd.f32 v5, v10;
	v10 =	vld [tilespmem:s11+$0x2A70]  }
0xc4: {  	v12 =	vld [tilespmem:s13+$0x7A00];
	[tilespmem:s11+$0x2A10] =	vst v11;
	v4 =	vadd.f32 v4, v9  }
0xc5: {  	v11 =	vld [tilespmem:s13+$0x7A10];
	[tilespmem:s11+$0x2A20] =	vst v5;
	v3 =	vadd.f32 v3, v8  }
0xc6: {  	v5 =	vld [tilespmem:s13+$0x7A20];
	[tilespmem:s11+$0x2A30] =	vst v4;
	v2 =	vadd.f32 v2, v6  }
0xc7: {  	v4 =	vld [tilespmem:s13+$0x7A30];
	[tilespmem:s11+$0x2A40] =	vst v3;
	v1 =	vadd.f32 v1, v7  }
0xc8: {  	v3 =	vld [tilespmem:s13+$0x7A40];
	[tilespmem:s11+$0x2A50] =	vst v2;
	v0 =	vadd.f32 v0, v10  }
0xc9: {  	v2 =	vld [tilespmem:s13+$0x7A50];
	[tilespmem:s11+$0x2A60] =	vst v1  }
0xca: {  	v1 =	vld [tilespmem:s13+$0x7A60];
	[tilespmem:s11+$0x2A70] =	vst v0;
	s11 =	smov.u32 s13  }
0xcb: {  	v0 =	vld [tilespmem:s11+$0x7A70]  }
0xcc: {  	v6 =	vld [tilespmem:s11+$0x2A00]  }
0xcd: {  	v7 =	vld [tilespmem:s11+$0x2A10]  }
.Ltmp3:
0xce: {  	v10 =	vld [tilespmem:s11+$0x2A20];
	(pc) =	sbr.rel @p0 .LBB2_8-.Ltmp3, $4  }
0xcf: {  	v9 =	vld [tilespmem:s11+$0x2A30]  }
0xd0: {  	v8 =	vld [tilespmem:s11+$0x2A40]  }
0xd1: {  	v12 =	vadd.f32 v12, v6;
	v6 =	vld [tilespmem:s11+$0x2A50]  }
0xd2: {  	s12 =	sadd.s32 $0x200, s12;
	v11 =	vadd.f32 v11, v7;
	v7 =	vld [tilespmem:s11+$0x2A60]  }
0xd3: {  	[tilespmem:s11+$0x2A00] =	vst v12;
	v5 =	vadd.f32 v5, v10;
	v63 =	vld [tilespmem:s11+$0x2A70]  }
0xd4: {  	[tilespmem:s11+$0x2A10] =	vst v11;
	v4 =	vadd.f32 v4, v9  }
0xd5: {  	[tilespmem:s11+$0x2A20] =	vst v5;
	v3 =	vadd.f32 v3, v8  }
0xd6: {  	[tilespmem:s11+$0x2A30] =	vst v4;
	v2 =	vadd.f32 v2, v6  }
0xd7: {  	[tilespmem:s11+$0x2A40] =	vst v3;
	v1 =	vadd.f32 v1, v7  }
0xd8: {  	[tilespmem:s11+$0x2A50] =	vst v2;
	v0 =	vadd.f32 v0, v63  }
0xd9: {  	[tilespmem:s11+$0x2A60] =	vst v1  }
0xda: {  	[tilespmem:s11+$0x2A70] =	vst v0  }
0xdb: {  	[hbm4b:s18+s3] =	stream.linear.scatter [tilespmem:s29], [sflag:$0x5], $0x2800, $0x38;
	[tilespmem:$0xA200] =	vst v63  }
0xdc: {  	_ =	swait.ge [sflag:s0], $0x2800  }
0xdd: {  	[sflag:s0] =	ssyncset.done $0x0  }
0xde: {  	[sflag:s0] =	ssyncadd.s32 $0xFFFFD800  }
0xdf: {  	_ =	swait.ge [sflag:s31], $0x2800  }
0xe0: {  	[sflag:s31] =	ssyncset.done $0x0  }
0xe1: {  	[sflag:s31] =	ssyncadd.s32 $0xFFFFD800  }
0xe2: {  	_ =	swait.ge [sflag:s31], $0x2800  }
0xe3: {  	[sflag:s31] =	ssyncset.done $0x0  }
0xe4: {  	s10 =	sadd.s32 $0x1, s10;
	[sflag:s31] =	ssyncadd.s32 $0xFFFFD800  }
0xe5: {  	p0 =	sne.s32 s10, s19;
	_ =	swait.ge [sflag:s28], $0x50  }
.Ltmp4:
0xe6: {  	[sflag:s28] =	ssyncset.done $0x0;
	(pc) =	sbr.rel @p0 .LBB2_1-.Ltmp4, $4  }
0xe7: {  	[sflag:s28] =	ssyncadd.s32 $0xFFFFFFB0  }
0xe8: {  	_ =	swait.ge [sflag:s28], $0x50  }
0xe9: {  	[sflag:s28] =	ssyncset.done $0x0  }
0xea: {  	[sflag:s28] =	ssyncadd.s32 $0xFFFFFFB0  }
0xeb: {  	_ =	sfence.sel $0x180000  }
0xec: {  	[bflag:$0x0] =	sbarrier.arrive $0xFFFF  }
0xed: {  	_ =	strace $0x90000047  }
0xee: {  	s0 =	stileid.u32;
	[bflag:$0x2] =	sbarrier.arrive $0xFFFF  }
0xef: {  	p0 =	sne.s32 s0, $0x0;
	s0 =	rddreg [dreg:$0x2]  }
0xf0: {  	s0 =	sadd.s32 @!p0 $0x100000, s0  }
0xf1: {  	[sflag:s0] =	ssyncadd.tile.s32 @!p0 $0x1;
	_ =	shalt  }
.Lfunc_end2:
_tile_overlayer_lowered:
.L_overlay_start_2:
0xf2: {  	(tag) =	ssettag $0x2  }
0xf3: {  	s0 =	rddreg [dreg:$0x0];
	s2 =	stileid.u32  }
0xf4: {  	s1 =	rddreg [dreg:$0x1];
	p0 =	sne.s32 s2, $0x0  }
0xf5: {  	s3 =	rddreg [dreg:$0x2];
	[bflag:$0x3] =	sbarrier.arrive $0xFFFF;
	s2 =	simm.s32 @!p0 $0x1C05  }
0xf6: {  	[timem:s3], [sflag:s2] =	dma.local @!p0 [hbm:s0], s1  }
0xf7: {  	s0 =	simm.s32 @!p0 $0x5  }
0xf8: {  	_ =	swait.ge @!p0 [sflag:s0], s1  }
0xf9: {  	s1 =	ssub.s32 @!p0 $0x0, s1;
	[sflag:s0] =	ssyncset.done @!p0 $0x0  }
0xfa: {  	[sflag:s0] =	ssyncadd.s32 @!p0 s1  }
0xfb: {  	[bflag:$0x3] =	sbarrier.arrive $0xFFFF  }
0xfc: {  	_ =	shalt  }

</sc_bundles>
